<compile_context>
chip_gen: v7x
topology: tpu7x:2x2x1
jax: 0.10.2.dev20260603
libtpu: 0.0.44.dev20260713+nightly
codegen_flags: <defaults>
</compile_context>

<pallas_src>
import functools

import jax
import jax.numpy as jnp
from jax import lax
from jax.experimental import pallas as pl
from jax.experimental.pallas import tpu as pltpu
from jax.experimental.pallas import tpu_sc as plsc

N1 = 1000
NP = 1024
E1 = 100000
NC, NS, L = 2, 16, 16
EPT = 6272
EPT_LAST = E1 - (NS - 1) * EPT
NCHUNK = EPT // 128
NPH = 2
HROW = N1 // NPH
DUMP = HROW * NP
ACC = DUMP + 256
SLICE = ACC // NS
CORE_OUT = NPH * DUMP + (ACC - DUMP)


def _sc_body(rowi_hbm, coli_hbm, eid_hbm, attr_hbm, zeros_hbm, ones_hbm,
             wsum_out, adj_out,
             row_v, col_v, eid_v, flat_v, val_v, zbuf_v, stage_v, acc_sh,
             sem, gsem):
    c = lax.axis_index("c")
    s = lax.axis_index("s")
    lane = lax.iota(jnp.int32, L)

    base = s * EPT

    @pl.when(s < NS - 1)
    def _full_slices():
        ld = [pltpu.make_async_copy(rowi_hbm.at[pl.ds(base, EPT)], row_v,
                                    sem),
              pltpu.make_async_copy(coli_hbm.at[pl.ds(base, EPT)], col_v,
                                    sem),
              pltpu.make_async_copy(eid_hbm.at[pl.ds(base, EPT)], eid_v,
                                    sem)]
        for d in ld:
            d.start()
        for d in ld:
            d.wait()

    @pl.when(s == NS - 1)
    def _last_slice():
        def zfill(i, carry):
            eid_v[pl.ds(EPT_LAST + i * L, L)] = jnp.zeros((L,), jnp.int32)
            return carry
        lax.fori_loop(0, (EPT - EPT_LAST) // L, zfill, 0)
        ld = [pltpu.make_async_copy(rowi_hbm.at[pl.ds(base, EPT_LAST)],
                                    row_v.at[pl.ds(0, EPT_LAST)], sem),
              pltpu.make_async_copy(coli_hbm.at[pl.ds(base, EPT_LAST)],
                                    col_v.at[pl.ds(0, EPT_LAST)], sem),
              pltpu.make_async_copy(eid_hbm.at[pl.ds(base, EPT_LAST)],
                                    eid_v.at[pl.ds(0, EPT_LAST)], sem)]
        for d in ld:
            d.start()
        for d in ld:
            d.wait()

    ldc = [pltpu.make_async_copy(zeros_hbm, zbuf_v, sem),
           pltpu.make_async_copy(ones_hbm, val_v, sem)]
    for d in ldc:
        d.start()
    for d in ldc:
        d.wait()

    gs = [pltpu.make_async_copy(
              attr_hbm.at[eid_v.at[pl.ds(j * 128, 128)]],
              val_v.at[j], gsem)
          for j in range(NCHUNK)]

    @pl.when(c == 0)
    def _gather_w():
        with jax.named_scope("sc_gather_w"):
            for d in gs:
                d.start()

    bound = jnp.where(s == NS - 1, EPT_LAST, EPT)
    outb = []
    for p in range(NPH):
        with jax.named_scope(f"sc_zero_{p}"):
            pltpu.sync_copy(zbuf_v, acc_sh.at[pl.ds(s * SLICE, SLICE)])

        with jax.named_scope(f"sc_flat_{p}"):
            def fbody(j, carry):
                def kbody(k, carry2):
                    off = k * L
                    r = col_v[pl.ds(j * 128 + off, L)]
                    cc = row_v[pl.ds(j * 128 + off, L)]
                    rr = r - p * HROW
                    flat = rr * NP + cc
                    ok = ((rr >= 0) & (rr < HROW) & (cc >= 0) & (cc < N1)
                          & (j * 128 + off + lane < bound))
                    flat_v[j, pl.ds(off, L)] = jnp.where(
                        ok, flat, DUMP + off + lane)
                    return carry2
                return lax.fori_loop(0, 128 // L, kbody, carry)
            lax.fori_loop(0, NCHUNK, fbody, 0)
            if p == 0:
                @pl.when(c == 0)
                def _drain_gathers():
                    with jax.named_scope("sc_gather_drain"):
                        for d in gs:
                            d.wait()
            plsc.subcore_barrier()

        with jax.named_scope(f"sc_scatter_{p}"):
            sc = [pltpu.make_async_copy(val_v.at[j],
                                        acc_sh.at[flat_v.at[j]], sem)
                  for j in range(NCHUNK)]
            for d in sc:
                d.start(add=True)
            for d in sc:
                d.wait()
            for d in outb:
                d.wait()
            outb = []
            plsc.subcore_barrier()

        with jax.named_scope(f"sc_out_{p}"):
            pltpu.sync_copy(acc_sh.at[pl.ds(s * SLICE, SLICE)], stage_v)
            dst = pl.ds(p * DUMP + s * SLICE, SLICE)

            @pl.when(c == 0)
            def _out_w():
                d = pltpu.make_async_copy(stage_v, wsum_out.at[dst], gsem)
                d.start()

            @pl.when(c == 1)
            def _out_a():
                d = pltpu.make_async_copy(stage_v, adj_out.at[dst], gsem)
                d.start()

            outb = [pltpu.make_async_copy(stage_v, wsum_out.at[dst], gsem)]
    for d in outb:
        d.wait()


def _make_sc_build():
    return functools.partial(
        pl.kernel,
        out_type=[jax.ShapeDtypeStruct((CORE_OUT,), jnp.float32),
                  jax.ShapeDtypeStruct((CORE_OUT,), jnp.float32)],
        mesh=plsc.VectorSubcoreMesh(core_axis_name="c", subcore_axis_name="s",
                                    num_cores=NC, num_subcores=NS),
        scratch_types=[
            pltpu.VMEM((EPT,), jnp.int32),
            pltpu.VMEM((EPT,), jnp.int32),
            pltpu.VMEM((EPT,), jnp.int32),
            pltpu.VMEM((NCHUNK, 128), jnp.int32),
            pltpu.VMEM((NCHUNK, 128), jnp.float32),
            pltpu.VMEM((SLICE,), jnp.float32),
            pltpu.VMEM((SLICE,), jnp.float32),
            pltpu.VMEM_SHARED((ACC,), jnp.float32),
            pltpu.SemaphoreType.DMA,
            pltpu.SemaphoreType.DMA,
        ],
    )(_sc_body)


def _tc_body(wsum_ref, adj_ref, x_ref, wgcn_ref, bgcn_ref,
             wl_ref, bl_ref, wr_ref, out_ref):
    wt = wsum_ref[...]
    at = adj_ref[...]
    deg = 1.0 + jnp.sum(wt, axis=1, keepdims=True)
    dinv = lax.rsqrt(deg)
    h1 = jnp.dot(x_ref[...], wgcn_ref[...], preferred_element_type=jnp.float32)
    dinv_p = jnp.concatenate([dinv, jnp.zeros((NP - N1, 1), jnp.float32)],
                             axis=0)
    u = jnp.dot(wt, dinv_p * h1, preferred_element_type=jnp.float32)
    hg = dinv * u + h1[:N1] / deg + bgcn_ref[...]
    cnt = jnp.sum(at, axis=1, keepdims=True)
    hg_p = jnp.concatenate([hg, jnp.zeros((NP - N1, 128), jnp.float32)],
                           axis=0)
    sagg = jnp.dot(at, hg_p, preferred_element_type=jnp.float32)
    mean = sagg / jnp.maximum(cnt, 1.0)
    o = (jnp.dot(mean, wl_ref[...], preferred_element_type=jnp.float32)
         + bl_ref[...]
         + jnp.dot(hg, wr_ref[...], preferred_element_type=jnp.float32))
    nrm = jnp.sqrt(jnp.sum(o * o, axis=1, keepdims=True))
    out_ref[...] = o / jnp.maximum(nrm, 1e-12)


def _tc_dense(wsum, adj, xp, W_gcn, b_gcn, Wl1, bl1, Wr1):
    return pl.pallas_call(
        _tc_body,
        out_shape=jax.ShapeDtypeStruct((N1, 128), jnp.float32),
    )(wsum, adj, xp, W_gcn, b_gcn, Wl1, bl1, Wr1)


def kernel(x, attr, W_gcn, b_gcn, Wl0, bl0, Wr0, Wl1, bl1, Wr1,
           edge_index_0, e_id_0, edge_index_1, e_id_1):
    del Wl0, bl0, Wr0, edge_index_0, e_id_0
    zeros_in = jnp.zeros((SLICE,), jnp.float32)
    ones_in = jnp.ones((NCHUNK, 128), jnp.float32)

    wsum_f, adj_f = _make_sc_build()(
        edge_index_1[0], edge_index_1[1], e_id_1, attr.reshape(-1),
        zeros_in, ones_in)
    wsum = wsum_f[:N1 * NP].reshape(N1, NP)
    adj = adj_f[:N1 * NP].reshape(N1, NP)

    return _tc_dense(wsum, adj, x[:NP],
                     W_gcn, b_gcn.reshape(1, 128), Wl1, bl1.reshape(1, 128),
                     Wr1)

# --- scband reference (transcript-rebuilt; emitter-appended) ---
"""Pipeline reference for scband-global-gnn-31447750542024 (READ-ONLY COPY).

The authoritative reference and input builder live on the scoring server;
editing this copy changes nothing except your own understanding.
"""

import jax, jax.numpy as jnp
import numpy as np

N = 10000
HID = 128
E0 = 320000
E1 = 100000
SIZE0_DST = 4000
SIZE1_DST = 1000


def gcn_conv(x, edge_index, weight, W, b):
    # PyG GCNConv with edge_weight, add_self_loops=True, symmetric normalization
    n = x.shape[0]
    row, col = edge_index[0], edge_index[1]
    loop = jnp.arange(n)
    row = jnp.concatenate([row, loop])
    col = jnp.concatenate([col, loop])
    weight = jnp.concatenate([weight, jnp.ones((n,), weight.dtype)])
    deg = jnp.zeros((n,), jnp.float32).at[col].add(weight)
    dinv = jnp.where(deg > 0, jax.lax.rsqrt(deg), 0.0)
    norm = dinv[row] * weight * dinv[col]
    h = x @ W
    out = jnp.zeros((n, h.shape[1]), jnp.float32).at[col].add(norm[:, None] * h[row])
    return out + b


def sage_conv(x_src, x_tgt, edge_index, Wl, bl, Wr):
    # PyG SAGEConv bipartite, aggr='mean', root_weight=True, normalize=True
    row, col = edge_index[0], edge_index[1]
    nt = x_tgt.shape[0]
    s = jnp.zeros((nt, x_src.shape[1]), jnp.float32).at[col].add(x_src[row])
    cnt = jnp.zeros((nt,), jnp.float32).at[col].add(1.0)
    mean = s / jnp.maximum(cnt, 1.0)[:, None]
    out = mean @ Wl + bl + x_tgt @ Wr
    nrm = jnp.sqrt(jnp.sum(out * out, axis=-1, keepdims=True))
    return out / jnp.maximum(nrm, 1e-12)


def setup_inputs(seed: int = 0) -> dict:
    key = jax.random.key(seed)
    ks = jax.random.split(key, 14)
    sc = 1.0 / np.sqrt(HID)
    return {
        "x": jax.random.normal(ks[0], (N, HID), jnp.float32),
        "attr": jax.random.uniform(ks[1], (E0, 1), jnp.float32),
        "W_gcn": jax.random.normal(ks[2], (HID, HID), jnp.float32) * sc,
        "b_gcn": jnp.zeros((HID,), jnp.float32),
        "Wl0": jax.random.normal(ks[3], (HID, HID), jnp.float32) * sc,
        "bl0": jnp.zeros((HID,), jnp.float32),
        "Wr0": jax.random.normal(ks[4], (HID, HID), jnp.float32) * sc,
        "Wl1": jax.random.normal(ks[5], (HID, HID), jnp.float32) * sc,
        "bl1": jnp.zeros((HID,), jnp.float32),
        "Wr1": jax.random.normal(ks[6], (HID, HID), jnp.float32) * sc,
        "edge_index_0": jax.random.randint(ks[7], (2, E0), 0, SIZE0_DST, dtype=jnp.int32),
        "e_id_0": jax.random.randint(ks[8], (E0,), 0, E0, dtype=jnp.int32),
        "edge_index_1": jax.random.randint(ks[9], (2, E1), 0, SIZE1_DST, dtype=jnp.int32),
        "e_id_1": jax.random.randint(ks[10], (E1,), 0, E0, dtype=jnp.int32),
    }


def reference(x, attr, W_gcn, b_gcn, Wl0, bl0, Wr0, Wl1, bl1, Wr1,
              edge_index_0, e_id_0, edge_index_1, e_id_1):
    # Faithful translation of GlobalGNN.forward with num_layers=2, eval mode
    # (dropout = identity), asymmetric_mode=False.
    adjs = [
        (edge_index_0, e_id_0, (N, SIZE0_DST)),
        (edge_index_1, e_id_1, (SIZE0_DST, SIZE1_DST)),
    ]
    sage_params = [(Wl0, bl0, Wr0), (Wl1, bl1, Wr1)]
    x_all = x
    num_layers = 2
    out = None
    for i, (ei, eid, size) in enumerate(adjs):
        w = attr[eid].reshape(-1).astype(jnp.float32)
        h = x_all  # note: original code resets to x_all each layer
        h = gcn_conv(h, ei, w, W_gcn, b_gcn)
        h_tgt = h[: size[1]]
        h = sage_conv(h, h_tgt, ei, *sage_params[i])
        if i != num_layers - 1:
            h = jax.nn.relu(h)  # dropout omitted (eval mode)
        out = h
    return out

if __name__ == "__main__":
    import jax
    _d = setup_inputs()
    print(jax.jit(kernel)(*tuple(_d.values())))

</pallas_src>

<mosaic_0001>
#map = affine_map<(d0, d1) -> (0)>
#map1 = affine_map<(d0, d1) -> (0, 0)>
module attributes {stable_mosaic.version = 14 : i64} {
  func.func @_sc_body(%arg0: i32, %arg1: i32, %arg2: memref<100000xi32, #tpu.memory_space<hbm>>, %arg3: memref<100000xi32, #tpu.memory_space<hbm>>, %arg4: memref<100000xi32, #tpu.memory_space<hbm>>, %arg5: memref<320000xf32, #tpu.memory_space<hbm>>, %arg6: memref<32016xf32, #tpu.memory_space<hbm>>, %arg7: memref<49x128xf32, #tpu.memory_space<hbm>>, %arg8: memref<1024256xf32, #tpu.memory_space<hbm>>, %arg9: memref<1024256xf32, #tpu.memory_space<hbm>>, %arg10: memref<6272xi32, #tpu.memory_space<vmem>>, %arg11: memref<6272xi32, #tpu.memory_space<vmem>>, %arg12: memref<6272xi32, #tpu.memory_space<vmem>>, %arg13: memref<49x128xi32, #tpu.memory_space<vmem>>, %arg14: memref<49x128xf32, #tpu.memory_space<vmem>>, %arg15: memref<32016xf32, #tpu.memory_space<vmem>>, %arg16: memref<32016xf32, #tpu.memory_space<vmem>>, %arg17: memref<512256xf32, #tpu.memory_space<vmem_shared>>, %arg18: memref<!tpu.dma_semaphore, #tpu.memory_space<semaphore_mem>>, %arg19: memref<!tpu.dma_semaphore, #tpu.memory_space<semaphore_mem>>) attributes {dimension_semantics = [#tpu.dimension_semantics<core_parallel>, #tpu.dimension_semantics<subcore_parallel>], iteration_bounds = array<i64: 2, 16>, scalar_prefetch = 0 : i64, scratch_operands = 10 : i64, tpu.core_type = #tpu.core_type<sc_vector_subcore>, window_params = [{transform_indices = #map}, {transform_indices = #map}, {transform_indices = #map}, {transform_indices = #map}, {transform_indices = #map}, {transform_indices = #map1}, {transform_indices = #map}, {transform_indices = #map}]} {
    %iota3A = tpu.iota {dimensions = array<i32: 0>} : vector<16xi32>
    %mul3A = arith.constant 6272 : i32
    %mul3A_0 = arith.muli %arg1, %mul3A : i32
    %lt3A = arith.constant 15 : i32
    %lt3A_1 = arith.cmpi slt, %arg1, %lt3A : i32
    %convert_element_type3A = arith.extui %lt3A_1 : i1 to i32
    %cond3A = arith.constant 0 : i32
    %cond3A_2 = arith.cmpi ne, %convert_element_type3A, %cond3A : i32
    scf.if %cond3A_2 {
      %dma_start3A_2129 = tpu.memref_slice %arg2[%mul3A_0] : memref<100000xi32, #tpu.memory_space<hbm>> -> memref<6272xi32, #tpu.memory_space<hbm>>
      %dma_start3A_2130 = tpu.memref_slice %arg2[%mul3A_0] : memref<100000xi32, #tpu.memory_space<hbm>> -> memref<6272xi32, #tpu.memory_space<hbm>>
      tpu.enqueue_dma source(%dma_start3A_2130 : memref<6272xi32, #tpu.memory_space<hbm>>) target(%arg10 : memref<6272xi32, #tpu.memory_space<vmem>>) target_semaphore(%arg18 : memref<!tpu.dma_semaphore, #tpu.memory_space<semaphore_mem>>)
      %dma_start3A_2131 = tpu.memref_slice %arg3[%mul3A_0] : memref<100000xi32, #tpu.memory_space<hbm>> -> memref<6272xi32, #tpu.memory_space<hbm>>
      %dma_start3A_2132 = tpu.memref_slice %arg3[%mul3A_0] : memref<100000xi32, #tpu.memory_space<hbm>> -> memref<6272xi32, #tpu.memory_space<hbm>>
      tpu.enqueue_dma source(%dma_start3A_2132 : memref<6272xi32, #tpu.memory_space<hbm>>) target(%arg11 : memref<6272xi32, #tpu.memory_space<vmem>>) target_semaphore(%arg18 : memref<!tpu.dma_semaphore, #tpu.memory_space<semaphore_mem>>)
      %dma_start3A_2133 = tpu.memref_slice %arg4[%mul3A_0] : memref<100000xi32, #tpu.memory_space<hbm>> -> memref<6272xi32, #tpu.memory_space<hbm>>
      %dma_start3A_2134 = tpu.memref_slice %arg4[%mul3A_0] : memref<100000xi32, #tpu.memory_space<hbm>> -> memref<6272xi32, #tpu.memory_space<hbm>>
      tpu.enqueue_dma source(%dma_start3A_2134 : memref<6272xi32, #tpu.memory_space<hbm>>) target(%arg12 : memref<6272xi32, #tpu.memory_space<vmem>>) target_semaphore(%arg18 : memref<!tpu.dma_semaphore, #tpu.memory_space<semaphore_mem>>)
      %dma_wait3A_2135 = tpu.memref_slice %arg2[%mul3A_0] : memref<100000xi32, #tpu.memory_space<hbm>> -> memref<6272xi32, #tpu.memory_space<hbm>>
      %dma_wait3A_2136 = tpu.memref_slice %arg2[%mul3A_0] : memref<100000xi32, #tpu.memory_space<hbm>> -> memref<6272xi32, #tpu.memory_space<hbm>>
      tpu.wait_dma2 semaphore(%arg18 : memref<!tpu.dma_semaphore, #tpu.memory_space<semaphore_mem>>) src(%dma_wait3A_2136 : memref<6272xi32, #tpu.memory_space<hbm>>) dst(%arg10 : memref<6272xi32, #tpu.memory_space<vmem>>)
      %dma_wait3A_2137 = tpu.memref_slice %arg3[%mul3A_0] : memref<100000xi32, #tpu.memory_space<hbm>> -> memref<6272xi32, #tpu.memory_space<hbm>>
      %dma_wait3A_2138 = tpu.memref_slice %arg3[%mul3A_0] : memref<100000xi32, #tpu.memory_space<hbm>> -> memref<6272xi32, #tpu.memory_space<hbm>>
      tpu.wait_dma2 semaphore(%arg18 : memref<!tpu.dma_semaphore, #tpu.memory_space<semaphore_mem>>) src(%dma_wait3A_2138 : memref<6272xi32, #tpu.memory_space<hbm>>) dst(%arg11 : memref<6272xi32, #tpu.memory_space<vmem>>)
      %dma_wait3A_2139 = tpu.memref_slice %arg4[%mul3A_0] : memref<100000xi32, #tpu.memory_space<hbm>> -> memref<6272xi32, #tpu.memory_space<hbm>>
      %dma_wait3A_2140 = tpu.memref_slice %arg4[%mul3A_0] : memref<100000xi32, #tpu.memory_space<hbm>> -> memref<6272xi32, #tpu.memory_space<hbm>>
      tpu.wait_dma2 semaphore(%arg18 : memref<!tpu.dma_semaphore, #tpu.memory_space<semaphore_mem>>) src(%dma_wait3A_2140 : memref<6272xi32, #tpu.memory_space<hbm>>) dst(%arg12 : memref<6272xi32, #tpu.memory_space<vmem>>)
    } else {
    }
    %eq3A = arith.constant 15 : i32
    %eq3A_3 = arith.cmpi eq, %arg1, %eq3A : i32
    %convert_element_type3A_4 = arith.extui %eq3A_3 : i1 to i32
    %cond3A_5 = arith.constant 0 : i32
    %cond3A_6 = arith.cmpi ne, %convert_element_type3A_4, %cond3A_5 : i32
    scf.if %cond3A_6 {
      %scan3A_2129 = arith.constant 0 : i32
      %scan3A_2130 = arith.constant 0 : i32
      %scan3A_2131 = arith.constant 22 : i32
      %scan3A_2132 = arith.addi %scan3A_2130, %scan3A_2131 : i32
      %scan3A_2133 = arith.constant 1 : i32
      scf.for %scan3A_2171 = %scan3A_2130 to %scan3A_2132 step %scan3A_2133  : i32 {
        %broadcast_in_dim3A = arith.constant 0 : i32
        %broadcast_in_dim3A_2172 = vector.broadcast %broadcast_in_dim3A : i32 to vector<16xi32>
        %mul3A_2173 = arith.constant 16 : i32
        %mul3A_2174 = arith.muli %scan3A_2171, %mul3A_2173 : i32
        %add3A_2175 = arith.constant 5920 : i32
        %add3A_2176 = arith.addi %add3A_2175, %mul3A_2174 : i32
        %swap3A = arith.index_cast %add3A_2176 : i32 to index
        %swap3A_2177 = tpu.vector_load %arg12[%swap3A] {strides = array<i32>} : memref<6272xi32, #tpu.memory_space<vmem>>, vector<16xi32>,
        %swap3A_2178 = vector.shape_cast %swap3A_2177 : vector<16xi32> to vector<16xi32>
        %swap3A_2179 = vector.shape_cast %broadcast_in_dim3A_2172 : vector<16xi32> to vector<16xi32>
        tpu.vector_store %arg12[%swap3A], %swap3A_2179 {strides = array<i32>} : memref<6272xi32, #tpu.memory_space<vmem>>, vector<16xi32>,
      }
      %scan3A_2134 = arith.constant 22 : i32
      %dma_start3A_2135 = arith.constant 0 : i32
      %dma_start3A_2136 = tpu.memref_slice %arg10[%dma_start3A_2135] : memref<6272xi32, #tpu.memory_space<vmem>> -> memref<5920xi32, #tpu.memory_space<vmem>>
      %dma_start3A_2137 = tpu.memref_slice %arg2[%mul3A_0] : memref<100000xi32, #tpu.memory_space<hbm>> -> memref<5920xi32, #tpu.memory_space<hbm>>
      %dma_start3A_2138 = arith.constant 0 : i32
      %dma_start3A_2139 = tpu.memref_slice %arg10[%dma_start3A_2138] : memref<6272xi32, #tpu.memory_space<vmem>> -> memref<5920xi32, #tpu.memory_space<vmem>>
      %dma_start3A_2140 = tpu.memref_slice %arg2[%mul3A_0] : memref<100000xi32, #tpu.memory_space<hbm>> -> memref<5920xi32, #tpu.memory_space<hbm>>
      tpu.enqueue_dma source(%dma_start3A_2140 : memref<5920xi32, #tpu.memory_space<hbm>>) target(%dma_start3A_2139 : memref<5920xi32, #tpu.memory_space<vmem>>) target_semaphore(%arg18 : memref<!tpu.dma_semaphore, #tpu.memory_space<semaphore_mem>>)
      %dma_start3A_2141 = arith.constant 0 : i32
      %dma_start3A_2142 = tpu.memref_slice %arg11[%dma_start3A_2141] : memref<6272xi32, #tpu.memory_space<vmem>> -> memref<5920xi32, #tpu.memory_space<vmem>>
      %dma_start3A_2143 = tpu.memref_slice %arg3[%mul3A_0] : memref<100000xi32, #tpu.memory_space<hbm>> -> memref<5920xi32, #tpu.memory_space<hbm>>
      %dma_start3A_2144 = arith.constant 0 : i32
      %dma_start3A_2145 = tpu.memref_slice %arg11[%dma_start3A_2144] : memref<6272xi32, #tpu.memory_space<vmem>> -> memref<5920xi32, #tpu.memory_space<vmem>>
      %dma_start3A_2146 = tpu.memref_slice %arg3[%mul3A_0] : memref<100000xi32, #tpu.memory_space<hbm>> -> memref<5920xi32, #tpu.memory_space<hbm>>
      tpu.enqueue_dma source(%dma_start3A_2146 : memref<5920xi32, #tpu.memory_space<hbm>>) target(%dma_start3A_2145 : memref<5920xi32, #tpu.memory_space<vmem>>) target_semaphore(%arg18 : memref<!tpu.dma_semaphore, #tpu.memory_space<semaphore_mem>>)
      %dma_start3A_2147 = arith.constant 0 : i32
      %dma_start3A_2148 = tpu.memref_slice %arg12[%dma_start3A_2147] : memref<6272xi32, #tpu.memory_space<vmem>> -> memref<5920xi32, #tpu.memory_space<vmem>>
      %dma_start3A_2149 = tpu.memref_slice %arg4[%mul3A_0] : memref<100000xi32, #tpu.memory_space<hbm>> -> memref<5920xi32, #tpu.memory_space<hbm>>
      %dma_start3A_2150 = arith.constant 0 : i32
      %dma_start3A_2151 = tpu.memref_slice %arg12[%dma_start3A_2150] : memref<6272xi32, #tpu.memory_space<vmem>> -> memref<5920xi32, #tpu.memory_space<vmem>>
      %dma_start3A_2152 = tpu.memref_slice %arg4[%mul3A_0] : memref<100000xi32, #tpu.memory_space<hbm>> -> memref<5920xi32, #tpu.memory_space<hbm>>
      tpu.enqueue_dma source(%dma_start3A_2152 : memref<5920xi32, #tpu.memory_space<hbm>>) target(%dma_start3A_2151 : memref<5920xi32, #tpu.memory_space<vmem>>) target_semaphore(%arg18 : memref<!tpu.dma_semaphore, #tpu.memory_space<semaphore_mem>>)
      %dma_wait3A_2153 = arith.constant 0 : i32
      %dma_wait3A_2154 = tpu.memref_slice %arg10[%dma_wait3A_2153] : memref<6272xi32, #tpu.memory_space<vmem>> -> memref<5920xi32, #tpu.memory_space<vmem>>
      %dma_wait3A_2155 = tpu.memref_slice %arg2[%mul3A_0] : memref<100000xi32, #tpu.memory_space<hbm>> -> memref<5920xi32, #tpu.memory_space<hbm>>
      %dma_wait3A_2156 = arith.constant 0 : i32
      %dma_wait3A_2157 = tpu.memref_slice %arg10[%dma_wait3A_2156] : memref<6272xi32, #tpu.memory_space<vmem>> -> memref<5920xi32, #tpu.memory_space<vmem>>
      %dma_wait3A_2158 = tpu.memref_slice %arg2[%mul3A_0] : memref<100000xi32, #tpu.memory_space<hbm>> -> memref<5920xi32, #tpu.memory_space<hbm>>
      tpu.wait_dma2 semaphore(%arg18 : memref<!tpu.dma_semaphore, #tpu.memory_space<semaphore_mem>>) src(%dma_wait3A_2158 : memref<5920xi32, #tpu.memory_space<hbm>>) dst(%dma_wait3A_2157 : memref<5920xi32, #tpu.memory_space<vmem>>)
      %dma_wait3A_2159 = arith.constant 0 : i32
      %dma_wait3A_2160 = tpu.memref_slice %arg11[%dma_wait3A_2159] : memref<6272xi32, #tpu.memory_space<vmem>> -> memref<5920xi32, #tpu.memory_space<vmem>>
      %dma_wait3A_2161 = tpu.memref_slice %arg3[%mul3A_0] : memref<100000xi32, #tpu.memory_space<hbm>> -> memref<5920xi32, #tpu.memory_space<hbm>>
      %dma_wait3A_2162 = arith.constant 0 : i32
      %dma_wait3A_2163 = tpu.memref_slice %arg11[%dma_wait3A_2162] : memref<6272xi32, #tpu.memory_space<vmem>> -> memref<5920xi32, #tpu.memory_space<vmem>>
      %dma_wait3A_2164 = tpu.memref_slice %arg3[%mul3A_0] : memref<100000xi32, #tpu.memory_space<hbm>> -> memref<5920xi32, #tpu.memory_space<hbm>>
      tpu.wait_dma2 semaphore(%arg18 : memref<!tpu.dma_semaphore, #tpu.memory_space<semaphore_mem>>) src(%dma_wait3A_2164 : memref<5920xi32, #tpu.memory_space<hbm>>) dst(%dma_wait3A_2163 : memref<5920xi32, #tpu.memory_space<vmem>>)
      %dma_wait3A_2165 = arith.constant 0 : i32
      %dma_wait3A_2166 = tpu.memref_slice %arg12[%dma_wait3A_2165] : memref<6272xi32, #tpu.memory_space<vmem>> -> memref<5920xi32, #tpu.memory_space<vmem>>
      %dma_wait3A_2167 = tpu.memref_slice %arg4[%mul3A_0] : memref<100000xi32, #tpu.memory_space<hbm>> -> memref<5920xi32, #tpu.memory_space<hbm>>
      %dma_wait3A_2168 = arith.constant 0 : i32
      %dma_wait3A_2169 = tpu.memref_slice %arg12[%dma_wait3A_2168] : memref<6272xi32, #tpu.memory_space<vmem>> -> memref<5920xi32, #tpu.memory_space<vmem>>
      %dma_wait3A_2170 = tpu.memref_slice %arg4[%mul3A_0] : memref<100000xi32, #tpu.memory_space<hbm>> -> memref<5920xi32, #tpu.memory_space<hbm>>
      tpu.wait_dma2 semaphore(%arg18 : memref<!tpu.dma_semaphore, #tpu.memory_space<semaphore_mem>>) src(%dma_wait3A_2170 : memref<5920xi32, #tpu.memory_space<hbm>>) dst(%dma_wait3A_2169 : memref<5920xi32, #tpu.memory_space<vmem>>)
    } else {
    }
    tpu.enqueue_dma source(%arg6 : memref<32016xf32, #tpu.memory_space<hbm>>) target(%arg15 : memref<32016xf32, #tpu.memory_space<vmem>>) target_semaphore(%arg18 : memref<!tpu.dma_semaphore, #tpu.memory_space<semaphore_mem>>)
    tpu.enqueue_dma source(%arg7 : memref<49x128xf32, #tpu.memory_space<hbm>>) target(%arg14 : memref<49x128xf32, #tpu.memory_space<vmem>>) target_semaphore(%arg18 : memref<!tpu.dma_semaphore, #tpu.memory_space<semaphore_mem>>)
    tpu.wait_dma2 semaphore(%arg18 : memref<!tpu.dma_semaphore, #tpu.memory_space<semaphore_mem>>) src(%arg6 : memref<32016xf32, #tpu.memory_space<hbm>>) dst(%arg15 : memref<32016xf32, #tpu.memory_space<vmem>>)
    tpu.wait_dma2 semaphore(%arg18 : memref<!tpu.dma_semaphore, #tpu.memory_space<semaphore_mem>>) src(%arg7 : memref<49x128xf32, #tpu.memory_space<hbm>>) dst(%arg14 : memref<49x128xf32, #tpu.memory_space<vmem>>)
    %eq3A_7 = arith.constant 0 : i32
    %eq3A_8 = arith.cmpi eq, %arg0, %eq3A_7 : i32
    %convert_element_type3A_9 = arith.extui %eq3A_8 : i1 to i32
    %cond3A_10 = arith.constant 0 : i32
    %cond3A_11 = arith.constant 1 : i32
    %cond3A_12 = arith.constant 2 : i32
    %cond3A_13 = arith.constant 3 : i32
    %cond3A_14 = arith.constant 4 : i32
    %cond3A_15 = arith.constant 5 : i32
    %cond3A_16 = arith.constant 6 : i32
    %cond3A_17 = arith.constant 7 : i32
    %cond3A_18 = arith.constant 8 : i32
    %cond3A_19 = arith.constant 9 : i32
    %cond3A_20 = arith.constant 10 : i32
    %cond3A_21 = arith.constant 11 : i32
    %cond3A_22 = arith.constant 12 : i32
    %cond3A_23 = arith.constant 13 : i32
    %cond3A_24 = arith.constant 14 : i32
    %cond3A_25 = arith.constant 15 : i32
    %cond3A_26 = arith.constant 16 : i32
    %cond3A_27 = arith.constant 17 : i32
    %cond3A_28 = arith.constant 18 : i32
    %cond3A_29 = arith.constant 19 : i32
    %cond3A_30 = arith.constant 20 : i32
    %cond3A_31 = arith.constant 21 : i32
    %cond3A_32 = arith.constant 22 : i32
    %cond3A_33 = arith.constant 23 : i32
    %cond3A_34 = arith.constant 24 : i32
    %cond3A_35 = arith.constant 25 : i32
    %cond3A_36 = arith.constant 26 : i32
    %cond3A_37 = arith.constant 27 : i32
    %cond3A_38 = arith.constant 28 : i32
    %cond3A_39 = arith.constant 29 : i32
    %cond3A_40 = arith.constant 30 : i32
    %cond3A_41 = arith.constant 31 : i32
    %cond3A_42 = arith.constant 32 : i32
    %cond3A_43 = arith.constant 33 : i32
    %cond3A_44 = arith.constant 34 : i32
    %cond3A_45 = arith.constant 35 : i32
    %cond3A_46 = arith.constant 36 : i32
    %cond3A_47 = arith.constant 37 : i32
    %cond3A_48 = arith.constant 38 : i32
    %cond3A_49 = arith.constant 39 : i32
    %cond3A_50 = arith.constant 40 : i32
    %cond3A_51 = arith.constant 41 : i32
    %cond3A_52 = arith.constant 42 : i32
    %cond3A_53 = arith.constant 43 : i32
    %cond3A_54 = arith.constant 44 : i32
    %cond3A_55 = arith.constant 45 : i32
    %cond3A_56 = arith.constant 46 : i32
    %cond3A_57 = arith.constant 47 : i32
    %cond3A_58 = arith.constant 48 : i32
    %cond3A_59 = arith.constant 0 : i32
    %cond3A_60 = arith.cmpi ne, %convert_element_type3A_9, %cond3A_59 : i32
    scf.if %cond3A_60 {
      "tpu.trace_start"() <{level = 10 : i32, message = "sc_gather_w"}> : () -> ()
      %dma_start3A_2129 = arith.constant 0 : i32
      %dma_start3A_2130 = tpu.memref_slice %arg14[%cond3A_10, %dma_start3A_2129] : memref<49x128xf32, #tpu.memory_space<vmem>> -> memref<1x128xf32, #tpu.memory_space<vmem>>
      %dma_start3A_2131 = tpu.memref_squeeze %dma_start3A_2130 : memref<1x128xf32, #tpu.memory_space<vmem>> -> memref<128xf32, #tpu.memory_space<vmem>>
      %dma_start3A_2132 = arith.constant 0 : i32
      %dma_start3A_2133 = tpu.memref_slice %arg12[%dma_start3A_2132] : memref<6272xi32, #tpu.memory_space<vmem>> -> memref<128xi32, #tpu.memory_space<vmem>>
      %dma_start3A_2134 = arith.constant 0 : i32
      %dma_start3A_2135 = tpu.memref_slice %arg5[%dma_start3A_2134] : memref<320000xf32, #tpu.memory_space<hbm>> -> memref<320000xf32, #tpu.memory_space<hbm>>
      tpu.enqueue_indirect_dma source(%dma_start3A_2135 : memref<320000xf32, #tpu.memory_space<hbm>>) target(%dma_start3A_2131 : memref<128xf32, #tpu.memory_space<vmem>>) offsets(%dma_start3A_2133 : memref<128xi32, #tpu.memory_space<vmem>>) semaphore(%arg19 : memref<!tpu.dma_semaphore, #tpu.memory_space<semaphore_mem>>)
      %dma_start3A_2136 = arith.constant 0 : i32
      %dma_start3A_2137 = tpu.memref_slice %arg14[%cond3A_11, %dma_start3A_2136] : memref<49x128xf32, #tpu.memory_space<vmem>> -> memref<1x128xf32, #tpu.memory_space<vmem>>
      %dma_start3A_2138 = tpu.memref_squeeze %dma_start3A_2137 : memref<1x128xf32, #tpu.memory_space<vmem>> -> memref<128xf32, #tpu.memory_space<vmem>>
      %dma_start3A_2139 = arith.constant 128 : i32
      %dma_start3A_2140 = tpu.memref_slice %arg12[%dma_start3A_2139] : memref<6272xi32, #tpu.memory_space<vmem>> -> memref<128xi32, #tpu.memory_space<vmem>>
      %dma_start3A_2141 = arith.constant 0 : i32
      %dma_start3A_2142 = tpu.memref_slice %arg5[%dma_start3A_2141] : memref<320000xf32, #tpu.memory_space<hbm>> -> memref<320000xf32, #tpu.memory_space<hbm>>
      tpu.enqueue_indirect_dma source(%dma_start3A_2142 : memref<320000xf32, #tpu.memory_space<hbm>>) target(%dma_start3A_2138 : memref<128xf32, #tpu.memory_space<vmem>>) offsets(%dma_start3A_2140 : memref<128xi32, #tpu.memory_space<vmem>>) semaphore(%arg19 : memref<!tpu.dma_semaphore, #tpu.memory_space<semaphore_mem>>)
      %dma_start3A_2143 = arith.constant 0 : i32
      %dma_start3A_2144 = tpu.memref_slice %arg14[%cond3A_12, %dma_start3A_2143] : memref<49x128xf32, #tpu.memory_space<vmem>> -> memref<1x128xf32, #tpu.memory_space<vmem>>
      %dma_start3A_2145 = tpu.memref_squeeze %dma_start3A_2144 : memref<1x128xf32, #tpu.memory_space<vmem>> -> memref<128xf32, #tpu.memory_space<vmem>>
      %dma_start3A_2146 = arith.constant 256 : i32
      %dma_start3A_2147 = tpu.memref_slice %arg12[%dma_start3A_2146] : memref<6272xi32, #tpu.memory_space<vmem>> -> memref<128xi32, #tpu.memory_space<vmem>>
      %dma_start3A_2148 = arith.constant 0 : i32
      %dma_start3A_2149 = tpu.memref_slice %arg5[%dma_start3A_2148] : memref<320000xf32, #tpu.memory_space<hbm>> -> memref<320000xf32, #tpu.memory_space<hbm>>
      tpu.enqueue_indirect_dma source(%dma_start3A_2149 : memref<320000xf32, #tpu.memory_space<hbm>>) target(%dma_start3A_2145 : memref<128xf32, #tpu.memory_space<vmem>>) offsets(%dma_start3A_2147 : memref<128xi32, #tpu.memory_space<vmem>>) semaphore(%arg19 : memref<!tpu.dma_semaphore, #tpu.memory_space<semaphore_mem>>)
      %dma_start3A_2150 = arith.constant 0 : i32
      %dma_start3A_2151 = tpu.memref_slice %arg14[%cond3A_13, %dma_start3A_2150] : memref<49x128xf32, #tpu.memory_space<vmem>> -> memref<1x128xf32, #tpu.memory_space<vmem>>
      %dma_start3A_2152 = tpu.memref_squeeze %dma_start3A_2151 : memref<1x128xf32, #tpu.memory_space<vmem>> -> memref<128xf32, #tpu.memory_space<vmem>>
      %dma_start3A_2153 = arith.constant 384 : i32
      %dma_start3A_2154 = tpu.memref_slice %arg12[%dma_start3A_2153] : memref<6272xi32, #tpu.memory_space<vmem>> -> memref<128xi32, #tpu.memory_space<vmem>>
      %dma_start3A_2155 = arith.constant 0 : i32
      %dma_start3A_2156 = tpu.memref_slice %arg5[%dma_start3A_2155] : memref<320000xf32, #tpu.memory_space<hbm>> -> memref<320000xf32, #tpu.memory_space<hbm>>
      tpu.enqueue_indirect_dma source(%dma_start3A_2156 : memref<320000xf32, #tpu.memory_space<hbm>>) target(%dma_start3A_2152 : memref<128xf32, #tpu.memory_space<vmem>>) offsets(%dma_start3A_2154 : memref<128xi32, #tpu.memory_space<vmem>>) semaphore(%arg19 : memref<!tpu.dma_semaphore, #tpu.memory_space<semaphore_mem>>)
      %dma_start3A_2157 = arith.constant 0 : i32
      %dma_start3A_2158 = tpu.memref_slice %arg14[%cond3A_14, %dma_start3A_2157] : memref<49x128xf32, #tpu.memory_space<vmem>> -> memref<1x128xf32, #tpu.memory_space<vmem>>
      %dma_start3A_2159 = tpu.memref_squeeze %dma_start3A_2158 : memref<1x128xf32, #tpu.memory_space<vmem>> -> memref<128xf32, #tpu.memory_space<vmem>>
      %dma_start3A_2160 = arith.constant 512 : i32
      %dma_start3A_2161 = tpu.memref_slice %arg12[%dma_start3A_2160] : memref<6272xi32, #tpu.memory_space<vmem>> -> memref<128xi32, #tpu.memory_space<vmem>>
      %dma_start3A_2162 = arith.constant 0 : i32
      %dma_start3A_2163 = tpu.memref_slice %arg5[%dma_start3A_2162] : memref<320000xf32, #tpu.memory_space<hbm>> -> memref<320000xf32, #tpu.memory_space<hbm>>
      tpu.enqueue_indirect_dma source(%dma_start3A_2163 : memref<320000xf32, #tpu.memory_space<hbm>>) target(%dma_start3A_2159 : memref<128xf32, #tpu.memory_space<vmem>>) offsets(%dma_start3A_2161 : memref<128xi32, #tpu.memory_space<vmem>>) semaphore(%arg19 : memref<!tpu.dma_semaphore, #tpu.memory_space<semaphore_mem>>)
      %dma_start3A_2164 = arith.constant 0 : i32
      %dma_start3A_2165 = tpu.memref_slice %arg14[%cond3A_15, %dma_start3A_2164] : memref<49x128xf32, #tpu.memory_space<vmem>> -> memref<1x128xf32, #tpu.memory_space<vmem>>
      %dma_start3A_2166 = tpu.memref_squeeze %dma_start3A_2165 : memref<1x128xf32, #tpu.memory_space<vmem>> -> memref<128xf32, #tpu.memory_space<vmem>>
      %dma_start3A_2167 = arith.constant 640 : i32
      %dma_start3A_2168 = tpu.memref_slice %arg12[%dma_start3A_2167] : memref<6272xi32, #tpu.memory_space<vmem>> -> memref<128xi32, #tpu.memory_space<vmem>>
      %dma_start3A_2169 = arith.constant 0 : i32
      %dma_start3A_2170 = tpu.memref_slice %arg5[%dma_start3A_2169] : memref<320000xf32, #tpu.memory_space<hbm>> -> memref<320000xf32, #tpu.memory_space<hbm>>
      tpu.enqueue_indirect_dma source(%dma_start3A_2170 : memref<320000xf32, #tpu.memory_space<hbm>>) target(%dma_start3A_2166 : memref<128xf32, #tpu.memory_space<vmem>>) offsets(%dma_start3A_2168 : memref<128xi32, #tpu.memory_space<vmem>>) semaphore(%arg19 : memref<!tpu.dma_semaphore, #tpu.memory_space<semaphore_mem>>)
      %dma_start3A_2171 = arith.constant 0 : i32
      %dma_start3A_2172 = tpu.memref_slice %arg14[%cond3A_16, %dma_start3A_2171] : memref<49x128xf32, #tpu.memory_space<vmem>> -> memref<1x128xf32, #tpu.memory_space<vmem>>
      %dma_start3A_2173 = tpu.memref_squeeze %dma_start3A_2172 : memref<1x128xf32, #tpu.memory_space<vmem>> -> memref<128xf32, #tpu.memory_space<vmem>>
      %dma_start3A_2174 = arith.constant 768 : i32
      %dma_start3A_2175 = tpu.memref_slice %arg12[%dma_start3A_2174] : memref<6272xi32, #tpu.memory_space<vmem>> -> memref<128xi32, #tpu.memory_space<vmem>>
      %dma_start3A_2176 = arith.constant 0 : i32
      %dma_start3A_2177 = tpu.memref_slice %arg5[%dma_start3A_2176] : memref<320000xf32, #tpu.memory_space<hbm>> -> memref<320000xf32, #tpu.memory_space<hbm>>
      tpu.enqueue_indirect_dma source(%dma_start3A_2177 : memref<320000xf32, #tpu.memory_space<hbm>>) target(%dma_start3A_2173 : memref<128xf32, #tpu.memory_space<vmem>>) offsets(%dma_start3A_2175 : memref<128xi32, #tpu.memory_space<vmem>>) semaphore(%arg19 : memref<!tpu.dma_semaphore, #tpu.memory_space<semaphore_mem>>)
      %dma_start3A_2178 = arith.constant 0 : i32
      %dma_start3A_2179 = tpu.memref_slice %arg14[%cond3A_17, %dma_start3A_2178] : memref<49x128xf32, #tpu.memory_space<vmem>> -> memref<1x128xf32, #tpu.memory_space<vmem>>
      %dma_start3A_2180 = tpu.memref_squeeze %dma_start3A_2179 : memref<1x128xf32, #tpu.memory_space<vmem>> -> memref<128xf32, #tpu.memory_space<vmem>>
      %dma_start3A_2181 = arith.constant 896 : i32
      %dma_start3A_2182 = tpu.memref_slice %arg12[%dma_start3A_2181] : memref<6272xi32, #tpu.memory_space<vmem>> -> memref<128xi32, #tpu.memory_space<vmem>>
      %dma_start3A_2183 = arith.constant 0 : i32
      %dma_start3A_2184 = tpu.memref_slice %arg5[%dma_start3A_2183] : memref<320000xf32, #tpu.memory_space<hbm>> -> memref<320000xf32, #tpu.memory_space<hbm>>
      tpu.enqueue_indirect_dma source(%dma_start3A_2184 : memref<320000xf32, #tpu.memory_space<hbm>>) target(%dma_start3A_2180 : memref<128xf32, #tpu.memory_space<vmem>>) offsets(%dma_start3A_2182 : memref<128xi32, #tpu.memory_space<vmem>>) semaphore(%arg19 : memref<!tpu.dma_semaphore, #tpu.memory_space<semaphore_mem>>)
      %dma_start3A_2185 = arith.constant 0 : i32
      %dma_start3A_2186 = tpu.memref_slice %arg14[%cond3A_18, %dma_start3A_2185] : memref<49x128xf32, #tpu.memory_space<vmem>> -> memref<1x128xf32, #tpu.memory_space<vmem>>
      %dma_start3A_2187 = tpu.memref_squeeze %dma_start3A_2186 : memref<1x128xf32, #tpu.memory_space<vmem>> -> memref<128xf32, #tpu.memory_space<vmem>>
      %dma_start3A_2188 = arith.constant 1024 : i32
      %dma_start3A_2189 = tpu.memref_slice %arg12[%dma_start3A_2188] : memref<6272xi32, #tpu.memory_space<vmem>> -> memref<128xi32, #tpu.memory_space<vmem>>
      %dma_start3A_2190 = arith.constant 0 : i32
      %dma_start3A_2191 = tpu.memref_slice %arg5[%dma_start3A_2190] : memref<320000xf32, #tpu.memory_space<hbm>> -> memref<320000xf32, #tpu.memory_space<hbm>>
      tpu.enqueue_indirect_dma source(%dma_start3A_2191 : memref<320000xf32, #tpu.memory_space<hbm>>) target(%dma_start3A_2187 : memref<128xf32, #tpu.memory_space<vmem>>) offsets(%dma_start3A_2189 : memref<128xi32, #tpu.memory_space<vmem>>) semaphore(%arg19 : memref<!tpu.dma_semaphore, #tpu.memory_space<semaphore_mem>>)
      %dma_start3A_2192 = arith.constant 0 : i32
      %dma_start3A_2193 = tpu.memref_slice %arg14[%cond3A_19, %dma_start3A_2192] : memref<49x128xf32, #tpu.memory_space<vmem>> -> memref<1x128xf32, #tpu.memory_space<vmem>>
      %dma_start3A_2194 = tpu.memref_squeeze %dma_start3A_2193 : memref<1x128xf32, #tpu.memory_space<vmem>> -> memref<128xf32, #tpu.memory_space<vmem>>
      %dma_start3A_2195 = arith.constant 1152 : i32
      %dma_start3A_2196 = tpu.memref_slice %arg12[%dma_start3A_2195] : memref<6272xi32, #tpu.memory_space<vmem>> -> memref<128xi32, #tpu.memory_space<vmem>>
      %dma_start3A_2197 = arith.constant 0 : i32
      %dma_start3A_2198 = tpu.memref_slice %arg5[%dma_start3A_2197] : memref<320000xf32, #tpu.memory_space<hbm>> -> memref<320000xf32, #tpu.memory_space<hbm>>
      tpu.enqueue_indirect_dma source(%dma_start3A_2198 : memref<320000xf32, #tpu.memory_space<hbm>>) target(%dma_start3A_2194 : memref<128xf32, #tpu.memory_space<vmem>>) offsets(%dma_start3A_2196 : memref<128xi32, #tpu.memory_space<vmem>>) semaphore(%arg19 : memref<!tpu.dma_semaphore, #tpu.memory_space<semaphore_mem>>)
      %dma_start3A_2199 = arith.constant 0 : i32
      %dma_start3A_2200 = tpu.memref_slice %arg14[%cond3A_20, %dma_start3A_2199] : memref<49x128xf32, #tpu.memory_space<vmem>> -> memref<1x128xf32, #tpu.memory_space<vmem>>
      %dma_start3A_2201 = tpu.memref_squeeze %dma_start3A_2200 : memref<1x128xf32, #tpu.memory_space<vmem>> -> memref<128xf32, #tpu.memory_space<vmem>>
      %dma_start3A_2202 = arith.constant 1280 : i32
      %dma_start3A_2203 = tpu.memref_slice %arg12[%dma_start3A_2202] : memref<6272xi32, #tpu.memory_space<vmem>> -> memref<128xi32, #tpu.memory_space<vmem>>
      %dma_start3A_2204 = arith.constant 0 : i32
      %dma_start3A_2205 = tpu.memref_slice %arg5[%dma_start3A_2204] : memref<320000xf32, #tpu.memory_space<hbm>> -> memref<320000xf32, #tpu.memory_space<hbm>>
      tpu.enqueue_indirect_dma source(%dma_start3A_2205 : memref<320000xf32, #tpu.memory_space<hbm>>) target(%dma_start3A_2201 : memref<128xf32, #tpu.memory_space<vmem>>) offsets(%dma_start3A_2203 : memref<128xi32, #tpu.memory_space<vmem>>) semaphore(%arg19 : memref<!tpu.dma_semaphore, #tpu.memory_space<semaphore_mem>>)
      %dma_start3A_2206 = arith.constant 0 : i32
      %dma_start3A_2207 = tpu.memref_slice %arg14[%cond3A_21, %dma_start3A_2206] : memref<49x128xf32, #tpu.memory_space<vmem>> -> memref<1x128xf32, #tpu.memory_space<vmem>>
      %dma_start3A_2208 = tpu.memref_squeeze %dma_start3A_2207 : memref<1x128xf32, #tpu.memory_space<vmem>> -> memref<128xf32, #tpu.memory_space<vmem>>
      %dma_start3A_2209 = arith.constant 1408 : i32
      %dma_start3A_2210 = tpu.memref_slice %arg12[%dma_start3A_2209] : memref<6272xi32, #tpu.memory_space<vmem>> -> memref<128xi32, #tpu.memory_space<vmem>>
      %dma_start3A_2211 = arith.constant 0 : i32
      %dma_start3A_2212 = tpu.memref_slice %arg5[%dma_start3A_2211] : memref<320000xf32, #tpu.memory_space<hbm>> -> memref<320000xf32, #tpu.memory_space<hbm>>
      tpu.enqueue_indirect_dma source(%dma_start3A_2212 : memref<320000xf32, #tpu.memory_space<hbm>>) target(%dma_start3A_2208 : memref<128xf32, #tpu.memory_space<vmem>>) offsets(%dma_start3A_2210 : memref<128xi32, #tpu.memory_space<vmem>>) semaphore(%arg19 : memref<!tpu.dma_semaphore, #tpu.memory_space<semaphore_mem>>)
      %dma_start3A_2213 = arith.constant 0 : i32
      %dma_start3A_2214 = tpu.memref_slice %arg14[%cond3A_22, %dma_start3A_2213] : memref<49x128xf32, #tpu.memory_space<vmem>> -> memref<1x128xf32, #tpu.memory_space<vmem>>
      %dma_start3A_2215 = tpu.memref_squeeze %dma_start3A_2214 : memref<1x128xf32, #tpu.memory_space<vmem>> -> memref<128xf32, #tpu.memory_space<vmem>>
      %dma_start3A_2216 = arith.constant 1536 : i32
      %dma_start3A_2217 = tpu.memref_slice %arg12[%dma_start3A_2216] : memref<6272xi32, #tpu.memory_space<vmem>> -> memref<128xi32, #tpu.memory_space<vmem>>
      %dma_start3A_2218 = arith.constant 0 : i32
      %dma_start3A_2219 = tpu.memref_slice %arg5[%dma_start3A_2218] : memref<320000xf32, #tpu.memory_space<hbm>> -> memref<320000xf32, #tpu.memory_space<hbm>>
      tpu.enqueue_indirect_dma source(%dma_start3A_2219 : memref<320000xf32, #tpu.memory_space<hbm>>) target(%dma_start3A_2215 : memref<128xf32, #tpu.memory_space<vmem>>) offsets(%dma_start3A_2217 : memref<128xi32, #tpu.memory_space<vmem>>) semaphore(%arg19 : memref<!tpu.dma_semaphore, #tpu.memory_space<semaphore_mem>>)
      %dma_start3A_2220 = arith.constant 0 : i32
      %dma_start3A_2221 = tpu.memref_slice %arg14[%cond3A_23, %dma_start3A_2220] : memref<49x128xf32, #tpu.memory_space<vmem>> -> memref<1x128xf32, #tpu.memory_space<vmem>>
      %dma_start3A_2222 = tpu.memref_squeeze %dma_start3A_2221 : memref<1x128xf32, #tpu.memory_space<vmem>> -> memref<128xf32, #tpu.memory_space<vmem>>
      %dma_start3A_2223 = arith.constant 1664 : i32
      %dma_start3A_2224 = tpu.memref_slice %arg12[%dma_start3A_2223] : memref<6272xi32, #tpu.memory_space<vmem>> -> memref<128xi32, #tpu.memory_space<vmem>>
      %dma_start3A_2225 = arith.constant 0 : i32
      %dma_start3A_2226 = tpu.memref_slice %arg5[%dma_start3A_2225] : memref<320000xf32, #tpu.memory_space<hbm>> -> memref<320000xf32, #tpu.memory_space<hbm>>
      tpu.enqueue_indirect_dma source(%dma_start3A_2226 : memref<320000xf32, #tpu.memory_space<hbm>>) target(%dma_start3A_2222 : memref<128xf32, #tpu.memory_space<vmem>>) offsets(%dma_start3A_2224 : memref<128xi32, #tpu.memory_space<vmem>>) semaphore(%arg19 : memref<!tpu.dma_semaphore, #tpu.memory_space<semaphore_mem>>)
      %dma_start3A_2227 = arith.constant 0 : i32
      %dma_start3A_2228 = tpu.memref_slice %arg14[%cond3A_24, %dma_start3A_2227] : memref<49x128xf32, #tpu.memory_space<vmem>> -> memref<1x128xf32, #tpu.memory_space<vmem>>
      %dma_start3A_2229 = tpu.memref_squeeze %dma_start3A_2228 : memref<1x128xf32, #tpu.memory_space<vmem>> -> memref<128xf32, #tpu.memory_space<vmem>>
      %dma_start3A_2230 = arith.constant 1792 : i32
      %dma_start3A_2231 = tpu.memref_slice %arg12[%dma_start3A_2230] : memref<6272xi32, #tpu.memory_space<vmem>> -> memref<128xi32, #tpu.memory_space<vmem>>
      %dma_start3A_2232 = arith.constant 0 : i32
      %dma_start3A_2233 = tpu.memref_slice %arg5[%dma_start3A_2232] : memref<320000xf32, #tpu.memory_space<hbm>> -> memref<320000xf32, #tpu.memory_space<hbm>>
      tpu.enqueue_indirect_dma source(%dma_start3A_2233 : memref<320000xf32, #tpu.memory_space<hbm>>) target(%dma_start3A_2229 : memref<128xf32, #tpu.memory_space<vmem>>) offsets(%dma_start3A_2231 : memref<128xi32, #tpu.memory_space<vmem>>) semaphore(%arg19 : memref<!tpu.dma_semaphore, #tpu.memory_space<semaphore_mem>>)
      %dma_start3A_2234 = arith.constant 0 : i32
      %dma_start3A_2235 = tpu.memref_slice %arg14[%cond3A_25, %dma_start3A_2234] : memref<49x128xf32, #tpu.memory_space<vmem>> -> memref<1x128xf32, #tpu.memory_space<vmem>>
      %dma_start3A_2236 = tpu.memref_squeeze %dma_start3A_2235 : memref<1x128xf32, #tpu.memory_space<vmem>> -> memref<128xf32, #tpu.memory_space<vmem>>
      %dma_start3A_2237 = arith.constant 1920 : i32
      %dma_start3A_2238 = tpu.memref_slice %arg12[%dma_start3A_2237] : memref<6272xi32, #tpu.memory_space<vmem>> -> memref<128xi32, #tpu.memory_space<vmem>>
      %dma_start3A_2239 = arith.constant 0 : i32
      %dma_start3A_2240 = tpu.memref_slice %arg5[%dma_start3A_2239] : memref<320000xf32, #tpu.memory_space<hbm>> -> memref<320000xf32, #tpu.memory_space<hbm>>
      tpu.enqueue_indirect_dma source(%dma_start3A_2240 : memref<320000xf32, #tpu.memory_space<hbm>>) target(%dma_start3A_2236 : memref<128xf32, #tpu.memory_space<vmem>>) offsets(%dma_start3A_2238 : memref<128xi32, #tpu.memory_space<vmem>>) semaphore(%arg19 : memref<!tpu.dma_semaphore, #tpu.memory_space<semaphore_mem>>)
      %dma_start3A_2241 = arith.constant 0 : i32
      %dma_start3A_2242 = tpu.memref_slice %arg14[%cond3A_26, %dma_start3A_2241] : memref<49x128xf32, #tpu.memory_space<vmem>> -> memref<1x128xf32, #tpu.memory_space<vmem>>
      %dma_start3A_2243 = tpu.memref_squeeze %dma_start3A_2242 : memref<1x128xf32, #tpu.memory_space<vmem>> -> memref<128xf32, #tpu.memory_space<vmem>>
      %dma_start3A_2244 = arith.constant 2048 : i32
      %dma_start3A_2245 = tpu.memref_slice %arg12[%dma_start3A_2244] : memref<6272xi32, #tpu.memory_space<vmem>> -> memref<128xi32, #tpu.memory_space<vmem>>
      %dma_start3A_2246 = arith.constant 0 : i32
      %dma_start3A_2247 = tpu.memref_slice %arg5[%dma_start3A_2246] : memref<320000xf32, #tpu.memory_space<hbm>> -> memref<320000xf32, #tpu.memory_space<hbm>>
      tpu.enqueue_indirect_dma source(%dma_start3A_2247 : memref<320000xf32, #tpu.memory_space<hbm>>) target(%dma_start3A_2243 : memref<128xf32, #tpu.memory_space<vmem>>) offsets(%dma_start3A_2245 : memref<128xi32, #tpu.memory_space<vmem>>) semaphore(%arg19 : memref<!tpu.dma_semaphore, #tpu.memory_space<semaphore_mem>>)
      %dma_start3A_2248 = arith.constant 0 : i32
      %dma_start3A_2249 = tpu.memref_slice %arg14[%cond3A_27, %dma_start3A_2248] : memref<49x128xf32, #tpu.memory_space<vmem>> -> memref<1x128xf32, #tpu.memory_space<vmem>>
      %dma_start3A_2250 = tpu.memref_squeeze %dma_start3A_2249 : memref<1x128xf32, #tpu.memory_space<vmem>> -> memref<128xf32, #tpu.memory_space<vmem>>
      %dma_start3A_2251 = arith.constant 2176 : i32
      %dma_start3A_2252 = tpu.memref_slice %arg12[%dma_start3A_2251] : memref<6272xi32, #tpu.memory_space<vmem>> -> memref<128xi32, #tpu.memory_space<vmem>>
      %dma_start3A_2253 = arith.constant 0 : i32
      %dma_start3A_2254 = tpu.memref_slice %arg5[%dma_start3A_2253] : memref<320000xf32, #tpu.memory_space<hbm>> -> memref<320000xf32, #tpu.memory_space<hbm>>
      tpu.enqueue_indirect_dma source(%dma_start3A_2254 : memref<320000xf32, #tpu.memory_space<hbm>>) target(%dma_start3A_2250 : memref<128xf32, #tpu.memory_space<vmem>>) offsets(%dma_start3A_2252 : memref<128xi32, #tpu.memory_space<vmem>>) semaphore(%arg19 : memref<!tpu.dma_semaphore, #tpu.memory_space<semaphore_mem>>)
      %dma_start3A_2255 = arith.constant 0 : i32
      %dma_start3A_2256 = tpu.memref_slice %arg14[%cond3A_28, %dma_start3A_2255] : memref<49x128xf32, #tpu.memory_space<vmem>> -> memref<1x128xf32, #tpu.memory_space<vmem>>
      %dma_start3A_2257 = tpu.memref_squeeze %dma_start3A_2256 : memref<1x128xf32, #tpu.memory_space<vmem>> -> memref<128xf32, #tpu.memory_space<vmem>>
      %dma_start3A_2258 = arith.constant 2304 : i32
      %dma_start3A_2259 = tpu.memref_slice %arg12[%dma_start3A_2258] : memref<6272xi32, #tpu.memory_space<vmem>> -> memref<128xi32, #tpu.memory_space<vmem>>
      %dma_start3A_2260 = arith.constant 0 : i32
      %dma_start3A_2261 = tpu.memref_slice %arg5[%dma_start3A_2260] : memref<320000xf32, #tpu.memory_space<hbm>> -> memref<320000xf32, #tpu.memory_space<hbm>>
      tpu.enqueue_indirect_dma source(%dma_start3A_2261 : memref<320000xf32, #tpu.memory_space<hbm>>) target(%dma_start3A_2257 : memref<128xf32, #tpu.memory_space<vmem>>) offsets(%dma_start3A_2259 : memref<128xi32, #tpu.memory_space<vmem>>) semaphore(%arg19 : memref<!tpu.dma_semaphore, #tpu.memory_space<semaphore_mem>>)
      %dma_start3A_2262 = arith.constant 0 : i32
      %dma_start3A_2263 = tpu.memref_slice %arg14[%cond3A_29, %dma_start3A_2262] : memref<49x128xf32, #tpu.memory_space<vmem>> -> memref<1x128xf32, #tpu.memory_space<vmem>>
      %dma_start3A_2264 = tpu.memref_squeeze %dma_start3A_2263 : memref<1x128xf32, #tpu.memory_space<vmem>> -> memref<128xf32, #tpu.memory_space<vmem>>
      %dma_start3A_2265 = arith.constant 2432 : i32
      %dma_start3A_2266 = tpu.memref_slice %arg12[%dma_start3A_2265] : memref<6272xi32, #tpu.memory_space<vmem>> -> memref<128xi32, #tpu.memory_space<vmem>>
      %dma_start3A_2267 = arith.constant 0 : i32
      %dma_start3A_2268 = tpu.memref_slice %arg5[%dma_start3A_2267] : memref<320000xf32, #tpu.memory_space<hbm>> -> memref<320000xf32, #tpu.memory_space<hbm>>
      tpu.enqueue_indirect_dma source(%dma_start3A_2268 : memref<320000xf32, #tpu.memory_space<hbm>>) target(%dma_start3A_2264 : memref<128xf32, #tpu.memory_space<vmem>>) offsets(%dma_start3A_2266 : memref<128xi32, #tpu.memory_space<vmem>>) semaphore(%arg19 : memref<!tpu.dma_semaphore, #tpu.memory_space<semaphore_mem>>)
      %dma_start3A_2269 = arith.constant 0 : i32
      %dma_start3A_2270 = tpu.memref_slice %arg14[%cond3A_30, %dma_start3A_2269] : memref<49x128xf32, #tpu.memory_space<vmem>> -> memref<1x128xf32, #tpu.memory_space<vmem>>
      %dma_start3A_2271 = tpu.memref_squeeze %dma_start3A_2270 : memref<1x128xf32, #tpu.memory_space<vmem>> -> memref<128xf32, #tpu.memory_space<vmem>>
      %dma_start3A_2272 = arith.constant 2560 : i32
      %dma_start3A_2273 = tpu.memref_slice %arg12[%dma_start3A_2272] : memref<6272xi32, #tpu.memory_space<vmem>> -> memref<128xi32, #tpu.memory_space<vmem>>
      %dma_start3A_2274 = arith.constant 0 : i32
      %dma_start3A_2275 = tpu.memref_slice %arg5[%dma_start3A_2274] : memref<320000xf32, #tpu.memory_space<hbm>> -> memref<320000xf32, #tpu.memory_space<hbm>>
      tpu.enqueue_indirect_dma source(%dma_start3A_2275 : memref<320000xf32, #tpu.memory_space<hbm>>) target(%dma_start3A_2271 : memref<128xf32, #tpu.memory_space<vmem>>) offsets(%dma_start3A_2273 : memref<128xi32, #tpu.memory_space<vmem>>) semaphore(%arg19 : memref<!tpu.dma_semaphore, #tpu.memory_space<semaphore_mem>>)
      %dma_start3A_2276 = arith.constant 0 : i32
      %dma_start3A_2277 = tpu.memref_slice %arg14[%cond3A_31, %dma_start3A_2276] : memref<49x128xf32, #tpu.memory_space<vmem>> -> memref<1x128xf32, #tpu.memory_space<vmem>>
      %dma_start3A_2278 = tpu.memref_squeeze %dma_start3A_2277 : memref<1x128xf32, #tpu.memory_space<vmem>> -> memref<128xf32, #tpu.memory_space<vmem>>
      %dma_start3A_2279 = arith.constant 2688 : i32
      %dma_start3A_2280 = tpu.memref_slice %arg12[%dma_start3A_2279] : memref<6272xi32, #tpu.memory_space<vmem>> -> memref<128xi32, #tpu.memory_space<vmem>>
      %dma_start3A_2281 = arith.constant 0 : i32
      %dma_start3A_2282 = tpu.memref_slice %arg5[%dma_start3A_2281] : memref<320000xf32, #tpu.memory_space<hbm>> -> memref<320000xf32, #tpu.memory_space<hbm>>
      tpu.enqueue_indirect_dma source(%dma_start3A_2282 : memref<320000xf32, #tpu.memory_space<hbm>>) target(%dma_start3A_2278 : memref<128xf32, #tpu.memory_space<vmem>>) offsets(%dma_start3A_2280 : memref<128xi32, #tpu.memory_space<vmem>>) semaphore(%arg19 : memref<!tpu.dma_semaphore, #tpu.memory_space<semaphore_mem>>)
      %dma_start3A_2283 = arith.constant 0 : i32
      %dma_start3A_2284 = tpu.memref_slice %arg14[%cond3A_32, %dma_start3A_2283] : memref<49x128xf32, #tpu.memory_space<vmem>> -> memref<1x128xf32, #tpu.memory_space<vmem>>
      %dma_start3A_2285 = tpu.memref_squeeze %dma_start3A_2284 : memref<1x128xf32, #tpu.memory_space<vmem>> -> memref<128xf32, #tpu.memory_space<vmem>>
      %dma_start3A_2286 = arith.constant 2816 : i32
      %dma_start3A_2287 = tpu.memref_slice %arg12[%dma_start3A_2286] : memref<6272xi32, #tpu.memory_space<vmem>> -> memref<128xi32, #tpu.memory_space<vmem>>
      %dma_start3A_2288 = arith.constant 0 : i32
      %dma_start3A_2289 = tpu.memref_slice %arg5[%dma_start3A_2288] : memref<320000xf32, #tpu.memory_space<hbm>> -> memref<320000xf32, #tpu.memory_space<hbm>>
      tpu.enqueue_indirect_dma source(%dma_start3A_2289 : memref<320000xf32, #tpu.memory_space<hbm>>) target(%dma_start3A_2285 : memref<128xf32, #tpu.memory_space<vmem>>) offsets(%dma_start3A_2287 : memref<128xi32, #tpu.memory_space<vmem>>) semaphore(%arg19 : memref<!tpu.dma_semaphore, #tpu.memory_space<semaphore_mem>>)
      %dma_start3A_2290 = arith.constant 0 : i32
      %dma_start3A_2291 = tpu.memref_slice %arg14[%cond3A_33, %dma_start3A_2290] : memref<49x128xf32, #tpu.memory_space<vmem>> -> memref<1x128xf32, #tpu.memory_space<vmem>>
      %dma_start3A_2292 = tpu.memref_squeeze %dma_start3A_2291 : memref<1x128xf32, #tpu.memory_space<vmem>> -> memref<128xf32, #tpu.memory_space<vmem>>
      %dma_start3A_2293 = arith.constant 2944 : i32
      %dma_start3A_2294 = tpu.memref_slice %arg12[%dma_start3A_2293] : memref<6272xi32, #tpu.memory_space<vmem>> -> memref<128xi32, #tpu.memory_space<vmem>>
      %dma_start3A_2295 = arith.constant 0 : i32
      %dma_start3A_2296 = tpu.memref_slice %arg5[%dma_start3A_2295] : memref<320000xf32, #tpu.memory_space<hbm>> -> memref<320000xf32, #tpu.memory_space<hbm>>
      tpu.enqueue_indirect_dma source(%dma_start3A_2296 : memref<320000xf32, #tpu.memory_space<hbm>>) target(%dma_start3A_2292 : memref<128xf32, #tpu.memory_space<vmem>>) offsets(%dma_start3A_2294 : memref<128xi32, #tpu.memory_space<vmem>>) semaphore(%arg19 : memref<!tpu.dma_semaphore, #tpu.memory_space<semaphore_mem>>)
      %dma_start3A_2297 = arith.constant 0 : i32
      %dma_start3A_2298 = tpu.memref_slice %arg14[%cond3A_34, %dma_start3A_2297] : memref<49x128xf32, #tpu.memory_space<vmem>> -> memref<1x128xf32, #tpu.memory_space<vmem>>
      %dma_start3A_2299 = tpu.memref_squeeze %dma_start3A_2298 : memref<1x128xf32, #tpu.memory_space<vmem>> -> memref<128xf32, #tpu.memory_space<vmem>>
      %dma_start3A_2300 = arith.constant 3072 : i32
      %dma_start3A_2301 = tpu.memref_slice %arg12[%dma_start3A_2300] : memref<6272xi32, #tpu.memory_space<vmem>> -> memref<128xi32, #tpu.memory_space<vmem>>
      %dma_start3A_2302 = arith.constant 0 : i32
      %dma_start3A_2303 = tpu.memref_slice %arg5[%dma_start3A_2302] : memref<320000xf32, #tpu.memory_space<hbm>> -> memref<320000xf32, #tpu.memory_space<hbm>>
      tpu.enqueue_indirect_dma source(%dma_start3A_2303 : memref<320000xf32, #tpu.memory_space<hbm>>) target(%dma_start3A_2299 : memref<128xf32, #tpu.memory_space<vmem>>) offsets(%dma_start3A_2301 : memref<128xi32, #tpu.memory_space<vmem>>) semaphore(%arg19 : memref<!tpu.dma_semaphore, #tpu.memory_space<semaphore_mem>>)
      %dma_start3A_2304 = arith.constant 0 : i32
      %dma_start3A_2305 = tpu.memref_slice %arg14[%cond3A_35, %dma_start3A_2304] : memref<49x128xf32, #tpu.memory_space<vmem>> -> memref<1x128xf32, #tpu.memory_space<vmem>>
      %dma_start3A_2306 = tpu.memref_squeeze %dma_start3A_2305 : memref<1x128xf32, #tpu.memory_space<vmem>> -> memref<128xf32, #tpu.memory_space<vmem>>
      %dma_start3A_2307 = arith.constant 3200 : i32
      %dma_start3A_2308 = tpu.memref_slice %arg12[%dma_start3A_2307] : memref<6272xi32, #tpu.memory_space<vmem>> -> memref<128xi32, #tpu.memory_space<vmem>>
      %dma_start3A_2309 = arith.constant 0 : i32
      %dma_start3A_2310 = tpu.memref_slice %arg5[%dma_start3A_2309] : memref<320000xf32, #tpu.memory_space<hbm>> -> memref<320000xf32, #tpu.memory_space<hbm>>
      tpu.enqueue_indirect_dma source(%dma_start3A_2310 : memref<320000xf32, #tpu.memory_space<hbm>>) target(%dma_start3A_2306 : memref<128xf32, #tpu.memory_space<vmem>>) offsets(%dma_start3A_2308 : memref<128xi32, #tpu.memory_space<vmem>>) semaphore(%arg19 : memref<!tpu.dma_semaphore, #tpu.memory_space<semaphore_mem>>)
      %dma_start3A_2311 = arith.constant 0 : i32
      %dma_start3A_2312 = tpu.memref_slice %arg14[%cond3A_36, %dma_start3A_2311] : memref<49x128xf32, #tpu.memory_space<vmem>> -> memref<1x128xf32, #tpu.memory_space<vmem>>
      %dma_start3A_2313 = tpu.memref_squeeze %dma_start3A_2312 : memref<1x128xf32, #tpu.memory_space<vmem>> -> memref<128xf32, #tpu.memory_space<vmem>>
      %dma_start3A_2314 = arith.constant 3328 : i32
      %dma_start3A_2315 = tpu.memref_slice %arg12[%dma_start3A_2314] : memref<6272xi32, #tpu.memory_space<vmem>> -> memref<128xi32, #tpu.memory_space<vmem>>
      %dma_start3A_2316 = arith.constant 0 : i32
      %dma_start3A_2317 = tpu.memref_slice %arg5[%dma_start3A_2316] : memref<320000xf32, #tpu.memory_space<hbm>> -> memref<320000xf32, #tpu.memory_space<hbm>>
      tpu.enqueue_indirect_dma source(%dma_start3A_2317 : memref<320000xf32, #tpu.memory_space<hbm>>) target(%dma_start3A_2313 : memref<128xf32, #tpu.memory_space<vmem>>) offsets(%dma_start3A_2315 : memref<128xi32, #tpu.memory_space<vmem>>) semaphore(%arg19 : memref<!tpu.dma_semaphore, #tpu.memory_space<semaphore_mem>>)
      %dma_start3A_2318 = arith.constant 0 : i32
      %dma_start3A_2319 = tpu.memref_slice %arg14[%cond3A_37, %dma_start3A_2318] : memref<49x128xf32, #tpu.memory_space<vmem>> -> memref<1x128xf32, #tpu.memory_space<vmem>>
      %dma_start3A_2320 = tpu.memref_squeeze %dma_start3A_2319 : memref<1x128xf32, #tpu.memory_space<vmem>> -> memref<128xf32, #tpu.memory_space<vmem>>
      %dma_start3A_2321 = arith.constant 3456 : i32
      %dma_start3A_2322 = tpu.memref_slice %arg12[%dma_start3A_2321] : memref<6272xi32, #tpu.memory_space<vmem>> -> memref<128xi32, #tpu.memory_space<vmem>>
      %dma_start3A_2323 = arith.constant 0 : i32
      %dma_start3A_2324 = tpu.memref_slice %arg5[%dma_start3A_2323] : memref<320000xf32, #tpu.memory_space<hbm>> -> memref<320000xf32, #tpu.memory_space<hbm>>
      tpu.enqueue_indirect_dma source(%dma_start3A_2324 : memref<320000xf32, #tpu.memory_space<hbm>>) target(%dma_start3A_2320 : memref<128xf32, #tpu.memory_space<vmem>>) offsets(%dma_start3A_2322 : memref<128xi32, #tpu.memory_space<vmem>>) semaphore(%arg19 : memref<!tpu.dma_semaphore, #tpu.memory_space<semaphore_mem>>)
      %dma_start3A_2325 = arith.constant 0 : i32
      %dma_start3A_2326 = tpu.memref_slice %arg14[%cond3A_38, %dma_start3A_2325] : memref<49x128xf32, #tpu.memory_space<vmem>> -> memref<1x128xf32, #tpu.memory_space<vmem>>
      %dma_start3A_2327 = tpu.memref_squeeze %dma_start3A_2326 : memref<1x128xf32, #tpu.memory_space<vmem>> -> memref<128xf32, #tpu.memory_space<vmem>>
      %dma_start3A_2328 = arith.constant 3584 : i32
      %dma_start3A_2329 = tpu.memref_slice %arg12[%dma_start3A_2328] : memref<6272xi32, #tpu.memory_space<vmem>> -> memref<128xi32, #tpu.memory_space<vmem>>
      %dma_start3A_2330 = arith.constant 0 : i32
      %dma_start3A_2331 = tpu.memref_slice %arg5[%dma_start3A_2330] : memref<320000xf32, #tpu.memory_space<hbm>> -> memref<320000xf32, #tpu.memory_space<hbm>>
      tpu.enqueue_indirect_dma source(%dma_start3A_2331 : memref<320000xf32, #tpu.memory_space<hbm>>) target(%dma_start3A_2327 : memref<128xf32, #tpu.memory_space<vmem>>) offsets(%dma_start3A_2329 : memref<128xi32, #tpu.memory_space<vmem>>) semaphore(%arg19 : memref<!tpu.dma_semaphore, #tpu.memory_space<semaphore_mem>>)
      %dma_start3A_2332 = arith.constant 0 : i32
      %dma_start3A_2333 = tpu.memref_slice %arg14[%cond3A_39, %dma_start3A_2332] : memref<49x128xf32, #tpu.memory_space<vmem>> -> memref<1x128xf32, #tpu.memory_space<vmem>>
      %dma_start3A_2334 = tpu.memref_squeeze %dma_start3A_2333 : memref<1x128xf32, #tpu.memory_space<vmem>> -> memref<128xf32, #tpu.memory_space<vmem>>
      %dma_start3A_2335 = arith.constant 3712 : i32
      %dma_start3A_2336 = tpu.memref_slice %arg12[%dma_start3A_2335] : memref<6272xi32, #tpu.memory_space<vmem>> -> memref<128xi32, #tpu.memory_space<vmem>>
      %dma_start3A_2337 = arith.constant 0 : i32
      %dma_start3A_2338 = tpu.memref_slice %arg5[%dma_start3A_2337] : memref<320000xf32, #tpu.memory_space<hbm>> -> memref<320000xf32, #tpu.memory_space<hbm>>
      tpu.enqueue_indirect_dma source(%dma_start3A_2338 : memref<320000xf32, #tpu.memory_space<hbm>>) target(%dma_start3A_2334 : memref<128xf32, #tpu.memory_space<vmem>>) offsets(%dma_start3A_2336 : memref<128xi32, #tpu.memory_space<vmem>>) semaphore(%arg19 : memref<!tpu.dma_semaphore, #tpu.memory_space<semaphore_mem>>)
      %dma_start3A_2339 = arith.constant 0 : i32
      %dma_start3A_2340 = tpu.memref_slice %arg14[%cond3A_40, %dma_start3A_2339] : memref<49x128xf32, #tpu.memory_space<vmem>> -> memref<1x128xf32, #tpu.memory_space<vmem>>
      %dma_start3A_2341 = tpu.memref_squeeze %dma_start3A_2340 : memref<1x128xf32, #tpu.memory_space<vmem>> -> memref<128xf32, #tpu.memory_space<vmem>>
      %dma_start3A_2342 = arith.constant 3840 : i32
      %dma_start3A_2343 = tpu.memref_slice %arg12[%dma_start3A_2342] : memref<6272xi32, #tpu.memory_space<vmem>> -> memref<128xi32, #tpu.memory_space<vmem>>
      %dma_start3A_2344 = arith.constant 0 : i32
      %dma_start3A_2345 = tpu.memref_slice %arg5[%dma_start3A_2344] : memref<320000xf32, #tpu.memory_space<hbm>> -> memref<320000xf32, #tpu.memory_space<hbm>>
      tpu.enqueue_indirect_dma source(%dma_start3A_2345 : memref<320000xf32, #tpu.memory_space<hbm>>) target(%dma_start3A_2341 : memref<128xf32, #tpu.memory_space<vmem>>) offsets(%dma_start3A_2343 : memref<128xi32, #tpu.memory_space<vmem>>) semaphore(%arg19 : memref<!tpu.dma_semaphore, #tpu.memory_space<semaphore_mem>>)
      %dma_start3A_2346 = arith.constant 0 : i32
      %dma_start3A_2347 = tpu.memref_slice %arg14[%cond3A_41, %dma_start3A_2346] : memref<49x128xf32, #tpu.memory_space<vmem>> -> memref<1x128xf32, #tpu.memory_space<vmem>>
      %dma_start3A_2348 = tpu.memref_squeeze %dma_start3A_2347 : memref<1x128xf32, #tpu.memory_space<vmem>> -> memref<128xf32, #tpu.memory_space<vmem>>
      %dma_start3A_2349 = arith.constant 3968 : i32
      %dma_start3A_2350 = tpu.memref_slice %arg12[%dma_start3A_2349] : memref<6272xi32, #tpu.memory_space<vmem>> -> memref<128xi32, #tpu.memory_space<vmem>>
      %dma_start3A_2351 = arith.constant 0 : i32
      %dma_start3A_2352 = tpu.memref_slice %arg5[%dma_start3A_2351] : memref<320000xf32, #tpu.memory_space<hbm>> -> memref<320000xf32, #tpu.memory_space<hbm>>
      tpu.enqueue_indirect_dma source(%dma_start3A_2352 : memref<320000xf32, #tpu.memory_space<hbm>>) target(%dma_start3A_2348 : memref<128xf32, #tpu.memory_space<vmem>>) offsets(%dma_start3A_2350 : memref<128xi32, #tpu.memory_space<vmem>>) semaphore(%arg19 : memref<!tpu.dma_semaphore, #tpu.memory_space<semaphore_mem>>)
      %dma_start3A_2353 = arith.constant 0 : i32
      %dma_start3A_2354 = tpu.memref_slice %arg14[%cond3A_42, %dma_start3A_2353] : memref<49x128xf32, #tpu.memory_space<vmem>> -> memref<1x128xf32, #tpu.memory_space<vmem>>
      %dma_start3A_2355 = tpu.memref_squeeze %dma_start3A_2354 : memref<1x128xf32, #tpu.memory_space<vmem>> -> memref<128xf32, #tpu.memory_space<vmem>>
      %dma_start3A_2356 = arith.constant 4096 : i32
      %dma_start3A_2357 = tpu.memref_slice %arg12[%dma_start3A_2356] : memref<6272xi32, #tpu.memory_space<vmem>> -> memref<128xi32, #tpu.memory_space<vmem>>
      %dma_start3A_2358 = arith.constant 0 : i32
      %dma_start3A_2359 = tpu.memref_slice %arg5[%dma_start3A_2358] : memref<320000xf32, #tpu.memory_space<hbm>> -> memref<320000xf32, #tpu.memory_space<hbm>>
      tpu.enqueue_indirect_dma source(%dma_start3A_2359 : memref<320000xf32, #tpu.memory_space<hbm>>) target(%dma_start3A_2355 : memref<128xf32, #tpu.memory_space<vmem>>) offsets(%dma_start3A_2357 : memref<128xi32, #tpu.memory_space<vmem>>) semaphore(%arg19 : memref<!tpu.dma_semaphore, #tpu.memory_space<semaphore_mem>>)
      %dma_start3A_2360 = arith.constant 0 : i32
      %dma_start3A_2361 = tpu.memref_slice %arg14[%cond3A_43, %dma_start3A_2360] : memref<49x128xf32, #tpu.memory_space<vmem>> -> memref<1x128xf32, #tpu.memory_space<vmem>>
      %dma_start3A_2362 = tpu.memref_squeeze %dma_start3A_2361 : memref<1x128xf32, #tpu.memory_space<vmem>> -> memref<128xf32, #tpu.memory_space<vmem>>
      %dma_start3A_2363 = arith.constant 4224 : i32
      %dma_start3A_2364 = tpu.memref_slice %arg12[%dma_start3A_2363] : memref<6272xi32, #tpu.memory_space<vmem>> -> memref<128xi32, #tpu.memory_space<vmem>>
      %dma_start3A_2365 = arith.constant 0 : i32
      %dma_start3A_2366 = tpu.memref_slice %arg5[%dma_start3A_2365] : memref<320000xf32, #tpu.memory_space<hbm>> -> memref<320000xf32, #tpu.memory_space<hbm>>
      tpu.enqueue_indirect_dma source(%dma_start3A_2366 : memref<320000xf32, #tpu.memory_space<hbm>>) target(%dma_start3A_2362 : memref<128xf32, #tpu.memory_space<vmem>>) offsets(%dma_start3A_2364 : memref<128xi32, #tpu.memory_space<vmem>>) semaphore(%arg19 : memref<!tpu.dma_semaphore, #tpu.memory_space<semaphore_mem>>)
      %dma_start3A_2367 = arith.constant 0 : i32
      %dma_start3A_2368 = tpu.memref_slice %arg14[%cond3A_44, %dma_start3A_2367] : memref<49x128xf32, #tpu.memory_space<vmem>> -> memref<1x128xf32, #tpu.memory_space<vmem>>
      %dma_start3A_2369 = tpu.memref_squeeze %dma_start3A_2368 : memref<1x128xf32, #tpu.memory_space<vmem>> -> memref<128xf32, #tpu.memory_space<vmem>>
      %dma_start3A_2370 = arith.constant 4352 : i32
      %dma_start3A_2371 = tpu.memref_slice %arg12[%dma_start3A_2370] : memref<6272xi32, #tpu.memory_space<vmem>> -> memref<128xi32, #tpu.memory_space<vmem>>
      %dma_start3A_2372 = arith.constant 0 : i32
      %dma_start3A_2373 = tpu.memref_slice %arg5[%dma_start3A_2372] : memref<320000xf32, #tpu.memory_space<hbm>> -> memref<320000xf32, #tpu.memory_space<hbm>>
      tpu.enqueue_indirect_dma source(%dma_start3A_2373 : memref<320000xf32, #tpu.memory_space<hbm>>) target(%dma_start3A_2369 : memref<128xf32, #tpu.memory_space<vmem>>) offsets(%dma_start3A_2371 : memref<128xi32, #tpu.memory_space<vmem>>) semaphore(%arg19 : memref<!tpu.dma_semaphore, #tpu.memory_space<semaphore_mem>>)
      %dma_start3A_2374 = arith.constant 0 : i32
      %dma_start3A_2375 = tpu.memref_slice %arg14[%cond3A_45, %dma_start3A_2374] : memref<49x128xf32, #tpu.memory_space<vmem>> -> memref<1x128xf32, #tpu.memory_space<vmem>>
      %dma_start3A_2376 = tpu.memref_squeeze %dma_start3A_2375 : memref<1x128xf32, #tpu.memory_space<vmem>> -> memref<128xf32, #tpu.memory_space<vmem>>
      %dma_start3A_2377 = arith.constant 4480 : i32
      %dma_start3A_2378 = tpu.memref_slice %arg12[%dma_start3A_2377] : memref<6272xi32, #tpu.memory_space<vmem>> -> memref<128xi32, #tpu.memory_space<vmem>>
      %dma_start3A_2379 = arith.constant 0 : i32
      %dma_start3A_2380 = tpu.memref_slice %arg5[%dma_start3A_2379] : memref<320000xf32, #tpu.memory_space<hbm>> -> memref<320000xf32, #tpu.memory_space<hbm>>
      tpu.enqueue_indirect_dma source(%dma_start3A_2380 : memref<320000xf32, #tpu.memory_space<hbm>>) target(%dma_start3A_2376 : memref<128xf32, #tpu.memory_space<vmem>>) offsets(%dma_start3A_2378 : memref<128xi32, #tpu.memory_space<vmem>>) semaphore(%arg19 : memref<!tpu.dma_semaphore, #tpu.memory_space<semaphore_mem>>)
      %dma_start3A_2381 = arith.constant 0 : i32
      %dma_start3A_2382 = tpu.memref_slice %arg14[%cond3A_46, %dma_start3A_2381] : memref<49x128xf32, #tpu.memory_space<vmem>> -> memref<1x128xf32, #tpu.memory_space<vmem>>
      %dma_start3A_2383 = tpu.memref_squeeze %dma_start3A_2382 : memref<1x128xf32, #tpu.memory_space<vmem>> -> memref<128xf32, #tpu.memory_space<vmem>>
      %dma_start3A_2384 = arith.constant 4608 : i32
      %dma_start3A_2385 = tpu.memref_slice %arg12[%dma_start3A_2384] : memref<6272xi32, #tpu.memory_space<vmem>> -> memref<128xi32, #tpu.memory_space<vmem>>
      %dma_start3A_2386 = arith.constant 0 : i32
      %dma_start3A_2387 = tpu.memref_slice %arg5[%dma_start3A_2386] : memref<320000xf32, #tpu.memory_space<hbm>> -> memref<320000xf32, #tpu.memory_space<hbm>>
      tpu.enqueue_indirect_dma source(%dma_start3A_2387 : memref<320000xf32, #tpu.memory_space<hbm>>) target(%dma_start3A_2383 : memref<128xf32, #tpu.memory_space<vmem>>) offsets(%dma_start3A_2385 : memref<128xi32, #tpu.memory_space<vmem>>) semaphore(%arg19 : memref<!tpu.dma_semaphore, #tpu.memory_space<semaphore_mem>>)
      %dma_start3A_2388 = arith.constant 0 : i32
      %dma_start3A_2389 = tpu.memref_slice %arg14[%cond3A_47, %dma_start3A_2388] : memref<49x128xf32, #tpu.memory_space<vmem>> -> memref<1x128xf32, #tpu.memory_space<vmem>>
      %dma_start3A_2390 = tpu.memref_squeeze %dma_start3A_2389 : memref<1x128xf32, #tpu.memory_space<vmem>> -> memref<128xf32, #tpu.memory_space<vmem>>
      %dma_start3A_2391 = arith.constant 4736 : i32
      %dma_start3A_2392 = tpu.memref_slice %arg12[%dma_start3A_2391] : memref<6272xi32, #tpu.memory_space<vmem>> -> memref<128xi32, #tpu.memory_space<vmem>>
      %dma_start3A_2393 = arith.constant 0 : i32
      %dma_start3A_2394 = tpu.memref_slice %arg5[%dma_start3A_2393] : memref<320000xf32, #tpu.memory_space<hbm>> -> memref<320000xf32, #tpu.memory_space<hbm>>
      tpu.enqueue_indirect_dma source(%dma_start3A_2394 : memref<320000xf32, #tpu.memory_space<hbm>>) target(%dma_start3A_2390 : memref<128xf32, #tpu.memory_space<vmem>>) offsets(%dma_start3A_2392 : memref<128xi32, #tpu.memory_space<vmem>>) semaphore(%arg19 : memref<!tpu.dma_semaphore, #tpu.memory_space<semaphore_mem>>)
      %dma_start3A_2395 = arith.constant 0 : i32
      %dma_start3A_2396 = tpu.memref_slice %arg14[%cond3A_48, %dma_start3A_2395] : memref<49x128xf32, #tpu.memory_space<vmem>> -> memref<1x128xf32, #tpu.memory_space<vmem>>
      %dma_start3A_2397 = tpu.memref_squeeze %dma_start3A_2396 : memref<1x128xf32, #tpu.memory_space<vmem>> -> memref<128xf32, #tpu.memory_space<vmem>>
      %dma_start3A_2398 = arith.constant 4864 : i32
      %dma_start3A_2399 = tpu.memref_slice %arg12[%dma_start3A_2398] : memref<6272xi32, #tpu.memory_space<vmem>> -> memref<128xi32, #tpu.memory_space<vmem>>
      %dma_start3A_2400 = arith.constant 0 : i32
      %dma_start3A_2401 = tpu.memref_slice %arg5[%dma_start3A_2400] : memref<320000xf32, #tpu.memory_space<hbm>> -> memref<320000xf32, #tpu.memory_space<hbm>>
      tpu.enqueue_indirect_dma source(%dma_start3A_2401 : memref<320000xf32, #tpu.memory_space<hbm>>) target(%dma_start3A_2397 : memref<128xf32, #tpu.memory_space<vmem>>) offsets(%dma_start3A_2399 : memref<128xi32, #tpu.memory_space<vmem>>) semaphore(%arg19 : memref<!tpu.dma_semaphore, #tpu.memory_space<semaphore_mem>>)
      %dma_start3A_2402 = arith.constant 0 : i32
      %dma_start3A_2403 = tpu.memref_slice %arg14[%cond3A_49, %dma_start3A_2402] : memref<49x128xf32, #tpu.memory_space<vmem>> -> memref<1x128xf32, #tpu.memory_space<vmem>>
      %dma_start3A_2404 = tpu.memref_squeeze %dma_start3A_2403 : memref<1x128xf32, #tpu.memory_space<vmem>> -> memref<128xf32, #tpu.memory_space<vmem>>
      %dma_start3A_2405 = arith.constant 4992 : i32
      %dma_start3A_2406 = tpu.memref_slice %arg12[%dma_start3A_2405] : memref<6272xi32, #tpu.memory_space<vmem>> -> memref<128xi32, #tpu.memory_space<vmem>>
      %dma_start3A_2407 = arith.constant 0 : i32
      %dma_start3A_2408 = tpu.memref_slice %arg5[%dma_start3A_2407] : memref<320000xf32, #tpu.memory_space<hbm>> -> memref<320000xf32, #tpu.memory_space<hbm>>
      tpu.enqueue_indirect_dma source(%dma_start3A_2408 : memref<320000xf32, #tpu.memory_space<hbm>>) target(%dma_start3A_2404 : memref<128xf32, #tpu.memory_space<vmem>>) offsets(%dma_start3A_2406 : memref<128xi32, #tpu.memory_space<vmem>>) semaphore(%arg19 : memref<!tpu.dma_semaphore, #tpu.memory_space<semaphore_mem>>)
      %dma_start3A_2409 = arith.constant 0 : i32
      %dma_start3A_2410 = tpu.memref_slice %arg14[%cond3A_50, %dma_start3A_2409] : memref<49x128xf32, #tpu.memory_space<vmem>> -> memref<1x128xf32, #tpu.memory_space<vmem>>
      %dma_start3A_2411 = tpu.memref_squeeze %dma_start3A_2410 : memref<1x128xf32, #tpu.memory_space<vmem>> -> memref<128xf32, #tpu.memory_space<vmem>>
      %dma_start3A_2412 = arith.constant 5120 : i32
      %dma_start3A_2413 = tpu.memref_slice %arg12[%dma_start3A_2412] : memref<6272xi32, #tpu.memory_space<vmem>> -> memref<128xi32, #tpu.memory_space<vmem>>
      %dma_start3A_2414 = arith.constant 0 : i32
      %dma_start3A_2415 = tpu.memref_slice %arg5[%dma_start3A_2414] : memref<320000xf32, #tpu.memory_space<hbm>> -> memref<320000xf32, #tpu.memory_space<hbm>>
      tpu.enqueue_indirect_dma source(%dma_start3A_2415 : memref<320000xf32, #tpu.memory_space<hbm>>) target(%dma_start3A_2411 : memref<128xf32, #tpu.memory_space<vmem>>) offsets(%dma_start3A_2413 : memref<128xi32, #tpu.memory_space<vmem>>) semaphore(%arg19 : memref<!tpu.dma_semaphore, #tpu.memory_space<semaphore_mem>>)
      %dma_start3A_2416 = arith.constant 0 : i32
      %dma_start3A_2417 = tpu.memref_slice %arg14[%cond3A_51, %dma_start3A_2416] : memref<49x128xf32, #tpu.memory_space<vmem>> -> memref<1x128xf32, #tpu.memory_space<vmem>>
      %dma_start3A_2418 = tpu.memref_squeeze %dma_start3A_2417 : memref<1x128xf32, #tpu.memory_space<vmem>> -> memref<128xf32, #tpu.memory_space<vmem>>
      %dma_start3A_2419 = arith.constant 5248 : i32
      %dma_start3A_2420 = tpu.memref_slice %arg12[%dma_start3A_2419] : memref<6272xi32, #tpu.memory_space<vmem>> -> memref<128xi32, #tpu.memory_space<vmem>>
      %dma_start3A_2421 = arith.constant 0 : i32
      %dma_start3A_2422 = tpu.memref_slice %arg5[%dma_start3A_2421] : memref<320000xf32, #tpu.memory_space<hbm>> -> memref<320000xf32, #tpu.memory_space<hbm>>
      tpu.enqueue_indirect_dma source(%dma_start3A_2422 : memref<320000xf32, #tpu.memory_space<hbm>>) target(%dma_start3A_2418 : memref<128xf32, #tpu.memory_space<vmem>>) offsets(%dma_start3A_2420 : memref<128xi32, #tpu.memory_space<vmem>>) semaphore(%arg19 : memref<!tpu.dma_semaphore, #tpu.memory_space<semaphore_mem>>)
      %dma_start3A_2423 = arith.constant 0 : i32
      %dma_start3A_2424 = tpu.memref_slice %arg14[%cond3A_52, %dma_start3A_2423] : memref<49x128xf32, #tpu.memory_space<vmem>> -> memref<1x128xf32, #tpu.memory_space<vmem>>
      %dma_start3A_2425 = tpu.memref_squeeze %dma_start3A_2424 : memref<1x128xf32, #tpu.memory_space<vmem>> -> memref<128xf32, #tpu.memory_space<vmem>>
      %dma_start3A_2426 = arith.constant 5376 : i32
      %dma_start3A_2427 = tpu.memref_slice %arg12[%dma_start3A_2426] : memref<6272xi32, #tpu.memory_space<vmem>> -> memref<128xi32, #tpu.memory_space<vmem>>
      %dma_start3A_2428 = arith.constant 0 : i32
      %dma_start3A_2429 = tpu.memref_slice %arg5[%dma_start3A_2428] : memref<320000xf32, #tpu.memory_space<hbm>> -> memref<320000xf32, #tpu.memory_space<hbm>>
      tpu.enqueue_indirect_dma source(%dma_start3A_2429 : memref<320000xf32, #tpu.memory_space<hbm>>) target(%dma_start3A_2425 : memref<128xf32, #tpu.memory_space<vmem>>) offsets(%dma_start3A_2427 : memref<128xi32, #tpu.memory_space<vmem>>) semaphore(%arg19 : memref<!tpu.dma_semaphore, #tpu.memory_space<semaphore_mem>>)
      %dma_start3A_2430 = arith.constant 0 : i32
      %dma_start3A_2431 = tpu.memref_slice %arg14[%cond3A_53, %dma_start3A_2430] : memref<49x128xf32, #tpu.memory_space<vmem>> -> memref<1x128xf32, #tpu.memory_space<vmem>>
      %dma_start3A_2432 = tpu.memref_squeeze %dma_start3A_2431 : memref<1x128xf32, #tpu.memory_space<vmem>> -> memref<128xf32, #tpu.memory_space<vmem>>
      %dma_start3A_2433 = arith.constant 5504 : i32
      %dma_start3A_2434 = tpu.memref_slice %arg12[%dma_start3A_2433] : memref<6272xi32, #tpu.memory_space<vmem>> -> memref<128xi32, #tpu.memory_space<vmem>>
      %dma_start3A_2435 = arith.constant 0 : i32
      %dma_start3A_2436 = tpu.memref_slice %arg5[%dma_start3A_2435] : memref<320000xf32, #tpu.memory_space<hbm>> -> memref<320000xf32, #tpu.memory_space<hbm>>
      tpu.enqueue_indirect_dma source(%dma_start3A_2436 : memref<320000xf32, #tpu.memory_space<hbm>>) target(%dma_start3A_2432 : memref<128xf32, #tpu.memory_space<vmem>>) offsets(%dma_start3A_2434 : memref<128xi32, #tpu.memory_space<vmem>>) semaphore(%arg19 : memref<!tpu.dma_semaphore, #tpu.memory_space<semaphore_mem>>)
      %dma_start3A_2437 = arith.constant 0 : i32
      %dma_start3A_2438 = tpu.memref_slice %arg14[%cond3A_54, %dma_start3A_2437] : memref<49x128xf32, #tpu.memory_space<vmem>> -> memref<1x128xf32, #tpu.memory_space<vmem>>
      %dma_start3A_2439 = tpu.memref_squeeze %dma_start3A_2438 : memref<1x128xf32, #tpu.memory_space<vmem>> -> memref<128xf32, #tpu.memory_space<vmem>>
      %dma_start3A_2440 = arith.constant 5632 : i32
      %dma_start3A_2441 = tpu.memref_slice %arg12[%dma_start3A_2440] : memref<6272xi32, #tpu.memory_space<vmem>> -> memref<128xi32, #tpu.memory_space<vmem>>
      %dma_start3A_2442 = arith.constant 0 : i32
      %dma_start3A_2443 = tpu.memref_slice %arg5[%dma_start3A_2442] : memref<320000xf32, #tpu.memory_space<hbm>> -> memref<320000xf32, #tpu.memory_space<hbm>>
      tpu.enqueue_indirect_dma source(%dma_start3A_2443 : memref<320000xf32, #tpu.memory_space<hbm>>) target(%dma_start3A_2439 : memref<128xf32, #tpu.memory_space<vmem>>) offsets(%dma_start3A_2441 : memref<128xi32, #tpu.memory_space<vmem>>) semaphore(%arg19 : memref<!tpu.dma_semaphore, #tpu.memory_space<semaphore_mem>>)
      %dma_start3A_2444 = arith.constant 0 : i32
      %dma_start3A_2445 = tpu.memref_slice %arg14[%cond3A_55, %dma_start3A_2444] : memref<49x128xf32, #tpu.memory_space<vmem>> -> memref<1x128xf32, #tpu.memory_space<vmem>>
      %dma_start3A_2446 = tpu.memref_squeeze %dma_start3A_2445 : memref<1x128xf32, #tpu.memory_space<vmem>> -> memref<128xf32, #tpu.memory_space<vmem>>
      %dma_start3A_2447 = arith.constant 5760 : i32
      %dma_start3A_2448 = tpu.memref_slice %arg12[%dma_start3A_2447] : memref<6272xi32, #tpu.memory_space<vmem>> -> memref<128xi32, #tpu.memory_space<vmem>>
      %dma_start3A_2449 = arith.constant 0 : i32
      %dma_start3A_2450 = tpu.memref_slice %arg5[%dma_start3A_2449] : memref<320000xf32, #tpu.memory_space<hbm>> -> memref<320000xf32, #tpu.memory_space<hbm>>
      tpu.enqueue_indirect_dma source(%dma_start3A_2450 : memref<320000xf32, #tpu.memory_space<hbm>>) target(%dma_start3A_2446 : memref<128xf32, #tpu.memory_space<vmem>>) offsets(%dma_start3A_2448 : memref<128xi32, #tpu.memory_space<vmem>>) semaphore(%arg19 : memref<!tpu.dma_semaphore, #tpu.memory_space<semaphore_mem>>)
      %dma_start3A_2451 = arith.constant 0 : i32
      %dma_start3A_2452 = tpu.memref_slice %arg14[%cond3A_56, %dma_start3A_2451] : memref<49x128xf32, #tpu.memory_space<vmem>> -> memref<1x128xf32, #tpu.memory_space<vmem>>
      %dma_start3A_2453 = tpu.memref_squeeze %dma_start3A_2452 : memref<1x128xf32, #tpu.memory_space<vmem>> -> memref<128xf32, #tpu.memory_space<vmem>>
      %dma_start3A_2454 = arith.constant 5888 : i32
      %dma_start3A_2455 = tpu.memref_slice %arg12[%dma_start3A_2454] : memref<6272xi32, #tpu.memory_space<vmem>> -> memref<128xi32, #tpu.memory_space<vmem>>
      %dma_start3A_2456 = arith.constant 0 : i32
      %dma_start3A_2457 = tpu.memref_slice %arg5[%dma_start3A_2456] : memref<320000xf32, #tpu.memory_space<hbm>> -> memref<320000xf32, #tpu.memory_space<hbm>>
      tpu.enqueue_indirect_dma source(%dma_start3A_2457 : memref<320000xf32, #tpu.memory_space<hbm>>) target(%dma_start3A_2453 : memref<128xf32, #tpu.memory_space<vmem>>) offsets(%dma_start3A_2455 : memref<128xi32, #tpu.memory_space<vmem>>) semaphore(%arg19 : memref<!tpu.dma_semaphore, #tpu.memory_space<semaphore_mem>>)
      %dma_start3A_2458 = arith.constant 0 : i32
      %dma_start3A_2459 = tpu.memref_slice %arg14[%cond3A_57, %dma_start3A_2458] : memref<49x128xf32, #tpu.memory_space<vmem>> -> memref<1x128xf32, #tpu.memory_space<vmem>>
      %dma_start3A_2460 = tpu.memref_squeeze %dma_start3A_2459 : memref<1x128xf32, #tpu.memory_space<vmem>> -> memref<128xf32, #tpu.memory_space<vmem>>
      %dma_start3A_2461 = arith.constant 6016 : i32
      %dma_start3A_2462 = tpu.memref_slice %arg12[%dma_start3A_2461] : memref<6272xi32, #tpu.memory_space<vmem>> -> memref<128xi32, #tpu.memory_space<vmem>>
      %dma_start3A_2463 = arith.constant 0 : i32
      %dma_start3A_2464 = tpu.memref_slice %arg5[%dma_start3A_2463] : memref<320000xf32, #tpu.memory_space<hbm>> -> memref<320000xf32, #tpu.memory_space<hbm>>
      tpu.enqueue_indirect_dma source(%dma_start3A_2464 : memref<320000xf32, #tpu.memory_space<hbm>>) target(%dma_start3A_2460 : memref<128xf32, #tpu.memory_space<vmem>>) offsets(%dma_start3A_2462 : memref<128xi32, #tpu.memory_space<vmem>>) semaphore(%arg19 : memref<!tpu.dma_semaphore, #tpu.memory_space<semaphore_mem>>)
      %dma_start3A_2465 = arith.constant 0 : i32
      %dma_start3A_2466 = tpu.memref_slice %arg14[%cond3A_58, %dma_start3A_2465] : memref<49x128xf32, #tpu.memory_space<vmem>> -> memref<1x128xf32, #tpu.memory_space<vmem>>
      %dma_start3A_2467 = tpu.memref_squeeze %dma_start3A_2466 : memref<1x128xf32, #tpu.memory_space<vmem>> -> memref<128xf32, #tpu.memory_space<vmem>>
      %dma_start3A_2468 = arith.constant 6144 : i32
      %dma_start3A_2469 = tpu.memref_slice %arg12[%dma_start3A_2468] : memref<6272xi32, #tpu.memory_space<vmem>> -> memref<128xi32, #tpu.memory_space<vmem>>
      %dma_start3A_2470 = arith.constant 0 : i32
      %dma_start3A_2471 = tpu.memref_slice %arg5[%dma_start3A_2470] : memref<320000xf32, #tpu.memory_space<hbm>> -> memref<320000xf32, #tpu.memory_space<hbm>>
      tpu.enqueue_indirect_dma source(%dma_start3A_2471 : memref<320000xf32, #tpu.memory_space<hbm>>) target(%dma_start3A_2467 : memref<128xf32, #tpu.memory_space<vmem>>) offsets(%dma_start3A_2469 : memref<128xi32, #tpu.memory_space<vmem>>) semaphore(%arg19 : memref<!tpu.dma_semaphore, #tpu.memory_space<semaphore_mem>>)
      "tpu.trace_stop"() : () -> ()
    } else {
    }
    %eq3A_61 = arith.constant 15 : i32
    %eq3A_62 = arith.cmpi eq, %arg1, %eq3A_61 : i32
    %jit3A = arith.constant 5920 : i32
    %jit3A_63 = arith.constant 6272 : i32
    %select_n3A = arith.select %eq3A_62, %jit3A, %jit3A_63 : i32
    "tpu.trace_start"() <{level = 10 : i32, message = "sc_zero_0"}> : () -> ()
    %mul3A_64 = arith.constant 32016 : i32
    %mul3A_65 = arith.muli %arg1, %mul3A_64 : i32
    "tpu.region"() ({
      %run_scoped3A = tpu.sem_alloc : memref<!tpu.dma_semaphore, #tpu.memory_space<semaphore_mem>>
      %dma_start3A_2129 = tpu.memref_slice %arg17[%mul3A_65] : memref<512256xf32, #tpu.memory_space<vmem_shared>> -> memref<32016xf32, #tpu.memory_space<vmem_shared>>
      %dma_start3A_2130 = tpu.memref_slice %arg17[%mul3A_65] : memref<512256xf32, #tpu.memory_space<vmem_shared>> -> memref<32016xf32, #tpu.memory_space<vmem_shared>>
      tpu.enqueue_dma source(%arg15 : memref<32016xf32, #tpu.memory_space<vmem>>) target(%dma_start3A_2130 : memref<32016xf32, #tpu.memory_space<vmem_shared>>) target_semaphore(%run_scoped3A : memref<!tpu.dma_semaphore, #tpu.memory_space<semaphore_mem>>)
      %dma_wait3A_2131 = tpu.memref_slice %arg17[%mul3A_65] : memref<512256xf32, #tpu.memory_space<vmem_shared>> -> memref<32016xf32, #tpu.memory_space<vmem_shared>>
      %dma_wait3A_2132 = tpu.memref_slice %arg17[%mul3A_65] : memref<512256xf32, #tpu.memory_space<vmem_shared>> -> memref<32016xf32, #tpu.memory_space<vmem_shared>>
      tpu.wait_dma2 semaphore(%run_scoped3A : memref<!tpu.dma_semaphore, #tpu.memory_space<semaphore_mem>>) src(%arg15 : memref<32016xf32, #tpu.memory_space<vmem>>) dst(%dma_wait3A_2132 : memref<32016xf32, #tpu.memory_space<vmem_shared>>)
      tpu.yield
    }) : () -> ()
    "tpu.trace_stop"() : () -> ()
    "tpu.trace_start"() <{level = 10 : i32, message = "sc_flat_0"}> : () -> ()
    %scan3A = arith.constant 0 : i32
    %scan3A_66 = arith.constant 0 : i32
    %scan3A_67 = arith.constant 49 : i32
    %scan3A_68 = arith.addi %scan3A_66, %scan3A_67 : i32
    %scan3A_69 = arith.constant 1 : i32
    scf.for %scan3A_2129 = %scan3A_66 to %scan3A_68 step %scan3A_69  : i32 {
      %scan3A_2130 = arith.constant 0 : i32
      %scan3A_2131 = arith.constant 8 : i32
      %scan3A_2132 = arith.addi %scan3A_2130, %scan3A_2131 : i32
      %scan3A_2133 = arith.constant 1 : i32
      scf.for %scan3A_2135 = %scan3A_2130 to %scan3A_2132 step %scan3A_2133  : i32 {
        %mul3A_2136 = arith.constant 16 : i32
        %mul3A_2137 = arith.muli %scan3A_2135, %mul3A_2136 : i32
        %mul3A_2138 = arith.constant 128 : i32
        %mul3A_2139 = arith.muli %scan3A_2129, %mul3A_2138 : i32
        %add3A_2140 = arith.addi %mul3A_2139, %mul3A_2137 : i32
        %get3A = arith.index_cast %add3A_2140 : i32 to index
        %get3A_2141 = tpu.vector_load %arg11[%get3A] {strides = array<i32>} : memref<6272xi32, #tpu.memory_space<vmem>>, vector<16xi32>,
        %get3A_2142 = vector.shape_cast %get3A_2141 : vector<16xi32> to vector<16xi32>
        %mul3A_2143 = arith.constant 128 : i32
        %mul3A_2144 = arith.muli %scan3A_2129, %mul3A_2143 : i32
        %add3A_2145 = arith.addi %mul3A_2144, %mul3A_2137 : i32
        %get3A_2146 = arith.index_cast %add3A_2145 : i32 to index
        %get3A_2147 = tpu.vector_load %arg10[%get3A_2146] {strides = array<i32>} : memref<6272xi32, #tpu.memory_space<vmem>>, vector<16xi32>,
        %get3A_2148 = vector.shape_cast %get3A_2147 : vector<16xi32> to vector<16xi32>
        %sub3A = arith.constant 0 : i32
        %sub3A_2149 = vector.broadcast %sub3A : i32 to vector<16xi32>
        %sub3A_2150 = arith.subi %get3A_2142, %sub3A_2149 : vector<16xi32>
        %mul3A_2151 = arith.constant 1024 : i32
        %mul3A_2152 = vector.broadcast %mul3A_2151 : i32 to vector<16xi32>
        %mul3A_2153 = arith.muli %sub3A_2150, %mul3A_2152 : vector<16xi32>
        %add3A_2154 = arith.addi %mul3A_2153, %get3A_2148 : vector<16xi32>
        %ge3A = arith.constant 0 : i32
        %ge3A_2155 = vector.broadcast %ge3A : i32 to vector<16xi32>
        %ge3A_2156 = arith.cmpi sge, %sub3A_2150, %ge3A_2155 : vector<16xi32>
        %lt3A_2157 = arith.constant 500 : i32
        %lt3A_2158 = vector.broadcast %lt3A_2157 : i32 to vector<16xi32>
        %lt3A_2159 = arith.cmpi slt, %sub3A_2150, %lt3A_2158 : vector<16xi32>
        %and3A = arith.andi %ge3A_2156, %lt3A_2159 : vector<16xi1>
        %ge3A_2160 = arith.constant 0 : i32
        %ge3A_2161 = vector.broadcast %ge3A_2160 : i32 to vector<16xi32>
        %ge3A_2162 = arith.cmpi sge, %get3A_2148, %ge3A_2161 : vector<16xi32>
        %and3A_2163 = arith.andi %and3A, %ge3A_2162 : vector<16xi1>
        %lt3A_2164 = arith.constant 1000 : i32
        %lt3A_2165 = vector.broadcast %lt3A_2164 : i32 to vector<16xi32>
        %lt3A_2166 = arith.cmpi slt, %get3A_2148, %lt3A_2165 : vector<16xi32>
        %and3A_2167 = arith.andi %and3A_2163, %lt3A_2166 : vector<16xi1>
        %mul3A_2168 = arith.constant 128 : i32
        %mul3A_2169 = arith.muli %scan3A_2129, %mul3A_2168 : i32
        %add3A_2170 = arith.addi %mul3A_2169, %mul3A_2137 : i32
        %add3A_2171 = vector.broadcast %add3A_2170 : i32 to vector<16xi32>
        %add3A_2172 = arith.addi %add3A_2171, %iota3A : vector<16xi32>
        %lt3A_2173 = vector.broadcast %select_n3A : i32 to vector<16xi32>
        %lt3A_2174 = arith.cmpi slt, %add3A_2172, %lt3A_2173 : vector<16xi32>
        %and3A_2175 = arith.andi %and3A_2167, %lt3A_2174 : vector<16xi1>
        %add3A_2176 = arith.constant 512000 : i32
        %add3A_2177 = arith.addi %add3A_2176, %mul3A_2137 : i32
        %add3A_2178 = vector.broadcast %add3A_2177 : i32 to vector<16xi32>
        %add3A_2179 = arith.addi %add3A_2178, %iota3A : vector<16xi32>
        %select_n3A_2180 = arith.select %and3A_2175, %add3A_2154, %add3A_2179 : vector<16xi1>, vector<16xi32>
        %swap3A = arith.index_cast %scan3A_2129 : i32 to index
        %swap3A_2181 = arith.index_cast %mul3A_2137 : i32 to index
        %swap3A_2182 = tpu.vector_load %arg13[%swap3A, %swap3A_2181] {strides = array<i32>} : memref<49x128xi32, #tpu.memory_space<vmem>>, vector<1x16xi32>,
        %swap3A_2183 = vector.shape_cast %swap3A_2182 : vector<1x16xi32> to vector<16xi32>
        %swap3A_2184 = vector.shape_cast %select_n3A_2180 : vector<16xi32> to vector<1x16xi32>
        tpu.vector_store %arg13[%swap3A, %swap3A_2181], %swap3A_2184 {strides = array<i32>} : memref<49x128xi32, #tpu.memory_space<vmem>>, vector<1x16xi32>,
      }
      %scan3A_2134 = arith.constant 8 : i32
    }
    %scan3A_70 = arith.constant 49 : i32
    %eq3A_71 = arith.constant 0 : i32
    %eq3A_72 = arith.cmpi eq, %arg0, %eq3A_71 : i32
    %convert_element_type3A_73 = arith.extui %eq3A_72 : i1 to i32
    %cond3A_74 = arith.constant 0 : i32
    %cond3A_75 = arith.constant 1 : i32
    %cond3A_76 = arith.constant 2 : i32
    %cond3A_77 = arith.constant 3 : i32
    %cond3A_78 = arith.constant 4 : i32
    %cond3A_79 = arith.constant 5 : i32
    %cond3A_80 = arith.constant 6 : i32
    %cond3A_81 = arith.constant 7 : i32
    %cond3A_82 = arith.constant 8 : i32
    %cond3A_83 = arith.constant 9 : i32
    %cond3A_84 = arith.constant 10 : i32
    %cond3A_85 = arith.constant 11 : i32
    %cond3A_86 = arith.constant 12 : i32
    %cond3A_87 = arith.constant 13 : i32
    %cond3A_88 = arith.constant 14 : i32
    %cond3A_89 = arith.constant 15 : i32
    %cond3A_90 = arith.constant 16 : i32
    %cond3A_91 = arith.constant 17 : i32
    %cond3A_92 = arith.constant 18 : i32
    %cond3A_93 = arith.constant 19 : i32
    %cond3A_94 = arith.constant 20 : i32
    %cond3A_95 = arith.constant 21 : i32
    %cond3A_96 = arith.constant 22 : i32
    %cond3A_97 = arith.constant 23 : i32
    %cond3A_98 = arith.constant 24 : i32
    %cond3A_99 = arith.constant 25 : i32
    %cond3A_100 = arith.constant 26 : i32
    %cond3A_101 = arith.constant 27 : i32
    %cond3A_102 = arith.constant 28 : i32
    %cond3A_103 = arith.constant 29 : i32
    %cond3A_104 = arith.constant 30 : i32
    %cond3A_105 = arith.constant 31 : i32
    %cond3A_106 = arith.constant 32 : i32
    %cond3A_107 = arith.constant 33 : i32
    %cond3A_108 = arith.constant 34 : i32
    %cond3A_109 = arith.constant 35 : i32
    %cond3A_110 = arith.constant 36 : i32
    %cond3A_111 = arith.constant 37 : i32
    %cond3A_112 = arith.constant 38 : i32
    %cond3A_113 = arith.constant 39 : i32
    %cond3A_114 = arith.constant 40 : i32
    %cond3A_115 = arith.constant 41 : i32
    %cond3A_116 = arith.constant 42 : i32
    %cond3A_117 = arith.constant 43 : i32
    %cond3A_118 = arith.constant 44 : i32
    %cond3A_119 = arith.constant 45 : i32
    %cond3A_120 = arith.constant 46 : i32
    %cond3A_121 = arith.constant 47 : i32
    %cond3A_122 = arith.constant 48 : i32
    %cond3A_123 = arith.constant 0 : i32
    %cond3A_124 = arith.cmpi ne, %convert_element_type3A_73, %cond3A_123 : i32
    scf.if %cond3A_124 {
      "tpu.trace_start"() <{level = 10 : i32, message = "sc_gather_drain"}> : () -> ()
      %dma_wait3A_2129 = arith.constant 0 : i32
      %dma_wait3A_2130 = tpu.memref_slice %arg14[%cond3A_74, %dma_wait3A_2129] : memref<49x128xf32, #tpu.memory_space<vmem>> -> memref<1x128xf32, #tpu.memory_space<vmem>>
      %dma_wait3A_2131 = tpu.memref_squeeze %dma_wait3A_2130 : memref<1x128xf32, #tpu.memory_space<vmem>> -> memref<128xf32, #tpu.memory_space<vmem>>
      %dma_wait3A_2132 = arith.constant 0 : i32
      %dma_wait3A_2133 = tpu.memref_slice %arg12[%dma_wait3A_2132] : memref<6272xi32, #tpu.memory_space<vmem>> -> memref<128xi32, #tpu.memory_space<vmem>>
      %dma_wait3A_2134 = arith.constant 0 : i32
      %dma_wait3A_2135 = tpu.memref_slice %arg5[%dma_wait3A_2134] : memref<320000xf32, #tpu.memory_space<hbm>> -> memref<320000xf32, #tpu.memory_space<hbm>>
      tpu.wait_indirect_dma semaphore(%arg19 : memref<!tpu.dma_semaphore, #tpu.memory_space<semaphore_mem>>) src(%dma_wait3A_2135 : memref<320000xf32, #tpu.memory_space<hbm>>) dst(%dma_wait3A_2131 : memref<128xf32, #tpu.memory_space<vmem>>)
      %dma_wait3A_2136 = arith.constant 0 : i32
      %dma_wait3A_2137 = tpu.memref_slice %arg14[%cond3A_75, %dma_wait3A_2136] : memref<49x128xf32, #tpu.memory_space<vmem>> -> memref<1x128xf32, #tpu.memory_space<vmem>>
      %dma_wait3A_2138 = tpu.memref_squeeze %dma_wait3A_2137 : memref<1x128xf32, #tpu.memory_space<vmem>> -> memref<128xf32, #tpu.memory_space<vmem>>
      %dma_wait3A_2139 = arith.constant 128 : i32
      %dma_wait3A_2140 = tpu.memref_slice %arg12[%dma_wait3A_2139] : memref<6272xi32, #tpu.memory_space<vmem>> -> memref<128xi32, #tpu.memory_space<vmem>>
      %dma_wait3A_2141 = arith.constant 0 : i32
      %dma_wait3A_2142 = tpu.memref_slice %arg5[%dma_wait3A_2141] : memref<320000xf32, #tpu.memory_space<hbm>> -> memref<320000xf32, #tpu.memory_space<hbm>>
      tpu.wait_indirect_dma semaphore(%arg19 : memref<!tpu.dma_semaphore, #tpu.memory_space<semaphore_mem>>) src(%dma_wait3A_2142 : memref<320000xf32, #tpu.memory_space<hbm>>) dst(%dma_wait3A_2138 : memref<128xf32, #tpu.memory_space<vmem>>)
      %dma_wait3A_2143 = arith.constant 0 : i32
      %dma_wait3A_2144 = tpu.memref_slice %arg14[%cond3A_76, %dma_wait3A_2143] : memref<49x128xf32, #tpu.memory_space<vmem>> -> memref<1x128xf32, #tpu.memory_space<vmem>>
      %dma_wait3A_2145 = tpu.memref_squeeze %dma_wait3A_2144 : memref<1x128xf32, #tpu.memory_space<vmem>> -> memref<128xf32, #tpu.memory_space<vmem>>
      %dma_wait3A_2146 = arith.constant 256 : i32
      %dma_wait3A_2147 = tpu.memref_slice %arg12[%dma_wait3A_2146] : memref<6272xi32, #tpu.memory_space<vmem>> -> memref<128xi32, #tpu.memory_space<vmem>>
      %dma_wait3A_2148 = arith.constant 0 : i32
      %dma_wait3A_2149 = tpu.memref_slice %arg5[%dma_wait3A_2148] : memref<320000xf32, #tpu.memory_space<hbm>> -> memref<320000xf32, #tpu.memory_space<hbm>>
      tpu.wait_indirect_dma semaphore(%arg19 : memref<!tpu.dma_semaphore, #tpu.memory_space<semaphore_mem>>) src(%dma_wait3A_2149 : memref<320000xf32, #tpu.memory_space<hbm>>) dst(%dma_wait3A_2145 : memref<128xf32, #tpu.memory_space<vmem>>)
      %dma_wait3A_2150 = arith.constant 0 : i32
      %dma_wait3A_2151 = tpu.memref_slice %arg14[%cond3A_77, %dma_wait3A_2150] : memref<49x128xf32, #tpu.memory_space<vmem>> -> memref<1x128xf32, #tpu.memory_space<vmem>>
      %dma_wait3A_2152 = tpu.memref_squeeze %dma_wait3A_2151 : memref<1x128xf32, #tpu.memory_space<vmem>> -> memref<128xf32, #tpu.memory_space<vmem>>
      %dma_wait3A_2153 = arith.constant 384 : i32
      %dma_wait3A_2154 = tpu.memref_slice %arg12[%dma_wait3A_2153] : memref<6272xi32, #tpu.memory_space<vmem>> -> memref<128xi32, #tpu.memory_space<vmem>>
      %dma_wait3A_2155 = arith.constant 0 : i32
      %dma_wait3A_2156 = tpu.memref_slice %arg5[%dma_wait3A_2155] : memref<320000xf32, #tpu.memory_space<hbm>> -> memref<320000xf32, #tpu.memory_space<hbm>>
      tpu.wait_indirect_dma semaphore(%arg19 : memref<!tpu.dma_semaphore, #tpu.memory_space<semaphore_mem>>) src(%dma_wait3A_2156 : memref<320000xf32, #tpu.memory_space<hbm>>) dst(%dma_wait3A_2152 : memref<128xf32, #tpu.memory_space<vmem>>)
      %dma_wait3A_2157 = arith.constant 0 : i32
      %dma_wait3A_2158 = tpu.memref_slice %arg14[%cond3A_78, %dma_wait3A_2157] : memref<49x128xf32, #tpu.memory_space<vmem>> -> memref<1x128xf32, #tpu.memory_space<vmem>>
      %dma_wait3A_2159 = tpu.memref_squeeze %dma_wait3A_2158 : memref<1x128xf32, #tpu.memory_space<vmem>> -> memref<128xf32, #tpu.memory_space<vmem>>
      %dma_wait3A_2160 = arith.constant 512 : i32
      %dma_wait3A_2161 = tpu.memref_slice %arg12[%dma_wait3A_2160] : memref<6272xi32, #tpu.memory_space<vmem>> -> memref<128xi32, #tpu.memory_space<vmem>>
      %dma_wait3A_2162 = arith.constant 0 : i32
      %dma_wait3A_2163 = tpu.memref_slice %arg5[%dma_wait3A_2162] : memref<320000xf32, #tpu.memory_space<hbm>> -> memref<320000xf32, #tpu.memory_space<hbm>>
      tpu.wait_indirect_dma semaphore(%arg19 : memref<!tpu.dma_semaphore, #tpu.memory_space<semaphore_mem>>) src(%dma_wait3A_2163 : memref<320000xf32, #tpu.memory_space<hbm>>) dst(%dma_wait3A_2159 : memref<128xf32, #tpu.memory_space<vmem>>)
      %dma_wait3A_2164 = arith.constant 0 : i32
      %dma_wait3A_2165 = tpu.memref_slice %arg14[%cond3A_79, %dma_wait3A_2164] : memref<49x128xf32, #tpu.memory_space<vmem>> -> memref<1x128xf32, #tpu.memory_space<vmem>>
      %dma_wait3A_2166 = tpu.memref_squeeze %dma_wait3A_2165 : memref<1x128xf32, #tpu.memory_space<vmem>> -> memref<128xf32, #tpu.memory_space<vmem>>
      %dma_wait3A_2167 = arith.constant 640 : i32
      %dma_wait3A_2168 = tpu.memref_slice %arg12[%dma_wait3A_2167] : memref<6272xi32, #tpu.memory_space<vmem>> -> memref<128xi32, #tpu.memory_space<vmem>>
      %dma_wait3A_2169 = arith.constant 0 : i32
      %dma_wait3A_2170 = tpu.memref_slice %arg5[%dma_wait3A_2169] : memref<320000xf32, #tpu.memory_space<hbm>> -> memref<320000xf32, #tpu.memory_space<hbm>>
      tpu.wait_indirect_dma semaphore(%arg19 : memref<!tpu.dma_semaphore, #tpu.memory_space<semaphore_mem>>) src(%dma_wait3A_2170 : memref<320000xf32, #tpu.memory_space<hbm>>) dst(%dma_wait3A_2166 : memref<128xf32, #tpu.memory_space<vmem>>)
      %dma_wait3A_2171 = arith.constant 0 : i32
      %dma_wait3A_2172 = tpu.memref_slice %arg14[%cond3A_80, %dma_wait3A_2171] : memref<49x128xf32, #tpu.memory_space<vmem>> -> memref<1x128xf32, #tpu.memory_space<vmem>>
      %dma_wait3A_2173 = tpu.memref_squeeze %dma_wait3A_2172 : memref<1x128xf32, #tpu.memory_space<vmem>> -> memref<128xf32, #tpu.memory_space<vmem>>
      %dma_wait3A_2174 = arith.constant 768 : i32
      %dma_wait3A_2175 = tpu.memref_slice %arg12[%dma_wait3A_2174] : memref<6272xi32, #tpu.memory_space<vmem>> -> memref<128xi32, #tpu.memory_space<vmem>>
      %dma_wait3A_2176 = arith.constant 0 : i32
      %dma_wait3A_2177 = tpu.memref_slice %arg5[%dma_wait3A_2176] : memref<320000xf32, #tpu.memory_space<hbm>> -> memref<320000xf32, #tpu.memory_space<hbm>>
      tpu.wait_indirect_dma semaphore(%arg19 : memref<!tpu.dma_semaphore, #tpu.memory_space<semaphore_mem>>) src(%dma_wait3A_2177 : memref<320000xf32, #tpu.memory_space<hbm>>) dst(%dma_wait3A_2173 : memref<128xf32, #tpu.memory_space<vmem>>)
      %dma_wait3A_2178 = arith.constant 0 : i32
      %dma_wait3A_2179 = tpu.memref_slice %arg14[%cond3A_81, %dma_wait3A_2178] : memref<49x128xf32, #tpu.memory_space<vmem>> -> memref<1x128xf32, #tpu.memory_space<vmem>>
      %dma_wait3A_2180 = tpu.memref_squeeze %dma_wait3A_2179 : memref<1x128xf32, #tpu.memory_space<vmem>> -> memref<128xf32, #tpu.memory_space<vmem>>
      %dma_wait3A_2181 = arith.constant 896 : i32
      %dma_wait3A_2182 = tpu.memref_slice %arg12[%dma_wait3A_2181] : memref<6272xi32, #tpu.memory_space<vmem>> -> memref<128xi32, #tpu.memory_space<vmem>>
      %dma_wait3A_2183 = arith.constant 0 : i32
      %dma_wait3A_2184 = tpu.memref_slice %arg5[%dma_wait3A_2183] : memref<320000xf32, #tpu.memory_space<hbm>> -> memref<320000xf32, #tpu.memory_space<hbm>>
      tpu.wait_indirect_dma semaphore(%arg19 : memref<!tpu.dma_semaphore, #tpu.memory_space<semaphore_mem>>) src(%dma_wait3A_2184 : memref<320000xf32, #tpu.memory_space<hbm>>) dst(%dma_wait3A_2180 : memref<128xf32, #tpu.memory_space<vmem>>)
      %dma_wait3A_2185 = arith.constant 0 : i32
      %dma_wait3A_2186 = tpu.memref_slice %arg14[%cond3A_82, %dma_wait3A_2185] : memref<49x128xf32, #tpu.memory_space<vmem>> -> memref<1x128xf32, #tpu.memory_space<vmem>>
      %dma_wait3A_2187 = tpu.memref_squeeze %dma_wait3A_2186 : memref<1x128xf32, #tpu.memory_space<vmem>> -> memref<128xf32, #tpu.memory_space<vmem>>
      %dma_wait3A_2188 = arith.constant 1024 : i32
      %dma_wait3A_2189 = tpu.memref_slice %arg12[%dma_wait3A_2188] : memref<6272xi32, #tpu.memory_space<vmem>> -> memref<128xi32, #tpu.memory_space<vmem>>
      %dma_wait3A_2190 = arith.constant 0 : i32
      %dma_wait3A_2191 = tpu.memref_slice %arg5[%dma_wait3A_2190] : memref<320000xf32, #tpu.memory_space<hbm>> -> memref<320000xf32, #tpu.memory_space<hbm>>
      tpu.wait_indirect_dma semaphore(%arg19 : memref<!tpu.dma_semaphore, #tpu.memory_space<semaphore_mem>>) src(%dma_wait3A_2191 : memref<320000xf32, #tpu.memory_space<hbm>>) dst(%dma_wait3A_2187 : memref<128xf32, #tpu.memory_space<vmem>>)
      %dma_wait3A_2192 = arith.constant 0 : i32
      %dma_wait3A_2193 = tpu.memref_slice %arg14[%cond3A_83, %dma_wait3A_2192] : memref<49x128xf32, #tpu.memory_space<vmem>> -> memref<1x128xf32, #tpu.memory_space<vmem>>
      %dma_wait3A_2194 = tpu.memref_squeeze %dma_wait3A_2193 : memref<1x128xf32, #tpu.memory_space<vmem>> -> memref<128xf32, #tpu.memory_space<vmem>>
      %dma_wait3A_2195 = arith.constant 1152 : i32
      %dma_wait3A_2196 = tpu.memref_slice %arg12[%dma_wait3A_2195] : memref<6272xi32, #tpu.memory_space<vmem>> -> memref<128xi32, #tpu.memory_space<vmem>>
      %dma_wait3A_2197 = arith.constant 0 : i32
      %dma_wait3A_2198 = tpu.memref_slice %arg5[%dma_wait3A_2197] : memref<320000xf32, #tpu.memory_space<hbm>> -> memref<320000xf32, #tpu.memory_space<hbm>>
      tpu.wait_indirect_dma semaphore(%arg19 : memref<!tpu.dma_semaphore, #tpu.memory_space<semaphore_mem>>) src(%dma_wait3A_2198 : memref<320000xf32, #tpu.memory_space<hbm>>) dst(%dma_wait3A_2194 : memref<128xf32, #tpu.memory_space<vmem>>)
      %dma_wait3A_2199 = arith.constant 0 : i32
      %dma_wait3A_2200 = tpu.memref_slice %arg14[%cond3A_84, %dma_wait3A_2199] : memref<49x128xf32, #tpu.memory_space<vmem>> -> memref<1x128xf32, #tpu.memory_space<vmem>>
      %dma_wait3A_2201 = tpu.memref_squeeze %dma_wait3A_2200 : memref<1x128xf32, #tpu.memory_space<vmem>> -> memref<128xf32, #tpu.memory_space<vmem>>
      %dma_wait3A_2202 = arith.constant 1280 : i32
      %dma_wait3A_2203 = tpu.memref_slice %arg12[%dma_wait3A_2202] : memref<6272xi32, #tpu.memory_space<vmem>> -> memref<128xi32, #tpu.memory_space<vmem>>
      %dma_wait3A_2204 = arith.constant 0 : i32
      %dma_wait3A_2205 = tpu.memref_slice %arg5[%dma_wait3A_2204] : memref<320000xf32, #tpu.memory_space<hbm>> -> memref<320000xf32, #tpu.memory_space<hbm>>
      tpu.wait_indirect_dma semaphore(%arg19 : memref<!tpu.dma_semaphore, #tpu.memory_space<semaphore_mem>>) src(%dma_wait3A_2205 : memref<320000xf32, #tpu.memory_space<hbm>>) dst(%dma_wait3A_2201 : memref<128xf32, #tpu.memory_space<vmem>>)
      %dma_wait3A_2206 = arith.constant 0 : i32
      %dma_wait3A_2207 = tpu.memref_slice %arg14[%cond3A_85, %dma_wait3A_2206] : memref<49x128xf32, #tpu.memory_space<vmem>> -> memref<1x128xf32, #tpu.memory_space<vmem>>
      %dma_wait3A_2208 = tpu.memref_squeeze %dma_wait3A_2207 : memref<1x128xf32, #tpu.memory_space<vmem>> -> memref<128xf32, #tpu.memory_space<vmem>>
      %dma_wait3A_2209 = arith.constant 1408 : i32
      %dma_wait3A_2210 = tpu.memref_slice %arg12[%dma_wait3A_2209] : memref<6272xi32, #tpu.memory_space<vmem>> -> memref<128xi32, #tpu.memory_space<vmem>>
      %dma_wait3A_2211 = arith.constant 0 : i32
      %dma_wait3A_2212 = tpu.memref_slice %arg5[%dma_wait3A_2211] : memref<320000xf32, #tpu.memory_space<hbm>> -> memref<320000xf32, #tpu.memory_space<hbm>>
      tpu.wait_indirect_dma semaphore(%arg19 : memref<!tpu.dma_semaphore, #tpu.memory_space<semaphore_mem>>) src(%dma_wait3A_2212 : memref<320000xf32, #tpu.memory_space<hbm>>) dst(%dma_wait3A_2208 : memref<128xf32, #tpu.memory_space<vmem>>)
      %dma_wait3A_2213 = arith.constant 0 : i32
      %dma_wait3A_2214 = tpu.memref_slice %arg14[%cond3A_86, %dma_wait3A_2213] : memref<49x128xf32, #tpu.memory_space<vmem>> -> memref<1x128xf32, #tpu.memory_space<vmem>>
      %dma_wait3A_2215 = tpu.memref_squeeze %dma_wait3A_2214 : memref<1x128xf32, #tpu.memory_space<vmem>> -> memref<128xf32, #tpu.memory_space<vmem>>
      %dma_wait3A_2216 = arith.constant 1536 : i32
      %dma_wait3A_2217 = tpu.memref_slice %arg12[%dma_wait3A_2216] : memref<6272xi32, #tpu.memory_space<vmem>> -> memref<128xi32, #tpu.memory_space<vmem>>
      %dma_wait3A_2218 = arith.constant 0 : i32
      %dma_wait3A_2219 = tpu.memref_slice %arg5[%dma_wait3A_2218] : memref<320000xf32, #tpu.memory_space<hbm>> -> memref<320000xf32, #tpu.memory_space<hbm>>
      tpu.wait_indirect_dma semaphore(%arg19 : memref<!tpu.dma_semaphore, #tpu.memory_space<semaphore_mem>>) src(%dma_wait3A_2219 : memref<320000xf32, #tpu.memory_space<hbm>>) dst(%dma_wait3A_2215 : memref<128xf32, #tpu.memory_space<vmem>>)
      %dma_wait3A_2220 = arith.constant 0 : i32
      %dma_wait3A_2221 = tpu.memref_slice %arg14[%cond3A_87, %dma_wait3A_2220] : memref<49x128xf32, #tpu.memory_space<vmem>> -> memref<1x128xf32, #tpu.memory_space<vmem>>
      %dma_wait3A_2222 = tpu.memref_squeeze %dma_wait3A_2221 : memref<1x128xf32, #tpu.memory_space<vmem>> -> memref<128xf32, #tpu.memory_space<vmem>>
      %dma_wait3A_2223 = arith.constant 1664 : i32
      %dma_wait3A_2224 = tpu.memref_slice %arg12[%dma_wait3A_2223] : memref<6272xi32, #tpu.memory_space<vmem>> -> memref<128xi32, #tpu.memory_space<vmem>>
      %dma_wait3A_2225 = arith.constant 0 : i32
      %dma_wait3A_2226 = tpu.memref_slice %arg5[%dma_wait3A_2225] : memref<320000xf32, #tpu.memory_space<hbm>> -> memref<320000xf32, #tpu.memory_space<hbm>>
      tpu.wait_indirect_dma semaphore(%arg19 : memref<!tpu.dma_semaphore, #tpu.memory_space<semaphore_mem>>) src(%dma_wait3A_2226 : memref<320000xf32, #tpu.memory_space<hbm>>) dst(%dma_wait3A_2222 : memref<128xf32, #tpu.memory_space<vmem>>)
      %dma_wait3A_2227 = arith.constant 0 : i32
      %dma_wait3A_2228 = tpu.memref_slice %arg14[%cond3A_88, %dma_wait3A_2227] : memref<49x128xf32, #tpu.memory_space<vmem>> -> memref<1x128xf32, #tpu.memory_space<vmem>>
      %dma_wait3A_2229 = tpu.memref_squeeze %dma_wait3A_2228 : memref<1x128xf32, #tpu.memory_space<vmem>> -> memref<128xf32, #tpu.memory_space<vmem>>
      %dma_wait3A_2230 = arith.constant 1792 : i32
      %dma_wait3A_2231 = tpu.memref_slice %arg12[%dma_wait3A_2230] : memref<6272xi32, #tpu.memory_space<vmem>> -> memref<128xi32, #tpu.memory_space<vmem>>
      %dma_wait3A_2232 = arith.constant 0 : i32
      %dma_wait3A_2233 = tpu.memref_slice %arg5[%dma_wait3A_2232] : memref<320000xf32, #tpu.memory_space<hbm>> -> memref<320000xf32, #tpu.memory_space<hbm>>
      tpu.wait_indirect_dma semaphore(%arg19 : memref<!tpu.dma_semaphore, #tpu.memory_space<semaphore_mem>>) src(%dma_wait3A_2233 : memref<320000xf32, #tpu.memory_space<hbm>>) dst(%dma_wait3A_2229 : memref<128xf32, #tpu.memory_space<vmem>>)
      %dma_wait3A_2234 = arith.constant 0 : i32
      %dma_wait3A_2235 = tpu.memref_slice %arg14[%cond3A_89, %dma_wait3A_2234] : memref<49x128xf32, #tpu.memory_space<vmem>> -> memref<1x128xf32, #tpu.memory_space<vmem>>
      %dma_wait3A_2236 = tpu.memref_squeeze %dma_wait3A_2235 : memref<1x128xf32, #tpu.memory_space<vmem>> -> memref<128xf32, #tpu.memory_space<vmem>>
      %dma_wait3A_2237 = arith.constant 1920 : i32
      %dma_wait3A_2238 = tpu.memref_slice %arg12[%dma_wait3A_2237] : memref<6272xi32, #tpu.memory_space<vmem>> -> memref<128xi32, #tpu.memory_space<vmem>>
      %dma_wait3A_2239 = arith.constant 0 : i32
      %dma_wait3A_2240 = tpu.memref_slice %arg5[%dma_wait3A_2239] : memref<320000xf32, #tpu.memory_space<hbm>> -> memref<320000xf32, #tpu.memory_space<hbm>>
      tpu.wait_indirect_dma semaphore(%arg19 : memref<!tpu.dma_semaphore, #tpu.memory_space<semaphore_mem>>) src(%dma_wait3A_2240 : memref<320000xf32, #tpu.memory_space<hbm>>) dst(%dma_wait3A_2236 : memref<128xf32, #tpu.memory_space<vmem>>)
      %dma_wait3A_2241 = arith.constant 0 : i32
      %dma_wait3A_2242 = tpu.memref_slice %arg14[%cond3A_90, %dma_wait3A_2241] : memref<49x128xf32, #tpu.memory_space<vmem>> -> memref<1x128xf32, #tpu.memory_space<vmem>>
      %dma_wait3A_2243 = tpu.memref_squeeze %dma_wait3A_2242 : memref<1x128xf32, #tpu.memory_space<vmem>> -> memref<128xf32, #tpu.memory_space<vmem>>
      %dma_wait3A_2244 = arith.constant 2048 : i32
      %dma_wait3A_2245 = tpu.memref_slice %arg12[%dma_wait3A_2244] : memref<6272xi32, #tpu.memory_space<vmem>> -> memref<128xi32, #tpu.memory_space<vmem>>
      %dma_wait3A_2246 = arith.constant 0 : i32
      %dma_wait3A_2247 = tpu.memref_slice %arg5[%dma_wait3A_2246] : memref<320000xf32, #tpu.memory_space<hbm>> -> memref<320000xf32, #tpu.memory_space<hbm>>
      tpu.wait_indirect_dma semaphore(%arg19 : memref<!tpu.dma_semaphore, #tpu.memory_space<semaphore_mem>>) src(%dma_wait3A_2247 : memref<320000xf32, #tpu.memory_space<hbm>>) dst(%dma_wait3A_2243 : memref<128xf32, #tpu.memory_space<vmem>>)
      %dma_wait3A_2248 = arith.constant 0 : i32
      %dma_wait3A_2249 = tpu.memref_slice %arg14[%cond3A_91, %dma_wait3A_2248] : memref<49x128xf32, #tpu.memory_space<vmem>> -> memref<1x128xf32, #tpu.memory_space<vmem>>
      %dma_wait3A_2250 = tpu.memref_squeeze %dma_wait3A_2249 : memref<1x128xf32, #tpu.memory_space<vmem>> -> memref<128xf32, #tpu.memory_space<vmem>>
      %dma_wait3A_2251 = arith.constant 2176 : i32
      %dma_wait3A_2252 = tpu.memref_slice %arg12[%dma_wait3A_2251] : memref<6272xi32, #tpu.memory_space<vmem>> -> memref<128xi32, #tpu.memory_space<vmem>>
      %dma_wait3A_2253 = arith.constant 0 : i32
      %dma_wait3A_2254 = tpu.memref_slice %arg5[%dma_wait3A_2253] : memref<320000xf32, #tpu.memory_space<hbm>> -> memref<320000xf32, #tpu.memory_space<hbm>>
      tpu.wait_indirect_dma semaphore(%arg19 : memref<!tpu.dma_semaphore, #tpu.memory_space<semaphore_mem>>) src(%dma_wait3A_2254 : memref<320000xf32, #tpu.memory_space<hbm>>) dst(%dma_wait3A_2250 : memref<128xf32, #tpu.memory_space<vmem>>)
      %dma_wait3A_2255 = arith.constant 0 : i32
      %dma_wait3A_2256 = tpu.memref_slice %arg14[%cond3A_92, %dma_wait3A_2255] : memref<49x128xf32, #tpu.memory_space<vmem>> -> memref<1x128xf32, #tpu.memory_space<vmem>>
      %dma_wait3A_2257 = tpu.memref_squeeze %dma_wait3A_2256 : memref<1x128xf32, #tpu.memory_space<vmem>> -> memref<128xf32, #tpu.memory_space<vmem>>
      %dma_wait3A_2258 = arith.constant 2304 : i32
      %dma_wait3A_2259 = tpu.memref_slice %arg12[%dma_wait3A_2258] : memref<6272xi32, #tpu.memory_space<vmem>> -> memref<128xi32, #tpu.memory_space<vmem>>
      %dma_wait3A_2260 = arith.constant 0 : i32
      %dma_wait3A_2261 = tpu.memref_slice %arg5[%dma_wait3A_2260] : memref<320000xf32, #tpu.memory_space<hbm>> -> memref<320000xf32, #tpu.memory_space<hbm>>
      tpu.wait_indirect_dma semaphore(%arg19 : memref<!tpu.dma_semaphore, #tpu.memory_space<semaphore_mem>>) src(%dma_wait3A_2261 : memref<320000xf32, #tpu.memory_space<hbm>>) dst(%dma_wait3A_2257 : memref<128xf32, #tpu.memory_space<vmem>>)
      %dma_wait3A_2262 = arith.constant 0 : i32
      %dma_wait3A_2263 = tpu.memref_slice %arg14[%cond3A_93, %dma_wait3A_2262] : memref<49x128xf32, #tpu.memory_space<vmem>> -> memref<1x128xf32, #tpu.memory_space<vmem>>
      %dma_wait3A_2264 = tpu.memref_squeeze %dma_wait3A_2263 : memref<1x128xf32, #tpu.memory_space<vmem>> -> memref<128xf32, #tpu.memory_space<vmem>>
      %dma_wait3A_2265 = arith.constant 2432 : i32
      %dma_wait3A_2266 = tpu.memref_slice %arg12[%dma_wait3A_2265] : memref<6272xi32, #tpu.memory_space<vmem>> -> memref<128xi32, #tpu.memory_space<vmem>>
      %dma_wait3A_2267 = arith.constant 0 : i32
      %dma_wait3A_2268 = tpu.memref_slice %arg5[%dma_wait3A_2267] : memref<320000xf32, #tpu.memory_space<hbm>> -> memref<320000xf32, #tpu.memory_space<hbm>>
      tpu.wait_indirect_dma semaphore(%arg19 : memref<!tpu.dma_semaphore, #tpu.memory_space<semaphore_mem>>) src(%dma_wait3A_2268 : memref<320000xf32, #tpu.memory_space<hbm>>) dst(%dma_wait3A_2264 : memref<128xf32, #tpu.memory_space<vmem>>)
      %dma_wait3A_2269 = arith.constant 0 : i32
      %dma_wait3A_2270 = tpu.memref_slice %arg14[%cond3A_94, %dma_wait3A_2269] : memref<49x128xf32, #tpu.memory_space<vmem>> -> memref<1x128xf32, #tpu.memory_space<vmem>>
      %dma_wait3A_2271 = tpu.memref_squeeze %dma_wait3A_2270 : memref<1x128xf32, #tpu.memory_space<vmem>> -> memref<128xf32, #tpu.memory_space<vmem>>
      %dma_wait3A_2272 = arith.constant 2560 : i32
      %dma_wait3A_2273 = tpu.memref_slice %arg12[%dma_wait3A_2272] : memref<6272xi32, #tpu.memory_space<vmem>> -> memref<128xi32, #tpu.memory_space<vmem>>
      %dma_wait3A_2274 = arith.constant 0 : i32
      %dma_wait3A_2275 = tpu.memref_slice %arg5[%dma_wait3A_2274] : memref<320000xf32, #tpu.memory_space<hbm>> -> memref<320000xf32, #tpu.memory_space<hbm>>
      tpu.wait_indirect_dma semaphore(%arg19 : memref<!tpu.dma_semaphore, #tpu.memory_space<semaphore_mem>>) src(%dma_wait3A_2275 : memref<320000xf32, #tpu.memory_space<hbm>>) dst(%dma_wait3A_2271 : memref<128xf32, #tpu.memory_space<vmem>>)
      %dma_wait3A_2276 = arith.constant 0 : i32
      %dma_wait3A_2277 = tpu.memref_slice %arg14[%cond3A_95, %dma_wait3A_2276] : memref<49x128xf32, #tpu.memory_space<vmem>> -> memref<1x128xf32, #tpu.memory_space<vmem>>
      %dma_wait3A_2278 = tpu.memref_squeeze %dma_wait3A_2277 : memref<1x128xf32, #tpu.memory_space<vmem>> -> memref<128xf32, #tpu.memory_space<vmem>>
      %dma_wait3A_2279 = arith.constant 2688 : i32
      %dma_wait3A_2280 = tpu.memref_slice %arg12[%dma_wait3A_2279] : memref<6272xi32, #tpu.memory_space<vmem>> -> memref<128xi32, #tpu.memory_space<vmem>>
      %dma_wait3A_2281 = arith.constant 0 : i32
      %dma_wait3A_2282 = tpu.memref_slice %arg5[%dma_wait3A_2281] : memref<320000xf32, #tpu.memory_space<hbm>> -> memref<320000xf32, #tpu.memory_space<hbm>>
      tpu.wait_indirect_dma semaphore(%arg19 : memref<!tpu.dma_semaphore, #tpu.memory_space<semaphore_mem>>) src(%dma_wait3A_2282 : memref<320000xf32, #tpu.memory_space<hbm>>) dst(%dma_wait3A_2278 : memref<128xf32, #tpu.memory_space<vmem>>)
      %dma_wait3A_2283 = arith.constant 0 : i32
      %dma_wait3A_2284 = tpu.memref_slice %arg14[%cond3A_96, %dma_wait3A_2283] : memref<49x128xf32, #tpu.memory_space<vmem>> -> memref<1x128xf32, #tpu.memory_space<vmem>>
      %dma_wait3A_2285 = tpu.memref_squeeze %dma_wait3A_2284 : memref<1x128xf32, #tpu.memory_space<vmem>> -> memref<128xf32, #tpu.memory_space<vmem>>
      %dma_wait3A_2286 = arith.constant 2816 : i32
      %dma_wait3A_2287 = tpu.memref_slice %arg12[%dma_wait3A_2286] : memref<6272xi32, #tpu.memory_space<vmem>> -> memref<128xi32, #tpu.memory_space<vmem>>
      %dma_wait3A_2288 = arith.constant 0 : i32
      %dma_wait3A_2289 = tpu.memref_slice %arg5[%dma_wait3A_2288] : memref<320000xf32, #tpu.memory_space<hbm>> -> memref<320000xf32, #tpu.memory_space<hbm>>
      tpu.wait_indirect_dma semaphore(%arg19 : memref<!tpu.dma_semaphore, #tpu.memory_space<semaphore_mem>>) src(%dma_wait3A_2289 : memref<320000xf32, #tpu.memory_space<hbm>>) dst(%dma_wait3A_2285 : memref<128xf32, #tpu.memory_space<vmem>>)
      %dma_wait3A_2290 = arith.constant 0 : i32
      %dma_wait3A_2291 = tpu.memref_slice %arg14[%cond3A_97, %dma_wait3A_2290] : memref<49x128xf32, #tpu.memory_space<vmem>> -> memref<1x128xf32, #tpu.memory_space<vmem>>
      %dma_wait3A_2292 = tpu.memref_squeeze %dma_wait3A_2291 : memref<1x128xf32, #tpu.memory_space<vmem>> -> memref<128xf32, #tpu.memory_space<vmem>>
      %dma_wait3A_2293 = arith.constant 2944 : i32
      %dma_wait3A_2294 = tpu.memref_slice %arg12[%dma_wait3A_2293] : memref<6272xi32, #tpu.memory_space<vmem>> -> memref<128xi32, #tpu.memory_space<vmem>>
      %dma_wait3A_2295 = arith.constant 0 : i32
      %dma_wait3A_2296 = tpu.memref_slice %arg5[%dma_wait3A_2295] : memref<320000xf32, #tpu.memory_space<hbm>> -> memref<320000xf32, #tpu.memory_space<hbm>>
      tpu.wait_indirect_dma semaphore(%arg19 : memref<!tpu.dma_semaphore, #tpu.memory_space<semaphore_mem>>) src(%dma_wait3A_2296 : memref<320000xf32, #tpu.memory_space<hbm>>) dst(%dma_wait3A_2292 : memref<128xf32, #tpu.memory_space<vmem>>)
      %dma_wait3A_2297 = arith.constant 0 : i32
      %dma_wait3A_2298 = tpu.memref_slice %arg14[%cond3A_98, %dma_wait3A_2297] : memref<49x128xf32, #tpu.memory_space<vmem>> -> memref<1x128xf32, #tpu.memory_space<vmem>>
      %dma_wait3A_2299 = tpu.memref_squeeze %dma_wait3A_2298 : memref<1x128xf32, #tpu.memory_space<vmem>> -> memref<128xf32, #tpu.memory_space<vmem>>
      %dma_wait3A_2300 = arith.constant 3072 : i32
      %dma_wait3A_2301 = tpu.memref_slice %arg12[%dma_wait3A_2300] : memref<6272xi32, #tpu.memory_space<vmem>> -> memref<128xi32, #tpu.memory_space<vmem>>
      %dma_wait3A_2302 = arith.constant 0 : i32
      %dma_wait3A_2303 = tpu.memref_slice %arg5[%dma_wait3A_2302] : memref<320000xf32, #tpu.memory_space<hbm>> -> memref<320000xf32, #tpu.memory_space<hbm>>
      tpu.wait_indirect_dma semaphore(%arg19 : memref<!tpu.dma_semaphore, #tpu.memory_space<semaphore_mem>>) src(%dma_wait3A_2303 : memref<320000xf32, #tpu.memory_space<hbm>>) dst(%dma_wait3A_2299 : memref<128xf32, #tpu.memory_space<vmem>>)
      %dma_wait3A_2304 = arith.constant 0 : i32
      %dma_wait3A_2305 = tpu.memref_slice %arg14[%cond3A_99, %dma_wait3A_2304] : memref<49x128xf32, #tpu.memory_space<vmem>> -> memref<1x128xf32, #tpu.memory_space<vmem>>
      %dma_wait3A_2306 = tpu.memref_squeeze %dma_wait3A_2305 : memref<1x128xf32, #tpu.memory_space<vmem>> -> memref<128xf32, #tpu.memory_space<vmem>>
      %dma_wait3A_2307 = arith.constant 3200 : i32
      %dma_wait3A_2308 = tpu.memref_slice %arg12[%dma_wait3A_2307] : memref<6272xi32, #tpu.memory_space<vmem>> -> memref<128xi32, #tpu.memory_space<vmem>>
      %dma_wait3A_2309 = arith.constant 0 : i32
      %dma_wait3A_2310 = tpu.memref_slice %arg5[%dma_wait3A_2309] : memref<320000xf32, #tpu.memory_space<hbm>> -> memref<320000xf32, #tpu.memory_space<hbm>>
      tpu.wait_indirect_dma semaphore(%arg19 : memref<!tpu.dma_semaphore, #tpu.memory_space<semaphore_mem>>) src(%dma_wait3A_2310 : memref<320000xf32, #tpu.memory_space<hbm>>) dst(%dma_wait3A_2306 : memref<128xf32, #tpu.memory_space<vmem>>)
      %dma_wait3A_2311 = arith.constant 0 : i32
      %dma_wait3A_2312 = tpu.memref_slice %arg14[%cond3A_100, %dma_wait3A_2311] : memref<49x128xf32, #tpu.memory_space<vmem>> -> memref<1x128xf32, #tpu.memory_space<vmem>>
      %dma_wait3A_2313 = tpu.memref_squeeze %dma_wait3A_2312 : memref<1x128xf32, #tpu.memory_space<vmem>> -> memref<128xf32, #tpu.memory_space<vmem>>
      %dma_wait3A_2314 = arith.constant 3328 : i32
      %dma_wait3A_2315 = tpu.memref_slice %arg12[%dma_wait3A_2314] : memref<6272xi32, #tpu.memory_space<vmem>> -> memref<128xi32, #tpu.memory_space<vmem>>
      %dma_wait3A_2316 = arith.constant 0 : i32
      %dma_wait3A_2317 = tpu.memref_slice %arg5[%dma_wait3A_2316] : memref<320000xf32, #tpu.memory_space<hbm>> -> memref<320000xf32, #tpu.memory_space<hbm>>
      tpu.wait_indirect_dma semaphore(%arg19 : memref<!tpu.dma_semaphore, #tpu.memory_space<semaphore_mem>>) src(%dma_wait3A_2317 : memref<320000xf32, #tpu.memory_space<hbm>>) dst(%dma_wait3A_2313 : memref<128xf32, #tpu.memory_space<vmem>>)
      %dma_wait3A_2318 = arith.constant 0 : i32
      %dma_wait3A_2319 = tpu.memref_slice %arg14[%cond3A_101, %dma_wait3A_2318] : memref<49x128xf32, #tpu.memory_space<vmem>> -> memref<1x128xf32, #tpu.memory_space<vmem>>
      %dma_wait3A_2320 = tpu.memref_squeeze %dma_wait3A_2319 : memref<1x128xf32, #tpu.memory_space<vmem>> -> memref<128xf32, #tpu.memory_space<vmem>>
      %dma_wait3A_2321 = arith.constant 3456 : i32
      %dma_wait3A_2322 = tpu.memref_slice %arg12[%dma_wait3A_2321] : memref<6272xi32, #tpu.memory_space<vmem>> -> memref<128xi32, #tpu.memory_space<vmem>>
      %dma_wait3A_2323 = arith.constant 0 : i32
      %dma_wait3A_2324 = tpu.memref_slice %arg5[%dma_wait3A_2323] : memref<320000xf32, #tpu.memory_space<hbm>> -> memref<320000xf32, #tpu.memory_space<hbm>>
      tpu.wait_indirect_dma semaphore(%arg19 : memref<!tpu.dma_semaphore, #tpu.memory_space<semaphore_mem>>) src(%dma_wait3A_2324 : memref<320000xf32, #tpu.memory_space<hbm>>) dst(%dma_wait3A_2320 : memref<128xf32, #tpu.memory_space<vmem>>)
      %dma_wait3A_2325 = arith.constant 0 : i32
      %dma_wait3A_2326 = tpu.memref_slice %arg14[%cond3A_102, %dma_wait3A_2325] : memref<49x128xf32, #tpu.memory_space<vmem>> -> memref<1x128xf32, #tpu.memory_space<vmem>>
      %dma_wait3A_2327 = tpu.memref_squeeze %dma_wait3A_2326 : memref<1x128xf32, #tpu.memory_space<vmem>> -> memref<128xf32, #tpu.memory_space<vmem>>
      %dma_wait3A_2328 = arith.constant 3584 : i32
      %dma_wait3A_2329 = tpu.memref_slice %arg12[%dma_wait3A_2328] : memref<6272xi32, #tpu.memory_space<vmem>> -> memref<128xi32, #tpu.memory_space<vmem>>
      %dma_wait3A_2330 = arith.constant 0 : i32
      %dma_wait3A_2331 = tpu.memref_slice %arg5[%dma_wait3A_2330] : memref<320000xf32, #tpu.memory_space<hbm>> -> memref<320000xf32, #tpu.memory_space<hbm>>
      tpu.wait_indirect_dma semaphore(%arg19 : memref<!tpu.dma_semaphore, #tpu.memory_space<semaphore_mem>>) src(%dma_wait3A_2331 : memref<320000xf32, #tpu.memory_space<hbm>>) dst(%dma_wait3A_2327 : memref<128xf32, #tpu.memory_space<vmem>>)
      %dma_wait3A_2332 = arith.constant 0 : i32
      %dma_wait3A_2333 = tpu.memref_slice %arg14[%cond3A_103, %dma_wait3A_2332] : memref<49x128xf32, #tpu.memory_space<vmem>> -> memref<1x128xf32, #tpu.memory_space<vmem>>
      %dma_wait3A_2334 = tpu.memref_squeeze %dma_wait3A_2333 : memref<1x128xf32, #tpu.memory_space<vmem>> -> memref<128xf32, #tpu.memory_space<vmem>>
      %dma_wait3A_2335 = arith.constant 3712 : i32
      %dma_wait3A_2336 = tpu.memref_slice %arg12[%dma_wait3A_2335] : memref<6272xi32, #tpu.memory_space<vmem>> -> memref<128xi32, #tpu.memory_space<vmem>>
      %dma_wait3A_2337 = arith.constant 0 : i32
      %dma_wait3A_2338 = tpu.memref_slice %arg5[%dma_wait3A_2337] : memref<320000xf32, #tpu.memory_space<hbm>> -> memref<320000xf32, #tpu.memory_space<hbm>>
      tpu.wait_indirect_dma semaphore(%arg19 : memref<!tpu.dma_semaphore, #tpu.memory_space<semaphore_mem>>) src(%dma_wait3A_2338 : memref<320000xf32, #tpu.memory_space<hbm>>) dst(%dma_wait3A_2334 : memref<128xf32, #tpu.memory_space<vmem>>)
      %dma_wait3A_2339 = arith.constant 0 : i32
      %dma_wait3A_2340 = tpu.memref_slice %arg14[%cond3A_104, %dma_wait3A_2339] : memref<49x128xf32, #tpu.memory_space<vmem>> -> memref<1x128xf32, #tpu.memory_space<vmem>>
      %dma_wait3A_2341 = tpu.memref_squeeze %dma_wait3A_2340 : memref<1x128xf32, #tpu.memory_space<vmem>> -> memref<128xf32, #tpu.memory_space<vmem>>
      %dma_wait3A_2342 = arith.constant 3840 : i32
      %dma_wait3A_2343 = tpu.memref_slice %arg12[%dma_wait3A_2342] : memref<6272xi32, #tpu.memory_space<vmem>> -> memref<128xi32, #tpu.memory_space<vmem>>
      %dma_wait3A_2344 = arith.constant 0 : i32
      %dma_wait3A_2345 = tpu.memref_slice %arg5[%dma_wait3A_2344] : memref<320000xf32, #tpu.memory_space<hbm>> -> memref<320000xf32, #tpu.memory_space<hbm>>
      tpu.wait_indirect_dma semaphore(%arg19 : memref<!tpu.dma_semaphore, #tpu.memory_space<semaphore_mem>>) src(%dma_wait3A_2345 : memref<320000xf32, #tpu.memory_space<hbm>>) dst(%dma_wait3A_2341 : memref<128xf32, #tpu.memory_space<vmem>>)
      %dma_wait3A_2346 = arith.constant 0 : i32
      %dma_wait3A_2347 = tpu.memref_slice %arg14[%cond3A_105, %dma_wait3A_2346] : memref<49x128xf32, #tpu.memory_space<vmem>> -> memref<1x128xf32, #tpu.memory_space<vmem>>
      %dma_wait3A_2348 = tpu.memref_squeeze %dma_wait3A_2347 : memref<1x128xf32, #tpu.memory_space<vmem>> -> memref<128xf32, #tpu.memory_space<vmem>>
      %dma_wait3A_2349 = arith.constant 3968 : i32
      %dma_wait3A_2350 = tpu.memref_slice %arg12[%dma_wait3A_2349] : memref<6272xi32, #tpu.memory_space<vmem>> -> memref<128xi32, #tpu.memory_space<vmem>>
      %dma_wait3A_2351 = arith.constant 0 : i32
      %dma_wait3A_2352 = tpu.memref_slice %arg5[%dma_wait3A_2351] : memref<320000xf32, #tpu.memory_space<hbm>> -> memref<320000xf32, #tpu.memory_space<hbm>>
      tpu.wait_indirect_dma semaphore(%arg19 : memref<!tpu.dma_semaphore, #tpu.memory_space<semaphore_mem>>) src(%dma_wait3A_2352 : memref<320000xf32, #tpu.memory_space<hbm>>) dst(%dma_wait3A_2348 : memref<128xf32, #tpu.memory_space<vmem>>)
      %dma_wait3A_2353 = arith.constant 0 : i32
      %dma_wait3A_2354 = tpu.memref_slice %arg14[%cond3A_106, %dma_wait3A_2353] : memref<49x128xf32, #tpu.memory_space<vmem>> -> memref<1x128xf32, #tpu.memory_space<vmem>>
      %dma_wait3A_2355 = tpu.memref_squeeze %dma_wait3A_2354 : memref<1x128xf32, #tpu.memory_space<vmem>> -> memref<128xf32, #tpu.memory_space<vmem>>
      %dma_wait3A_2356 = arith.constant 4096 : i32
      %dma_wait3A_2357 = tpu.memref_slice %arg12[%dma_wait3A_2356] : memref<6272xi32, #tpu.memory_space<vmem>> -> memref<128xi32, #tpu.memory_space<vmem>>
      %dma_wait3A_2358 = arith.constant 0 : i32
      %dma_wait3A_2359 = tpu.memref_slice %arg5[%dma_wait3A_2358] : memref<320000xf32, #tpu.memory_space<hbm>> -> memref<320000xf32, #tpu.memory_space<hbm>>
      tpu.wait_indirect_dma semaphore(%arg19 : memref<!tpu.dma_semaphore, #tpu.memory_space<semaphore_mem>>) src(%dma_wait3A_2359 : memref<320000xf32, #tpu.memory_space<hbm>>) dst(%dma_wait3A_2355 : memref<128xf32, #tpu.memory_space<vmem>>)
      %dma_wait3A_2360 = arith.constant 0 : i32
      %dma_wait3A_2361 = tpu.memref_slice %arg14[%cond3A_107, %dma_wait3A_2360] : memref<49x128xf32, #tpu.memory_space<vmem>> -> memref<1x128xf32, #tpu.memory_space<vmem>>
      %dma_wait3A_2362 = tpu.memref_squeeze %dma_wait3A_2361 : memref<1x128xf32, #tpu.memory_space<vmem>> -> memref<128xf32, #tpu.memory_space<vmem>>
      %dma_wait3A_2363 = arith.constant 4224 : i32
      %dma_wait3A_2364 = tpu.memref_slice %arg12[%dma_wait3A_2363] : memref<6272xi32, #tpu.memory_space<vmem>> -> memref<128xi32, #tpu.memory_space<vmem>>
      %dma_wait3A_2365 = arith.constant 0 : i32
      %dma_wait3A_2366 = tpu.memref_slice %arg5[%dma_wait3A_2365] : memref<320000xf32, #tpu.memory_space<hbm>> -> memref<320000xf32, #tpu.memory_space<hbm>>
      tpu.wait_indirect_dma semaphore(%arg19 : memref<!tpu.dma_semaphore, #tpu.memory_space<semaphore_mem>>) src(%dma_wait3A_2366 : memref<320000xf32, #tpu.memory_space<hbm>>) dst(%dma_wait3A_2362 : memref<128xf32, #tpu.memory_space<vmem>>)
      %dma_wait3A_2367 = arith.constant 0 : i32
      %dma_wait3A_2368 = tpu.memref_slice %arg14[%cond3A_108, %dma_wait3A_2367] : memref<49x128xf32, #tpu.memory_space<vmem>> -> memref<1x128xf32, #tpu.memory_space<vmem>>
      %dma_wait3A_2369 = tpu.memref_squeeze %dma_wait3A_2368 : memref<1x128xf32, #tpu.memory_space<vmem>> -> memref<128xf32, #tpu.memory_space<vmem>>
      %dma_wait3A_2370 = arith.constant 4352 : i32
      %dma_wait3A_2371 = tpu.memref_slice %arg12[%dma_wait3A_2370] : memref<6272xi32, #tpu.memory_space<vmem>> -> memref<128xi32, #tpu.memory_space<vmem>>
      %dma_wait3A_2372 = arith.constant 0 : i32
      %dma_wait3A_2373 = tpu.memref_slice %arg5[%dma_wait3A_2372] : memref<320000xf32, #tpu.memory_space<hbm>> -> memref<320000xf32, #tpu.memory_space<hbm>>
      tpu.wait_indirect_dma semaphore(%arg19 : memref<!tpu.dma_semaphore, #tpu.memory_space<semaphore_mem>>) src(%dma_wait3A_2373 : memref<320000xf32, #tpu.memory_space<hbm>>) dst(%dma_wait3A_2369 : memref<128xf32, #tpu.memory_space<vmem>>)
      %dma_wait3A_2374 = arith.constant 0 : i32
      %dma_wait3A_2375 = tpu.memref_slice %arg14[%cond3A_109, %dma_wait3A_2374] : memref<49x128xf32, #tpu.memory_space<vmem>> -> memref<1x128xf32, #tpu.memory_space<vmem>>
      %dma_wait3A_2376 = tpu.memref_squeeze %dma_wait3A_2375 : memref<1x128xf32, #tpu.memory_space<vmem>> -> memref<128xf32, #tpu.memory_space<vmem>>
      %dma_wait3A_2377 = arith.constant 4480 : i32
      %dma_wait3A_2378 = tpu.memref_slice %arg12[%dma_wait3A_2377] : memref<6272xi32, #tpu.memory_space<vmem>> -> memref<128xi32, #tpu.memory_space<vmem>>
      %dma_wait3A_2379 = arith.constant 0 : i32
      %dma_wait3A_2380 = tpu.memref_slice %arg5[%dma_wait3A_2379] : memref<320000xf32, #tpu.memory_space<hbm>> -> memref<320000xf32, #tpu.memory_space<hbm>>
      tpu.wait_indirect_dma semaphore(%arg19 : memref<!tpu.dma_semaphore, #tpu.memory_space<semaphore_mem>>) src(%dma_wait3A_2380 : memref<320000xf32, #tpu.memory_space<hbm>>) dst(%dma_wait3A_2376 : memref<128xf32, #tpu.memory_space<vmem>>)
      %dma_wait3A_2381 = arith.constant 0 : i32
      %dma_wait3A_2382 = tpu.memref_slice %arg14[%cond3A_110, %dma_wait3A_2381] : memref<49x128xf32, #tpu.memory_space<vmem>> -> memref<1x128xf32, #tpu.memory_space<vmem>>
      %dma_wait3A_2383 = tpu.memref_squeeze %dma_wait3A_2382 : memref<1x128xf32, #tpu.memory_space<vmem>> -> memref<128xf32, #tpu.memory_space<vmem>>
      %dma_wait3A_2384 = arith.constant 4608 : i32
      %dma_wait3A_2385 = tpu.memref_slice %arg12[%dma_wait3A_2384] : memref<6272xi32, #tpu.memory_space<vmem>> -> memref<128xi32, #tpu.memory_space<vmem>>
      %dma_wait3A_2386 = arith.constant 0 : i32
      %dma_wait3A_2387 = tpu.memref_slice %arg5[%dma_wait3A_2386] : memref<320000xf32, #tpu.memory_space<hbm>> -> memref<320000xf32, #tpu.memory_space<hbm>>
      tpu.wait_indirect_dma semaphore(%arg19 : memref<!tpu.dma_semaphore, #tpu.memory_space<semaphore_mem>>) src(%dma_wait3A_2387 : memref<320000xf32, #tpu.memory_space<hbm>>) dst(%dma_wait3A_2383 : memref<128xf32, #tpu.memory_space<vmem>>)
      %dma_wait3A_2388 = arith.constant 0 : i32
      %dma_wait3A_2389 = tpu.memref_slice %arg14[%cond3A_111, %dma_wait3A_2388] : memref<49x128xf32, #tpu.memory_space<vmem>> -> memref<1x128xf32, #tpu.memory_space<vmem>>
      %dma_wait3A_2390 = tpu.memref_squeeze %dma_wait3A_2389 : memref<1x128xf32, #tpu.memory_space<vmem>> -> memref<128xf32, #tpu.memory_space<vmem>>
      %dma_wait3A_2391 = arith.constant 4736 : i32
      %dma_wait3A_2392 = tpu.memref_slice %arg12[%dma_wait3A_2391] : memref<6272xi32, #tpu.memory_space<vmem>> -> memref<128xi32, #tpu.memory_space<vmem>>
      %dma_wait3A_2393 = arith.constant 0 : i32
      %dma_wait3A_2394 = tpu.memref_slice %arg5[%dma_wait3A_2393] : memref<320000xf32, #tpu.memory_space<hbm>> -> memref<320000xf32, #tpu.memory_space<hbm>>
      tpu.wait_indirect_dma semaphore(%arg19 : memref<!tpu.dma_semaphore, #tpu.memory_space<semaphore_mem>>) src(%dma_wait3A_2394 : memref<320000xf32, #tpu.memory_space<hbm>>) dst(%dma_wait3A_2390 : memref<128xf32, #tpu.memory_space<vmem>>)
      %dma_wait3A_2395 = arith.constant 0 : i32
      %dma_wait3A_2396 = tpu.memref_slice %arg14[%cond3A_112, %dma_wait3A_2395] : memref<49x128xf32, #tpu.memory_space<vmem>> -> memref<1x128xf32, #tpu.memory_space<vmem>>
      %dma_wait3A_2397 = tpu.memref_squeeze %dma_wait3A_2396 : memref<1x128xf32, #tpu.memory_space<vmem>> -> memref<128xf32, #tpu.memory_space<vmem>>
      %dma_wait3A_2398 = arith.constant 4864 : i32
      %dma_wait3A_2399 = tpu.memref_slice %arg12[%dma_wait3A_2398] : memref<6272xi32, #tpu.memory_space<vmem>> -> memref<128xi32, #tpu.memory_space<vmem>>
      %dma_wait3A_2400 = arith.constant 0 : i32
      %dma_wait3A_2401 = tpu.memref_slice %arg5[%dma_wait3A_2400] : memref<320000xf32, #tpu.memory_space<hbm>> -> memref<320000xf32, #tpu.memory_space<hbm>>
      tpu.wait_indirect_dma semaphore(%arg19 : memref<!tpu.dma_semaphore, #tpu.memory_space<semaphore_mem>>) src(%dma_wait3A_2401 : memref<320000xf32, #tpu.memory_space<hbm>>) dst(%dma_wait3A_2397 : memref<128xf32, #tpu.memory_space<vmem>>)
      %dma_wait3A_2402 = arith.constant 0 : i32
      %dma_wait3A_2403 = tpu.memref_slice %arg14[%cond3A_113, %dma_wait3A_2402] : memref<49x128xf32, #tpu.memory_space<vmem>> -> memref<1x128xf32, #tpu.memory_space<vmem>>
      %dma_wait3A_2404 = tpu.memref_squeeze %dma_wait3A_2403 : memref<1x128xf32, #tpu.memory_space<vmem>> -> memref<128xf32, #tpu.memory_space<vmem>>
      %dma_wait3A_2405 = arith.constant 4992 : i32
      %dma_wait3A_2406 = tpu.memref_slice %arg12[%dma_wait3A_2405] : memref<6272xi32, #tpu.memory_space<vmem>> -> memref<128xi32, #tpu.memory_space<vmem>>
      %dma_wait3A_2407 = arith.constant 0 : i32
      %dma_wait3A_2408 = tpu.memref_slice %arg5[%dma_wait3A_2407] : memref<320000xf32, #tpu.memory_space<hbm>> -> memref<320000xf32, #tpu.memory_space<hbm>>
      tpu.wait_indirect_dma semaphore(%arg19 : memref<!tpu.dma_semaphore, #tpu.memory_space<semaphore_mem>>) src(%dma_wait3A_2408 : memref<320000xf32, #tpu.memory_space<hbm>>) dst(%dma_wait3A_2404 : memref<128xf32, #tpu.memory_space<vmem>>)
      %dma_wait3A_2409 = arith.constant 0 : i32
      %dma_wait3A_2410 = tpu.memref_slice %arg14[%cond3A_114, %dma_wait3A_2409] : memref<49x128xf32, #tpu.memory_space<vmem>> -> memref<1x128xf32, #tpu.memory_space<vmem>>
      %dma_wait3A_2411 = tpu.memref_squeeze %dma_wait3A_2410 : memref<1x128xf32, #tpu.memory_space<vmem>> -> memref<128xf32, #tpu.memory_space<vmem>>
      %dma_wait3A_2412 = arith.constant 5120 : i32
      %dma_wait3A_2413 = tpu.memref_slice %arg12[%dma_wait3A_2412] : memref<6272xi32, #tpu.memory_space<vmem>> -> memref<128xi32, #tpu.memory_space<vmem>>
      %dma_wait3A_2414 = arith.constant 0 : i32
      %dma_wait3A_2415 = tpu.memref_slice %arg5[%dma_wait3A_2414] : memref<320000xf32, #tpu.memory_space<hbm>> -> memref<320000xf32, #tpu.memory_space<hbm>>
      tpu.wait_indirect_dma semaphore(%arg19 : memref<!tpu.dma_semaphore, #tpu.memory_space<semaphore_mem>>) src(%dma_wait3A_2415 : memref<320000xf32, #tpu.memory_space<hbm>>) dst(%dma_wait3A_2411 : memref<128xf32, #tpu.memory_space<vmem>>)
      %dma_wait3A_2416 = arith.constant 0 : i32
      %dma_wait3A_2417 = tpu.memref_slice %arg14[%cond3A_115, %dma_wait3A_2416] : memref<49x128xf32, #tpu.memory_space<vmem>> -> memref<1x128xf32, #tpu.memory_space<vmem>>
      %dma_wait3A_2418 = tpu.memref_squeeze %dma_wait3A_2417 : memref<1x128xf32, #tpu.memory_space<vmem>> -> memref<128xf32, #tpu.memory_space<vmem>>
      %dma_wait3A_2419 = arith.constant 5248 : i32
      %dma_wait3A_2420 = tpu.memref_slice %arg12[%dma_wait3A_2419] : memref<6272xi32, #tpu.memory_space<vmem>> -> memref<128xi32, #tpu.memory_space<vmem>>
      %dma_wait3A_2421 = arith.constant 0 : i32
      %dma_wait3A_2422 = tpu.memref_slice %arg5[%dma_wait3A_2421] : memref<320000xf32, #tpu.memory_space<hbm>> -> memref<320000xf32, #tpu.memory_space<hbm>>
      tpu.wait_indirect_dma semaphore(%arg19 : memref<!tpu.dma_semaphore, #tpu.memory_space<semaphore_mem>>) src(%dma_wait3A_2422 : memref<320000xf32, #tpu.memory_space<hbm>>) dst(%dma_wait3A_2418 : memref<128xf32, #tpu.memory_space<vmem>>)
      %dma_wait3A_2423 = arith.constant 0 : i32
      %dma_wait3A_2424 = tpu.memref_slice %arg14[%cond3A_116, %dma_wait3A_2423] : memref<49x128xf32, #tpu.memory_space<vmem>> -> memref<1x128xf32, #tpu.memory_space<vmem>>
      %dma_wait3A_2425 = tpu.memref_squeeze %dma_wait3A_2424 : memref<1x128xf32, #tpu.memory_space<vmem>> -> memref<128xf32, #tpu.memory_space<vmem>>
      %dma_wait3A_2426 = arith.constant 5376 : i32
      %dma_wait3A_2427 = tpu.memref_slice %arg12[%dma_wait3A_2426] : memref<6272xi32, #tpu.memory_space<vmem>> -> memref<128xi32, #tpu.memory_space<vmem>>
      %dma_wait3A_2428 = arith.constant 0 : i32
      %dma_wait3A_2429 = tpu.memref_slice %arg5[%dma_wait3A_2428] : memref<320000xf32, #tpu.memory_space<hbm>> -> memref<320000xf32, #tpu.memory_space<hbm>>
      tpu.wait_indirect_dma semaphore(%arg19 : memref<!tpu.dma_semaphore, #tpu.memory_space<semaphore_mem>>) src(%dma_wait3A_2429 : memref<320000xf32, #tpu.memory_space<hbm>>) dst(%dma_wait3A_2425 : memref<128xf32, #tpu.memory_space<vmem>>)
      %dma_wait3A_2430 = arith.constant 0 : i32
      %dma_wait3A_2431 = tpu.memref_slice %arg14[%cond3A_117, %dma_wait3A_2430] : memref<49x128xf32, #tpu.memory_space<vmem>> -> memref<1x128xf32, #tpu.memory_space<vmem>>
      %dma_wait3A_2432 = tpu.memref_squeeze %dma_wait3A_2431 : memref<1x128xf32, #tpu.memory_space<vmem>> -> memref<128xf32, #tpu.memory_space<vmem>>
      %dma_wait3A_2433 = arith.constant 5504 : i32
      %dma_wait3A_2434 = tpu.memref_slice %arg12[%dma_wait3A_2433] : memref<6272xi32, #tpu.memory_space<vmem>> -> memref<128xi32, #tpu.memory_space<vmem>>
      %dma_wait3A_2435 = arith.constant 0 : i32
      %dma_wait3A_2436 = tpu.memref_slice %arg5[%dma_wait3A_2435] : memref<320000xf32, #tpu.memory_space<hbm>> -> memref<320000xf32, #tpu.memory_space<hbm>>
      tpu.wait_indirect_dma semaphore(%arg19 : memref<!tpu.dma_semaphore, #tpu.memory_space<semaphore_mem>>) src(%dma_wait3A_2436 : memref<320000xf32, #tpu.memory_space<hbm>>) dst(%dma_wait3A_2432 : memref<128xf32, #tpu.memory_space<vmem>>)
      %dma_wait3A_2437 = arith.constant 0 : i32
      %dma_wait3A_2438 = tpu.memref_slice %arg14[%cond3A_118, %dma_wait3A_2437] : memref<49x128xf32, #tpu.memory_space<vmem>> -> memref<1x128xf32, #tpu.memory_space<vmem>>
      %dma_wait3A_2439 = tpu.memref_squeeze %dma_wait3A_2438 : memref<1x128xf32, #tpu.memory_space<vmem>> -> memref<128xf32, #tpu.memory_space<vmem>>
      %dma_wait3A_2440 = arith.constant 5632 : i32
      %dma_wait3A_2441 = tpu.memref_slice %arg12[%dma_wait3A_2440] : memref<6272xi32, #tpu.memory_space<vmem>> -> memref<128xi32, #tpu.memory_space<vmem>>
      %dma_wait3A_2442 = arith.constant 0 : i32
      %dma_wait3A_2443 = tpu.memref_slice %arg5[%dma_wait3A_2442] : memref<320000xf32, #tpu.memory_space<hbm>> -> memref<320000xf32, #tpu.memory_space<hbm>>
      tpu.wait_indirect_dma semaphore(%arg19 : memref<!tpu.dma_semaphore, #tpu.memory_space<semaphore_mem>>) src(%dma_wait3A_2443 : memref<320000xf32, #tpu.memory_space<hbm>>) dst(%dma_wait3A_2439 : memref<128xf32, #tpu.memory_space<vmem>>)
      %dma_wait3A_2444 = arith.constant 0 : i32
      %dma_wait3A_2445 = tpu.memref_slice %arg14[%cond3A_119, %dma_wait3A_2444] : memref<49x128xf32, #tpu.memory_space<vmem>> -> memref<1x128xf32, #tpu.memory_space<vmem>>
      %dma_wait3A_2446 = tpu.memref_squeeze %dma_wait3A_2445 : memref<1x128xf32, #tpu.memory_space<vmem>> -> memref<128xf32, #tpu.memory_space<vmem>>
      %dma_wait3A_2447 = arith.constant 5760 : i32
      %dma_wait3A_2448 = tpu.memref_slice %arg12[%dma_wait3A_2447] : memref<6272xi32, #tpu.memory_space<vmem>> -> memref<128xi32, #tpu.memory_space<vmem>>
      %dma_wait3A_2449 = arith.constant 0 : i32
      %dma_wait3A_2450 = tpu.memref_slice %arg5[%dma_wait3A_2449] : memref<320000xf32, #tpu.memory_space<hbm>> -> memref<320000xf32, #tpu.memory_space<hbm>>
      tpu.wait_indirect_dma semaphore(%arg19 : memref<!tpu.dma_semaphore, #tpu.memory_space<semaphore_mem>>) src(%dma_wait3A_2450 : memref<320000xf32, #tpu.memory_space<hbm>>) dst(%dma_wait3A_2446 : memref<128xf32, #tpu.memory_space<vmem>>)
      %dma_wait3A_2451 = arith.constant 0 : i32
      %dma_wait3A_2452 = tpu.memref_slice %arg14[%cond3A_120, %dma_wait3A_2451] : memref<49x128xf32, #tpu.memory_space<vmem>> -> memref<1x128xf32, #tpu.memory_space<vmem>>
      %dma_wait3A_2453 = tpu.memref_squeeze %dma_wait3A_2452 : memref<1x128xf32, #tpu.memory_space<vmem>> -> memref<128xf32, #tpu.memory_space<vmem>>
      %dma_wait3A_2454 = arith.constant 5888 : i32
      %dma_wait3A_2455 = tpu.memref_slice %arg12[%dma_wait3A_2454] : memref<6272xi32, #tpu.memory_space<vmem>> -> memref<128xi32, #tpu.memory_space<vmem>>
      %dma_wait3A_2456 = arith.constant 0 : i32
      %dma_wait3A_2457 = tpu.memref_slice %arg5[%dma_wait3A_2456] : memref<320000xf32, #tpu.memory_space<hbm>> -> memref<320000xf32, #tpu.memory_space<hbm>>
      tpu.wait_indirect_dma semaphore(%arg19 : memref<!tpu.dma_semaphore, #tpu.memory_space<semaphore_mem>>) src(%dma_wait3A_2457 : memref<320000xf32, #tpu.memory_space<hbm>>) dst(%dma_wait3A_2453 : memref<128xf32, #tpu.memory_space<vmem>>)
      %dma_wait3A_2458 = arith.constant 0 : i32
      %dma_wait3A_2459 = tpu.memref_slice %arg14[%cond3A_121, %dma_wait3A_2458] : memref<49x128xf32, #tpu.memory_space<vmem>> -> memref<1x128xf32, #tpu.memory_space<vmem>>
      %dma_wait3A_2460 = tpu.memref_squeeze %dma_wait3A_2459 : memref<1x128xf32, #tpu.memory_space<vmem>> -> memref<128xf32, #tpu.memory_space<vmem>>
      %dma_wait3A_2461 = arith.constant 6016 : i32
      %dma_wait3A_2462 = tpu.memref_slice %arg12[%dma_wait3A_2461] : memref<6272xi32, #tpu.memory_space<vmem>> -> memref<128xi32, #tpu.memory_space<vmem>>
      %dma_wait3A_2463 = arith.constant 0 : i32
      %dma_wait3A_2464 = tpu.memref_slice %arg5[%dma_wait3A_2463] : memref<320000xf32, #tpu.memory_space<hbm>> -> memref<320000xf32, #tpu.memory_space<hbm>>
      tpu.wait_indirect_dma semaphore(%arg19 : memref<!tpu.dma_semaphore, #tpu.memory_space<semaphore_mem>>) src(%dma_wait3A_2464 : memref<320000xf32, #tpu.memory_space<hbm>>) dst(%dma_wait3A_2460 : memref<128xf32, #tpu.memory_space<vmem>>)
      %dma_wait3A_2465 = arith.constant 0 : i32
      %dma_wait3A_2466 = tpu.memref_slice %arg14[%cond3A_122, %dma_wait3A_2465] : memref<49x128xf32, #tpu.memory_space<vmem>> -> memref<1x128xf32, #tpu.memory_space<vmem>>
      %dma_wait3A_2467 = tpu.memref_squeeze %dma_wait3A_2466 : memref<1x128xf32, #tpu.memory_space<vmem>> -> memref<128xf32, #tpu.memory_space<vmem>>
      %dma_wait3A_2468 = arith.constant 6144 : i32
      %dma_wait3A_2469 = tpu.memref_slice %arg12[%dma_wait3A_2468] : memref<6272xi32, #tpu.memory_space<vmem>> -> memref<128xi32, #tpu.memory_space<vmem>>
      %dma_wait3A_2470 = arith.constant 0 : i32
      %dma_wait3A_2471 = tpu.memref_slice %arg5[%dma_wait3A_2470] : memref<320000xf32, #tpu.memory_space<hbm>> -> memref<320000xf32, #tpu.memory_space<hbm>>
      tpu.wait_indirect_dma semaphore(%arg19 : memref<!tpu.dma_semaphore, #tpu.memory_space<semaphore_mem>>) src(%dma_wait3A_2471 : memref<320000xf32, #tpu.memory_space<hbm>>) dst(%dma_wait3A_2467 : memref<128xf32, #tpu.memory_space<vmem>>)
      "tpu.trace_stop"() : () -> ()
    } else {
    }
    %barrier3A = arith.constant 0 : index
    tpu.barrier barrier_id(%barrier3A)
    %dma_start3A = arith.constant 0 : i32
    %dma_start3A_125 = arith.constant 0 : i32
    "tpu.trace_stop"() : () -> ()
    "tpu.trace_start"() <{level = 10 : i32, message = "sc_scatter_0"}> : () -> ()
    %dma_start3A_126 = arith.constant 0 : i32
    %dma_start3A_127 = tpu.memref_slice %arg14[%dma_start3A, %dma_start3A_126] : memref<49x128xf32, #tpu.memory_space<vmem>> -> memref<1x128xf32, #tpu.memory_space<vmem>>
    %dma_start3A_128 = tpu.memref_squeeze %dma_start3A_127 : memref<1x128xf32, #tpu.memory_space<vmem>> -> memref<128xf32, #tpu.memory_space<vmem>>
    %dma_start3A_129 = arith.constant 0 : i32
    %dma_start3A_130 = tpu.memref_slice %arg13[%dma_start3A_125, %dma_start3A_129] : memref<49x128xi32, #tpu.memory_space<vmem>> -> memref<1x128xi32, #tpu.memory_space<vmem>>
    %dma_start3A_131 = tpu.memref_squeeze %dma_start3A_130 : memref<1x128xi32, #tpu.memory_space<vmem>> -> memref<128xi32, #tpu.memory_space<vmem>>
    %dma_start3A_132 = arith.constant 0 : i32
    %dma_start3A_133 = tpu.memref_slice %arg17[%dma_start3A_132] : memref<512256xf32, #tpu.memory_space<vmem_shared>> -> memref<512256xf32, #tpu.memory_space<vmem_shared>>
    tpu.enqueue_indirect_dma source(%dma_start3A_128 : memref<128xf32, #tpu.memory_space<vmem>>) target(%dma_start3A_133 : memref<512256xf32, #tpu.memory_space<vmem_shared>>) offsets(%dma_start3A_131 : memref<128xi32, #tpu.memory_space<vmem>>) semaphore(%arg18 : memref<!tpu.dma_semaphore, #tpu.memory_space<semaphore_mem>>) {add = true}
    %dma_start3A_134 = arith.constant 1 : i32
    %dma_start3A_135 = arith.constant 1 : i32
    %dma_start3A_136 = arith.constant 0 : i32
    %dma_start3A_137 = tpu.memref_slice %arg14[%dma_start3A_134, %dma_start3A_136] : memref<49x128xf32, #tpu.memory_space<vmem>> -> memref<1x128xf32, #tpu.memory_space<vmem>>
    %dma_start3A_138 = tpu.memref_squeeze %dma_start3A_137 : memref<1x128xf32, #tpu.memory_space<vmem>> -> memref<128xf32, #tpu.memory_space<vmem>>
    %dma_start3A_139 = arith.constant 0 : i32
    %dma_start3A_140 = tpu.memref_slice %arg13[%dma_start3A_135, %dma_start3A_139] : memref<49x128xi32, #tpu.memory_space<vmem>> -> memref<1x128xi32, #tpu.memory_space<vmem>>
    %dma_start3A_141 = tpu.memref_squeeze %dma_start3A_140 : memref<1x128xi32, #tpu.memory_space<vmem>> -> memref<128xi32, #tpu.memory_space<vmem>>
    %dma_start3A_142 = arith.constant 0 : i32
    %dma_start3A_143 = tpu.memref_slice %arg17[%dma_start3A_142] : memref<512256xf32, #tpu.memory_space<vmem_shared>> -> memref<512256xf32, #tpu.memory_space<vmem_shared>>
    tpu.enqueue_indirect_dma source(%dma_start3A_138 : memref<128xf32, #tpu.memory_space<vmem>>) target(%dma_start3A_143 : memref<512256xf32, #tpu.memory_space<vmem_shared>>) offsets(%dma_start3A_141 : memref<128xi32, #tpu.memory_space<vmem>>) semaphore(%arg18 : memref<!tpu.dma_semaphore, #tpu.memory_space<semaphore_mem>>) {add = true}
    %dma_start3A_144 = arith.constant 2 : i32
    %dma_start3A_145 = arith.constant 2 : i32
    %dma_start3A_146 = arith.constant 0 : i32
    %dma_start3A_147 = tpu.memref_slice %arg14[%dma_start3A_144, %dma_start3A_146] : memref<49x128xf32, #tpu.memory_space<vmem>> -> memref<1x128xf32, #tpu.memory_space<vmem>>
    %dma_start3A_148 = tpu.memref_squeeze %dma_start3A_147 : memref<1x128xf32, #tpu.memory_space<vmem>> -> memref<128xf32, #tpu.memory_space<vmem>>
    %dma_start3A_149 = arith.constant 0 : i32
    %dma_start3A_150 = tpu.memref_slice %arg13[%dma_start3A_145, %dma_start3A_149] : memref<49x128xi32, #tpu.memory_space<vmem>> -> memref<1x128xi32, #tpu.memory_space<vmem>>
    %dma_start3A_151 = tpu.memref_squeeze %dma_start3A_150 : memref<1x128xi32, #tpu.memory_space<vmem>> -> memref<128xi32, #tpu.memory_space<vmem>>
    %dma_start3A_152 = arith.constant 0 : i32
    %dma_start3A_153 = tpu.memref_slice %arg17[%dma_start3A_152] : memref<512256xf32, #tpu.memory_space<vmem_shared>> -> memref<512256xf32, #tpu.memory_space<vmem_shared>>
    tpu.enqueue_indirect_dma source(%dma_start3A_148 : memref<128xf32, #tpu.memory_space<vmem>>) target(%dma_start3A_153 : memref<512256xf32, #tpu.memory_space<vmem_shared>>) offsets(%dma_start3A_151 : memref<128xi32, #tpu.memory_space<vmem>>) semaphore(%arg18 : memref<!tpu.dma_semaphore, #tpu.memory_space<semaphore_mem>>) {add = true}
    %dma_start3A_154 = arith.constant 3 : i32
    %dma_start3A_155 = arith.constant 3 : i32
    %dma_start3A_156 = arith.constant 0 : i32
    %dma_start3A_157 = tpu.memref_slice %arg14[%dma_start3A_154, %dma_start3A_156] : memref<49x128xf32, #tpu.memory_space<vmem>> -> memref<1x128xf32, #tpu.memory_space<vmem>>
    %dma_start3A_158 = tpu.memref_squeeze %dma_start3A_157 : memref<1x128xf32, #tpu.memory_space<vmem>> -> memref<128xf32, #tpu.memory_space<vmem>>
    %dma_start3A_159 = arith.constant 0 : i32
    %dma_start3A_160 = tpu.memref_slice %arg13[%dma_start3A_155, %dma_start3A_159] : memref<49x128xi32, #tpu.memory_space<vmem>> -> memref<1x128xi32, #tpu.memory_space<vmem>>
    %dma_start3A_161 = tpu.memref_squeeze %dma_start3A_160 : memref<1x128xi32, #tpu.memory_space<vmem>> -> memref<128xi32, #tpu.memory_space<vmem>>
    %dma_start3A_162 = arith.constant 0 : i32
    %dma_start3A_163 = tpu.memref_slice %arg17[%dma_start3A_162] : memref<512256xf32, #tpu.memory_space<vmem_shared>> -> memref<512256xf32, #tpu.memory_space<vmem_shared>>
    tpu.enqueue_indirect_dma source(%dma_start3A_158 : memref<128xf32, #tpu.memory_space<vmem>>) target(%dma_start3A_163 : memref<512256xf32, #tpu.memory_space<vmem_shared>>) offsets(%dma_start3A_161 : memref<128xi32, #tpu.memory_space<vmem>>) semaphore(%arg18 : memref<!tpu.dma_semaphore, #tpu.memory_space<semaphore_mem>>) {add = true}
    %dma_start3A_164 = arith.constant 4 : i32
    %dma_start3A_165 = arith.constant 4 : i32
    %dma_start3A_166 = arith.constant 0 : i32
    %dma_start3A_167 = tpu.memref_slice %arg14[%dma_start3A_164, %dma_start3A_166] : memref<49x128xf32, #tpu.memory_space<vmem>> -> memref<1x128xf32, #tpu.memory_space<vmem>>
    %dma_start3A_168 = tpu.memref_squeeze %dma_start3A_167 : memref<1x128xf32, #tpu.memory_space<vmem>> -> memref<128xf32, #tpu.memory_space<vmem>>
    %dma_start3A_169 = arith.constant 0 : i32
    %dma_start3A_170 = tpu.memref_slice %arg13[%dma_start3A_165, %dma_start3A_169] : memref<49x128xi32, #tpu.memory_space<vmem>> -> memref<1x128xi32, #tpu.memory_space<vmem>>
    %dma_start3A_171 = tpu.memref_squeeze %dma_start3A_170 : memref<1x128xi32, #tpu.memory_space<vmem>> -> memref<128xi32, #tpu.memory_space<vmem>>
    %dma_start3A_172 = arith.constant 0 : i32
    %dma_start3A_173 = tpu.memref_slice %arg17[%dma_start3A_172] : memref<512256xf32, #tpu.memory_space<vmem_shared>> -> memref<512256xf32, #tpu.memory_space<vmem_shared>>
    tpu.enqueue_indirect_dma source(%dma_start3A_168 : memref<128xf32, #tpu.memory_space<vmem>>) target(%dma_start3A_173 : memref<512256xf32, #tpu.memory_space<vmem_shared>>) offsets(%dma_start3A_171 : memref<128xi32, #tpu.memory_space<vmem>>) semaphore(%arg18 : memref<!tpu.dma_semaphore, #tpu.memory_space<semaphore_mem>>) {add = true}
    %dma_start3A_174 = arith.constant 5 : i32
    %dma_start3A_175 = arith.constant 5 : i32
    %dma_start3A_176 = arith.constant 0 : i32
    %dma_start3A_177 = tpu.memref_slice %arg14[%dma_start3A_174, %dma_start3A_176] : memref<49x128xf32, #tpu.memory_space<vmem>> -> memref<1x128xf32, #tpu.memory_space<vmem>>
    %dma_start3A_178 = tpu.memref_squeeze %dma_start3A_177 : memref<1x128xf32, #tpu.memory_space<vmem>> -> memref<128xf32, #tpu.memory_space<vmem>>
    %dma_start3A_179 = arith.constant 0 : i32
    %dma_start3A_180 = tpu.memref_slice %arg13[%dma_start3A_175, %dma_start3A_179] : memref<49x128xi32, #tpu.memory_space<vmem>> -> memref<1x128xi32, #tpu.memory_space<vmem>>
    %dma_start3A_181 = tpu.memref_squeeze %dma_start3A_180 : memref<1x128xi32, #tpu.memory_space<vmem>> -> memref<128xi32, #tpu.memory_space<vmem>>
    %dma_start3A_182 = arith.constant 0 : i32
    %dma_start3A_183 = tpu.memref_slice %arg17[%dma_start3A_182] : memref<512256xf32, #tpu.memory_space<vmem_shared>> -> memref<512256xf32, #tpu.memory_space<vmem_shared>>
    tpu.enqueue_indirect_dma source(%dma_start3A_178 : memref<128xf32, #tpu.memory_space<vmem>>) target(%dma_start3A_183 : memref<512256xf32, #tpu.memory_space<vmem_shared>>) offsets(%dma_start3A_181 : memref<128xi32, #tpu.memory_space<vmem>>) semaphore(%arg18 : memref<!tpu.dma_semaphore, #tpu.memory_space<semaphore_mem>>) {add = true}
    %dma_start3A_184 = arith.constant 6 : i32
    %dma_start3A_185 = arith.constant 6 : i32
    %dma_start3A_186 = arith.constant 0 : i32
    %dma_start3A_187 = tpu.memref_slice %arg14[%dma_start3A_184, %dma_start3A_186] : memref<49x128xf32, #tpu.memory_space<vmem>> -> memref<1x128xf32, #tpu.memory_space<vmem>>
    %dma_start3A_188 = tpu.memref_squeeze %dma_start3A_187 : memref<1x128xf32, #tpu.memory_space<vmem>> -> memref<128xf32, #tpu.memory_space<vmem>>
    %dma_start3A_189 = arith.constant 0 : i32
    %dma_start3A_190 = tpu.memref_slice %arg13[%dma_start3A_185, %dma_start3A_189] : memref<49x128xi32, #tpu.memory_space<vmem>> -> memref<1x128xi32, #tpu.memory_space<vmem>>
    %dma_start3A_191 = tpu.memref_squeeze %dma_start3A_190 : memref<1x128xi32, #tpu.memory_space<vmem>> -> memref<128xi32, #tpu.memory_space<vmem>>
    %dma_start3A_192 = arith.constant 0 : i32
    %dma_start3A_193 = tpu.memref_slice %arg17[%dma_start3A_192] : memref<512256xf32, #tpu.memory_space<vmem_shared>> -> memref<512256xf32, #tpu.memory_space<vmem_shared>>
    tpu.enqueue_indirect_dma source(%dma_start3A_188 : memref<128xf32, #tpu.memory_space<vmem>>) target(%dma_start3A_193 : memref<512256xf32, #tpu.memory_space<vmem_shared>>) offsets(%dma_start3A_191 : memref<128xi32, #tpu.memory_space<vmem>>) semaphore(%arg18 : memref<!tpu.dma_semaphore, #tpu.memory_space<semaphore_mem>>) {add = true}
    %dma_start3A_194 = arith.constant 7 : i32
    %dma_start3A_195 = arith.constant 7 : i32
    %dma_start3A_196 = arith.constant 0 : i32
    %dma_start3A_197 = tpu.memref_slice %arg14[%dma_start3A_194, %dma_start3A_196] : memref<49x128xf32, #tpu.memory_space<vmem>> -> memref<1x128xf32, #tpu.memory_space<vmem>>
    %dma_start3A_198 = tpu.memref_squeeze %dma_start3A_197 : memref<1x128xf32, #tpu.memory_space<vmem>> -> memref<128xf32, #tpu.memory_space<vmem>>
    %dma_start3A_199 = arith.constant 0 : i32
    %dma_start3A_200 = tpu.memref_slice %arg13[%dma_start3A_195, %dma_start3A_199] : memref<49x128xi32, #tpu.memory_space<vmem>> -> memref<1x128xi32, #tpu.memory_space<vmem>>
    %dma_start3A_201 = tpu.memref_squeeze %dma_start3A_200 : memref<1x128xi32, #tpu.memory_space<vmem>> -> memref<128xi32, #tpu.memory_space<vmem>>
    %dma_start3A_202 = arith.constant 0 : i32
    %dma_start3A_203 = tpu.memref_slice %arg17[%dma_start3A_202] : memref<512256xf32, #tpu.memory_space<vmem_shared>> -> memref<512256xf32, #tpu.memory_space<vmem_shared>>
    tpu.enqueue_indirect_dma source(%dma_start3A_198 : memref<128xf32, #tpu.memory_space<vmem>>) target(%dma_start3A_203 : memref<512256xf32, #tpu.memory_space<vmem_shared>>) offsets(%dma_start3A_201 : memref<128xi32, #tpu.memory_space<vmem>>) semaphore(%arg18 : memref<!tpu.dma_semaphore, #tpu.memory_space<semaphore_mem>>) {add = true}
    %dma_start3A_204 = arith.constant 8 : i32
    %dma_start3A_205 = arith.constant 8 : i32
    %dma_start3A_206 = arith.constant 0 : i32
    %dma_start3A_207 = tpu.memref_slice %arg14[%dma_start3A_204, %dma_start3A_206] : memref<49x128xf32, #tpu.memory_space<vmem>> -> memref<1x128xf32, #tpu.memory_space<vmem>>
    %dma_start3A_208 = tpu.memref_squeeze %dma_start3A_207 : memref<1x128xf32, #tpu.memory_space<vmem>> -> memref<128xf32, #tpu.memory_space<vmem>>
    %dma_start3A_209 = arith.constant 0 : i32
    %dma_start3A_210 = tpu.memref_slice %arg13[%dma_start3A_205, %dma_start3A_209] : memref<49x128xi32, #tpu.memory_space<vmem>> -> memref<1x128xi32, #tpu.memory_space<vmem>>
    %dma_start3A_211 = tpu.memref_squeeze %dma_start3A_210 : memref<1x128xi32, #tpu.memory_space<vmem>> -> memref<128xi32, #tpu.memory_space<vmem>>
    %dma_start3A_212 = arith.constant 0 : i32
    %dma_start3A_213 = tpu.memref_slice %arg17[%dma_start3A_212] : memref<512256xf32, #tpu.memory_space<vmem_shared>> -> memref<512256xf32, #tpu.memory_space<vmem_shared>>
    tpu.enqueue_indirect_dma source(%dma_start3A_208 : memref<128xf32, #tpu.memory_space<vmem>>) target(%dma_start3A_213 : memref<512256xf32, #tpu.memory_space<vmem_shared>>) offsets(%dma_start3A_211 : memref<128xi32, #tpu.memory_space<vmem>>) semaphore(%arg18 : memref<!tpu.dma_semaphore, #tpu.memory_space<semaphore_mem>>) {add = true}
    %dma_start3A_214 = arith.constant 9 : i32
    %dma_start3A_215 = arith.constant 9 : i32
    %dma_start3A_216 = arith.constant 0 : i32
    %dma_start3A_217 = tpu.memref_slice %arg14[%dma_start3A_214, %dma_start3A_216] : memref<49x128xf32, #tpu.memory_space<vmem>> -> memref<1x128xf32, #tpu.memory_space<vmem>>
    %dma_start3A_218 = tpu.memref_squeeze %dma_start3A_217 : memref<1x128xf32, #tpu.memory_space<vmem>> -> memref<128xf32, #tpu.memory_space<vmem>>
    %dma_start3A_219 = arith.constant 0 : i32
    %dma_start3A_220 = tpu.memref_slice %arg13[%dma_start3A_215, %dma_start3A_219] : memref<49x128xi32, #tpu.memory_space<vmem>> -> memref<1x128xi32, #tpu.memory_space<vmem>>
    %dma_start3A_221 = tpu.memref_squeeze %dma_start3A_220 : memref<1x128xi32, #tpu.memory_space<vmem>> -> memref<128xi32, #tpu.memory_space<vmem>>
    %dma_start3A_222 = arith.constant 0 : i32
    %dma_start3A_223 = tpu.memref_slice %arg17[%dma_start3A_222] : memref<512256xf32, #tpu.memory_space<vmem_shared>> -> memref<512256xf32, #tpu.memory_space<vmem_shared>>
    tpu.enqueue_indirect_dma source(%dma_start3A_218 : memref<128xf32, #tpu.memory_space<vmem>>) target(%dma_start3A_223 : memref<512256xf32, #tpu.memory_space<vmem_shared>>) offsets(%dma_start3A_221 : memref<128xi32, #tpu.memory_space<vmem>>) semaphore(%arg18 : memref<!tpu.dma_semaphore, #tpu.memory_space<semaphore_mem>>) {add = true}
    %dma_start3A_224 = arith.constant 10 : i32
    %dma_start3A_225 = arith.constant 10 : i32
    %dma_start3A_226 = arith.constant 0 : i32
    %dma_start3A_227 = tpu.memref_slice %arg14[%dma_start3A_224, %dma_start3A_226] : memref<49x128xf32, #tpu.memory_space<vmem>> -> memref<1x128xf32, #tpu.memory_space<vmem>>
    %dma_start3A_228 = tpu.memref_squeeze %dma_start3A_227 : memref<1x128xf32, #tpu.memory_space<vmem>> -> memref<128xf32, #tpu.memory_space<vmem>>
    %dma_start3A_229 = arith.constant 0 : i32
    %dma_start3A_230 = tpu.memref_slice %arg13[%dma_start3A_225, %dma_start3A_229] : memref<49x128xi32, #tpu.memory_space<vmem>> -> memref<1x128xi32, #tpu.memory_space<vmem>>
    %dma_start3A_231 = tpu.memref_squeeze %dma_start3A_230 : memref<1x128xi32, #tpu.memory_space<vmem>> -> memref<128xi32, #tpu.memory_space<vmem>>
    %dma_start3A_232 = arith.constant 0 : i32
    %dma_start3A_233 = tpu.memref_slice %arg17[%dma_start3A_232] : memref<512256xf32, #tpu.memory_space<vmem_shared>> -> memref<512256xf32, #tpu.memory_space<vmem_shared>>
    tpu.enqueue_indirect_dma source(%dma_start3A_228 : memref<128xf32, #tpu.memory_space<vmem>>) target(%dma_start3A_233 : memref<512256xf32, #tpu.memory_space<vmem_shared>>) offsets(%dma_start3A_231 : memref<128xi32, #tpu.memory_space<vmem>>) semaphore(%arg18 : memref<!tpu.dma_semaphore, #tpu.memory_space<semaphore_mem>>) {add = true}
    %dma_start3A_234 = arith.constant 11 : i32
    %dma_start3A_235 = arith.constant 11 : i32
    %dma_start3A_236 = arith.constant 0 : i32
    %dma_start3A_237 = tpu.memref_slice %arg14[%dma_start3A_234, %dma_start3A_236] : memref<49x128xf32, #tpu.memory_space<vmem>> -> memref<1x128xf32, #tpu.memory_space<vmem>>
    %dma_start3A_238 = tpu.memref_squeeze %dma_start3A_237 : memref<1x128xf32, #tpu.memory_space<vmem>> -> memref<128xf32, #tpu.memory_space<vmem>>
    %dma_start3A_239 = arith.constant 0 : i32
    %dma_start3A_240 = tpu.memref_slice %arg13[%dma_start3A_235, %dma_start3A_239] : memref<49x128xi32, #tpu.memory_space<vmem>> -> memref<1x128xi32, #tpu.memory_space<vmem>>
    %dma_start3A_241 = tpu.memref_squeeze %dma_start3A_240 : memref<1x128xi32, #tpu.memory_space<vmem>> -> memref<128xi32, #tpu.memory_space<vmem>>
    %dma_start3A_242 = arith.constant 0 : i32
    %dma_start3A_243 = tpu.memref_slice %arg17[%dma_start3A_242] : memref<512256xf32, #tpu.memory_space<vmem_shared>> -> memref<512256xf32, #tpu.memory_space<vmem_shared>>
    tpu.enqueue_indirect_dma source(%dma_start3A_238 : memref<128xf32, #tpu.memory_space<vmem>>) target(%dma_start3A_243 : memref<512256xf32, #tpu.memory_space<vmem_shared>>) offsets(%dma_start3A_241 : memref<128xi32, #tpu.memory_space<vmem>>) semaphore(%arg18 : memref<!tpu.dma_semaphore, #tpu.memory_space<semaphore_mem>>) {add = true}
    %dma_start3A_244 = arith.constant 12 : i32
    %dma_start3A_245 = arith.constant 12 : i32
    %dma_start3A_246 = arith.constant 0 : i32
    %dma_start3A_247 = tpu.memref_slice %arg14[%dma_start3A_244, %dma_start3A_246] : memref<49x128xf32, #tpu.memory_space<vmem>> -> memref<1x128xf32, #tpu.memory_space<vmem>>
    %dma_start3A_248 = tpu.memref_squeeze %dma_start3A_247 : memref<1x128xf32, #tpu.memory_space<vmem>> -> memref<128xf32, #tpu.memory_space<vmem>>
    %dma_start3A_249 = arith.constant 0 : i32
    %dma_start3A_250 = tpu.memref_slice %arg13[%dma_start3A_245, %dma_start3A_249] : memref<49x128xi32, #tpu.memory_space<vmem>> -> memref<1x128xi32, #tpu.memory_space<vmem>>
    %dma_start3A_251 = tpu.memref_squeeze %dma_start3A_250 : memref<1x128xi32, #tpu.memory_space<vmem>> -> memref<128xi32, #tpu.memory_space<vmem>>
    %dma_start3A_252 = arith.constant 0 : i32
    %dma_start3A_253 = tpu.memref_slice %arg17[%dma_start3A_252] : memref<512256xf32, #tpu.memory_space<vmem_shared>> -> memref<512256xf32, #tpu.memory_space<vmem_shared>>
    tpu.enqueue_indirect_dma source(%dma_start3A_248 : memref<128xf32, #tpu.memory_space<vmem>>) target(%dma_start3A_253 : memref<512256xf32, #tpu.memory_space<vmem_shared>>) offsets(%dma_start3A_251 : memref<128xi32, #tpu.memory_space<vmem>>) semaphore(%arg18 : memref<!tpu.dma_semaphore, #tpu.memory_space<semaphore_mem>>) {add = true}
    %dma_start3A_254 = arith.constant 13 : i32
    %dma_start3A_255 = arith.constant 13 : i32
    %dma_start3A_256 = arith.constant 0 : i32
    %dma_start3A_257 = tpu.memref_slice %arg14[%dma_start3A_254, %dma_start3A_256] : memref<49x128xf32, #tpu.memory_space<vmem>> -> memref<1x128xf32, #tpu.memory_space<vmem>>
    %dma_start3A_258 = tpu.memref_squeeze %dma_start3A_257 : memref<1x128xf32, #tpu.memory_space<vmem>> -> memref<128xf32, #tpu.memory_space<vmem>>
    %dma_start3A_259 = arith.constant 0 : i32
    %dma_start3A_260 = tpu.memref_slice %arg13[%dma_start3A_255, %dma_start3A_259] : memref<49x128xi32, #tpu.memory_space<vmem>> -> memref<1x128xi32, #tpu.memory_space<vmem>>
    %dma_start3A_261 = tpu.memref_squeeze %dma_start3A_260 : memref<1x128xi32, #tpu.memory_space<vmem>> -> memref<128xi32, #tpu.memory_space<vmem>>
    %dma_start3A_262 = arith.constant 0 : i32
    %dma_start3A_263 = tpu.memref_slice %arg17[%dma_start3A_262] : memref<512256xf32, #tpu.memory_space<vmem_shared>> -> memref<512256xf32, #tpu.memory_space<vmem_shared>>
    tpu.enqueue_indirect_dma source(%dma_start3A_258 : memref<128xf32, #tpu.memory_space<vmem>>) target(%dma_start3A_263 : memref<512256xf32, #tpu.memory_space<vmem_shared>>) offsets(%dma_start3A_261 : memref<128xi32, #tpu.memory_space<vmem>>) semaphore(%arg18 : memref<!tpu.dma_semaphore, #tpu.memory_space<semaphore_mem>>) {add = true}
    %dma_start3A_264 = arith.constant 14 : i32
    %dma_start3A_265 = arith.constant 14 : i32
    %dma_start3A_266 = arith.constant 0 : i32
    %dma_start3A_267 = tpu.memref_slice %arg14[%dma_start3A_264, %dma_start3A_266] : memref<49x128xf32, #tpu.memory_space<vmem>> -> memref<1x128xf32, #tpu.memory_space<vmem>>
    %dma_start3A_268 = tpu.memref_squeeze %dma_start3A_267 : memref<1x128xf32, #tpu.memory_space<vmem>> -> memref<128xf32, #tpu.memory_space<vmem>>
    %dma_start3A_269 = arith.constant 0 : i32
    %dma_start3A_270 = tpu.memref_slice %arg13[%dma_start3A_265, %dma_start3A_269] : memref<49x128xi32, #tpu.memory_space<vmem>> -> memref<1x128xi32, #tpu.memory_space<vmem>>
    %dma_start3A_271 = tpu.memref_squeeze %dma_start3A_270 : memref<1x128xi32, #tpu.memory_space<vmem>> -> memref<128xi32, #tpu.memory_space<vmem>>
    %dma_start3A_272 = arith.constant 0 : i32
    %dma_start3A_273 = tpu.memref_slice %arg17[%dma_start3A_272] : memref<512256xf32, #tpu.memory_space<vmem_shared>> -> memref<512256xf32, #tpu.memory_space<vmem_shared>>
    tpu.enqueue_indirect_dma source(%dma_start3A_268 : memref<128xf32, #tpu.memory_space<vmem>>) target(%dma_start3A_273 : memref<512256xf32, #tpu.memory_space<vmem_shared>>) offsets(%dma_start3A_271 : memref<128xi32, #tpu.memory_space<vmem>>) semaphore(%arg18 : memref<!tpu.dma_semaphore, #tpu.memory_space<semaphore_mem>>) {add = true}
    %dma_start3A_274 = arith.constant 15 : i32
    %dma_start3A_275 = arith.constant 15 : i32
    %dma_start3A_276 = arith.constant 0 : i32
    %dma_start3A_277 = tpu.memref_slice %arg14[%dma_start3A_274, %dma_start3A_276] : memref<49x128xf32, #tpu.memory_space<vmem>> -> memref<1x128xf32, #tpu.memory_space<vmem>>
    %dma_start3A_278 = tpu.memref_squeeze %dma_start3A_277 : memref<1x128xf32, #tpu.memory_space<vmem>> -> memref<128xf32, #tpu.memory_space<vmem>>
    %dma_start3A_279 = arith.constant 0 : i32
    %dma_start3A_280 = tpu.memref_slice %arg13[%dma_start3A_275, %dma_start3A_279] : memref<49x128xi32, #tpu.memory_space<vmem>> -> memref<1x128xi32, #tpu.memory_space<vmem>>
    %dma_start3A_281 = tpu.memref_squeeze %dma_start3A_280 : memref<1x128xi32, #tpu.memory_space<vmem>> -> memref<128xi32, #tpu.memory_space<vmem>>
    %dma_start3A_282 = arith.constant 0 : i32
    %dma_start3A_283 = tpu.memref_slice %arg17[%dma_start3A_282] : memref<512256xf32, #tpu.memory_space<vmem_shared>> -> memref<512256xf32, #tpu.memory_space<vmem_shared>>
    tpu.enqueue_indirect_dma source(%dma_start3A_278 : memref<128xf32, #tpu.memory_space<vmem>>) target(%dma_start3A_283 : memref<512256xf32, #tpu.memory_space<vmem_shared>>) offsets(%dma_start3A_281 : memref<128xi32, #tpu.memory_space<vmem>>) semaphore(%arg18 : memref<!tpu.dma_semaphore, #tpu.memory_space<semaphore_mem>>) {add = true}
    %dma_start3A_284 = arith.constant 16 : i32
    %dma_start3A_285 = arith.constant 16 : i32
    %dma_start3A_286 = arith.constant 0 : i32
    %dma_start3A_287 = tpu.memref_slice %arg14[%dma_start3A_284, %dma_start3A_286] : memref<49x128xf32, #tpu.memory_space<vmem>> -> memref<1x128xf32, #tpu.memory_space<vmem>>
    %dma_start3A_288 = tpu.memref_squeeze %dma_start3A_287 : memref<1x128xf32, #tpu.memory_space<vmem>> -> memref<128xf32, #tpu.memory_space<vmem>>
    %dma_start3A_289 = arith.constant 0 : i32
    %dma_start3A_290 = tpu.memref_slice %arg13[%dma_start3A_285, %dma_start3A_289] : memref<49x128xi32, #tpu.memory_space<vmem>> -> memref<1x128xi32, #tpu.memory_space<vmem>>
    %dma_start3A_291 = tpu.memref_squeeze %dma_start3A_290 : memref<1x128xi32, #tpu.memory_space<vmem>> -> memref<128xi32, #tpu.memory_space<vmem>>
    %dma_start3A_292 = arith.constant 0 : i32
    %dma_start3A_293 = tpu.memref_slice %arg17[%dma_start3A_292] : memref<512256xf32, #tpu.memory_space<vmem_shared>> -> memref<512256xf32, #tpu.memory_space<vmem_shared>>
    tpu.enqueue_indirect_dma source(%dma_start3A_288 : memref<128xf32, #tpu.memory_space<vmem>>) target(%dma_start3A_293 : memref<512256xf32, #tpu.memory_space<vmem_shared>>) offsets(%dma_start3A_291 : memref<128xi32, #tpu.memory_space<vmem>>) semaphore(%arg18 : memref<!tpu.dma_semaphore, #tpu.memory_space<semaphore_mem>>) {add = true}
    %dma_start3A_294 = arith.constant 17 : i32
    %dma_start3A_295 = arith.constant 17 : i32
    %dma_start3A_296 = arith.constant 0 : i32
    %dma_start3A_297 = tpu.memref_slice %arg14[%dma_start3A_294, %dma_start3A_296] : memref<49x128xf32, #tpu.memory_space<vmem>> -> memref<1x128xf32, #tpu.memory_space<vmem>>
    %dma_start3A_298 = tpu.memref_squeeze %dma_start3A_297 : memref<1x128xf32, #tpu.memory_space<vmem>> -> memref<128xf32, #tpu.memory_space<vmem>>
    %dma_start3A_299 = arith.constant 0 : i32
    %dma_start3A_300 = tpu.memref_slice %arg13[%dma_start3A_295, %dma_start3A_299] : memref<49x128xi32, #tpu.memory_space<vmem>> -> memref<1x128xi32, #tpu.memory_space<vmem>>
    %dma_start3A_301 = tpu.memref_squeeze %dma_start3A_300 : memref<1x128xi32, #tpu.memory_space<vmem>> -> memref<128xi32, #tpu.memory_space<vmem>>
    %dma_start3A_302 = arith.constant 0 : i32
    %dma_start3A_303 = tpu.memref_slice %arg17[%dma_start3A_302] : memref<512256xf32, #tpu.memory_space<vmem_shared>> -> memref<512256xf32, #tpu.memory_space<vmem_shared>>
    tpu.enqueue_indirect_dma source(%dma_start3A_298 : memref<128xf32, #tpu.memory_space<vmem>>) target(%dma_start3A_303 : memref<512256xf32, #tpu.memory_space<vmem_shared>>) offsets(%dma_start3A_301 : memref<128xi32, #tpu.memory_space<vmem>>) semaphore(%arg18 : memref<!tpu.dma_semaphore, #tpu.memory_space<semaphore_mem>>) {add = true}
    %dma_start3A_304 = arith.constant 18 : i32
    %dma_start3A_305 = arith.constant 18 : i32
    %dma_start3A_306 = arith.constant 0 : i32
    %dma_start3A_307 = tpu.memref_slice %arg14[%dma_start3A_304, %dma_start3A_306] : memref<49x128xf32, #tpu.memory_space<vmem>> -> memref<1x128xf32, #tpu.memory_space<vmem>>
    %dma_start3A_308 = tpu.memref_squeeze %dma_start3A_307 : memref<1x128xf32, #tpu.memory_space<vmem>> -> memref<128xf32, #tpu.memory_space<vmem>>
    %dma_start3A_309 = arith.constant 0 : i32
    %dma_start3A_310 = tpu.memref_slice %arg13[%dma_start3A_305, %dma_start3A_309] : memref<49x128xi32, #tpu.memory_space<vmem>> -> memref<1x128xi32, #tpu.memory_space<vmem>>
    %dma_start3A_311 = tpu.memref_squeeze %dma_start3A_310 : memref<1x128xi32, #tpu.memory_space<vmem>> -> memref<128xi32, #tpu.memory_space<vmem>>
    %dma_start3A_312 = arith.constant 0 : i32
    %dma_start3A_313 = tpu.memref_slice %arg17[%dma_start3A_312] : memref<512256xf32, #tpu.memory_space<vmem_shared>> -> memref<512256xf32, #tpu.memory_space<vmem_shared>>
    tpu.enqueue_indirect_dma source(%dma_start3A_308 : memref<128xf32, #tpu.memory_space<vmem>>) target(%dma_start3A_313 : memref<512256xf32, #tpu.memory_space<vmem_shared>>) offsets(%dma_start3A_311 : memref<128xi32, #tpu.memory_space<vmem>>) semaphore(%arg18 : memref<!tpu.dma_semaphore, #tpu.memory_space<semaphore_mem>>) {add = true}
    %dma_start3A_314 = arith.constant 19 : i32
    %dma_start3A_315 = arith.constant 19 : i32
    %dma_start3A_316 = arith.constant 0 : i32
    %dma_start3A_317 = tpu.memref_slice %arg14[%dma_start3A_314, %dma_start3A_316] : memref<49x128xf32, #tpu.memory_space<vmem>> -> memref<1x128xf32, #tpu.memory_space<vmem>>
    %dma_start3A_318 = tpu.memref_squeeze %dma_start3A_317 : memref<1x128xf32, #tpu.memory_space<vmem>> -> memref<128xf32, #tpu.memory_space<vmem>>
    %dma_start3A_319 = arith.constant 0 : i32
    %dma_start3A_320 = tpu.memref_slice %arg13[%dma_start3A_315, %dma_start3A_319] : memref<49x128xi32, #tpu.memory_space<vmem>> -> memref<1x128xi32, #tpu.memory_space<vmem>>
    %dma_start3A_321 = tpu.memref_squeeze %dma_start3A_320 : memref<1x128xi32, #tpu.memory_space<vmem>> -> memref<128xi32, #tpu.memory_space<vmem>>
    %dma_start3A_322 = arith.constant 0 : i32
    %dma_start3A_323 = tpu.memref_slice %arg17[%dma_start3A_322] : memref<512256xf32, #tpu.memory_space<vmem_shared>> -> memref<512256xf32, #tpu.memory_space<vmem_shared>>
    tpu.enqueue_indirect_dma source(%dma_start3A_318 : memref<128xf32, #tpu.memory_space<vmem>>) target(%dma_start3A_323 : memref<512256xf32, #tpu.memory_space<vmem_shared>>) offsets(%dma_start3A_321 : memref<128xi32, #tpu.memory_space<vmem>>) semaphore(%arg18 : memref<!tpu.dma_semaphore, #tpu.memory_space<semaphore_mem>>) {add = true}
    %dma_start3A_324 = arith.constant 20 : i32
    %dma_start3A_325 = arith.constant 20 : i32
    %dma_start3A_326 = arith.constant 0 : i32
    %dma_start3A_327 = tpu.memref_slice %arg14[%dma_start3A_324, %dma_start3A_326] : memref<49x128xf32, #tpu.memory_space<vmem>> -> memref<1x128xf32, #tpu.memory_space<vmem>>
    %dma_start3A_328 = tpu.memref_squeeze %dma_start3A_327 : memref<1x128xf32, #tpu.memory_space<vmem>> -> memref<128xf32, #tpu.memory_space<vmem>>
    %dma_start3A_329 = arith.constant 0 : i32
    %dma_start3A_330 = tpu.memref_slice %arg13[%dma_start3A_325, %dma_start3A_329] : memref<49x128xi32, #tpu.memory_space<vmem>> -> memref<1x128xi32, #tpu.memory_space<vmem>>
    %dma_start3A_331 = tpu.memref_squeeze %dma_start3A_330 : memref<1x128xi32, #tpu.memory_space<vmem>> -> memref<128xi32, #tpu.memory_space<vmem>>
    %dma_start3A_332 = arith.constant 0 : i32
    %dma_start3A_333 = tpu.memref_slice %arg17[%dma_start3A_332] : memref<512256xf32, #tpu.memory_space<vmem_shared>> -> memref<512256xf32, #tpu.memory_space<vmem_shared>>
    tpu.enqueue_indirect_dma source(%dma_start3A_328 : memref<128xf32, #tpu.memory_space<vmem>>) target(%dma_start3A_333 : memref<512256xf32, #tpu.memory_space<vmem_shared>>) offsets(%dma_start3A_331 : memref<128xi32, #tpu.memory_space<vmem>>) semaphore(%arg18 : memref<!tpu.dma_semaphore, #tpu.memory_space<semaphore_mem>>) {add = true}
    %dma_start3A_334 = arith.constant 21 : i32
    %dma_start3A_335 = arith.constant 21 : i32
    %dma_start3A_336 = arith.constant 0 : i32
    %dma_start3A_337 = tpu.memref_slice %arg14[%dma_start3A_334, %dma_start3A_336] : memref<49x128xf32, #tpu.memory_space<vmem>> -> memref<1x128xf32, #tpu.memory_space<vmem>>
    %dma_start3A_338 = tpu.memref_squeeze %dma_start3A_337 : memref<1x128xf32, #tpu.memory_space<vmem>> -> memref<128xf32, #tpu.memory_space<vmem>>
    %dma_start3A_339 = arith.constant 0 : i32
    %dma_start3A_340 = tpu.memref_slice %arg13[%dma_start3A_335, %dma_start3A_339] : memref<49x128xi32, #tpu.memory_space<vmem>> -> memref<1x128xi32, #tpu.memory_space<vmem>>
    %dma_start3A_341 = tpu.memref_squeeze %dma_start3A_340 : memref<1x128xi32, #tpu.memory_space<vmem>> -> memref<128xi32, #tpu.memory_space<vmem>>
    %dma_start3A_342 = arith.constant 0 : i32
    %dma_start3A_343 = tpu.memref_slice %arg17[%dma_start3A_342] : memref<512256xf32, #tpu.memory_space<vmem_shared>> -> memref<512256xf32, #tpu.memory_space<vmem_shared>>
    tpu.enqueue_indirect_dma source(%dma_start3A_338 : memref<128xf32, #tpu.memory_space<vmem>>) target(%dma_start3A_343 : memref<512256xf32, #tpu.memory_space<vmem_shared>>) offsets(%dma_start3A_341 : memref<128xi32, #tpu.memory_space<vmem>>) semaphore(%arg18 : memref<!tpu.dma_semaphore, #tpu.memory_space<semaphore_mem>>) {add = true}
    %dma_start3A_344 = arith.constant 22 : i32
    %dma_start3A_345 = arith.constant 22 : i32
    %dma_start3A_346 = arith.constant 0 : i32
    %dma_start3A_347 = tpu.memref_slice %arg14[%dma_start3A_344, %dma_start3A_346] : memref<49x128xf32, #tpu.memory_space<vmem>> -> memref<1x128xf32, #tpu.memory_space<vmem>>
    %dma_start3A_348 = tpu.memref_squeeze %dma_start3A_347 : memref<1x128xf32, #tpu.memory_space<vmem>> -> memref<128xf32, #tpu.memory_space<vmem>>
    %dma_start3A_349 = arith.constant 0 : i32
    %dma_start3A_350 = tpu.memref_slice %arg13[%dma_start3A_345, %dma_start3A_349] : memref<49x128xi32, #tpu.memory_space<vmem>> -> memref<1x128xi32, #tpu.memory_space<vmem>>
    %dma_start3A_351 = tpu.memref_squeeze %dma_start3A_350 : memref<1x128xi32, #tpu.memory_space<vmem>> -> memref<128xi32, #tpu.memory_space<vmem>>
    %dma_start3A_352 = arith.constant 0 : i32
    %dma_start3A_353 = tpu.memref_slice %arg17[%dma_start3A_352] : memref<512256xf32, #tpu.memory_space<vmem_shared>> -> memref<512256xf32, #tpu.memory_space<vmem_shared>>
    tpu.enqueue_indirect_dma source(%dma_start3A_348 : memref<128xf32, #tpu.memory_space<vmem>>) target(%dma_start3A_353 : memref<512256xf32, #tpu.memory_space<vmem_shared>>) offsets(%dma_start3A_351 : memref<128xi32, #tpu.memory_space<vmem>>) semaphore(%arg18 : memref<!tpu.dma_semaphore, #tpu.memory_space<semaphore_mem>>) {add = true}
    %dma_start3A_354 = arith.constant 23 : i32
    %dma_start3A_355 = arith.constant 23 : i32
    %dma_start3A_356 = arith.constant 0 : i32
    %dma_start3A_357 = tpu.memref_slice %arg14[%dma_start3A_354, %dma_start3A_356] : memref<49x128xf32, #tpu.memory_space<vmem>> -> memref<1x128xf32, #tpu.memory_space<vmem>>
    %dma_start3A_358 = tpu.memref_squeeze %dma_start3A_357 : memref<1x128xf32, #tpu.memory_space<vmem>> -> memref<128xf32, #tpu.memory_space<vmem>>
    %dma_start3A_359 = arith.constant 0 : i32
    %dma_start3A_360 = tpu.memref_slice %arg13[%dma_start3A_355, %dma_start3A_359] : memref<49x128xi32, #tpu.memory_space<vmem>> -> memref<1x128xi32, #tpu.memory_space<vmem>>
    %dma_start3A_361 = tpu.memref_squeeze %dma_start3A_360 : memref<1x128xi32, #tpu.memory_space<vmem>> -> memref<128xi32, #tpu.memory_space<vmem>>
    %dma_start3A_362 = arith.constant 0 : i32
    %dma_start3A_363 = tpu.memref_slice %arg17[%dma_start3A_362] : memref<512256xf32, #tpu.memory_space<vmem_shared>> -> memref<512256xf32, #tpu.memory_space<vmem_shared>>
    tpu.enqueue_indirect_dma source(%dma_start3A_358 : memref<128xf32, #tpu.memory_space<vmem>>) target(%dma_start3A_363 : memref<512256xf32, #tpu.memory_space<vmem_shared>>) offsets(%dma_start3A_361 : memref<128xi32, #tpu.memory_space<vmem>>) semaphore(%arg18 : memref<!tpu.dma_semaphore, #tpu.memory_space<semaphore_mem>>) {add = true}
    %dma_start3A_364 = arith.constant 24 : i32
    %dma_start3A_365 = arith.constant 24 : i32
    %dma_start3A_366 = arith.constant 0 : i32
    %dma_start3A_367 = tpu.memref_slice %arg14[%dma_start3A_364, %dma_start3A_366] : memref<49x128xf32, #tpu.memory_space<vmem>> -> memref<1x128xf32, #tpu.memory_space<vmem>>
    %dma_start3A_368 = tpu.memref_squeeze %dma_start3A_367 : memref<1x128xf32, #tpu.memory_space<vmem>> -> memref<128xf32, #tpu.memory_space<vmem>>
    %dma_start3A_369 = arith.constant 0 : i32
    %dma_start3A_370 = tpu.memref_slice %arg13[%dma_start3A_365, %dma_start3A_369] : memref<49x128xi32, #tpu.memory_space<vmem>> -> memref<1x128xi32, #tpu.memory_space<vmem>>
    %dma_start3A_371 = tpu.memref_squeeze %dma_start3A_370 : memref<1x128xi32, #tpu.memory_space<vmem>> -> memref<128xi32, #tpu.memory_space<vmem>>
    %dma_start3A_372 = arith.constant 0 : i32
    %dma_start3A_373 = tpu.memref_slice %arg17[%dma_start3A_372] : memref<512256xf32, #tpu.memory_space<vmem_shared>> -> memref<512256xf32, #tpu.memory_space<vmem_shared>>
    tpu.enqueue_indirect_dma source(%dma_start3A_368 : memref<128xf32, #tpu.memory_space<vmem>>) target(%dma_start3A_373 : memref<512256xf32, #tpu.memory_space<vmem_shared>>) offsets(%dma_start3A_371 : memref<128xi32, #tpu.memory_space<vmem>>) semaphore(%arg18 : memref<!tpu.dma_semaphore, #tpu.memory_space<semaphore_mem>>) {add = true}
    %dma_start3A_374 = arith.constant 25 : i32
    %dma_start3A_375 = arith.constant 25 : i32
    %dma_start3A_376 = arith.constant 0 : i32
    %dma_start3A_377 = tpu.memref_slice %arg14[%dma_start3A_374, %dma_start3A_376] : memref<49x128xf32, #tpu.memory_space<vmem>> -> memref<1x128xf32, #tpu.memory_space<vmem>>
    %dma_start3A_378 = tpu.memref_squeeze %dma_start3A_377 : memref<1x128xf32, #tpu.memory_space<vmem>> -> memref<128xf32, #tpu.memory_space<vmem>>
    %dma_start3A_379 = arith.constant 0 : i32
    %dma_start3A_380 = tpu.memref_slice %arg13[%dma_start3A_375, %dma_start3A_379] : memref<49x128xi32, #tpu.memory_space<vmem>> -> memref<1x128xi32, #tpu.memory_space<vmem>>
    %dma_start3A_381 = tpu.memref_squeeze %dma_start3A_380 : memref<1x128xi32, #tpu.memory_space<vmem>> -> memref<128xi32, #tpu.memory_space<vmem>>
    %dma_start3A_382 = arith.constant 0 : i32
    %dma_start3A_383 = tpu.memref_slice %arg17[%dma_start3A_382] : memref<512256xf32, #tpu.memory_space<vmem_shared>> -> memref<512256xf32, #tpu.memory_space<vmem_shared>>
    tpu.enqueue_indirect_dma source(%dma_start3A_378 : memref<128xf32, #tpu.memory_space<vmem>>) target(%dma_start3A_383 : memref<512256xf32, #tpu.memory_space<vmem_shared>>) offsets(%dma_start3A_381 : memref<128xi32, #tpu.memory_space<vmem>>) semaphore(%arg18 : memref<!tpu.dma_semaphore, #tpu.memory_space<semaphore_mem>>) {add = true}
    %dma_start3A_384 = arith.constant 26 : i32
    %dma_start3A_385 = arith.constant 26 : i32
    %dma_start3A_386 = arith.constant 0 : i32
    %dma_start3A_387 = tpu.memref_slice %arg14[%dma_start3A_384, %dma_start3A_386] : memref<49x128xf32, #tpu.memory_space<vmem>> -> memref<1x128xf32, #tpu.memory_space<vmem>>
    %dma_start3A_388 = tpu.memref_squeeze %dma_start3A_387 : memref<1x128xf32, #tpu.memory_space<vmem>> -> memref<128xf32, #tpu.memory_space<vmem>>
    %dma_start3A_389 = arith.constant 0 : i32
    %dma_start3A_390 = tpu.memref_slice %arg13[%dma_start3A_385, %dma_start3A_389] : memref<49x128xi32, #tpu.memory_space<vmem>> -> memref<1x128xi32, #tpu.memory_space<vmem>>
    %dma_start3A_391 = tpu.memref_squeeze %dma_start3A_390 : memref<1x128xi32, #tpu.memory_space<vmem>> -> memref<128xi32, #tpu.memory_space<vmem>>
    %dma_start3A_392 = arith.constant 0 : i32
    %dma_start3A_393 = tpu.memref_slice %arg17[%dma_start3A_392] : memref<512256xf32, #tpu.memory_space<vmem_shared>> -> memref<512256xf32, #tpu.memory_space<vmem_shared>>
    tpu.enqueue_indirect_dma source(%dma_start3A_388 : memref<128xf32, #tpu.memory_space<vmem>>) target(%dma_start3A_393 : memref<512256xf32, #tpu.memory_space<vmem_shared>>) offsets(%dma_start3A_391 : memref<128xi32, #tpu.memory_space<vmem>>) semaphore(%arg18 : memref<!tpu.dma_semaphore, #tpu.memory_space<semaphore_mem>>) {add = true}
    %dma_start3A_394 = arith.constant 27 : i32
    %dma_start3A_395 = arith.constant 27 : i32
    %dma_start3A_396 = arith.constant 0 : i32
    %dma_start3A_397 = tpu.memref_slice %arg14[%dma_start3A_394, %dma_start3A_396] : memref<49x128xf32, #tpu.memory_space<vmem>> -> memref<1x128xf32, #tpu.memory_space<vmem>>
    %dma_start3A_398 = tpu.memref_squeeze %dma_start3A_397 : memref<1x128xf32, #tpu.memory_space<vmem>> -> memref<128xf32, #tpu.memory_space<vmem>>
    %dma_start3A_399 = arith.constant 0 : i32
    %dma_start3A_400 = tpu.memref_slice %arg13[%dma_start3A_395, %dma_start3A_399] : memref<49x128xi32, #tpu.memory_space<vmem>> -> memref<1x128xi32, #tpu.memory_space<vmem>>
    %dma_start3A_401 = tpu.memref_squeeze %dma_start3A_400 : memref<1x128xi32, #tpu.memory_space<vmem>> -> memref<128xi32, #tpu.memory_space<vmem>>
    %dma_start3A_402 = arith.constant 0 : i32
    %dma_start3A_403 = tpu.memref_slice %arg17[%dma_start3A_402] : memref<512256xf32, #tpu.memory_space<vmem_shared>> -> memref<512256xf32, #tpu.memory_space<vmem_shared>>
    tpu.enqueue_indirect_dma source(%dma_start3A_398 : memref<128xf32, #tpu.memory_space<vmem>>) target(%dma_start3A_403 : memref<512256xf32, #tpu.memory_space<vmem_shared>>) offsets(%dma_start3A_401 : memref<128xi32, #tpu.memory_space<vmem>>) semaphore(%arg18 : memref<!tpu.dma_semaphore, #tpu.memory_space<semaphore_mem>>) {add = true}
    %dma_start3A_404 = arith.constant 28 : i32
    %dma_start3A_405 = arith.constant 28 : i32
    %dma_start3A_406 = arith.constant 0 : i32
    %dma_start3A_407 = tpu.memref_slice %arg14[%dma_start3A_404, %dma_start3A_406] : memref<49x128xf32, #tpu.memory_space<vmem>> -> memref<1x128xf32, #tpu.memory_space<vmem>>
    %dma_start3A_408 = tpu.memref_squeeze %dma_start3A_407 : memref<1x128xf32, #tpu.memory_space<vmem>> -> memref<128xf32, #tpu.memory_space<vmem>>
    %dma_start3A_409 = arith.constant 0 : i32
    %dma_start3A_410 = tpu.memref_slice %arg13[%dma_start3A_405, %dma_start3A_409] : memref<49x128xi32, #tpu.memory_space<vmem>> -> memref<1x128xi32, #tpu.memory_space<vmem>>
    %dma_start3A_411 = tpu.memref_squeeze %dma_start3A_410 : memref<1x128xi32, #tpu.memory_space<vmem>> -> memref<128xi32, #tpu.memory_space<vmem>>
    %dma_start3A_412 = arith.constant 0 : i32
    %dma_start3A_413 = tpu.memref_slice %arg17[%dma_start3A_412] : memref<512256xf32, #tpu.memory_space<vmem_shared>> -> memref<512256xf32, #tpu.memory_space<vmem_shared>>
    tpu.enqueue_indirect_dma source(%dma_start3A_408 : memref<128xf32, #tpu.memory_space<vmem>>) target(%dma_start3A_413 : memref<512256xf32, #tpu.memory_space<vmem_shared>>) offsets(%dma_start3A_411 : memref<128xi32, #tpu.memory_space<vmem>>) semaphore(%arg18 : memref<!tpu.dma_semaphore, #tpu.memory_space<semaphore_mem>>) {add = true}
    %dma_start3A_414 = arith.constant 29 : i32
    %dma_start3A_415 = arith.constant 29 : i32
    %dma_start3A_416 = arith.constant 0 : i32
    %dma_start3A_417 = tpu.memref_slice %arg14[%dma_start3A_414, %dma_start3A_416] : memref<49x128xf32, #tpu.memory_space<vmem>> -> memref<1x128xf32, #tpu.memory_space<vmem>>
    %dma_start3A_418 = tpu.memref_squeeze %dma_start3A_417 : memref<1x128xf32, #tpu.memory_space<vmem>> -> memref<128xf32, #tpu.memory_space<vmem>>
    %dma_start3A_419 = arith.constant 0 : i32
    %dma_start3A_420 = tpu.memref_slice %arg13[%dma_start3A_415, %dma_start3A_419] : memref<49x128xi32, #tpu.memory_space<vmem>> -> memref<1x128xi32, #tpu.memory_space<vmem>>
    %dma_start3A_421 = tpu.memref_squeeze %dma_start3A_420 : memref<1x128xi32, #tpu.memory_space<vmem>> -> memref<128xi32, #tpu.memory_space<vmem>>
    %dma_start3A_422 = arith.constant 0 : i32
    %dma_start3A_423 = tpu.memref_slice %arg17[%dma_start3A_422] : memref<512256xf32, #tpu.memory_space<vmem_shared>> -> memref<512256xf32, #tpu.memory_space<vmem_shared>>
    tpu.enqueue_indirect_dma source(%dma_start3A_418 : memref<128xf32, #tpu.memory_space<vmem>>) target(%dma_start3A_423 : memref<512256xf32, #tpu.memory_space<vmem_shared>>) offsets(%dma_start3A_421 : memref<128xi32, #tpu.memory_space<vmem>>) semaphore(%arg18 : memref<!tpu.dma_semaphore, #tpu.memory_space<semaphore_mem>>) {add = true}
    %dma_start3A_424 = arith.constant 30 : i32
    %dma_start3A_425 = arith.constant 30 : i32
    %dma_start3A_426 = arith.constant 0 : i32
    %dma_start3A_427 = tpu.memref_slice %arg14[%dma_start3A_424, %dma_start3A_426] : memref<49x128xf32, #tpu.memory_space<vmem>> -> memref<1x128xf32, #tpu.memory_space<vmem>>
    %dma_start3A_428 = tpu.memref_squeeze %dma_start3A_427 : memref<1x128xf32, #tpu.memory_space<vmem>> -> memref<128xf32, #tpu.memory_space<vmem>>
    %dma_start3A_429 = arith.constant 0 : i32
    %dma_start3A_430 = tpu.memref_slice %arg13[%dma_start3A_425, %dma_start3A_429] : memref<49x128xi32, #tpu.memory_space<vmem>> -> memref<1x128xi32, #tpu.memory_space<vmem>>
    %dma_start3A_431 = tpu.memref_squeeze %dma_start3A_430 : memref<1x128xi32, #tpu.memory_space<vmem>> -> memref<128xi32, #tpu.memory_space<vmem>>
    %dma_start3A_432 = arith.constant 0 : i32
    %dma_start3A_433 = tpu.memref_slice %arg17[%dma_start3A_432] : memref<512256xf32, #tpu.memory_space<vmem_shared>> -> memref<512256xf32, #tpu.memory_space<vmem_shared>>
    tpu.enqueue_indirect_dma source(%dma_start3A_428 : memref<128xf32, #tpu.memory_space<vmem>>) target(%dma_start3A_433 : memref<512256xf32, #tpu.memory_space<vmem_shared>>) offsets(%dma_start3A_431 : memref<128xi32, #tpu.memory_space<vmem>>) semaphore(%arg18 : memref<!tpu.dma_semaphore, #tpu.memory_space<semaphore_mem>>) {add = true}
    %dma_start3A_434 = arith.constant 31 : i32
    %dma_start3A_435 = arith.constant 31 : i32
    %dma_start3A_436 = arith.constant 0 : i32
    %dma_start3A_437 = tpu.memref_slice %arg14[%dma_start3A_434, %dma_start3A_436] : memref<49x128xf32, #tpu.memory_space<vmem>> -> memref<1x128xf32, #tpu.memory_space<vmem>>
    %dma_start3A_438 = tpu.memref_squeeze %dma_start3A_437 : memref<1x128xf32, #tpu.memory_space<vmem>> -> memref<128xf32, #tpu.memory_space<vmem>>
    %dma_start3A_439 = arith.constant 0 : i32
    %dma_start3A_440 = tpu.memref_slice %arg13[%dma_start3A_435, %dma_start3A_439] : memref<49x128xi32, #tpu.memory_space<vmem>> -> memref<1x128xi32, #tpu.memory_space<vmem>>
    %dma_start3A_441 = tpu.memref_squeeze %dma_start3A_440 : memref<1x128xi32, #tpu.memory_space<vmem>> -> memref<128xi32, #tpu.memory_space<vmem>>
    %dma_start3A_442 = arith.constant 0 : i32
    %dma_start3A_443 = tpu.memref_slice %arg17[%dma_start3A_442] : memref<512256xf32, #tpu.memory_space<vmem_shared>> -> memref<512256xf32, #tpu.memory_space<vmem_shared>>
    tpu.enqueue_indirect_dma source(%dma_start3A_438 : memref<128xf32, #tpu.memory_space<vmem>>) target(%dma_start3A_443 : memref<512256xf32, #tpu.memory_space<vmem_shared>>) offsets(%dma_start3A_441 : memref<128xi32, #tpu.memory_space<vmem>>) semaphore(%arg18 : memref<!tpu.dma_semaphore, #tpu.memory_space<semaphore_mem>>) {add = true}
    %dma_start3A_444 = arith.constant 32 : i32
    %dma_start3A_445 = arith.constant 32 : i32
    %dma_start3A_446 = arith.constant 0 : i32
    %dma_start3A_447 = tpu.memref_slice %arg14[%dma_start3A_444, %dma_start3A_446] : memref<49x128xf32, #tpu.memory_space<vmem>> -> memref<1x128xf32, #tpu.memory_space<vmem>>
    %dma_start3A_448 = tpu.memref_squeeze %dma_start3A_447 : memref<1x128xf32, #tpu.memory_space<vmem>> -> memref<128xf32, #tpu.memory_space<vmem>>
    %dma_start3A_449 = arith.constant 0 : i32
    %dma_start3A_450 = tpu.memref_slice %arg13[%dma_start3A_445, %dma_start3A_449] : memref<49x128xi32, #tpu.memory_space<vmem>> -> memref<1x128xi32, #tpu.memory_space<vmem>>
    %dma_start3A_451 = tpu.memref_squeeze %dma_start3A_450 : memref<1x128xi32, #tpu.memory_space<vmem>> -> memref<128xi32, #tpu.memory_space<vmem>>
    %dma_start3A_452 = arith.constant 0 : i32
    %dma_start3A_453 = tpu.memref_slice %arg17[%dma_start3A_452] : memref<512256xf32, #tpu.memory_space<vmem_shared>> -> memref<512256xf32, #tpu.memory_space<vmem_shared>>
    tpu.enqueue_indirect_dma source(%dma_start3A_448 : memref<128xf32, #tpu.memory_space<vmem>>) target(%dma_start3A_453 : memref<512256xf32, #tpu.memory_space<vmem_shared>>) offsets(%dma_start3A_451 : memref<128xi32, #tpu.memory_space<vmem>>) semaphore(%arg18 : memref<!tpu.dma_semaphore, #tpu.memory_space<semaphore_mem>>) {add = true}
    %dma_start3A_454 = arith.constant 33 : i32
    %dma_start3A_455 = arith.constant 33 : i32
    %dma_start3A_456 = arith.constant 0 : i32
    %dma_start3A_457 = tpu.memref_slice %arg14[%dma_start3A_454, %dma_start3A_456] : memref<49x128xf32, #tpu.memory_space<vmem>> -> memref<1x128xf32, #tpu.memory_space<vmem>>
    %dma_start3A_458 = tpu.memref_squeeze %dma_start3A_457 : memref<1x128xf32, #tpu.memory_space<vmem>> -> memref<128xf32, #tpu.memory_space<vmem>>
    %dma_start3A_459 = arith.constant 0 : i32
    %dma_start3A_460 = tpu.memref_slice %arg13[%dma_start3A_455, %dma_start3A_459] : memref<49x128xi32, #tpu.memory_space<vmem>> -> memref<1x128xi32, #tpu.memory_space<vmem>>
    %dma_start3A_461 = tpu.memref_squeeze %dma_start3A_460 : memref<1x128xi32, #tpu.memory_space<vmem>> -> memref<128xi32, #tpu.memory_space<vmem>>
    %dma_start3A_462 = arith.constant 0 : i32
    %dma_start3A_463 = tpu.memref_slice %arg17[%dma_start3A_462] : memref<512256xf32, #tpu.memory_space<vmem_shared>> -> memref<512256xf32, #tpu.memory_space<vmem_shared>>
    tpu.enqueue_indirect_dma source(%dma_start3A_458 : memref<128xf32, #tpu.memory_space<vmem>>) target(%dma_start3A_463 : memref<512256xf32, #tpu.memory_space<vmem_shared>>) offsets(%dma_start3A_461 : memref<128xi32, #tpu.memory_space<vmem>>) semaphore(%arg18 : memref<!tpu.dma_semaphore, #tpu.memory_space<semaphore_mem>>) {add = true}
    %dma_start3A_464 = arith.constant 34 : i32
    %dma_start3A_465 = arith.constant 34 : i32
    %dma_start3A_466 = arith.constant 0 : i32
    %dma_start3A_467 = tpu.memref_slice %arg14[%dma_start3A_464, %dma_start3A_466] : memref<49x128xf32, #tpu.memory_space<vmem>> -> memref<1x128xf32, #tpu.memory_space<vmem>>
    %dma_start3A_468 = tpu.memref_squeeze %dma_start3A_467 : memref<1x128xf32, #tpu.memory_space<vmem>> -> memref<128xf32, #tpu.memory_space<vmem>>
    %dma_start3A_469 = arith.constant 0 : i32
    %dma_start3A_470 = tpu.memref_slice %arg13[%dma_start3A_465, %dma_start3A_469] : memref<49x128xi32, #tpu.memory_space<vmem>> -> memref<1x128xi32, #tpu.memory_space<vmem>>
    %dma_start3A_471 = tpu.memref_squeeze %dma_start3A_470 : memref<1x128xi32, #tpu.memory_space<vmem>> -> memref<128xi32, #tpu.memory_space<vmem>>
    %dma_start3A_472 = arith.constant 0 : i32
    %dma_start3A_473 = tpu.memref_slice %arg17[%dma_start3A_472] : memref<512256xf32, #tpu.memory_space<vmem_shared>> -> memref<512256xf32, #tpu.memory_space<vmem_shared>>
    tpu.enqueue_indirect_dma source(%dma_start3A_468 : memref<128xf32, #tpu.memory_space<vmem>>) target(%dma_start3A_473 : memref<512256xf32, #tpu.memory_space<vmem_shared>>) offsets(%dma_start3A_471 : memref<128xi32, #tpu.memory_space<vmem>>) semaphore(%arg18 : memref<!tpu.dma_semaphore, #tpu.memory_space<semaphore_mem>>) {add = true}
    %dma_start3A_474 = arith.constant 35 : i32
    %dma_start3A_475 = arith.constant 35 : i32
    %dma_start3A_476 = arith.constant 0 : i32
    %dma_start3A_477 = tpu.memref_slice %arg14[%dma_start3A_474, %dma_start3A_476] : memref<49x128xf32, #tpu.memory_space<vmem>> -> memref<1x128xf32, #tpu.memory_space<vmem>>
    %dma_start3A_478 = tpu.memref_squeeze %dma_start3A_477 : memref<1x128xf32, #tpu.memory_space<vmem>> -> memref<128xf32, #tpu.memory_space<vmem>>
    %dma_start3A_479 = arith.constant 0 : i32
    %dma_start3A_480 = tpu.memref_slice %arg13[%dma_start3A_475, %dma_start3A_479] : memref<49x128xi32, #tpu.memory_space<vmem>> -> memref<1x128xi32, #tpu.memory_space<vmem>>
    %dma_start3A_481 = tpu.memref_squeeze %dma_start3A_480 : memref<1x128xi32, #tpu.memory_space<vmem>> -> memref<128xi32, #tpu.memory_space<vmem>>
    %dma_start3A_482 = arith.constant 0 : i32
    %dma_start3A_483 = tpu.memref_slice %arg17[%dma_start3A_482] : memref<512256xf32, #tpu.memory_space<vmem_shared>> -> memref<512256xf32, #tpu.memory_space<vmem_shared>>
    tpu.enqueue_indirect_dma source(%dma_start3A_478 : memref<128xf32, #tpu.memory_space<vmem>>) target(%dma_start3A_483 : memref<512256xf32, #tpu.memory_space<vmem_shared>>) offsets(%dma_start3A_481 : memref<128xi32, #tpu.memory_space<vmem>>) semaphore(%arg18 : memref<!tpu.dma_semaphore, #tpu.memory_space<semaphore_mem>>) {add = true}
    %dma_start3A_484 = arith.constant 36 : i32
    %dma_start3A_485 = arith.constant 36 : i32
    %dma_start3A_486 = arith.constant 0 : i32
    %dma_start3A_487 = tpu.memref_slice %arg14[%dma_start3A_484, %dma_start3A_486] : memref<49x128xf32, #tpu.memory_space<vmem>> -> memref<1x128xf32, #tpu.memory_space<vmem>>
    %dma_start3A_488 = tpu.memref_squeeze %dma_start3A_487 : memref<1x128xf32, #tpu.memory_space<vmem>> -> memref<128xf32, #tpu.memory_space<vmem>>
    %dma_start3A_489 = arith.constant 0 : i32
    %dma_start3A_490 = tpu.memref_slice %arg13[%dma_start3A_485, %dma_start3A_489] : memref<49x128xi32, #tpu.memory_space<vmem>> -> memref<1x128xi32, #tpu.memory_space<vmem>>
    %dma_start3A_491 = tpu.memref_squeeze %dma_start3A_490 : memref<1x128xi32, #tpu.memory_space<vmem>> -> memref<128xi32, #tpu.memory_space<vmem>>
    %dma_start3A_492 = arith.constant 0 : i32
    %dma_start3A_493 = tpu.memref_slice %arg17[%dma_start3A_492] : memref<512256xf32, #tpu.memory_space<vmem_shared>> -> memref<512256xf32, #tpu.memory_space<vmem_shared>>
    tpu.enqueue_indirect_dma source(%dma_start3A_488 : memref<128xf32, #tpu.memory_space<vmem>>) target(%dma_start3A_493 : memref<512256xf32, #tpu.memory_space<vmem_shared>>) offsets(%dma_start3A_491 : memref<128xi32, #tpu.memory_space<vmem>>) semaphore(%arg18 : memref<!tpu.dma_semaphore, #tpu.memory_space<semaphore_mem>>) {add = true}
    %dma_start3A_494 = arith.constant 37 : i32
    %dma_start3A_495 = arith.constant 37 : i32
    %dma_start3A_496 = arith.constant 0 : i32
    %dma_start3A_497 = tpu.memref_slice %arg14[%dma_start3A_494, %dma_start3A_496] : memref<49x128xf32, #tpu.memory_space<vmem>> -> memref<1x128xf32, #tpu.memory_space<vmem>>
    %dma_start3A_498 = tpu.memref_squeeze %dma_start3A_497 : memref<1x128xf32, #tpu.memory_space<vmem>> -> memref<128xf32, #tpu.memory_space<vmem>>
    %dma_start3A_499 = arith.constant 0 : i32
    %dma_start3A_500 = tpu.memref_slice %arg13[%dma_start3A_495, %dma_start3A_499] : memref<49x128xi32, #tpu.memory_space<vmem>> -> memref<1x128xi32, #tpu.memory_space<vmem>>
    %dma_start3A_501 = tpu.memref_squeeze %dma_start3A_500 : memref<1x128xi32, #tpu.memory_space<vmem>> -> memref<128xi32, #tpu.memory_space<vmem>>
    %dma_start3A_502 = arith.constant 0 : i32
    %dma_start3A_503 = tpu.memref_slice %arg17[%dma_start3A_502] : memref<512256xf32, #tpu.memory_space<vmem_shared>> -> memref<512256xf32, #tpu.memory_space<vmem_shared>>
    tpu.enqueue_indirect_dma source(%dma_start3A_498 : memref<128xf32, #tpu.memory_space<vmem>>) target(%dma_start3A_503 : memref<512256xf32, #tpu.memory_space<vmem_shared>>) offsets(%dma_start3A_501 : memref<128xi32, #tpu.memory_space<vmem>>) semaphore(%arg18 : memref<!tpu.dma_semaphore, #tpu.memory_space<semaphore_mem>>) {add = true}
    %dma_start3A_504 = arith.constant 38 : i32
    %dma_start3A_505 = arith.constant 38 : i32
    %dma_start3A_506 = arith.constant 0 : i32
    %dma_start3A_507 = tpu.memref_slice %arg14[%dma_start3A_504, %dma_start3A_506] : memref<49x128xf32, #tpu.memory_space<vmem>> -> memref<1x128xf32, #tpu.memory_space<vmem>>
    %dma_start3A_508 = tpu.memref_squeeze %dma_start3A_507 : memref<1x128xf32, #tpu.memory_space<vmem>> -> memref<128xf32, #tpu.memory_space<vmem>>
    %dma_start3A_509 = arith.constant 0 : i32
    %dma_start3A_510 = tpu.memref_slice %arg13[%dma_start3A_505, %dma_start3A_509] : memref<49x128xi32, #tpu.memory_space<vmem>> -> memref<1x128xi32, #tpu.memory_space<vmem>>
    %dma_start3A_511 = tpu.memref_squeeze %dma_start3A_510 : memref<1x128xi32, #tpu.memory_space<vmem>> -> memref<128xi32, #tpu.memory_space<vmem>>
    %dma_start3A_512 = arith.constant 0 : i32
    %dma_start3A_513 = tpu.memref_slice %arg17[%dma_start3A_512] : memref<512256xf32, #tpu.memory_space<vmem_shared>> -> memref<512256xf32, #tpu.memory_space<vmem_shared>>
    tpu.enqueue_indirect_dma source(%dma_start3A_508 : memref<128xf32, #tpu.memory_space<vmem>>) target(%dma_start3A_513 : memref<512256xf32, #tpu.memory_space<vmem_shared>>) offsets(%dma_start3A_511 : memref<128xi32, #tpu.memory_space<vmem>>) semaphore(%arg18 : memref<!tpu.dma_semaphore, #tpu.memory_space<semaphore_mem>>) {add = true}
    %dma_start3A_514 = arith.constant 39 : i32
    %dma_start3A_515 = arith.constant 39 : i32
    %dma_start3A_516 = arith.constant 0 : i32
    %dma_start3A_517 = tpu.memref_slice %arg14[%dma_start3A_514, %dma_start3A_516] : memref<49x128xf32, #tpu.memory_space<vmem>> -> memref<1x128xf32, #tpu.memory_space<vmem>>
    %dma_start3A_518 = tpu.memref_squeeze %dma_start3A_517 : memref<1x128xf32, #tpu.memory_space<vmem>> -> memref<128xf32, #tpu.memory_space<vmem>>
    %dma_start3A_519 = arith.constant 0 : i32
    %dma_start3A_520 = tpu.memref_slice %arg13[%dma_start3A_515, %dma_start3A_519] : memref<49x128xi32, #tpu.memory_space<vmem>> -> memref<1x128xi32, #tpu.memory_space<vmem>>
    %dma_start3A_521 = tpu.memref_squeeze %dma_start3A_520 : memref<1x128xi32, #tpu.memory_space<vmem>> -> memref<128xi32, #tpu.memory_space<vmem>>
    %dma_start3A_522 = arith.constant 0 : i32
    %dma_start3A_523 = tpu.memref_slice %arg17[%dma_start3A_522] : memref<512256xf32, #tpu.memory_space<vmem_shared>> -> memref<512256xf32, #tpu.memory_space<vmem_shared>>
    tpu.enqueue_indirect_dma source(%dma_start3A_518 : memref<128xf32, #tpu.memory_space<vmem>>) target(%dma_start3A_523 : memref<512256xf32, #tpu.memory_space<vmem_shared>>) offsets(%dma_start3A_521 : memref<128xi32, #tpu.memory_space<vmem>>) semaphore(%arg18 : memref<!tpu.dma_semaphore, #tpu.memory_space<semaphore_mem>>) {add = true}
    %dma_start3A_524 = arith.constant 40 : i32
    %dma_start3A_525 = arith.constant 40 : i32
    %dma_start3A_526 = arith.constant 0 : i32
    %dma_start3A_527 = tpu.memref_slice %arg14[%dma_start3A_524, %dma_start3A_526] : memref<49x128xf32, #tpu.memory_space<vmem>> -> memref<1x128xf32, #tpu.memory_space<vmem>>
    %dma_start3A_528 = tpu.memref_squeeze %dma_start3A_527 : memref<1x128xf32, #tpu.memory_space<vmem>> -> memref<128xf32, #tpu.memory_space<vmem>>
    %dma_start3A_529 = arith.constant 0 : i32
    %dma_start3A_530 = tpu.memref_slice %arg13[%dma_start3A_525, %dma_start3A_529] : memref<49x128xi32, #tpu.memory_space<vmem>> -> memref<1x128xi32, #tpu.memory_space<vmem>>
    %dma_start3A_531 = tpu.memref_squeeze %dma_start3A_530 : memref<1x128xi32, #tpu.memory_space<vmem>> -> memref<128xi32, #tpu.memory_space<vmem>>
    %dma_start3A_532 = arith.constant 0 : i32
    %dma_start3A_533 = tpu.memref_slice %arg17[%dma_start3A_532] : memref<512256xf32, #tpu.memory_space<vmem_shared>> -> memref<512256xf32, #tpu.memory_space<vmem_shared>>
    tpu.enqueue_indirect_dma source(%dma_start3A_528 : memref<128xf32, #tpu.memory_space<vmem>>) target(%dma_start3A_533 : memref<512256xf32, #tpu.memory_space<vmem_shared>>) offsets(%dma_start3A_531 : memref<128xi32, #tpu.memory_space<vmem>>) semaphore(%arg18 : memref<!tpu.dma_semaphore, #tpu.memory_space<semaphore_mem>>) {add = true}
    %dma_start3A_534 = arith.constant 41 : i32
    %dma_start3A_535 = arith.constant 41 : i32
    %dma_start3A_536 = arith.constant 0 : i32
    %dma_start3A_537 = tpu.memref_slice %arg14[%dma_start3A_534, %dma_start3A_536] : memref<49x128xf32, #tpu.memory_space<vmem>> -> memref<1x128xf32, #tpu.memory_space<vmem>>
    %dma_start3A_538 = tpu.memref_squeeze %dma_start3A_537 : memref<1x128xf32, #tpu.memory_space<vmem>> -> memref<128xf32, #tpu.memory_space<vmem>>
    %dma_start3A_539 = arith.constant 0 : i32
    %dma_start3A_540 = tpu.memref_slice %arg13[%dma_start3A_535, %dma_start3A_539] : memref<49x128xi32, #tpu.memory_space<vmem>> -> memref<1x128xi32, #tpu.memory_space<vmem>>
    %dma_start3A_541 = tpu.memref_squeeze %dma_start3A_540 : memref<1x128xi32, #tpu.memory_space<vmem>> -> memref<128xi32, #tpu.memory_space<vmem>>
    %dma_start3A_542 = arith.constant 0 : i32
    %dma_start3A_543 = tpu.memref_slice %arg17[%dma_start3A_542] : memref<512256xf32, #tpu.memory_space<vmem_shared>> -> memref<512256xf32, #tpu.memory_space<vmem_shared>>
    tpu.enqueue_indirect_dma source(%dma_start3A_538 : memref<128xf32, #tpu.memory_space<vmem>>) target(%dma_start3A_543 : memref<512256xf32, #tpu.memory_space<vmem_shared>>) offsets(%dma_start3A_541 : memref<128xi32, #tpu.memory_space<vmem>>) semaphore(%arg18 : memref<!tpu.dma_semaphore, #tpu.memory_space<semaphore_mem>>) {add = true}
    %dma_start3A_544 = arith.constant 42 : i32
    %dma_start3A_545 = arith.constant 42 : i32
    %dma_start3A_546 = arith.constant 0 : i32
    %dma_start3A_547 = tpu.memref_slice %arg14[%dma_start3A_544, %dma_start3A_546] : memref<49x128xf32, #tpu.memory_space<vmem>> -> memref<1x128xf32, #tpu.memory_space<vmem>>
    %dma_start3A_548 = tpu.memref_squeeze %dma_start3A_547 : memref<1x128xf32, #tpu.memory_space<vmem>> -> memref<128xf32, #tpu.memory_space<vmem>>
    %dma_start3A_549 = arith.constant 0 : i32
    %dma_start3A_550 = tpu.memref_slice %arg13[%dma_start3A_545, %dma_start3A_549] : memref<49x128xi32, #tpu.memory_space<vmem>> -> memref<1x128xi32, #tpu.memory_space<vmem>>
    %dma_start3A_551 = tpu.memref_squeeze %dma_start3A_550 : memref<1x128xi32, #tpu.memory_space<vmem>> -> memref<128xi32, #tpu.memory_space<vmem>>
    %dma_start3A_552 = arith.constant 0 : i32
    %dma_start3A_553 = tpu.memref_slice %arg17[%dma_start3A_552] : memref<512256xf32, #tpu.memory_space<vmem_shared>> -> memref<512256xf32, #tpu.memory_space<vmem_shared>>
    tpu.enqueue_indirect_dma source(%dma_start3A_548 : memref<128xf32, #tpu.memory_space<vmem>>) target(%dma_start3A_553 : memref<512256xf32, #tpu.memory_space<vmem_shared>>) offsets(%dma_start3A_551 : memref<128xi32, #tpu.memory_space<vmem>>) semaphore(%arg18 : memref<!tpu.dma_semaphore, #tpu.memory_space<semaphore_mem>>) {add = true}
    %dma_start3A_554 = arith.constant 43 : i32
    %dma_start3A_555 = arith.constant 43 : i32
    %dma_start3A_556 = arith.constant 0 : i32
    %dma_start3A_557 = tpu.memref_slice %arg14[%dma_start3A_554, %dma_start3A_556] : memref<49x128xf32, #tpu.memory_space<vmem>> -> memref<1x128xf32, #tpu.memory_space<vmem>>
    %dma_start3A_558 = tpu.memref_squeeze %dma_start3A_557 : memref<1x128xf32, #tpu.memory_space<vmem>> -> memref<128xf32, #tpu.memory_space<vmem>>
    %dma_start3A_559 = arith.constant 0 : i32
    %dma_start3A_560 = tpu.memref_slice %arg13[%dma_start3A_555, %dma_start3A_559] : memref<49x128xi32, #tpu.memory_space<vmem>> -> memref<1x128xi32, #tpu.memory_space<vmem>>
    %dma_start3A_561 = tpu.memref_squeeze %dma_start3A_560 : memref<1x128xi32, #tpu.memory_space<vmem>> -> memref<128xi32, #tpu.memory_space<vmem>>
    %dma_start3A_562 = arith.constant 0 : i32
    %dma_start3A_563 = tpu.memref_slice %arg17[%dma_start3A_562] : memref<512256xf32, #tpu.memory_space<vmem_shared>> -> memref<512256xf32, #tpu.memory_space<vmem_shared>>
    tpu.enqueue_indirect_dma source(%dma_start3A_558 : memref<128xf32, #tpu.memory_space<vmem>>) target(%dma_start3A_563 : memref<512256xf32, #tpu.memory_space<vmem_shared>>) offsets(%dma_start3A_561 : memref<128xi32, #tpu.memory_space<vmem>>) semaphore(%arg18 : memref<!tpu.dma_semaphore, #tpu.memory_space<semaphore_mem>>) {add = true}
    %dma_start3A_564 = arith.constant 44 : i32
    %dma_start3A_565 = arith.constant 44 : i32
    %dma_start3A_566 = arith.constant 0 : i32
    %dma_start3A_567 = tpu.memref_slice %arg14[%dma_start3A_564, %dma_start3A_566] : memref<49x128xf32, #tpu.memory_space<vmem>> -> memref<1x128xf32, #tpu.memory_space<vmem>>
    %dma_start3A_568 = tpu.memref_squeeze %dma_start3A_567 : memref<1x128xf32, #tpu.memory_space<vmem>> -> memref<128xf32, #tpu.memory_space<vmem>>
    %dma_start3A_569 = arith.constant 0 : i32
    %dma_start3A_570 = tpu.memref_slice %arg13[%dma_start3A_565, %dma_start3A_569] : memref<49x128xi32, #tpu.memory_space<vmem>> -> memref<1x128xi32, #tpu.memory_space<vmem>>
    %dma_start3A_571 = tpu.memref_squeeze %dma_start3A_570 : memref<1x128xi32, #tpu.memory_space<vmem>> -> memref<128xi32, #tpu.memory_space<vmem>>
    %dma_start3A_572 = arith.constant 0 : i32
    %dma_start3A_573 = tpu.memref_slice %arg17[%dma_start3A_572] : memref<512256xf32, #tpu.memory_space<vmem_shared>> -> memref<512256xf32, #tpu.memory_space<vmem_shared>>
    tpu.enqueue_indirect_dma source(%dma_start3A_568 : memref<128xf32, #tpu.memory_space<vmem>>) target(%dma_start3A_573 : memref<512256xf32, #tpu.memory_space<vmem_shared>>) offsets(%dma_start3A_571 : memref<128xi32, #tpu.memory_space<vmem>>) semaphore(%arg18 : memref<!tpu.dma_semaphore, #tpu.memory_space<semaphore_mem>>) {add = true}
    %dma_start3A_574 = arith.constant 45 : i32
    %dma_start3A_575 = arith.constant 45 : i32
    %dma_start3A_576 = arith.constant 0 : i32
    %dma_start3A_577 = tpu.memref_slice %arg14[%dma_start3A_574, %dma_start3A_576] : memref<49x128xf32, #tpu.memory_space<vmem>> -> memref<1x128xf32, #tpu.memory_space<vmem>>
    %dma_start3A_578 = tpu.memref_squeeze %dma_start3A_577 : memref<1x128xf32, #tpu.memory_space<vmem>> -> memref<128xf32, #tpu.memory_space<vmem>>
    %dma_start3A_579 = arith.constant 0 : i32
    %dma_start3A_580 = tpu.memref_slice %arg13[%dma_start3A_575, %dma_start3A_579] : memref<49x128xi32, #tpu.memory_space<vmem>> -> memref<1x128xi32, #tpu.memory_space<vmem>>
    %dma_start3A_581 = tpu.memref_squeeze %dma_start3A_580 : memref<1x128xi32, #tpu.memory_space<vmem>> -> memref<128xi32, #tpu.memory_space<vmem>>
    %dma_start3A_582 = arith.constant 0 : i32
    %dma_start3A_583 = tpu.memref_slice %arg17[%dma_start3A_582] : memref<512256xf32, #tpu.memory_space<vmem_shared>> -> memref<512256xf32, #tpu.memory_space<vmem_shared>>
    tpu.enqueue_indirect_dma source(%dma_start3A_578 : memref<128xf32, #tpu.memory_space<vmem>>) target(%dma_start3A_583 : memref<512256xf32, #tpu.memory_space<vmem_shared>>) offsets(%dma_start3A_581 : memref<128xi32, #tpu.memory_space<vmem>>) semaphore(%arg18 : memref<!tpu.dma_semaphore, #tpu.memory_space<semaphore_mem>>) {add = true}
    %dma_start3A_584 = arith.constant 46 : i32
    %dma_start3A_585 = arith.constant 46 : i32
    %dma_start3A_586 = arith.constant 0 : i32
    %dma_start3A_587 = tpu.memref_slice %arg14[%dma_start3A_584, %dma_start3A_586] : memref<49x128xf32, #tpu.memory_space<vmem>> -> memref<1x128xf32, #tpu.memory_space<vmem>>
    %dma_start3A_588 = tpu.memref_squeeze %dma_start3A_587 : memref<1x128xf32, #tpu.memory_space<vmem>> -> memref<128xf32, #tpu.memory_space<vmem>>
    %dma_start3A_589 = arith.constant 0 : i32
    %dma_start3A_590 = tpu.memref_slice %arg13[%dma_start3A_585, %dma_start3A_589] : memref<49x128xi32, #tpu.memory_space<vmem>> -> memref<1x128xi32, #tpu.memory_space<vmem>>
    %dma_start3A_591 = tpu.memref_squeeze %dma_start3A_590 : memref<1x128xi32, #tpu.memory_space<vmem>> -> memref<128xi32, #tpu.memory_space<vmem>>
    %dma_start3A_592 = arith.constant 0 : i32
    %dma_start3A_593 = tpu.memref_slice %arg17[%dma_start3A_592] : memref<512256xf32, #tpu.memory_space<vmem_shared>> -> memref<512256xf32, #tpu.memory_space<vmem_shared>>
    tpu.enqueue_indirect_dma source(%dma_start3A_588 : memref<128xf32, #tpu.memory_space<vmem>>) target(%dma_start3A_593 : memref<512256xf32, #tpu.memory_space<vmem_shared>>) offsets(%dma_start3A_591 : memref<128xi32, #tpu.memory_space<vmem>>) semaphore(%arg18 : memref<!tpu.dma_semaphore, #tpu.memory_space<semaphore_mem>>) {add = true}
    %dma_start3A_594 = arith.constant 47 : i32
    %dma_start3A_595 = arith.constant 47 : i32
    %dma_start3A_596 = arith.constant 0 : i32
    %dma_start3A_597 = tpu.memref_slice %arg14[%dma_start3A_594, %dma_start3A_596] : memref<49x128xf32, #tpu.memory_space<vmem>> -> memref<1x128xf32, #tpu.memory_space<vmem>>
    %dma_start3A_598 = tpu.memref_squeeze %dma_start3A_597 : memref<1x128xf32, #tpu.memory_space<vmem>> -> memref<128xf32, #tpu.memory_space<vmem>>
    %dma_start3A_599 = arith.constant 0 : i32
    %dma_start3A_600 = tpu.memref_slice %arg13[%dma_start3A_595, %dma_start3A_599] : memref<49x128xi32, #tpu.memory_space<vmem>> -> memref<1x128xi32, #tpu.memory_space<vmem>>
    %dma_start3A_601 = tpu.memref_squeeze %dma_start3A_600 : memref<1x128xi32, #tpu.memory_space<vmem>> -> memref<128xi32, #tpu.memory_space<vmem>>
    %dma_start3A_602 = arith.constant 0 : i32
    %dma_start3A_603 = tpu.memref_slice %arg17[%dma_start3A_602] : memref<512256xf32, #tpu.memory_space<vmem_shared>> -> memref<512256xf32, #tpu.memory_space<vmem_shared>>
    tpu.enqueue_indirect_dma source(%dma_start3A_598 : memref<128xf32, #tpu.memory_space<vmem>>) target(%dma_start3A_603 : memref<512256xf32, #tpu.memory_space<vmem_shared>>) offsets(%dma_start3A_601 : memref<128xi32, #tpu.memory_space<vmem>>) semaphore(%arg18 : memref<!tpu.dma_semaphore, #tpu.memory_space<semaphore_mem>>) {add = true}
    %dma_start3A_604 = arith.constant 48 : i32
    %dma_start3A_605 = arith.constant 48 : i32
    %dma_start3A_606 = arith.constant 0 : i32
    %dma_start3A_607 = tpu.memref_slice %arg14[%dma_start3A_604, %dma_start3A_606] : memref<49x128xf32, #tpu.memory_space<vmem>> -> memref<1x128xf32, #tpu.memory_space<vmem>>
    %dma_start3A_608 = tpu.memref_squeeze %dma_start3A_607 : memref<1x128xf32, #tpu.memory_space<vmem>> -> memref<128xf32, #tpu.memory_space<vmem>>
    %dma_start3A_609 = arith.constant 0 : i32
    %dma_start3A_610 = tpu.memref_slice %arg13[%dma_start3A_605, %dma_start3A_609] : memref<49x128xi32, #tpu.memory_space<vmem>> -> memref<1x128xi32, #tpu.memory_space<vmem>>
    %dma_start3A_611 = tpu.memref_squeeze %dma_start3A_610 : memref<1x128xi32, #tpu.memory_space<vmem>> -> memref<128xi32, #tpu.memory_space<vmem>>
    %dma_start3A_612 = arith.constant 0 : i32
    %dma_start3A_613 = tpu.memref_slice %arg17[%dma_start3A_612] : memref<512256xf32, #tpu.memory_space<vmem_shared>> -> memref<512256xf32, #tpu.memory_space<vmem_shared>>
    tpu.enqueue_indirect_dma source(%dma_start3A_608 : memref<128xf32, #tpu.memory_space<vmem>>) target(%dma_start3A_613 : memref<512256xf32, #tpu.memory_space<vmem_shared>>) offsets(%dma_start3A_611 : memref<128xi32, #tpu.memory_space<vmem>>) semaphore(%arg18 : memref<!tpu.dma_semaphore, #tpu.memory_space<semaphore_mem>>) {add = true}
    %dma_wait3A = arith.constant 0 : i32
    %dma_wait3A_614 = arith.constant 0 : i32
    %dma_wait3A_615 = arith.constant 0 : i32
    %dma_wait3A_616 = tpu.memref_slice %arg14[%dma_wait3A, %dma_wait3A_615] : memref<49x128xf32, #tpu.memory_space<vmem>> -> memref<1x128xf32, #tpu.memory_space<vmem>>
    %dma_wait3A_617 = tpu.memref_squeeze %dma_wait3A_616 : memref<1x128xf32, #tpu.memory_space<vmem>> -> memref<128xf32, #tpu.memory_space<vmem>>
    %dma_wait3A_618 = arith.constant 0 : i32
    %dma_wait3A_619 = tpu.memref_slice %arg13[%dma_wait3A_614, %dma_wait3A_618] : memref<49x128xi32, #tpu.memory_space<vmem>> -> memref<1x128xi32, #tpu.memory_space<vmem>>
    %dma_wait3A_620 = tpu.memref_squeeze %dma_wait3A_619 : memref<1x128xi32, #tpu.memory_space<vmem>> -> memref<128xi32, #tpu.memory_space<vmem>>
    %dma_wait3A_621 = arith.constant 0 : i32
    %dma_wait3A_622 = tpu.memref_slice %arg17[%dma_wait3A_621] : memref<512256xf32, #tpu.memory_space<vmem_shared>> -> memref<512256xf32, #tpu.memory_space<vmem_shared>>
    tpu.wait_indirect_dma semaphore(%arg18 : memref<!tpu.dma_semaphore, #tpu.memory_space<semaphore_mem>>) src(%dma_wait3A_617 : memref<128xf32, #tpu.memory_space<vmem>>) dst(%dma_wait3A_622 : memref<512256xf32, #tpu.memory_space<vmem_shared>>)
    %dma_wait3A_623 = arith.constant 1 : i32
    %dma_wait3A_624 = arith.constant 1 : i32
    %dma_wait3A_625 = arith.constant 0 : i32
    %dma_wait3A_626 = tpu.memref_slice %arg14[%dma_wait3A_623, %dma_wait3A_625] : memref<49x128xf32, #tpu.memory_space<vmem>> -> memref<1x128xf32, #tpu.memory_space<vmem>>
    %dma_wait3A_627 = tpu.memref_squeeze %dma_wait3A_626 : memref<1x128xf32, #tpu.memory_space<vmem>> -> memref<128xf32, #tpu.memory_space<vmem>>
    %dma_wait3A_628 = arith.constant 0 : i32
    %dma_wait3A_629 = tpu.memref_slice %arg13[%dma_wait3A_624, %dma_wait3A_628] : memref<49x128xi32, #tpu.memory_space<vmem>> -> memref<1x128xi32, #tpu.memory_space<vmem>>
    %dma_wait3A_630 = tpu.memref_squeeze %dma_wait3A_629 : memref<1x128xi32, #tpu.memory_space<vmem>> -> memref<128xi32, #tpu.memory_space<vmem>>
    %dma_wait3A_631 = arith.constant 0 : i32
    %dma_wait3A_632 = tpu.memref_slice %arg17[%dma_wait3A_631] : memref<512256xf32, #tpu.memory_space<vmem_shared>> -> memref<512256xf32, #tpu.memory_space<vmem_shared>>
    tpu.wait_indirect_dma semaphore(%arg18 : memref<!tpu.dma_semaphore, #tpu.memory_space<semaphore_mem>>) src(%dma_wait3A_627 : memref<128xf32, #tpu.memory_space<vmem>>) dst(%dma_wait3A_632 : memref<512256xf32, #tpu.memory_space<vmem_shared>>)
    %dma_wait3A_633 = arith.constant 2 : i32
    %dma_wait3A_634 = arith.constant 2 : i32
    %dma_wait3A_635 = arith.constant 0 : i32
    %dma_wait3A_636 = tpu.memref_slice %arg14[%dma_wait3A_633, %dma_wait3A_635] : memref<49x128xf32, #tpu.memory_space<vmem>> -> memref<1x128xf32, #tpu.memory_space<vmem>>
    %dma_wait3A_637 = tpu.memref_squeeze %dma_wait3A_636 : memref<1x128xf32, #tpu.memory_space<vmem>> -> memref<128xf32, #tpu.memory_space<vmem>>
    %dma_wait3A_638 = arith.constant 0 : i32
    %dma_wait3A_639 = tpu.memref_slice %arg13[%dma_wait3A_634, %dma_wait3A_638] : memref<49x128xi32, #tpu.memory_space<vmem>> -> memref<1x128xi32, #tpu.memory_space<vmem>>
    %dma_wait3A_640 = tpu.memref_squeeze %dma_wait3A_639 : memref<1x128xi32, #tpu.memory_space<vmem>> -> memref<128xi32, #tpu.memory_space<vmem>>
    %dma_wait3A_641 = arith.constant 0 : i32
    %dma_wait3A_642 = tpu.memref_slice %arg17[%dma_wait3A_641] : memref<512256xf32, #tpu.memory_space<vmem_shared>> -> memref<512256xf32, #tpu.memory_space<vmem_shared>>
    tpu.wait_indirect_dma semaphore(%arg18 : memref<!tpu.dma_semaphore, #tpu.memory_space<semaphore_mem>>) src(%dma_wait3A_637 : memref<128xf32, #tpu.memory_space<vmem>>) dst(%dma_wait3A_642 : memref<512256xf32, #tpu.memory_space<vmem_shared>>)
    %dma_wait3A_643 = arith.constant 3 : i32
    %dma_wait3A_644 = arith.constant 3 : i32
    %dma_wait3A_645 = arith.constant 0 : i32
    %dma_wait3A_646 = tpu.memref_slice %arg14[%dma_wait3A_643, %dma_wait3A_645] : memref<49x128xf32, #tpu.memory_space<vmem>> -> memref<1x128xf32, #tpu.memory_space<vmem>>
    %dma_wait3A_647 = tpu.memref_squeeze %dma_wait3A_646 : memref<1x128xf32, #tpu.memory_space<vmem>> -> memref<128xf32, #tpu.memory_space<vmem>>
    %dma_wait3A_648 = arith.constant 0 : i32
    %dma_wait3A_649 = tpu.memref_slice %arg13[%dma_wait3A_644, %dma_wait3A_648] : memref<49x128xi32, #tpu.memory_space<vmem>> -> memref<1x128xi32, #tpu.memory_space<vmem>>
    %dma_wait3A_650 = tpu.memref_squeeze %dma_wait3A_649 : memref<1x128xi32, #tpu.memory_space<vmem>> -> memref<128xi32, #tpu.memory_space<vmem>>
    %dma_wait3A_651 = arith.constant 0 : i32
    %dma_wait3A_652 = tpu.memref_slice %arg17[%dma_wait3A_651] : memref<512256xf32, #tpu.memory_space<vmem_shared>> -> memref<512256xf32, #tpu.memory_space<vmem_shared>>
    tpu.wait_indirect_dma semaphore(%arg18 : memref<!tpu.dma_semaphore, #tpu.memory_space<semaphore_mem>>) src(%dma_wait3A_647 : memref<128xf32, #tpu.memory_space<vmem>>) dst(%dma_wait3A_652 : memref<512256xf32, #tpu.memory_space<vmem_shared>>)
    %dma_wait3A_653 = arith.constant 4 : i32
    %dma_wait3A_654 = arith.constant 4 : i32
    %dma_wait3A_655 = arith.constant 0 : i32
    %dma_wait3A_656 = tpu.memref_slice %arg14[%dma_wait3A_653, %dma_wait3A_655] : memref<49x128xf32, #tpu.memory_space<vmem>> -> memref<1x128xf32, #tpu.memory_space<vmem>>
    %dma_wait3A_657 = tpu.memref_squeeze %dma_wait3A_656 : memref<1x128xf32, #tpu.memory_space<vmem>> -> memref<128xf32, #tpu.memory_space<vmem>>
    %dma_wait3A_658 = arith.constant 0 : i32
    %dma_wait3A_659 = tpu.memref_slice %arg13[%dma_wait3A_654, %dma_wait3A_658] : memref<49x128xi32, #tpu.memory_space<vmem>> -> memref<1x128xi32, #tpu.memory_space<vmem>>
    %dma_wait3A_660 = tpu.memref_squeeze %dma_wait3A_659 : memref<1x128xi32, #tpu.memory_space<vmem>> -> memref<128xi32, #tpu.memory_space<vmem>>
    %dma_wait3A_661 = arith.constant 0 : i32
    %dma_wait3A_662 = tpu.memref_slice %arg17[%dma_wait3A_661] : memref<512256xf32, #tpu.memory_space<vmem_shared>> -> memref<512256xf32, #tpu.memory_space<vmem_shared>>
    tpu.wait_indirect_dma semaphore(%arg18 : memref<!tpu.dma_semaphore, #tpu.memory_space<semaphore_mem>>) src(%dma_wait3A_657 : memref<128xf32, #tpu.memory_space<vmem>>) dst(%dma_wait3A_662 : memref<512256xf32, #tpu.memory_space<vmem_shared>>)
    %dma_wait3A_663 = arith.constant 5 : i32
    %dma_wait3A_664 = arith.constant 5 : i32
    %dma_wait3A_665 = arith.constant 0 : i32
    %dma_wait3A_666 = tpu.memref_slice %arg14[%dma_wait3A_663, %dma_wait3A_665] : memref<49x128xf32, #tpu.memory_space<vmem>> -> memref<1x128xf32, #tpu.memory_space<vmem>>
    %dma_wait3A_667 = tpu.memref_squeeze %dma_wait3A_666 : memref<1x128xf32, #tpu.memory_space<vmem>> -> memref<128xf32, #tpu.memory_space<vmem>>
    %dma_wait3A_668 = arith.constant 0 : i32
    %dma_wait3A_669 = tpu.memref_slice %arg13[%dma_wait3A_664, %dma_wait3A_668] : memref<49x128xi32, #tpu.memory_space<vmem>> -> memref<1x128xi32, #tpu.memory_space<vmem>>
    %dma_wait3A_670 = tpu.memref_squeeze %dma_wait3A_669 : memref<1x128xi32, #tpu.memory_space<vmem>> -> memref<128xi32, #tpu.memory_space<vmem>>
    %dma_wait3A_671 = arith.constant 0 : i32
    %dma_wait3A_672 = tpu.memref_slice %arg17[%dma_wait3A_671] : memref<512256xf32, #tpu.memory_space<vmem_shared>> -> memref<512256xf32, #tpu.memory_space<vmem_shared>>
    tpu.wait_indirect_dma semaphore(%arg18 : memref<!tpu.dma_semaphore, #tpu.memory_space<semaphore_mem>>) src(%dma_wait3A_667 : memref<128xf32, #tpu.memory_space<vmem>>) dst(%dma_wait3A_672 : memref<512256xf32, #tpu.memory_space<vmem_shared>>)
    %dma_wait3A_673 = arith.constant 6 : i32
    %dma_wait3A_674 = arith.constant 6 : i32
    %dma_wait3A_675 = arith.constant 0 : i32
    %dma_wait3A_676 = tpu.memref_slice %arg14[%dma_wait3A_673, %dma_wait3A_675] : memref<49x128xf32, #tpu.memory_space<vmem>> -> memref<1x128xf32, #tpu.memory_space<vmem>>
    %dma_wait3A_677 = tpu.memref_squeeze %dma_wait3A_676 : memref<1x128xf32, #tpu.memory_space<vmem>> -> memref<128xf32, #tpu.memory_space<vmem>>
    %dma_wait3A_678 = arith.constant 0 : i32
    %dma_wait3A_679 = tpu.memref_slice %arg13[%dma_wait3A_674, %dma_wait3A_678] : memref<49x128xi32, #tpu.memory_space<vmem>> -> memref<1x128xi32, #tpu.memory_space<vmem>>
    %dma_wait3A_680 = tpu.memref_squeeze %dma_wait3A_679 : memref<1x128xi32, #tpu.memory_space<vmem>> -> memref<128xi32, #tpu.memory_space<vmem>>
    %dma_wait3A_681 = arith.constant 0 : i32
    %dma_wait3A_682 = tpu.memref_slice %arg17[%dma_wait3A_681] : memref<512256xf32, #tpu.memory_space<vmem_shared>> -> memref<512256xf32, #tpu.memory_space<vmem_shared>>
    tpu.wait_indirect_dma semaphore(%arg18 : memref<!tpu.dma_semaphore, #tpu.memory_space<semaphore_mem>>) src(%dma_wait3A_677 : memref<128xf32, #tpu.memory_space<vmem>>) dst(%dma_wait3A_682 : memref<512256xf32, #tpu.memory_space<vmem_shared>>)
    %dma_wait3A_683 = arith.constant 7 : i32
    %dma_wait3A_684 = arith.constant 7 : i32
    %dma_wait3A_685 = arith.constant 0 : i32
    %dma_wait3A_686 = tpu.memref_slice %arg14[%dma_wait3A_683, %dma_wait3A_685] : memref<49x128xf32, #tpu.memory_space<vmem>> -> memref<1x128xf32, #tpu.memory_space<vmem>>
    %dma_wait3A_687 = tpu.memref_squeeze %dma_wait3A_686 : memref<1x128xf32, #tpu.memory_space<vmem>> -> memref<128xf32, #tpu.memory_space<vmem>>
    %dma_wait3A_688 = arith.constant 0 : i32
    %dma_wait3A_689 = tpu.memref_slice %arg13[%dma_wait3A_684, %dma_wait3A_688] : memref<49x128xi32, #tpu.memory_space<vmem>> -> memref<1x128xi32, #tpu.memory_space<vmem>>
    %dma_wait3A_690 = tpu.memref_squeeze %dma_wait3A_689 : memref<1x128xi32, #tpu.memory_space<vmem>> -> memref<128xi32, #tpu.memory_space<vmem>>
    %dma_wait3A_691 = arith.constant 0 : i32
    %dma_wait3A_692 = tpu.memref_slice %arg17[%dma_wait3A_691] : memref<512256xf32, #tpu.memory_space<vmem_shared>> -> memref<512256xf32, #tpu.memory_space<vmem_shared>>
    tpu.wait_indirect_dma semaphore(%arg18 : memref<!tpu.dma_semaphore, #tpu.memory_space<semaphore_mem>>) src(%dma_wait3A_687 : memref<128xf32, #tpu.memory_space<vmem>>) dst(%dma_wait3A_692 : memref<512256xf32, #tpu.memory_space<vmem_shared>>)
    %dma_wait3A_693 = arith.constant 8 : i32
    %dma_wait3A_694 = arith.constant 8 : i32
    %dma_wait3A_695 = arith.constant 0 : i32
    %dma_wait3A_696 = tpu.memref_slice %arg14[%dma_wait3A_693, %dma_wait3A_695] : memref<49x128xf32, #tpu.memory_space<vmem>> -> memref<1x128xf32, #tpu.memory_space<vmem>>
    %dma_wait3A_697 = tpu.memref_squeeze %dma_wait3A_696 : memref<1x128xf32, #tpu.memory_space<vmem>> -> memref<128xf32, #tpu.memory_space<vmem>>
    %dma_wait3A_698 = arith.constant 0 : i32
    %dma_wait3A_699 = tpu.memref_slice %arg13[%dma_wait3A_694, %dma_wait3A_698] : memref<49x128xi32, #tpu.memory_space<vmem>> -> memref<1x128xi32, #tpu.memory_space<vmem>>
    %dma_wait3A_700 = tpu.memref_squeeze %dma_wait3A_699 : memref<1x128xi32, #tpu.memory_space<vmem>> -> memref<128xi32, #tpu.memory_space<vmem>>
    %dma_wait3A_701 = arith.constant 0 : i32
    %dma_wait3A_702 = tpu.memref_slice %arg17[%dma_wait3A_701] : memref<512256xf32, #tpu.memory_space<vmem_shared>> -> memref<512256xf32, #tpu.memory_space<vmem_shared>>
    tpu.wait_indirect_dma semaphore(%arg18 : memref<!tpu.dma_semaphore, #tpu.memory_space<semaphore_mem>>) src(%dma_wait3A_697 : memref<128xf32, #tpu.memory_space<vmem>>) dst(%dma_wait3A_702 : memref<512256xf32, #tpu.memory_space<vmem_shared>>)
    %dma_wait3A_703 = arith.constant 9 : i32
    %dma_wait3A_704 = arith.constant 9 : i32
    %dma_wait3A_705 = arith.constant 0 : i32
    %dma_wait3A_706 = tpu.memref_slice %arg14[%dma_wait3A_703, %dma_wait3A_705] : memref<49x128xf32, #tpu.memory_space<vmem>> -> memref<1x128xf32, #tpu.memory_space<vmem>>
    %dma_wait3A_707 = tpu.memref_squeeze %dma_wait3A_706 : memref<1x128xf32, #tpu.memory_space<vmem>> -> memref<128xf32, #tpu.memory_space<vmem>>
    %dma_wait3A_708 = arith.constant 0 : i32
    %dma_wait3A_709 = tpu.memref_slice %arg13[%dma_wait3A_704, %dma_wait3A_708] : memref<49x128xi32, #tpu.memory_space<vmem>> -> memref<1x128xi32, #tpu.memory_space<vmem>>
    %dma_wait3A_710 = tpu.memref_squeeze %dma_wait3A_709 : memref<1x128xi32, #tpu.memory_space<vmem>> -> memref<128xi32, #tpu.memory_space<vmem>>
    %dma_wait3A_711 = arith.constant 0 : i32
    %dma_wait3A_712 = tpu.memref_slice %arg17[%dma_wait3A_711] : memref<512256xf32, #tpu.memory_space<vmem_shared>> -> memref<512256xf32, #tpu.memory_space<vmem_shared>>
    tpu.wait_indirect_dma semaphore(%arg18 : memref<!tpu.dma_semaphore, #tpu.memory_space<semaphore_mem>>) src(%dma_wait3A_707 : memref<128xf32, #tpu.memory_space<vmem>>) dst(%dma_wait3A_712 : memref<512256xf32, #tpu.memory_space<vmem_shared>>)
    %dma_wait3A_713 = arith.constant 10 : i32
    %dma_wait3A_714 = arith.constant 10 : i32
    %dma_wait3A_715 = arith.constant 0 : i32
    %dma_wait3A_716 = tpu.memref_slice %arg14[%dma_wait3A_713, %dma_wait3A_715] : memref<49x128xf32, #tpu.memory_space<vmem>> -> memref<1x128xf32, #tpu.memory_space<vmem>>
    %dma_wait3A_717 = tpu.memref_squeeze %dma_wait3A_716 : memref<1x128xf32, #tpu.memory_space<vmem>> -> memref<128xf32, #tpu.memory_space<vmem>>
    %dma_wait3A_718 = arith.constant 0 : i32
    %dma_wait3A_719 = tpu.memref_slice %arg13[%dma_wait3A_714, %dma_wait3A_718] : memref<49x128xi32, #tpu.memory_space<vmem>> -> memref<1x128xi32, #tpu.memory_space<vmem>>
    %dma_wait3A_720 = tpu.memref_squeeze %dma_wait3A_719 : memref<1x128xi32, #tpu.memory_space<vmem>> -> memref<128xi32, #tpu.memory_space<vmem>>
    %dma_wait3A_721 = arith.constant 0 : i32
    %dma_wait3A_722 = tpu.memref_slice %arg17[%dma_wait3A_721] : memref<512256xf32, #tpu.memory_space<vmem_shared>> -> memref<512256xf32, #tpu.memory_space<vmem_shared>>
    tpu.wait_indirect_dma semaphore(%arg18 : memref<!tpu.dma_semaphore, #tpu.memory_space<semaphore_mem>>) src(%dma_wait3A_717 : memref<128xf32, #tpu.memory_space<vmem>>) dst(%dma_wait3A_722 : memref<512256xf32, #tpu.memory_space<vmem_shared>>)
    %dma_wait3A_723 = arith.constant 11 : i32
    %dma_wait3A_724 = arith.constant 11 : i32
    %dma_wait3A_725 = arith.constant 0 : i32
    %dma_wait3A_726 = tpu.memref_slice %arg14[%dma_wait3A_723, %dma_wait3A_725] : memref<49x128xf32, #tpu.memory_space<vmem>> -> memref<1x128xf32, #tpu.memory_space<vmem>>
    %dma_wait3A_727 = tpu.memref_squeeze %dma_wait3A_726 : memref<1x128xf32, #tpu.memory_space<vmem>> -> memref<128xf32, #tpu.memory_space<vmem>>
    %dma_wait3A_728 = arith.constant 0 : i32
    %dma_wait3A_729 = tpu.memref_slice %arg13[%dma_wait3A_724, %dma_wait3A_728] : memref<49x128xi32, #tpu.memory_space<vmem>> -> memref<1x128xi32, #tpu.memory_space<vmem>>
    %dma_wait3A_730 = tpu.memref_squeeze %dma_wait3A_729 : memref<1x128xi32, #tpu.memory_space<vmem>> -> memref<128xi32, #tpu.memory_space<vmem>>
    %dma_wait3A_731 = arith.constant 0 : i32
    %dma_wait3A_732 = tpu.memref_slice %arg17[%dma_wait3A_731] : memref<512256xf32, #tpu.memory_space<vmem_shared>> -> memref<512256xf32, #tpu.memory_space<vmem_shared>>
    tpu.wait_indirect_dma semaphore(%arg18 : memref<!tpu.dma_semaphore, #tpu.memory_space<semaphore_mem>>) src(%dma_wait3A_727 : memref<128xf32, #tpu.memory_space<vmem>>) dst(%dma_wait3A_732 : memref<512256xf32, #tpu.memory_space<vmem_shared>>)
    %dma_wait3A_733 = arith.constant 12 : i32
    %dma_wait3A_734 = arith.constant 12 : i32
    %dma_wait3A_735 = arith.constant 0 : i32
    %dma_wait3A_736 = tpu.memref_slice %arg14[%dma_wait3A_733, %dma_wait3A_735] : memref<49x128xf32, #tpu.memory_space<vmem>> -> memref<1x128xf32, #tpu.memory_space<vmem>>
    %dma_wait3A_737 = tpu.memref_squeeze %dma_wait3A_736 : memref<1x128xf32, #tpu.memory_space<vmem>> -> memref<128xf32, #tpu.memory_space<vmem>>
    %dma_wait3A_738 = arith.constant 0 : i32
    %dma_wait3A_739 = tpu.memref_slice %arg13[%dma_wait3A_734, %dma_wait3A_738] : memref<49x128xi32, #tpu.memory_space<vmem>> -> memref<1x128xi32, #tpu.memory_space<vmem>>
    %dma_wait3A_740 = tpu.memref_squeeze %dma_wait3A_739 : memref<1x128xi32, #tpu.memory_space<vmem>> -> memref<128xi32, #tpu.memory_space<vmem>>
    %dma_wait3A_741 = arith.constant 0 : i32
    %dma_wait3A_742 = tpu.memref_slice %arg17[%dma_wait3A_741] : memref<512256xf32, #tpu.memory_space<vmem_shared>> -> memref<512256xf32, #tpu.memory_space<vmem_shared>>
    tpu.wait_indirect_dma semaphore(%arg18 : memref<!tpu.dma_semaphore, #tpu.memory_space<semaphore_mem>>) src(%dma_wait3A_737 : memref<128xf32, #tpu.memory_space<vmem>>) dst(%dma_wait3A_742 : memref<512256xf32, #tpu.memory_space<vmem_shared>>)
    %dma_wait3A_743 = arith.constant 13 : i32
    %dma_wait3A_744 = arith.constant 13 : i32
    %dma_wait3A_745 = arith.constant 0 : i32
    %dma_wait3A_746 = tpu.memref_slice %arg14[%dma_wait3A_743, %dma_wait3A_745] : memref<49x128xf32, #tpu.memory_space<vmem>> -> memref<1x128xf32, #tpu.memory_space<vmem>>
    %dma_wait3A_747 = tpu.memref_squeeze %dma_wait3A_746 : memref<1x128xf32, #tpu.memory_space<vmem>> -> memref<128xf32, #tpu.memory_space<vmem>>
    %dma_wait3A_748 = arith.constant 0 : i32
    %dma_wait3A_749 = tpu.memref_slice %arg13[%dma_wait3A_744, %dma_wait3A_748] : memref<49x128xi32, #tpu.memory_space<vmem>> -> memref<1x128xi32, #tpu.memory_space<vmem>>
    %dma_wait3A_750 = tpu.memref_squeeze %dma_wait3A_749 : memref<1x128xi32, #tpu.memory_space<vmem>> -> memref<128xi32, #tpu.memory_space<vmem>>
    %dma_wait3A_751 = arith.constant 0 : i32
    %dma_wait3A_752 = tpu.memref_slice %arg17[%dma_wait3A_751] : memref<512256xf32, #tpu.memory_space<vmem_shared>> -> memref<512256xf32, #tpu.memory_space<vmem_shared>>
    tpu.wait_indirect_dma semaphore(%arg18 : memref<!tpu.dma_semaphore, #tpu.memory_space<semaphore_mem>>) src(%dma_wait3A_747 : memref<128xf32, #tpu.memory_space<vmem>>) dst(%dma_wait3A_752 : memref<512256xf32, #tpu.memory_space<vmem_shared>>)
    %dma_wait3A_753 = arith.constant 14 : i32
    %dma_wait3A_754 = arith.constant 14 : i32
    %dma_wait3A_755 = arith.constant 0 : i32
    %dma_wait3A_756 = tpu.memref_slice %arg14[%dma_wait3A_753, %dma_wait3A_755] : memref<49x128xf32, #tpu.memory_space<vmem>> -> memref<1x128xf32, #tpu.memory_space<vmem>>
    %dma_wait3A_757 = tpu.memref_squeeze %dma_wait3A_756 : memref<1x128xf32, #tpu.memory_space<vmem>> -> memref<128xf32, #tpu.memory_space<vmem>>
    %dma_wait3A_758 = arith.constant 0 : i32
    %dma_wait3A_759 = tpu.memref_slice %arg13[%dma_wait3A_754, %dma_wait3A_758] : memref<49x128xi32, #tpu.memory_space<vmem>> -> memref<1x128xi32, #tpu.memory_space<vmem>>
    %dma_wait3A_760 = tpu.memref_squeeze %dma_wait3A_759 : memref<1x128xi32, #tpu.memory_space<vmem>> -> memref<128xi32, #tpu.memory_space<vmem>>
    %dma_wait3A_761 = arith.constant 0 : i32
    %dma_wait3A_762 = tpu.memref_slice %arg17[%dma_wait3A_761] : memref<512256xf32, #tpu.memory_space<vmem_shared>> -> memref<512256xf32, #tpu.memory_space<vmem_shared>>
    tpu.wait_indirect_dma semaphore(%arg18 : memref<!tpu.dma_semaphore, #tpu.memory_space<semaphore_mem>>) src(%dma_wait3A_757 : memref<128xf32, #tpu.memory_space<vmem>>) dst(%dma_wait3A_762 : memref<512256xf32, #tpu.memory_space<vmem_shared>>)
    %dma_wait3A_763 = arith.constant 15 : i32
    %dma_wait3A_764 = arith.constant 15 : i32
    %dma_wait3A_765 = arith.constant 0 : i32
    %dma_wait3A_766 = tpu.memref_slice %arg14[%dma_wait3A_763, %dma_wait3A_765] : memref<49x128xf32, #tpu.memory_space<vmem>> -> memref<1x128xf32, #tpu.memory_space<vmem>>
    %dma_wait3A_767 = tpu.memref_squeeze %dma_wait3A_766 : memref<1x128xf32, #tpu.memory_space<vmem>> -> memref<128xf32, #tpu.memory_space<vmem>>
    %dma_wait3A_768 = arith.constant 0 : i32
    %dma_wait3A_769 = tpu.memref_slice %arg13[%dma_wait3A_764, %dma_wait3A_768] : memref<49x128xi32, #tpu.memory_space<vmem>> -> memref<1x128xi32, #tpu.memory_space<vmem>>
    %dma_wait3A_770 = tpu.memref_squeeze %dma_wait3A_769 : memref<1x128xi32, #tpu.memory_space<vmem>> -> memref<128xi32, #tpu.memory_space<vmem>>
    %dma_wait3A_771 = arith.constant 0 : i32
    %dma_wait3A_772 = tpu.memref_slice %arg17[%dma_wait3A_771] : memref<512256xf32, #tpu.memory_space<vmem_shared>> -> memref<512256xf32, #tpu.memory_space<vmem_shared>>
    tpu.wait_indirect_dma semaphore(%arg18 : memref<!tpu.dma_semaphore, #tpu.memory_space<semaphore_mem>>) src(%dma_wait3A_767 : memref<128xf32, #tpu.memory_space<vmem>>) dst(%dma_wait3A_772 : memref<512256xf32, #tpu.memory_space<vmem_shared>>)
    %dma_wait3A_773 = arith.constant 16 : i32
    %dma_wait3A_774 = arith.constant 16 : i32
    %dma_wait3A_775 = arith.constant 0 : i32
    %dma_wait3A_776 = tpu.memref_slice %arg14[%dma_wait3A_773, %dma_wait3A_775] : memref<49x128xf32, #tpu.memory_space<vmem>> -> memref<1x128xf32, #tpu.memory_space<vmem>>
    %dma_wait3A_777 = tpu.memref_squeeze %dma_wait3A_776 : memref<1x128xf32, #tpu.memory_space<vmem>> -> memref<128xf32, #tpu.memory_space<vmem>>
    %dma_wait3A_778 = arith.constant 0 : i32
    %dma_wait3A_779 = tpu.memref_slice %arg13[%dma_wait3A_774, %dma_wait3A_778] : memref<49x128xi32, #tpu.memory_space<vmem>> -> memref<1x128xi32, #tpu.memory_space<vmem>>
    %dma_wait3A_780 = tpu.memref_squeeze %dma_wait3A_779 : memref<1x128xi32, #tpu.memory_space<vmem>> -> memref<128xi32, #tpu.memory_space<vmem>>
    %dma_wait3A_781 = arith.constant 0 : i32
    %dma_wait3A_782 = tpu.memref_slice %arg17[%dma_wait3A_781] : memref<512256xf32, #tpu.memory_space<vmem_shared>> -> memref<512256xf32, #tpu.memory_space<vmem_shared>>
    tpu.wait_indirect_dma semaphore(%arg18 : memref<!tpu.dma_semaphore, #tpu.memory_space<semaphore_mem>>) src(%dma_wait3A_777 : memref<128xf32, #tpu.memory_space<vmem>>) dst(%dma_wait3A_782 : memref<512256xf32, #tpu.memory_space<vmem_shared>>)
    %dma_wait3A_783 = arith.constant 17 : i32
    %dma_wait3A_784 = arith.constant 17 : i32
    %dma_wait3A_785 = arith.constant 0 : i32
    %dma_wait3A_786 = tpu.memref_slice %arg14[%dma_wait3A_783, %dma_wait3A_785] : memref<49x128xf32, #tpu.memory_space<vmem>> -> memref<1x128xf32, #tpu.memory_space<vmem>>
    %dma_wait3A_787 = tpu.memref_squeeze %dma_wait3A_786 : memref<1x128xf32, #tpu.memory_space<vmem>> -> memref<128xf32, #tpu.memory_space<vmem>>
    %dma_wait3A_788 = arith.constant 0 : i32
    %dma_wait3A_789 = tpu.memref_slice %arg13[%dma_wait3A_784, %dma_wait3A_788] : memref<49x128xi32, #tpu.memory_space<vmem>> -> memref<1x128xi32, #tpu.memory_space<vmem>>
    %dma_wait3A_790 = tpu.memref_squeeze %dma_wait3A_789 : memref<1x128xi32, #tpu.memory_space<vmem>> -> memref<128xi32, #tpu.memory_space<vmem>>
    %dma_wait3A_791 = arith.constant 0 : i32
    %dma_wait3A_792 = tpu.memref_slice %arg17[%dma_wait3A_791] : memref<512256xf32, #tpu.memory_space<vmem_shared>> -> memref<512256xf32, #tpu.memory_space<vmem_shared>>
    tpu.wait_indirect_dma semaphore(%arg18 : memref<!tpu.dma_semaphore, #tpu.memory_space<semaphore_mem>>) src(%dma_wait3A_787 : memref<128xf32, #tpu.memory_space<vmem>>) dst(%dma_wait3A_792 : memref<512256xf32, #tpu.memory_space<vmem_shared>>)
    %dma_wait3A_793 = arith.constant 18 : i32
    %dma_wait3A_794 = arith.constant 18 : i32
    %dma_wait3A_795 = arith.constant 0 : i32
    %dma_wait3A_796 = tpu.memref_slice %arg14[%dma_wait3A_793, %dma_wait3A_795] : memref<49x128xf32, #tpu.memory_space<vmem>> -> memref<1x128xf32, #tpu.memory_space<vmem>>
    %dma_wait3A_797 = tpu.memref_squeeze %dma_wait3A_796 : memref<1x128xf32, #tpu.memory_space<vmem>> -> memref<128xf32, #tpu.memory_space<vmem>>
    %dma_wait3A_798 = arith.constant 0 : i32
    %dma_wait3A_799 = tpu.memref_slice %arg13[%dma_wait3A_794, %dma_wait3A_798] : memref<49x128xi32, #tpu.memory_space<vmem>> -> memref<1x128xi32, #tpu.memory_space<vmem>>
    %dma_wait3A_800 = tpu.memref_squeeze %dma_wait3A_799 : memref<1x128xi32, #tpu.memory_space<vmem>> -> memref<128xi32, #tpu.memory_space<vmem>>
    %dma_wait3A_801 = arith.constant 0 : i32
    %dma_wait3A_802 = tpu.memref_slice %arg17[%dma_wait3A_801] : memref<512256xf32, #tpu.memory_space<vmem_shared>> -> memref<512256xf32, #tpu.memory_space<vmem_shared>>
    tpu.wait_indirect_dma semaphore(%arg18 : memref<!tpu.dma_semaphore, #tpu.memory_space<semaphore_mem>>) src(%dma_wait3A_797 : memref<128xf32, #tpu.memory_space<vmem>>) dst(%dma_wait3A_802 : memref<512256xf32, #tpu.memory_space<vmem_shared>>)
    %dma_wait3A_803 = arith.constant 19 : i32
    %dma_wait3A_804 = arith.constant 19 : i32
    %dma_wait3A_805 = arith.constant 0 : i32
    %dma_wait3A_806 = tpu.memref_slice %arg14[%dma_wait3A_803, %dma_wait3A_805] : memref<49x128xf32, #tpu.memory_space<vmem>> -> memref<1x128xf32, #tpu.memory_space<vmem>>
    %dma_wait3A_807 = tpu.memref_squeeze %dma_wait3A_806 : memref<1x128xf32, #tpu.memory_space<vmem>> -> memref<128xf32, #tpu.memory_space<vmem>>
    %dma_wait3A_808 = arith.constant 0 : i32
    %dma_wait3A_809 = tpu.memref_slice %arg13[%dma_wait3A_804, %dma_wait3A_808] : memref<49x128xi32, #tpu.memory_space<vmem>> -> memref<1x128xi32, #tpu.memory_space<vmem>>
    %dma_wait3A_810 = tpu.memref_squeeze %dma_wait3A_809 : memref<1x128xi32, #tpu.memory_space<vmem>> -> memref<128xi32, #tpu.memory_space<vmem>>
    %dma_wait3A_811 = arith.constant 0 : i32
    %dma_wait3A_812 = tpu.memref_slice %arg17[%dma_wait3A_811] : memref<512256xf32, #tpu.memory_space<vmem_shared>> -> memref<512256xf32, #tpu.memory_space<vmem_shared>>
    tpu.wait_indirect_dma semaphore(%arg18 : memref<!tpu.dma_semaphore, #tpu.memory_space<semaphore_mem>>) src(%dma_wait3A_807 : memref<128xf32, #tpu.memory_space<vmem>>) dst(%dma_wait3A_812 : memref<512256xf32, #tpu.memory_space<vmem_shared>>)
    %dma_wait3A_813 = arith.constant 20 : i32
    %dma_wait3A_814 = arith.constant 20 : i32
    %dma_wait3A_815 = arith.constant 0 : i32
    %dma_wait3A_816 = tpu.memref_slice %arg14[%dma_wait3A_813, %dma_wait3A_815] : memref<49x128xf32, #tpu.memory_space<vmem>> -> memref<1x128xf32, #tpu.memory_space<vmem>>
    %dma_wait3A_817 = tpu.memref_squeeze %dma_wait3A_816 : memref<1x128xf32, #tpu.memory_space<vmem>> -> memref<128xf32, #tpu.memory_space<vmem>>
    %dma_wait3A_818 = arith.constant 0 : i32
    %dma_wait3A_819 = tpu.memref_slice %arg13[%dma_wait3A_814, %dma_wait3A_818] : memref<49x128xi32, #tpu.memory_space<vmem>> -> memref<1x128xi32, #tpu.memory_space<vmem>>
    %dma_wait3A_820 = tpu.memref_squeeze %dma_wait3A_819 : memref<1x128xi32, #tpu.memory_space<vmem>> -> memref<128xi32, #tpu.memory_space<vmem>>
    %dma_wait3A_821 = arith.constant 0 : i32
    %dma_wait3A_822 = tpu.memref_slice %arg17[%dma_wait3A_821] : memref<512256xf32, #tpu.memory_space<vmem_shared>> -> memref<512256xf32, #tpu.memory_space<vmem_shared>>
    tpu.wait_indirect_dma semaphore(%arg18 : memref<!tpu.dma_semaphore, #tpu.memory_space<semaphore_mem>>) src(%dma_wait3A_817 : memref<128xf32, #tpu.memory_space<vmem>>) dst(%dma_wait3A_822 : memref<512256xf32, #tpu.memory_space<vmem_shared>>)
    %dma_wait3A_823 = arith.constant 21 : i32
    %dma_wait3A_824 = arith.constant 21 : i32
    %dma_wait3A_825 = arith.constant 0 : i32
    %dma_wait3A_826 = tpu.memref_slice %arg14[%dma_wait3A_823, %dma_wait3A_825] : memref<49x128xf32, #tpu.memory_space<vmem>> -> memref<1x128xf32, #tpu.memory_space<vmem>>
    %dma_wait3A_827 = tpu.memref_squeeze %dma_wait3A_826 : memref<1x128xf32, #tpu.memory_space<vmem>> -> memref<128xf32, #tpu.memory_space<vmem>>
    %dma_wait3A_828 = arith.constant 0 : i32
    %dma_wait3A_829 = tpu.memref_slice %arg13[%dma_wait3A_824, %dma_wait3A_828] : memref<49x128xi32, #tpu.memory_space<vmem>> -> memref<1x128xi32, #tpu.memory_space<vmem>>
    %dma_wait3A_830 = tpu.memref_squeeze %dma_wait3A_829 : memref<1x128xi32, #tpu.memory_space<vmem>> -> memref<128xi32, #tpu.memory_space<vmem>>
    %dma_wait3A_831 = arith.constant 0 : i32
    %dma_wait3A_832 = tpu.memref_slice %arg17[%dma_wait3A_831] : memref<512256xf32, #tpu.memory_space<vmem_shared>> -> memref<512256xf32, #tpu.memory_space<vmem_shared>>
    tpu.wait_indirect_dma semaphore(%arg18 : memref<!tpu.dma_semaphore, #tpu.memory_space<semaphore_mem>>) src(%dma_wait3A_827 : memref<128xf32, #tpu.memory_space<vmem>>) dst(%dma_wait3A_832 : memref<512256xf32, #tpu.memory_space<vmem_shared>>)
    %dma_wait3A_833 = arith.constant 22 : i32
    %dma_wait3A_834 = arith.constant 22 : i32
    %dma_wait3A_835 = arith.constant 0 : i32
    %dma_wait3A_836 = tpu.memref_slice %arg14[%dma_wait3A_833, %dma_wait3A_835] : memref<49x128xf32, #tpu.memory_space<vmem>> -> memref<1x128xf32, #tpu.memory_space<vmem>>
    %dma_wait3A_837 = tpu.memref_squeeze %dma_wait3A_836 : memref<1x128xf32, #tpu.memory_space<vmem>> -> memref<128xf32, #tpu.memory_space<vmem>>
    %dma_wait3A_838 = arith.constant 0 : i32
    %dma_wait3A_839 = tpu.memref_slice %arg13[%dma_wait3A_834, %dma_wait3A_838] : memref<49x128xi32, #tpu.memory_space<vmem>> -> memref<1x128xi32, #tpu.memory_space<vmem>>
    %dma_wait3A_840 = tpu.memref_squeeze %dma_wait3A_839 : memref<1x128xi32, #tpu.memory_space<vmem>> -> memref<128xi32, #tpu.memory_space<vmem>>
    %dma_wait3A_841 = arith.constant 0 : i32
    %dma_wait3A_842 = tpu.memref_slice %arg17[%dma_wait3A_841] : memref<512256xf32, #tpu.memory_space<vmem_shared>> -> memref<512256xf32, #tpu.memory_space<vmem_shared>>
    tpu.wait_indirect_dma semaphore(%arg18 : memref<!tpu.dma_semaphore, #tpu.memory_space<semaphore_mem>>) src(%dma_wait3A_837 : memref<128xf32, #tpu.memory_space<vmem>>) dst(%dma_wait3A_842 : memref<512256xf32, #tpu.memory_space<vmem_shared>>)
    %dma_wait3A_843 = arith.constant 23 : i32
    %dma_wait3A_844 = arith.constant 23 : i32
    %dma_wait3A_845 = arith.constant 0 : i32
    %dma_wait3A_846 = tpu.memref_slice %arg14[%dma_wait3A_843, %dma_wait3A_845] : memref<49x128xf32, #tpu.memory_space<vmem>> -> memref<1x128xf32, #tpu.memory_space<vmem>>
    %dma_wait3A_847 = tpu.memref_squeeze %dma_wait3A_846 : memref<1x128xf32, #tpu.memory_space<vmem>> -> memref<128xf32, #tpu.memory_space<vmem>>
    %dma_wait3A_848 = arith.constant 0 : i32
    %dma_wait3A_849 = tpu.memref_slice %arg13[%dma_wait3A_844, %dma_wait3A_848] : memref<49x128xi32, #tpu.memory_space<vmem>> -> memref<1x128xi32, #tpu.memory_space<vmem>>
    %dma_wait3A_850 = tpu.memref_squeeze %dma_wait3A_849 : memref<1x128xi32, #tpu.memory_space<vmem>> -> memref<128xi32, #tpu.memory_space<vmem>>
    %dma_wait3A_851 = arith.constant 0 : i32
    %dma_wait3A_852 = tpu.memref_slice %arg17[%dma_wait3A_851] : memref<512256xf32, #tpu.memory_space<vmem_shared>> -> memref<512256xf32, #tpu.memory_space<vmem_shared>>
    tpu.wait_indirect_dma semaphore(%arg18 : memref<!tpu.dma_semaphore, #tpu.memory_space<semaphore_mem>>) src(%dma_wait3A_847 : memref<128xf32, #tpu.memory_space<vmem>>) dst(%dma_wait3A_852 : memref<512256xf32, #tpu.memory_space<vmem_shared>>)
    %dma_wait3A_853 = arith.constant 24 : i32
    %dma_wait3A_854 = arith.constant 24 : i32
    %dma_wait3A_855 = arith.constant 0 : i32
    %dma_wait3A_856 = tpu.memref_slice %arg14[%dma_wait3A_853, %dma_wait3A_855] : memref<49x128xf32, #tpu.memory_space<vmem>> -> memref<1x128xf32, #tpu.memory_space<vmem>>
    %dma_wait3A_857 = tpu.memref_squeeze %dma_wait3A_856 : memref<1x128xf32, #tpu.memory_space<vmem>> -> memref<128xf32, #tpu.memory_space<vmem>>
    %dma_wait3A_858 = arith.constant 0 : i32
    %dma_wait3A_859 = tpu.memref_slice %arg13[%dma_wait3A_854, %dma_wait3A_858] : memref<49x128xi32, #tpu.memory_space<vmem>> -> memref<1x128xi32, #tpu.memory_space<vmem>>
    %dma_wait3A_860 = tpu.memref_squeeze %dma_wait3A_859 : memref<1x128xi32, #tpu.memory_space<vmem>> -> memref<128xi32, #tpu.memory_space<vmem>>
    %dma_wait3A_861 = arith.constant 0 : i32
    %dma_wait3A_862 = tpu.memref_slice %arg17[%dma_wait3A_861] : memref<512256xf32, #tpu.memory_space<vmem_shared>> -> memref<512256xf32, #tpu.memory_space<vmem_shared>>
    tpu.wait_indirect_dma semaphore(%arg18 : memref<!tpu.dma_semaphore, #tpu.memory_space<semaphore_mem>>) src(%dma_wait3A_857 : memref<128xf32, #tpu.memory_space<vmem>>) dst(%dma_wait3A_862 : memref<512256xf32, #tpu.memory_space<vmem_shared>>)
    %dma_wait3A_863 = arith.constant 25 : i32
    %dma_wait3A_864 = arith.constant 25 : i32
    %dma_wait3A_865 = arith.constant 0 : i32
    %dma_wait3A_866 = tpu.memref_slice %arg14[%dma_wait3A_863, %dma_wait3A_865] : memref<49x128xf32, #tpu.memory_space<vmem>> -> memref<1x128xf32, #tpu.memory_space<vmem>>
    %dma_wait3A_867 = tpu.memref_squeeze %dma_wait3A_866 : memref<1x128xf32, #tpu.memory_space<vmem>> -> memref<128xf32, #tpu.memory_space<vmem>>
    %dma_wait3A_868 = arith.constant 0 : i32
    %dma_wait3A_869 = tpu.memref_slice %arg13[%dma_wait3A_864, %dma_wait3A_868] : memref<49x128xi32, #tpu.memory_space<vmem>> -> memref<1x128xi32, #tpu.memory_space<vmem>>
    %dma_wait3A_870 = tpu.memref_squeeze %dma_wait3A_869 : memref<1x128xi32, #tpu.memory_space<vmem>> -> memref<128xi32, #tpu.memory_space<vmem>>
    %dma_wait3A_871 = arith.constant 0 : i32
    %dma_wait3A_872 = tpu.memref_slice %arg17[%dma_wait3A_871] : memref<512256xf32, #tpu.memory_space<vmem_shared>> -> memref<512256xf32, #tpu.memory_space<vmem_shared>>
    tpu.wait_indirect_dma semaphore(%arg18 : memref<!tpu.dma_semaphore, #tpu.memory_space<semaphore_mem>>) src(%dma_wait3A_867 : memref<128xf32, #tpu.memory_space<vmem>>) dst(%dma_wait3A_872 : memref<512256xf32, #tpu.memory_space<vmem_shared>>)
    %dma_wait3A_873 = arith.constant 26 : i32
    %dma_wait3A_874 = arith.constant 26 : i32
    %dma_wait3A_875 = arith.constant 0 : i32
    %dma_wait3A_876 = tpu.memref_slice %arg14[%dma_wait3A_873, %dma_wait3A_875] : memref<49x128xf32, #tpu.memory_space<vmem>> -> memref<1x128xf32, #tpu.memory_space<vmem>>
    %dma_wait3A_877 = tpu.memref_squeeze %dma_wait3A_876 : memref<1x128xf32, #tpu.memory_space<vmem>> -> memref<128xf32, #tpu.memory_space<vmem>>
    %dma_wait3A_878 = arith.constant 0 : i32
    %dma_wait3A_879 = tpu.memref_slice %arg13[%dma_wait3A_874, %dma_wait3A_878] : memref<49x128xi32, #tpu.memory_space<vmem>> -> memref<1x128xi32, #tpu.memory_space<vmem>>
    %dma_wait3A_880 = tpu.memref_squeeze %dma_wait3A_879 : memref<1x128xi32, #tpu.memory_space<vmem>> -> memref<128xi32, #tpu.memory_space<vmem>>
    %dma_wait3A_881 = arith.constant 0 : i32
    %dma_wait3A_882 = tpu.memref_slice %arg17[%dma_wait3A_881] : memref<512256xf32, #tpu.memory_space<vmem_shared>> -> memref<512256xf32, #tpu.memory_space<vmem_shared>>
    tpu.wait_indirect_dma semaphore(%arg18 : memref<!tpu.dma_semaphore, #tpu.memory_space<semaphore_mem>>) src(%dma_wait3A_877 : memref<128xf32, #tpu.memory_space<vmem>>) dst(%dma_wait3A_882 : memref<512256xf32, #tpu.memory_space<vmem_shared>>)
    %dma_wait3A_883 = arith.constant 27 : i32
    %dma_wait3A_884 = arith.constant 27 : i32
    %dma_wait3A_885 = arith.constant 0 : i32
    %dma_wait3A_886 = tpu.memref_slice %arg14[%dma_wait3A_883, %dma_wait3A_885] : memref<49x128xf32, #tpu.memory_space<vmem>> -> memref<1x128xf32, #tpu.memory_space<vmem>>
    %dma_wait3A_887 = tpu.memref_squeeze %dma_wait3A_886 : memref<1x128xf32, #tpu.memory_space<vmem>> -> memref<128xf32, #tpu.memory_space<vmem>>
    %dma_wait3A_888 = arith.constant 0 : i32
    %dma_wait3A_889 = tpu.memref_slice %arg13[%dma_wait3A_884, %dma_wait3A_888] : memref<49x128xi32, #tpu.memory_space<vmem>> -> memref<1x128xi32, #tpu.memory_space<vmem>>
    %dma_wait3A_890 = tpu.memref_squeeze %dma_wait3A_889 : memref<1x128xi32, #tpu.memory_space<vmem>> -> memref<128xi32, #tpu.memory_space<vmem>>
    %dma_wait3A_891 = arith.constant 0 : i32
    %dma_wait3A_892 = tpu.memref_slice %arg17[%dma_wait3A_891] : memref<512256xf32, #tpu.memory_space<vmem_shared>> -> memref<512256xf32, #tpu.memory_space<vmem_shared>>
    tpu.wait_indirect_dma semaphore(%arg18 : memref<!tpu.dma_semaphore, #tpu.memory_space<semaphore_mem>>) src(%dma_wait3A_887 : memref<128xf32, #tpu.memory_space<vmem>>) dst(%dma_wait3A_892 : memref<512256xf32, #tpu.memory_space<vmem_shared>>)
    %dma_wait3A_893 = arith.constant 28 : i32
    %dma_wait3A_894 = arith.constant 28 : i32
    %dma_wait3A_895 = arith.constant 0 : i32
    %dma_wait3A_896 = tpu.memref_slice %arg14[%dma_wait3A_893, %dma_wait3A_895] : memref<49x128xf32, #tpu.memory_space<vmem>> -> memref<1x128xf32, #tpu.memory_space<vmem>>
    %dma_wait3A_897 = tpu.memref_squeeze %dma_wait3A_896 : memref<1x128xf32, #tpu.memory_space<vmem>> -> memref<128xf32, #tpu.memory_space<vmem>>
    %dma_wait3A_898 = arith.constant 0 : i32
    %dma_wait3A_899 = tpu.memref_slice %arg13[%dma_wait3A_894, %dma_wait3A_898] : memref<49x128xi32, #tpu.memory_space<vmem>> -> memref<1x128xi32, #tpu.memory_space<vmem>>
    %dma_wait3A_900 = tpu.memref_squeeze %dma_wait3A_899 : memref<1x128xi32, #tpu.memory_space<vmem>> -> memref<128xi32, #tpu.memory_space<vmem>>
    %dma_wait3A_901 = arith.constant 0 : i32
    %dma_wait3A_902 = tpu.memref_slice %arg17[%dma_wait3A_901] : memref<512256xf32, #tpu.memory_space<vmem_shared>> -> memref<512256xf32, #tpu.memory_space<vmem_shared>>
    tpu.wait_indirect_dma semaphore(%arg18 : memref<!tpu.dma_semaphore, #tpu.memory_space<semaphore_mem>>) src(%dma_wait3A_897 : memref<128xf32, #tpu.memory_space<vmem>>) dst(%dma_wait3A_902 : memref<512256xf32, #tpu.memory_space<vmem_shared>>)
    %dma_wait3A_903 = arith.constant 29 : i32
    %dma_wait3A_904 = arith.constant 29 : i32
    %dma_wait3A_905 = arith.constant 0 : i32
    %dma_wait3A_906 = tpu.memref_slice %arg14[%dma_wait3A_903, %dma_wait3A_905] : memref<49x128xf32, #tpu.memory_space<vmem>> -> memref<1x128xf32, #tpu.memory_space<vmem>>
    %dma_wait3A_907 = tpu.memref_squeeze %dma_wait3A_906 : memref<1x128xf32, #tpu.memory_space<vmem>> -> memref<128xf32, #tpu.memory_space<vmem>>
    %dma_wait3A_908 = arith.constant 0 : i32
    %dma_wait3A_909 = tpu.memref_slice %arg13[%dma_wait3A_904, %dma_wait3A_908] : memref<49x128xi32, #tpu.memory_space<vmem>> -> memref<1x128xi32, #tpu.memory_space<vmem>>
    %dma_wait3A_910 = tpu.memref_squeeze %dma_wait3A_909 : memref<1x128xi32, #tpu.memory_space<vmem>> -> memref<128xi32, #tpu.memory_space<vmem>>
    %dma_wait3A_911 = arith.constant 0 : i32
    %dma_wait3A_912 = tpu.memref_slice %arg17[%dma_wait3A_911] : memref<512256xf32, #tpu.memory_space<vmem_shared>> -> memref<512256xf32, #tpu.memory_space<vmem_shared>>
    tpu.wait_indirect_dma semaphore(%arg18 : memref<!tpu.dma_semaphore, #tpu.memory_space<semaphore_mem>>) src(%dma_wait3A_907 : memref<128xf32, #tpu.memory_space<vmem>>) dst(%dma_wait3A_912 : memref<512256xf32, #tpu.memory_space<vmem_shared>>)
    %dma_wait3A_913 = arith.constant 30 : i32
    %dma_wait3A_914 = arith.constant 30 : i32
    %dma_wait3A_915 = arith.constant 0 : i32
    %dma_wait3A_916 = tpu.memref_slice %arg14[%dma_wait3A_913, %dma_wait3A_915] : memref<49x128xf32, #tpu.memory_space<vmem>> -> memref<1x128xf32, #tpu.memory_space<vmem>>
    %dma_wait3A_917 = tpu.memref_squeeze %dma_wait3A_916 : memref<1x128xf32, #tpu.memory_space<vmem>> -> memref<128xf32, #tpu.memory_space<vmem>>
    %dma_wait3A_918 = arith.constant 0 : i32
    %dma_wait3A_919 = tpu.memref_slice %arg13[%dma_wait3A_914, %dma_wait3A_918] : memref<49x128xi32, #tpu.memory_space<vmem>> -> memref<1x128xi32, #tpu.memory_space<vmem>>
    %dma_wait3A_920 = tpu.memref_squeeze %dma_wait3A_919 : memref<1x128xi32, #tpu.memory_space<vmem>> -> memref<128xi32, #tpu.memory_space<vmem>>
    %dma_wait3A_921 = arith.constant 0 : i32
    %dma_wait3A_922 = tpu.memref_slice %arg17[%dma_wait3A_921] : memref<512256xf32, #tpu.memory_space<vmem_shared>> -> memref<512256xf32, #tpu.memory_space<vmem_shared>>
    tpu.wait_indirect_dma semaphore(%arg18 : memref<!tpu.dma_semaphore, #tpu.memory_space<semaphore_mem>>) src(%dma_wait3A_917 : memref<128xf32, #tpu.memory_space<vmem>>) dst(%dma_wait3A_922 : memref<512256xf32, #tpu.memory_space<vmem_shared>>)
    %dma_wait3A_923 = arith.constant 31 : i32
    %dma_wait3A_924 = arith.constant 31 : i32
    %dma_wait3A_925 = arith.constant 0 : i32
    %dma_wait3A_926 = tpu.memref_slice %arg14[%dma_wait3A_923, %dma_wait3A_925] : memref<49x128xf32, #tpu.memory_space<vmem>> -> memref<1x128xf32, #tpu.memory_space<vmem>>
    %dma_wait3A_927 = tpu.memref_squeeze %dma_wait3A_926 : memref<1x128xf32, #tpu.memory_space<vmem>> -> memref<128xf32, #tpu.memory_space<vmem>>
    %dma_wait3A_928 = arith.constant 0 : i32
    %dma_wait3A_929 = tpu.memref_slice %arg13[%dma_wait3A_924, %dma_wait3A_928] : memref<49x128xi32, #tpu.memory_space<vmem>> -> memref<1x128xi32, #tpu.memory_space<vmem>>
    %dma_wait3A_930 = tpu.memref_squeeze %dma_wait3A_929 : memref<1x128xi32, #tpu.memory_space<vmem>> -> memref<128xi32, #tpu.memory_space<vmem>>
    %dma_wait3A_931 = arith.constant 0 : i32
    %dma_wait3A_932 = tpu.memref_slice %arg17[%dma_wait3A_931] : memref<512256xf32, #tpu.memory_space<vmem_shared>> -> memref<512256xf32, #tpu.memory_space<vmem_shared>>
    tpu.wait_indirect_dma semaphore(%arg18 : memref<!tpu.dma_semaphore, #tpu.memory_space<semaphore_mem>>) src(%dma_wait3A_927 : memref<128xf32, #tpu.memory_space<vmem>>) dst(%dma_wait3A_932 : memref<512256xf32, #tpu.memory_space<vmem_shared>>)
    %dma_wait3A_933 = arith.constant 32 : i32
    %dma_wait3A_934 = arith.constant 32 : i32
    %dma_wait3A_935 = arith.constant 0 : i32
    %dma_wait3A_936 = tpu.memref_slice %arg14[%dma_wait3A_933, %dma_wait3A_935] : memref<49x128xf32, #tpu.memory_space<vmem>> -> memref<1x128xf32, #tpu.memory_space<vmem>>
    %dma_wait3A_937 = tpu.memref_squeeze %dma_wait3A_936 : memref<1x128xf32, #tpu.memory_space<vmem>> -> memref<128xf32, #tpu.memory_space<vmem>>
    %dma_wait3A_938 = arith.constant 0 : i32
    %dma_wait3A_939 = tpu.memref_slice %arg13[%dma_wait3A_934, %dma_wait3A_938] : memref<49x128xi32, #tpu.memory_space<vmem>> -> memref<1x128xi32, #tpu.memory_space<vmem>>
    %dma_wait3A_940 = tpu.memref_squeeze %dma_wait3A_939 : memref<1x128xi32, #tpu.memory_space<vmem>> -> memref<128xi32, #tpu.memory_space<vmem>>
    %dma_wait3A_941 = arith.constant 0 : i32
    %dma_wait3A_942 = tpu.memref_slice %arg17[%dma_wait3A_941] : memref<512256xf32, #tpu.memory_space<vmem_shared>> -> memref<512256xf32, #tpu.memory_space<vmem_shared>>
    tpu.wait_indirect_dma semaphore(%arg18 : memref<!tpu.dma_semaphore, #tpu.memory_space<semaphore_mem>>) src(%dma_wait3A_937 : memref<128xf32, #tpu.memory_space<vmem>>) dst(%dma_wait3A_942 : memref<512256xf32, #tpu.memory_space<vmem_shared>>)
    %dma_wait3A_943 = arith.constant 33 : i32
    %dma_wait3A_944 = arith.constant 33 : i32
    %dma_wait3A_945 = arith.constant 0 : i32
    %dma_wait3A_946 = tpu.memref_slice %arg14[%dma_wait3A_943, %dma_wait3A_945] : memref<49x128xf32, #tpu.memory_space<vmem>> -> memref<1x128xf32, #tpu.memory_space<vmem>>
    %dma_wait3A_947 = tpu.memref_squeeze %dma_wait3A_946 : memref<1x128xf32, #tpu.memory_space<vmem>> -> memref<128xf32, #tpu.memory_space<vmem>>
    %dma_wait3A_948 = arith.constant 0 : i32
    %dma_wait3A_949 = tpu.memref_slice %arg13[%dma_wait3A_944, %dma_wait3A_948] : memref<49x128xi32, #tpu.memory_space<vmem>> -> memref<1x128xi32, #tpu.memory_space<vmem>>
    %dma_wait3A_950 = tpu.memref_squeeze %dma_wait3A_949 : memref<1x128xi32, #tpu.memory_space<vmem>> -> memref<128xi32, #tpu.memory_space<vmem>>
    %dma_wait3A_951 = arith.constant 0 : i32
    %dma_wait3A_952 = tpu.memref_slice %arg17[%dma_wait3A_951] : memref<512256xf32, #tpu.memory_space<vmem_shared>> -> memref<512256xf32, #tpu.memory_space<vmem_shared>>
    tpu.wait_indirect_dma semaphore(%arg18 : memref<!tpu.dma_semaphore, #tpu.memory_space<semaphore_mem>>) src(%dma_wait3A_947 : memref<128xf32, #tpu.memory_space<vmem>>) dst(%dma_wait3A_952 : memref<512256xf32, #tpu.memory_space<vmem_shared>>)
    %dma_wait3A_953 = arith.constant 34 : i32
    %dma_wait3A_954 = arith.constant 34 : i32
    %dma_wait3A_955 = arith.constant 0 : i32
    %dma_wait3A_956 = tpu.memref_slice %arg14[%dma_wait3A_953, %dma_wait3A_955] : memref<49x128xf32, #tpu.memory_space<vmem>> -> memref<1x128xf32, #tpu.memory_space<vmem>>
    %dma_wait3A_957 = tpu.memref_squeeze %dma_wait3A_956 : memref<1x128xf32, #tpu.memory_space<vmem>> -> memref<128xf32, #tpu.memory_space<vmem>>
    %dma_wait3A_958 = arith.constant 0 : i32
    %dma_wait3A_959 = tpu.memref_slice %arg13[%dma_wait3A_954, %dma_wait3A_958] : memref<49x128xi32, #tpu.memory_space<vmem>> -> memref<1x128xi32, #tpu.memory_space<vmem>>
    %dma_wait3A_960 = tpu.memref_squeeze %dma_wait3A_959 : memref<1x128xi32, #tpu.memory_space<vmem>> -> memref<128xi32, #tpu.memory_space<vmem>>
    %dma_wait3A_961 = arith.constant 0 : i32
    %dma_wait3A_962 = tpu.memref_slice %arg17[%dma_wait3A_961] : memref<512256xf32, #tpu.memory_space<vmem_shared>> -> memref<512256xf32, #tpu.memory_space<vmem_shared>>
    tpu.wait_indirect_dma semaphore(%arg18 : memref<!tpu.dma_semaphore, #tpu.memory_space<semaphore_mem>>) src(%dma_wait3A_957 : memref<128xf32, #tpu.memory_space<vmem>>) dst(%dma_wait3A_962 : memref<512256xf32, #tpu.memory_space<vmem_shared>>)
    %dma_wait3A_963 = arith.constant 35 : i32
    %dma_wait3A_964 = arith.constant 35 : i32
    %dma_wait3A_965 = arith.constant 0 : i32
    %dma_wait3A_966 = tpu.memref_slice %arg14[%dma_wait3A_963, %dma_wait3A_965] : memref<49x128xf32, #tpu.memory_space<vmem>> -> memref<1x128xf32, #tpu.memory_space<vmem>>
    %dma_wait3A_967 = tpu.memref_squeeze %dma_wait3A_966 : memref<1x128xf32, #tpu.memory_space<vmem>> -> memref<128xf32, #tpu.memory_space<vmem>>
    %dma_wait3A_968 = arith.constant 0 : i32
    %dma_wait3A_969 = tpu.memref_slice %arg13[%dma_wait3A_964, %dma_wait3A_968] : memref<49x128xi32, #tpu.memory_space<vmem>> -> memref<1x128xi32, #tpu.memory_space<vmem>>
    %dma_wait3A_970 = tpu.memref_squeeze %dma_wait3A_969 : memref<1x128xi32, #tpu.memory_space<vmem>> -> memref<128xi32, #tpu.memory_space<vmem>>
    %dma_wait3A_971 = arith.constant 0 : i32
    %dma_wait3A_972 = tpu.memref_slice %arg17[%dma_wait3A_971] : memref<512256xf32, #tpu.memory_space<vmem_shared>> -> memref<512256xf32, #tpu.memory_space<vmem_shared>>
    tpu.wait_indirect_dma semaphore(%arg18 : memref<!tpu.dma_semaphore, #tpu.memory_space<semaphore_mem>>) src(%dma_wait3A_967 : memref<128xf32, #tpu.memory_space<vmem>>) dst(%dma_wait3A_972 : memref<512256xf32, #tpu.memory_space<vmem_shared>>)
    %dma_wait3A_973 = arith.constant 36 : i32
    %dma_wait3A_974 = arith.constant 36 : i32
    %dma_wait3A_975 = arith.constant 0 : i32
    %dma_wait3A_976 = tpu.memref_slice %arg14[%dma_wait3A_973, %dma_wait3A_975] : memref<49x128xf32, #tpu.memory_space<vmem>> -> memref<1x128xf32, #tpu.memory_space<vmem>>
    %dma_wait3A_977 = tpu.memref_squeeze %dma_wait3A_976 : memref<1x128xf32, #tpu.memory_space<vmem>> -> memref<128xf32, #tpu.memory_space<vmem>>
    %dma_wait3A_978 = arith.constant 0 : i32
    %dma_wait3A_979 = tpu.memref_slice %arg13[%dma_wait3A_974, %dma_wait3A_978] : memref<49x128xi32, #tpu.memory_space<vmem>> -> memref<1x128xi32, #tpu.memory_space<vmem>>
    %dma_wait3A_980 = tpu.memref_squeeze %dma_wait3A_979 : memref<1x128xi32, #tpu.memory_space<vmem>> -> memref<128xi32, #tpu.memory_space<vmem>>
    %dma_wait3A_981 = arith.constant 0 : i32
    %dma_wait3A_982 = tpu.memref_slice %arg17[%dma_wait3A_981] : memref<512256xf32, #tpu.memory_space<vmem_shared>> -> memref<512256xf32, #tpu.memory_space<vmem_shared>>
    tpu.wait_indirect_dma semaphore(%arg18 : memref<!tpu.dma_semaphore, #tpu.memory_space<semaphore_mem>>) src(%dma_wait3A_977 : memref<128xf32, #tpu.memory_space<vmem>>) dst(%dma_wait3A_982 : memref<512256xf32, #tpu.memory_space<vmem_shared>>)
    %dma_wait3A_983 = arith.constant 37 : i32
    %dma_wait3A_984 = arith.constant 37 : i32
    %dma_wait3A_985 = arith.constant 0 : i32
    %dma_wait3A_986 = tpu.memref_slice %arg14[%dma_wait3A_983, %dma_wait3A_985] : memref<49x128xf32, #tpu.memory_space<vmem>> -> memref<1x128xf32, #tpu.memory_space<vmem>>
    %dma_wait3A_987 = tpu.memref_squeeze %dma_wait3A_986 : memref<1x128xf32, #tpu.memory_space<vmem>> -> memref<128xf32, #tpu.memory_space<vmem>>
    %dma_wait3A_988 = arith.constant 0 : i32
    %dma_wait3A_989 = tpu.memref_slice %arg13[%dma_wait3A_984, %dma_wait3A_988] : memref<49x128xi32, #tpu.memory_space<vmem>> -> memref<1x128xi32, #tpu.memory_space<vmem>>
    %dma_wait3A_990 = tpu.memref_squeeze %dma_wait3A_989 : memref<1x128xi32, #tpu.memory_space<vmem>> -> memref<128xi32, #tpu.memory_space<vmem>>
    %dma_wait3A_991 = arith.constant 0 : i32
    %dma_wait3A_992 = tpu.memref_slice %arg17[%dma_wait3A_991] : memref<512256xf32, #tpu.memory_space<vmem_shared>> -> memref<512256xf32, #tpu.memory_space<vmem_shared>>
    tpu.wait_indirect_dma semaphore(%arg18 : memref<!tpu.dma_semaphore, #tpu.memory_space<semaphore_mem>>) src(%dma_wait3A_987 : memref<128xf32, #tpu.memory_space<vmem>>) dst(%dma_wait3A_992 : memref<512256xf32, #tpu.memory_space<vmem_shared>>)
    %dma_wait3A_993 = arith.constant 38 : i32
    %dma_wait3A_994 = arith.constant 38 : i32
    %dma_wait3A_995 = arith.constant 0 : i32
    %dma_wait3A_996 = tpu.memref_slice %arg14[%dma_wait3A_993, %dma_wait3A_995] : memref<49x128xf32, #tpu.memory_space<vmem>> -> memref<1x128xf32, #tpu.memory_space<vmem>>
    %dma_wait3A_997 = tpu.memref_squeeze %dma_wait3A_996 : memref<1x128xf32, #tpu.memory_space<vmem>> -> memref<128xf32, #tpu.memory_space<vmem>>
    %dma_wait3A_998 = arith.constant 0 : i32
    %dma_wait3A_999 = tpu.memref_slice %arg13[%dma_wait3A_994, %dma_wait3A_998] : memref<49x128xi32, #tpu.memory_space<vmem>> -> memref<1x128xi32, #tpu.memory_space<vmem>>
    %dma_wait3A_1000 = tpu.memref_squeeze %dma_wait3A_999 : memref<1x128xi32, #tpu.memory_space<vmem>> -> memref<128xi32, #tpu.memory_space<vmem>>
    %dma_wait3A_1001 = arith.constant 0 : i32
    %dma_wait3A_1002 = tpu.memref_slice %arg17[%dma_wait3A_1001] : memref<512256xf32, #tpu.memory_space<vmem_shared>> -> memref<512256xf32, #tpu.memory_space<vmem_shared>>
    tpu.wait_indirect_dma semaphore(%arg18 : memref<!tpu.dma_semaphore, #tpu.memory_space<semaphore_mem>>) src(%dma_wait3A_997 : memref<128xf32, #tpu.memory_space<vmem>>) dst(%dma_wait3A_1002 : memref<512256xf32, #tpu.memory_space<vmem_shared>>)
    %dma_wait3A_1003 = arith.constant 39 : i32
    %dma_wait3A_1004 = arith.constant 39 : i32
    %dma_wait3A_1005 = arith.constant 0 : i32
    %dma_wait3A_1006 = tpu.memref_slice %arg14[%dma_wait3A_1003, %dma_wait3A_1005] : memref<49x128xf32, #tpu.memory_space<vmem>> -> memref<1x128xf32, #tpu.memory_space<vmem>>
    %dma_wait3A_1007 = tpu.memref_squeeze %dma_wait3A_1006 : memref<1x128xf32, #tpu.memory_space<vmem>> -> memref<128xf32, #tpu.memory_space<vmem>>
    %dma_wait3A_1008 = arith.constant 0 : i32
    %dma_wait3A_1009 = tpu.memref_slice %arg13[%dma_wait3A_1004, %dma_wait3A_1008] : memref<49x128xi32, #tpu.memory_space<vmem>> -> memref<1x128xi32, #tpu.memory_space<vmem>>
    %dma_wait3A_1010 = tpu.memref_squeeze %dma_wait3A_1009 : memref<1x128xi32, #tpu.memory_space<vmem>> -> memref<128xi32, #tpu.memory_space<vmem>>
    %dma_wait3A_1011 = arith.constant 0 : i32
    %dma_wait3A_1012 = tpu.memref_slice %arg17[%dma_wait3A_1011] : memref<512256xf32, #tpu.memory_space<vmem_shared>> -> memref<512256xf32, #tpu.memory_space<vmem_shared>>
    tpu.wait_indirect_dma semaphore(%arg18 : memref<!tpu.dma_semaphore, #tpu.memory_space<semaphore_mem>>) src(%dma_wait3A_1007 : memref<128xf32, #tpu.memory_space<vmem>>) dst(%dma_wait3A_1012 : memref<512256xf32, #tpu.memory_space<vmem_shared>>)
    %dma_wait3A_1013 = arith.constant 40 : i32
    %dma_wait3A_1014 = arith.constant 40 : i32
    %dma_wait3A_1015 = arith.constant 0 : i32
    %dma_wait3A_1016 = tpu.memref_slice %arg14[%dma_wait3A_1013, %dma_wait3A_1015] : memref<49x128xf32, #tpu.memory_space<vmem>> -> memref<1x128xf32, #tpu.memory_space<vmem>>
    %dma_wait3A_1017 = tpu.memref_squeeze %dma_wait3A_1016 : memref<1x128xf32, #tpu.memory_space<vmem>> -> memref<128xf32, #tpu.memory_space<vmem>>
    %dma_wait3A_1018 = arith.constant 0 : i32
    %dma_wait3A_1019 = tpu.memref_slice %arg13[%dma_wait3A_1014, %dma_wait3A_1018] : memref<49x128xi32, #tpu.memory_space<vmem>> -> memref<1x128xi32, #tpu.memory_space<vmem>>
    %dma_wait3A_1020 = tpu.memref_squeeze %dma_wait3A_1019 : memref<1x128xi32, #tpu.memory_space<vmem>> -> memref<128xi32, #tpu.memory_space<vmem>>
    %dma_wait3A_1021 = arith.constant 0 : i32
    %dma_wait3A_1022 = tpu.memref_slice %arg17[%dma_wait3A_1021] : memref<512256xf32, #tpu.memory_space<vmem_shared>> -> memref<512256xf32, #tpu.memory_space<vmem_shared>>
    tpu.wait_indirect_dma semaphore(%arg18 : memref<!tpu.dma_semaphore, #tpu.memory_space<semaphore_mem>>) src(%dma_wait3A_1017 : memref<128xf32, #tpu.memory_space<vmem>>) dst(%dma_wait3A_1022 : memref<512256xf32, #tpu.memory_space<vmem_shared>>)
    %dma_wait3A_1023 = arith.constant 41 : i32
    %dma_wait3A_1024 = arith.constant 41 : i32
    %dma_wait3A_1025 = arith.constant 0 : i32
    %dma_wait3A_1026 = tpu.memref_slice %arg14[%dma_wait3A_1023, %dma_wait3A_1025] : memref<49x128xf32, #tpu.memory_space<vmem>> -> memref<1x128xf32, #tpu.memory_space<vmem>>
    %dma_wait3A_1027 = tpu.memref_squeeze %dma_wait3A_1026 : memref<1x128xf32, #tpu.memory_space<vmem>> -> memref<128xf32, #tpu.memory_space<vmem>>
    %dma_wait3A_1028 = arith.constant 0 : i32
    %dma_wait3A_1029 = tpu.memref_slice %arg13[%dma_wait3A_1024, %dma_wait3A_1028] : memref<49x128xi32, #tpu.memory_space<vmem>> -> memref<1x128xi32, #tpu.memory_space<vmem>>
    %dma_wait3A_1030 = tpu.memref_squeeze %dma_wait3A_1029 : memref<1x128xi32, #tpu.memory_space<vmem>> -> memref<128xi32, #tpu.memory_space<vmem>>
    %dma_wait3A_1031 = arith.constant 0 : i32
    %dma_wait3A_1032 = tpu.memref_slice %arg17[%dma_wait3A_1031] : memref<512256xf32, #tpu.memory_space<vmem_shared>> -> memref<512256xf32, #tpu.memory_space<vmem_shared>>
    tpu.wait_indirect_dma semaphore(%arg18 : memref<!tpu.dma_semaphore, #tpu.memory_space<semaphore_mem>>) src(%dma_wait3A_1027 : memref<128xf32, #tpu.memory_space<vmem>>) dst(%dma_wait3A_1032 : memref<512256xf32, #tpu.memory_space<vmem_shared>>)
    %dma_wait3A_1033 = arith.constant 42 : i32
    %dma_wait3A_1034 = arith.constant 42 : i32
    %dma_wait3A_1035 = arith.constant 0 : i32
    %dma_wait3A_1036 = tpu.memref_slice %arg14[%dma_wait3A_1033, %dma_wait3A_1035] : memref<49x128xf32, #tpu.memory_space<vmem>> -> memref<1x128xf32, #tpu.memory_space<vmem>>
    %dma_wait3A_1037 = tpu.memref_squeeze %dma_wait3A_1036 : memref<1x128xf32, #tpu.memory_space<vmem>> -> memref<128xf32, #tpu.memory_space<vmem>>
    %dma_wait3A_1038 = arith.constant 0 : i32
    %dma_wait3A_1039 = tpu.memref_slice %arg13[%dma_wait3A_1034, %dma_wait3A_1038] : memref<49x128xi32, #tpu.memory_space<vmem>> -> memref<1x128xi32, #tpu.memory_space<vmem>>
    %dma_wait3A_1040 = tpu.memref_squeeze %dma_wait3A_1039 : memref<1x128xi32, #tpu.memory_space<vmem>> -> memref<128xi32, #tpu.memory_space<vmem>>
    %dma_wait3A_1041 = arith.constant 0 : i32
    %dma_wait3A_1042 = tpu.memref_slice %arg17[%dma_wait3A_1041] : memref<512256xf32, #tpu.memory_space<vmem_shared>> -> memref<512256xf32, #tpu.memory_space<vmem_shared>>
    tpu.wait_indirect_dma semaphore(%arg18 : memref<!tpu.dma_semaphore, #tpu.memory_space<semaphore_mem>>) src(%dma_wait3A_1037 : memref<128xf32, #tpu.memory_space<vmem>>) dst(%dma_wait3A_1042 : memref<512256xf32, #tpu.memory_space<vmem_shared>>)
    %dma_wait3A_1043 = arith.constant 43 : i32
    %dma_wait3A_1044 = arith.constant 43 : i32
    %dma_wait3A_1045 = arith.constant 0 : i32
    %dma_wait3A_1046 = tpu.memref_slice %arg14[%dma_wait3A_1043, %dma_wait3A_1045] : memref<49x128xf32, #tpu.memory_space<vmem>> -> memref<1x128xf32, #tpu.memory_space<vmem>>
    %dma_wait3A_1047 = tpu.memref_squeeze %dma_wait3A_1046 : memref<1x128xf32, #tpu.memory_space<vmem>> -> memref<128xf32, #tpu.memory_space<vmem>>
    %dma_wait3A_1048 = arith.constant 0 : i32
    %dma_wait3A_1049 = tpu.memref_slice %arg13[%dma_wait3A_1044, %dma_wait3A_1048] : memref<49x128xi32, #tpu.memory_space<vmem>> -> memref<1x128xi32, #tpu.memory_space<vmem>>
    %dma_wait3A_1050 = tpu.memref_squeeze %dma_wait3A_1049 : memref<1x128xi32, #tpu.memory_space<vmem>> -> memref<128xi32, #tpu.memory_space<vmem>>
    %dma_wait3A_1051 = arith.constant 0 : i32
    %dma_wait3A_1052 = tpu.memref_slice %arg17[%dma_wait3A_1051] : memref<512256xf32, #tpu.memory_space<vmem_shared>> -> memref<512256xf32, #tpu.memory_space<vmem_shared>>
    tpu.wait_indirect_dma semaphore(%arg18 : memref<!tpu.dma_semaphore, #tpu.memory_space<semaphore_mem>>) src(%dma_wait3A_1047 : memref<128xf32, #tpu.memory_space<vmem>>) dst(%dma_wait3A_1052 : memref<512256xf32, #tpu.memory_space<vmem_shared>>)
    %dma_wait3A_1053 = arith.constant 44 : i32
    %dma_wait3A_1054 = arith.constant 44 : i32
    %dma_wait3A_1055 = arith.constant 0 : i32
    %dma_wait3A_1056 = tpu.memref_slice %arg14[%dma_wait3A_1053, %dma_wait3A_1055] : memref<49x128xf32, #tpu.memory_space<vmem>> -> memref<1x128xf32, #tpu.memory_space<vmem>>
    %dma_wait3A_1057 = tpu.memref_squeeze %dma_wait3A_1056 : memref<1x128xf32, #tpu.memory_space<vmem>> -> memref<128xf32, #tpu.memory_space<vmem>>
    %dma_wait3A_1058 = arith.constant 0 : i32
    %dma_wait3A_1059 = tpu.memref_slice %arg13[%dma_wait3A_1054, %dma_wait3A_1058] : memref<49x128xi32, #tpu.memory_space<vmem>> -> memref<1x128xi32, #tpu.memory_space<vmem>>
    %dma_wait3A_1060 = tpu.memref_squeeze %dma_wait3A_1059 : memref<1x128xi32, #tpu.memory_space<vmem>> -> memref<128xi32, #tpu.memory_space<vmem>>
    %dma_wait3A_1061 = arith.constant 0 : i32
    %dma_wait3A_1062 = tpu.memref_slice %arg17[%dma_wait3A_1061] : memref<512256xf32, #tpu.memory_space<vmem_shared>> -> memref<512256xf32, #tpu.memory_space<vmem_shared>>
    tpu.wait_indirect_dma semaphore(%arg18 : memref<!tpu.dma_semaphore, #tpu.memory_space<semaphore_mem>>) src(%dma_wait3A_1057 : memref<128xf32, #tpu.memory_space<vmem>>) dst(%dma_wait3A_1062 : memref<512256xf32, #tpu.memory_space<vmem_shared>>)
    %dma_wait3A_1063 = arith.constant 45 : i32
    %dma_wait3A_1064 = arith.constant 45 : i32
    %dma_wait3A_1065 = arith.constant 0 : i32
    %dma_wait3A_1066 = tpu.memref_slice %arg14[%dma_wait3A_1063, %dma_wait3A_1065] : memref<49x128xf32, #tpu.memory_space<vmem>> -> memref<1x128xf32, #tpu.memory_space<vmem>>
    %dma_wait3A_1067 = tpu.memref_squeeze %dma_wait3A_1066 : memref<1x128xf32, #tpu.memory_space<vmem>> -> memref<128xf32, #tpu.memory_space<vmem>>
    %dma_wait3A_1068 = arith.constant 0 : i32
    %dma_wait3A_1069 = tpu.memref_slice %arg13[%dma_wait3A_1064, %dma_wait3A_1068] : memref<49x128xi32, #tpu.memory_space<vmem>> -> memref<1x128xi32, #tpu.memory_space<vmem>>
    %dma_wait3A_1070 = tpu.memref_squeeze %dma_wait3A_1069 : memref<1x128xi32, #tpu.memory_space<vmem>> -> memref<128xi32, #tpu.memory_space<vmem>>
    %dma_wait3A_1071 = arith.constant 0 : i32
    %dma_wait3A_1072 = tpu.memref_slice %arg17[%dma_wait3A_1071] : memref<512256xf32, #tpu.memory_space<vmem_shared>> -> memref<512256xf32, #tpu.memory_space<vmem_shared>>
    tpu.wait_indirect_dma semaphore(%arg18 : memref<!tpu.dma_semaphore, #tpu.memory_space<semaphore_mem>>) src(%dma_wait3A_1067 : memref<128xf32, #tpu.memory_space<vmem>>) dst(%dma_wait3A_1072 : memref<512256xf32, #tpu.memory_space<vmem_shared>>)
    %dma_wait3A_1073 = arith.constant 46 : i32
    %dma_wait3A_1074 = arith.constant 46 : i32
    %dma_wait3A_1075 = arith.constant 0 : i32
    %dma_wait3A_1076 = tpu.memref_slice %arg14[%dma_wait3A_1073, %dma_wait3A_1075] : memref<49x128xf32, #tpu.memory_space<vmem>> -> memref<1x128xf32, #tpu.memory_space<vmem>>
    %dma_wait3A_1077 = tpu.memref_squeeze %dma_wait3A_1076 : memref<1x128xf32, #tpu.memory_space<vmem>> -> memref<128xf32, #tpu.memory_space<vmem>>
    %dma_wait3A_1078 = arith.constant 0 : i32
    %dma_wait3A_1079 = tpu.memref_slice %arg13[%dma_wait3A_1074, %dma_wait3A_1078] : memref<49x128xi32, #tpu.memory_space<vmem>> -> memref<1x128xi32, #tpu.memory_space<vmem>>
    %dma_wait3A_1080 = tpu.memref_squeeze %dma_wait3A_1079 : memref<1x128xi32, #tpu.memory_space<vmem>> -> memref<128xi32, #tpu.memory_space<vmem>>
    %dma_wait3A_1081 = arith.constant 0 : i32
    %dma_wait3A_1082 = tpu.memref_slice %arg17[%dma_wait3A_1081] : memref<512256xf32, #tpu.memory_space<vmem_shared>> -> memref<512256xf32, #tpu.memory_space<vmem_shared>>
    tpu.wait_indirect_dma semaphore(%arg18 : memref<!tpu.dma_semaphore, #tpu.memory_space<semaphore_mem>>) src(%dma_wait3A_1077 : memref<128xf32, #tpu.memory_space<vmem>>) dst(%dma_wait3A_1082 : memref<512256xf32, #tpu.memory_space<vmem_shared>>)
    %dma_wait3A_1083 = arith.constant 47 : i32
    %dma_wait3A_1084 = arith.constant 47 : i32
    %dma_wait3A_1085 = arith.constant 0 : i32
    %dma_wait3A_1086 = tpu.memref_slice %arg14[%dma_wait3A_1083, %dma_wait3A_1085] : memref<49x128xf32, #tpu.memory_space<vmem>> -> memref<1x128xf32, #tpu.memory_space<vmem>>
    %dma_wait3A_1087 = tpu.memref_squeeze %dma_wait3A_1086 : memref<1x128xf32, #tpu.memory_space<vmem>> -> memref<128xf32, #tpu.memory_space<vmem>>
    %dma_wait3A_1088 = arith.constant 0 : i32
    %dma_wait3A_1089 = tpu.memref_slice %arg13[%dma_wait3A_1084, %dma_wait3A_1088] : memref<49x128xi32, #tpu.memory_space<vmem>> -> memref<1x128xi32, #tpu.memory_space<vmem>>
    %dma_wait3A_1090 = tpu.memref_squeeze %dma_wait3A_1089 : memref<1x128xi32, #tpu.memory_space<vmem>> -> memref<128xi32, #tpu.memory_space<vmem>>
    %dma_wait3A_1091 = arith.constant 0 : i32
    %dma_wait3A_1092 = tpu.memref_slice %arg17[%dma_wait3A_1091] : memref<512256xf32, #tpu.memory_space<vmem_shared>> -> memref<512256xf32, #tpu.memory_space<vmem_shared>>
    tpu.wait_indirect_dma semaphore(%arg18 : memref<!tpu.dma_semaphore, #tpu.memory_space<semaphore_mem>>) src(%dma_wait3A_1087 : memref<128xf32, #tpu.memory_space<vmem>>) dst(%dma_wait3A_1092 : memref<512256xf32, #tpu.memory_space<vmem_shared>>)
    %dma_wait3A_1093 = arith.constant 48 : i32
    %dma_wait3A_1094 = arith.constant 48 : i32
    %dma_wait3A_1095 = arith.constant 0 : i32
    %dma_wait3A_1096 = tpu.memref_slice %arg14[%dma_wait3A_1093, %dma_wait3A_1095] : memref<49x128xf32, #tpu.memory_space<vmem>> -> memref<1x128xf32, #tpu.memory_space<vmem>>
    %dma_wait3A_1097 = tpu.memref_squeeze %dma_wait3A_1096 : memref<1x128xf32, #tpu.memory_space<vmem>> -> memref<128xf32, #tpu.memory_space<vmem>>
    %dma_wait3A_1098 = arith.constant 0 : i32
    %dma_wait3A_1099 = tpu.memref_slice %arg13[%dma_wait3A_1094, %dma_wait3A_1098] : memref<49x128xi32, #tpu.memory_space<vmem>> -> memref<1x128xi32, #tpu.memory_space<vmem>>
    %dma_wait3A_1100 = tpu.memref_squeeze %dma_wait3A_1099 : memref<1x128xi32, #tpu.memory_space<vmem>> -> memref<128xi32, #tpu.memory_space<vmem>>
    %dma_wait3A_1101 = arith.constant 0 : i32
    %dma_wait3A_1102 = tpu.memref_slice %arg17[%dma_wait3A_1101] : memref<512256xf32, #tpu.memory_space<vmem_shared>> -> memref<512256xf32, #tpu.memory_space<vmem_shared>>
    tpu.wait_indirect_dma semaphore(%arg18 : memref<!tpu.dma_semaphore, #tpu.memory_space<semaphore_mem>>) src(%dma_wait3A_1097 : memref<128xf32, #tpu.memory_space<vmem>>) dst(%dma_wait3A_1102 : memref<512256xf32, #tpu.memory_space<vmem_shared>>)
    %barrier3A_1103 = arith.constant 0 : index
    tpu.barrier barrier_id(%barrier3A_1103)
    "tpu.trace_stop"() : () -> ()
    "tpu.trace_start"() <{level = 10 : i32, message = "sc_out_0"}> : () -> ()
    %mul3A_1104 = arith.constant 32016 : i32
    %mul3A_1105 = arith.muli %arg1, %mul3A_1104 : i32
    "tpu.region"() ({
      %run_scoped3A = tpu.sem_alloc : memref<!tpu.dma_semaphore, #tpu.memory_space<semaphore_mem>>
      %dma_start3A_2129 = tpu.memref_slice %arg17[%mul3A_1105] : memref<512256xf32, #tpu.memory_space<vmem_shared>> -> memref<32016xf32, #tpu.memory_space<vmem_shared>>
      %dma_start3A_2130 = tpu.memref_slice %arg17[%mul3A_1105] : memref<512256xf32, #tpu.memory_space<vmem_shared>> -> memref<32016xf32, #tpu.memory_space<vmem_shared>>
      tpu.enqueue_dma source(%dma_start3A_2130 : memref<32016xf32, #tpu.memory_space<vmem_shared>>) target(%arg16 : memref<32016xf32, #tpu.memory_space<vmem>>) target_semaphore(%run_scoped3A : memref<!tpu.dma_semaphore, #tpu.memory_space<semaphore_mem>>)
      %dma_wait3A_2131 = tpu.memref_slice %arg17[%mul3A_1105] : memref<512256xf32, #tpu.memory_space<vmem_shared>> -> memref<32016xf32, #tpu.memory_space<vmem_shared>>
      %dma_wait3A_2132 = tpu.memref_slice %arg17[%mul3A_1105] : memref<512256xf32, #tpu.memory_space<vmem_shared>> -> memref<32016xf32, #tpu.memory_space<vmem_shared>>
      tpu.wait_dma2 semaphore(%run_scoped3A : memref<!tpu.dma_semaphore, #tpu.memory_space<semaphore_mem>>) src(%dma_wait3A_2132 : memref<32016xf32, #tpu.memory_space<vmem_shared>>) dst(%arg16 : memref<32016xf32, #tpu.memory_space<vmem>>)
      tpu.yield
    }) : () -> ()
    %mul3A_1106 = arith.constant 32016 : i32
    %mul3A_1107 = arith.muli %arg1, %mul3A_1106 : i32
    %add3A = arith.constant 0 : i32
    %add3A_1108 = arith.addi %add3A, %mul3A_1107 : i32
    %eq3A_1109 = arith.constant 0 : i32
    %eq3A_1110 = arith.cmpi eq, %arg0, %eq3A_1109 : i32
    %convert_element_type3A_1111 = arith.extui %eq3A_1110 : i1 to i32
    %cond3A_1112 = arith.constant 0 : i32
    %cond3A_1113 = arith.cmpi ne, %convert_element_type3A_1111, %cond3A_1112 : i32
    scf.if %cond3A_1113 {
      %dma_start3A_2129 = tpu.memref_slice %arg8[%add3A_1108] : memref<1024256xf32, #tpu.memory_space<hbm>> -> memref<32016xf32, #tpu.memory_space<hbm>>
      %dma_start3A_2130 = tpu.memref_slice %arg8[%add3A_1108] : memref<1024256xf32, #tpu.memory_space<hbm>> -> memref<32016xf32, #tpu.memory_space<hbm>>
      tpu.enqueue_dma source(%arg16 : memref<32016xf32, #tpu.memory_space<vmem>>) target(%dma_start3A_2130 : memref<32016xf32, #tpu.memory_space<hbm>>) target_semaphore(%arg19 : memref<!tpu.dma_semaphore, #tpu.memory_space<semaphore_mem>>)
    } else {
    }
    %eq3A_1114 = arith.constant 1 : i32
    %eq3A_1115 = arith.cmpi eq, %arg0, %eq3A_1114 : i32
    %convert_element_type3A_1116 = arith.extui %eq3A_1115 : i1 to i32
    %cond3A_1117 = arith.constant 0 : i32
    %cond3A_1118 = arith.cmpi ne, %convert_element_type3A_1116, %cond3A_1117 : i32
    scf.if %cond3A_1118 {
      %dma_start3A_2129 = tpu.memref_slice %arg9[%add3A_1108] : memref<1024256xf32, #tpu.memory_space<hbm>> -> memref<32016xf32, #tpu.memory_space<hbm>>
      %dma_start3A_2130 = tpu.memref_slice %arg9[%add3A_1108] : memref<1024256xf32, #tpu.memory_space<hbm>> -> memref<32016xf32, #tpu.memory_space<hbm>>
      tpu.enqueue_dma source(%arg16 : memref<32016xf32, #tpu.memory_space<vmem>>) target(%dma_start3A_2130 : memref<32016xf32, #tpu.memory_space<hbm>>) target_semaphore(%arg19 : memref<!tpu.dma_semaphore, #tpu.memory_space<semaphore_mem>>)
    } else {
    }
    "tpu.trace_stop"() : () -> ()
    "tpu.trace_start"() <{level = 10 : i32, message = "sc_zero_1"}> : () -> ()
    %mul3A_1119 = arith.constant 32016 : i32
    %mul3A_1120 = arith.muli %arg1, %mul3A_1119 : i32
    "tpu.region"() ({
      %run_scoped3A = tpu.sem_alloc : memref<!tpu.dma_semaphore, #tpu.memory_space<semaphore_mem>>
      %dma_start3A_2129 = tpu.memref_slice %arg17[%mul3A_1120] : memref<512256xf32, #tpu.memory_space<vmem_shared>> -> memref<32016xf32, #tpu.memory_space<vmem_shared>>
      %dma_start3A_2130 = tpu.memref_slice %arg17[%mul3A_1120] : memref<512256xf32, #tpu.memory_space<vmem_shared>> -> memref<32016xf32, #tpu.memory_space<vmem_shared>>
      tpu.enqueue_dma source(%arg15 : memref<32016xf32, #tpu.memory_space<vmem>>) target(%dma_start3A_2130 : memref<32016xf32, #tpu.memory_space<vmem_shared>>) target_semaphore(%run_scoped3A : memref<!tpu.dma_semaphore, #tpu.memory_space<semaphore_mem>>)
      %dma_wait3A_2131 = tpu.memref_slice %arg17[%mul3A_1120] : memref<512256xf32, #tpu.memory_space<vmem_shared>> -> memref<32016xf32, #tpu.memory_space<vmem_shared>>
      %dma_wait3A_2132 = tpu.memref_slice %arg17[%mul3A_1120] : memref<512256xf32, #tpu.memory_space<vmem_shared>> -> memref<32016xf32, #tpu.memory_space<vmem_shared>>
      tpu.wait_dma2 semaphore(%run_scoped3A : memref<!tpu.dma_semaphore, #tpu.memory_space<semaphore_mem>>) src(%arg15 : memref<32016xf32, #tpu.memory_space<vmem>>) dst(%dma_wait3A_2132 : memref<32016xf32, #tpu.memory_space<vmem_shared>>)
      tpu.yield
    }) : () -> ()
    "tpu.trace_stop"() : () -> ()
    "tpu.trace_start"() <{level = 10 : i32, message = "sc_flat_1"}> : () -> ()
    %scan3A_1121 = arith.constant 0 : i32
    %scan3A_1122 = arith.constant 0 : i32
    %scan3A_1123 = arith.constant 49 : i32
    %scan3A_1124 = arith.addi %scan3A_1122, %scan3A_1123 : i32
    %scan3A_1125 = arith.constant 1 : i32
    scf.for %scan3A_2129 = %scan3A_1122 to %scan3A_1124 step %scan3A_1125  : i32 {
      %scan3A_2130 = arith.constant 0 : i32
      %scan3A_2131 = arith.constant 8 : i32
      %scan3A_2132 = arith.addi %scan3A_2130, %scan3A_2131 : i32
      %scan3A_2133 = arith.constant 1 : i32
      scf.for %scan3A_2135 = %scan3A_2130 to %scan3A_2132 step %scan3A_2133  : i32 {
        %mul3A_2136 = arith.constant 16 : i32
        %mul3A_2137 = arith.muli %scan3A_2135, %mul3A_2136 : i32
        %mul3A_2138 = arith.constant 128 : i32
        %mul3A_2139 = arith.muli %scan3A_2129, %mul3A_2138 : i32
        %add3A_2140 = arith.addi %mul3A_2139, %mul3A_2137 : i32
        %get3A = arith.index_cast %add3A_2140 : i32 to index
        %get3A_2141 = tpu.vector_load %arg11[%get3A] {strides = array<i32>} : memref<6272xi32, #tpu.memory_space<vmem>>, vector<16xi32>,
        %get3A_2142 = vector.shape_cast %get3A_2141 : vector<16xi32> to vector<16xi32>
        %mul3A_2143 = arith.constant 128 : i32
        %mul3A_2144 = arith.muli %scan3A_2129, %mul3A_2143 : i32
        %add3A_2145 = arith.addi %mul3A_2144, %mul3A_2137 : i32
        %get3A_2146 = arith.index_cast %add3A_2145 : i32 to index
        %get3A_2147 = tpu.vector_load %arg10[%get3A_2146] {strides = array<i32>} : memref<6272xi32, #tpu.memory_space<vmem>>, vector<16xi32>,
        %get3A_2148 = vector.shape_cast %get3A_2147 : vector<16xi32> to vector<16xi32>
        %sub3A = arith.constant 500 : i32
        %sub3A_2149 = vector.broadcast %sub3A : i32 to vector<16xi32>
        %sub3A_2150 = arith.subi %get3A_2142, %sub3A_2149 : vector<16xi32>
        %mul3A_2151 = arith.constant 1024 : i32
        %mul3A_2152 = vector.broadcast %mul3A_2151 : i32 to vector<16xi32>
        %mul3A_2153 = arith.muli %sub3A_2150, %mul3A_2152 : vector<16xi32>
        %add3A_2154 = arith.addi %mul3A_2153, %get3A_2148 : vector<16xi32>
        %ge3A = arith.constant 0 : i32
        %ge3A_2155 = vector.broadcast %ge3A : i32 to vector<16xi32>
        %ge3A_2156 = arith.cmpi sge, %sub3A_2150, %ge3A_2155 : vector<16xi32>
        %lt3A_2157 = arith.constant 500 : i32
        %lt3A_2158 = vector.broadcast %lt3A_2157 : i32 to vector<16xi32>
        %lt3A_2159 = arith.cmpi slt, %sub3A_2150, %lt3A_2158 : vector<16xi32>
        %and3A = arith.andi %ge3A_2156, %lt3A_2159 : vector<16xi1>
        %ge3A_2160 = arith.constant 0 : i32
        %ge3A_2161 = vector.broadcast %ge3A_2160 : i32 to vector<16xi32>
        %ge3A_2162 = arith.cmpi sge, %get3A_2148, %ge3A_2161 : vector<16xi32>
        %and3A_2163 = arith.andi %and3A, %ge3A_2162 : vector<16xi1>
        %lt3A_2164 = arith.constant 1000 : i32
        %lt3A_2165 = vector.broadcast %lt3A_2164 : i32 to vector<16xi32>
        %lt3A_2166 = arith.cmpi slt, %get3A_2148, %lt3A_2165 : vector<16xi32>
        %and3A_2167 = arith.andi %and3A_2163, %lt3A_2166 : vector<16xi1>
        %mul3A_2168 = arith.constant 128 : i32
        %mul3A_2169 = arith.muli %scan3A_2129, %mul3A_2168 : i32
        %add3A_2170 = arith.addi %mul3A_2169, %mul3A_2137 : i32
        %add3A_2171 = vector.broadcast %add3A_2170 : i32 to vector<16xi32>
        %add3A_2172 = arith.addi %add3A_2171, %iota3A : vector<16xi32>
        %lt3A_2173 = vector.broadcast %select_n3A : i32 to vector<16xi32>
        %lt3A_2174 = arith.cmpi slt, %add3A_2172, %lt3A_2173 : vector<16xi32>
        %and3A_2175 = arith.andi %and3A_2167, %lt3A_2174 : vector<16xi1>
        %add3A_2176 = arith.constant 512000 : i32
        %add3A_2177 = arith.addi %add3A_2176, %mul3A_2137 : i32
        %add3A_2178 = vector.broadcast %add3A_2177 : i32 to vector<16xi32>
        %add3A_2179 = arith.addi %add3A_2178, %iota3A : vector<16xi32>
        %select_n3A_2180 = arith.select %and3A_2175, %add3A_2154, %add3A_2179 : vector<16xi1>, vector<16xi32>
        %swap3A = arith.index_cast %scan3A_2129 : i32 to index
        %swap3A_2181 = arith.index_cast %mul3A_2137 : i32 to index
        %swap3A_2182 = tpu.vector_load %arg13[%swap3A, %swap3A_2181] {strides = array<i32>} : memref<49x128xi32, #tpu.memory_space<vmem>>, vector<1x16xi32>,
        %swap3A_2183 = vector.shape_cast %swap3A_2182 : vector<1x16xi32> to vector<16xi32>
        %swap3A_2184 = vector.shape_cast %select_n3A_2180 : vector<16xi32> to vector<1x16xi32>
        tpu.vector_store %arg13[%swap3A, %swap3A_2181], %swap3A_2184 {strides = array<i32>} : memref<49x128xi32, #tpu.memory_space<vmem>>, vector<1x16xi32>,
      }
      %scan3A_2134 = arith.constant 8 : i32
    }
    %scan3A_1126 = arith.constant 49 : i32
    %barrier3A_1127 = arith.constant 0 : index
    tpu.barrier barrier_id(%barrier3A_1127)
    %dma_start3A_1128 = arith.constant 0 : i32
    %dma_start3A_1129 = arith.constant 0 : i32
    "tpu.trace_stop"() : () -> ()
    "tpu.trace_start"() <{level = 10 : i32, message = "sc_scatter_1"}> : () -> ()
    %dma_start3A_1130 = arith.constant 0 : i32
    %dma_start3A_1131 = tpu.memref_slice %arg14[%dma_start3A_1128, %dma_start3A_1130] : memref<49x128xf32, #tpu.memory_space<vmem>> -> memref<1x128xf32, #tpu.memory_space<vmem>>
    %dma_start3A_1132 = tpu.memref_squeeze %dma_start3A_1131 : memref<1x128xf32, #tpu.memory_space<vmem>> -> memref<128xf32, #tpu.memory_space<vmem>>
    %dma_start3A_1133 = arith.constant 0 : i32
    %dma_start3A_1134 = tpu.memref_slice %arg13[%dma_start3A_1129, %dma_start3A_1133] : memref<49x128xi32, #tpu.memory_space<vmem>> -> memref<1x128xi32, #tpu.memory_space<vmem>>
    %dma_start3A_1135 = tpu.memref_squeeze %dma_start3A_1134 : memref<1x128xi32, #tpu.memory_space<vmem>> -> memref<128xi32, #tpu.memory_space<vmem>>
    %dma_start3A_1136 = arith.constant 0 : i32
    %dma_start3A_1137 = tpu.memref_slice %arg17[%dma_start3A_1136] : memref<512256xf32, #tpu.memory_space<vmem_shared>> -> memref<512256xf32, #tpu.memory_space<vmem_shared>>
    tpu.enqueue_indirect_dma source(%dma_start3A_1132 : memref<128xf32, #tpu.memory_space<vmem>>) target(%dma_start3A_1137 : memref<512256xf32, #tpu.memory_space<vmem_shared>>) offsets(%dma_start3A_1135 : memref<128xi32, #tpu.memory_space<vmem>>) semaphore(%arg18 : memref<!tpu.dma_semaphore, #tpu.memory_space<semaphore_mem>>) {add = true}
    %dma_start3A_1138 = arith.constant 1 : i32
    %dma_start3A_1139 = arith.constant 1 : i32
    %dma_start3A_1140 = arith.constant 0 : i32
    %dma_start3A_1141 = tpu.memref_slice %arg14[%dma_start3A_1138, %dma_start3A_1140] : memref<49x128xf32, #tpu.memory_space<vmem>> -> memref<1x128xf32, #tpu.memory_space<vmem>>
    %dma_start3A_1142 = tpu.memref_squeeze %dma_start3A_1141 : memref<1x128xf32, #tpu.memory_space<vmem>> -> memref<128xf32, #tpu.memory_space<vmem>>
    %dma_start3A_1143 = arith.constant 0 : i32
    %dma_start3A_1144 = tpu.memref_slice %arg13[%dma_start3A_1139, %dma_start3A_1143] : memref<49x128xi32, #tpu.memory_space<vmem>> -> memref<1x128xi32, #tpu.memory_space<vmem>>
    %dma_start3A_1145 = tpu.memref_squeeze %dma_start3A_1144 : memref<1x128xi32, #tpu.memory_space<vmem>> -> memref<128xi32, #tpu.memory_space<vmem>>
    %dma_start3A_1146 = arith.constant 0 : i32
    %dma_start3A_1147 = tpu.memref_slice %arg17[%dma_start3A_1146] : memref<512256xf32, #tpu.memory_space<vmem_shared>> -> memref<512256xf32, #tpu.memory_space<vmem_shared>>
    tpu.enqueue_indirect_dma source(%dma_start3A_1142 : memref<128xf32, #tpu.memory_space<vmem>>) target(%dma_start3A_1147 : memref<512256xf32, #tpu.memory_space<vmem_shared>>) offsets(%dma_start3A_1145 : memref<128xi32, #tpu.memory_space<vmem>>) semaphore(%arg18 : memref<!tpu.dma_semaphore, #tpu.memory_space<semaphore_mem>>) {add = true}
    %dma_start3A_1148 = arith.constant 2 : i32
    %dma_start3A_1149 = arith.constant 2 : i32
    %dma_start3A_1150 = arith.constant 0 : i32
    %dma_start3A_1151 = tpu.memref_slice %arg14[%dma_start3A_1148, %dma_start3A_1150] : memref<49x128xf32, #tpu.memory_space<vmem>> -> memref<1x128xf32, #tpu.memory_space<vmem>>
    %dma_start3A_1152 = tpu.memref_squeeze %dma_start3A_1151 : memref<1x128xf32, #tpu.memory_space<vmem>> -> memref<128xf32, #tpu.memory_space<vmem>>
    %dma_start3A_1153 = arith.constant 0 : i32
    %dma_start3A_1154 = tpu.memref_slice %arg13[%dma_start3A_1149, %dma_start3A_1153] : memref<49x128xi32, #tpu.memory_space<vmem>> -> memref<1x128xi32, #tpu.memory_space<vmem>>
    %dma_start3A_1155 = tpu.memref_squeeze %dma_start3A_1154 : memref<1x128xi32, #tpu.memory_space<vmem>> -> memref<128xi32, #tpu.memory_space<vmem>>
    %dma_start3A_1156 = arith.constant 0 : i32
    %dma_start3A_1157 = tpu.memref_slice %arg17[%dma_start3A_1156] : memref<512256xf32, #tpu.memory_space<vmem_shared>> -> memref<512256xf32, #tpu.memory_space<vmem_shared>>
    tpu.enqueue_indirect_dma source(%dma_start3A_1152 : memref<128xf32, #tpu.memory_space<vmem>>) target(%dma_start3A_1157 : memref<512256xf32, #tpu.memory_space<vmem_shared>>) offsets(%dma_start3A_1155 : memref<128xi32, #tpu.memory_space<vmem>>) semaphore(%arg18 : memref<!tpu.dma_semaphore, #tpu.memory_space<semaphore_mem>>) {add = true}
    %dma_start3A_1158 = arith.constant 3 : i32
    %dma_start3A_1159 = arith.constant 3 : i32
    %dma_start3A_1160 = arith.constant 0 : i32
    %dma_start3A_1161 = tpu.memref_slice %arg14[%dma_start3A_1158, %dma_start3A_1160] : memref<49x128xf32, #tpu.memory_space<vmem>> -> memref<1x128xf32, #tpu.memory_space<vmem>>
    %dma_start3A_1162 = tpu.memref_squeeze %dma_start3A_1161 : memref<1x128xf32, #tpu.memory_space<vmem>> -> memref<128xf32, #tpu.memory_space<vmem>>
    %dma_start3A_1163 = arith.constant 0 : i32
    %dma_start3A_1164 = tpu.memref_slice %arg13[%dma_start3A_1159, %dma_start3A_1163] : memref<49x128xi32, #tpu.memory_space<vmem>> -> memref<1x128xi32, #tpu.memory_space<vmem>>
    %dma_start3A_1165 = tpu.memref_squeeze %dma_start3A_1164 : memref<1x128xi32, #tpu.memory_space<vmem>> -> memref<128xi32, #tpu.memory_space<vmem>>
    %dma_start3A_1166 = arith.constant 0 : i32
    %dma_start3A_1167 = tpu.memref_slice %arg17[%dma_start3A_1166] : memref<512256xf32, #tpu.memory_space<vmem_shared>> -> memref<512256xf32, #tpu.memory_space<vmem_shared>>
    tpu.enqueue_indirect_dma source(%dma_start3A_1162 : memref<128xf32, #tpu.memory_space<vmem>>) target(%dma_start3A_1167 : memref<512256xf32, #tpu.memory_space<vmem_shared>>) offsets(%dma_start3A_1165 : memref<128xi32, #tpu.memory_space<vmem>>) semaphore(%arg18 : memref<!tpu.dma_semaphore, #tpu.memory_space<semaphore_mem>>) {add = true}
    %dma_start3A_1168 = arith.constant 4 : i32
    %dma_start3A_1169 = arith.constant 4 : i32
    %dma_start3A_1170 = arith.constant 0 : i32
    %dma_start3A_1171 = tpu.memref_slice %arg14[%dma_start3A_1168, %dma_start3A_1170] : memref<49x128xf32, #tpu.memory_space<vmem>> -> memref<1x128xf32, #tpu.memory_space<vmem>>
    %dma_start3A_1172 = tpu.memref_squeeze %dma_start3A_1171 : memref<1x128xf32, #tpu.memory_space<vmem>> -> memref<128xf32, #tpu.memory_space<vmem>>
    %dma_start3A_1173 = arith.constant 0 : i32
    %dma_start3A_1174 = tpu.memref_slice %arg13[%dma_start3A_1169, %dma_start3A_1173] : memref<49x128xi32, #tpu.memory_space<vmem>> -> memref<1x128xi32, #tpu.memory_space<vmem>>
    %dma_start3A_1175 = tpu.memref_squeeze %dma_start3A_1174 : memref<1x128xi32, #tpu.memory_space<vmem>> -> memref<128xi32, #tpu.memory_space<vmem>>
    %dma_start3A_1176 = arith.constant 0 : i32
    %dma_start3A_1177 = tpu.memref_slice %arg17[%dma_start3A_1176] : memref<512256xf32, #tpu.memory_space<vmem_shared>> -> memref<512256xf32, #tpu.memory_space<vmem_shared>>
    tpu.enqueue_indirect_dma source(%dma_start3A_1172 : memref<128xf32, #tpu.memory_space<vmem>>) target(%dma_start3A_1177 : memref<512256xf32, #tpu.memory_space<vmem_shared>>) offsets(%dma_start3A_1175 : memref<128xi32, #tpu.memory_space<vmem>>) semaphore(%arg18 : memref<!tpu.dma_semaphore, #tpu.memory_space<semaphore_mem>>) {add = true}
    %dma_start3A_1178 = arith.constant 5 : i32
    %dma_start3A_1179 = arith.constant 5 : i32
    %dma_start3A_1180 = arith.constant 0 : i32
    %dma_start3A_1181 = tpu.memref_slice %arg14[%dma_start3A_1178, %dma_start3A_1180] : memref<49x128xf32, #tpu.memory_space<vmem>> -> memref<1x128xf32, #tpu.memory_space<vmem>>
    %dma_start3A_1182 = tpu.memref_squeeze %dma_start3A_1181 : memref<1x128xf32, #tpu.memory_space<vmem>> -> memref<128xf32, #tpu.memory_space<vmem>>
    %dma_start3A_1183 = arith.constant 0 : i32
    %dma_start3A_1184 = tpu.memref_slice %arg13[%dma_start3A_1179, %dma_start3A_1183] : memref<49x128xi32, #tpu.memory_space<vmem>> -> memref<1x128xi32, #tpu.memory_space<vmem>>
    %dma_start3A_1185 = tpu.memref_squeeze %dma_start3A_1184 : memref<1x128xi32, #tpu.memory_space<vmem>> -> memref<128xi32, #tpu.memory_space<vmem>>
    %dma_start3A_1186 = arith.constant 0 : i32
    %dma_start3A_1187 = tpu.memref_slice %arg17[%dma_start3A_1186] : memref<512256xf32, #tpu.memory_space<vmem_shared>> -> memref<512256xf32, #tpu.memory_space<vmem_shared>>
    tpu.enqueue_indirect_dma source(%dma_start3A_1182 : memref<128xf32, #tpu.memory_space<vmem>>) target(%dma_start3A_1187 : memref<512256xf32, #tpu.memory_space<vmem_shared>>) offsets(%dma_start3A_1185 : memref<128xi32, #tpu.memory_space<vmem>>) semaphore(%arg18 : memref<!tpu.dma_semaphore, #tpu.memory_space<semaphore_mem>>) {add = true}
    %dma_start3A_1188 = arith.constant 6 : i32
    %dma_start3A_1189 = arith.constant 6 : i32
    %dma_start3A_1190 = arith.constant 0 : i32
    %dma_start3A_1191 = tpu.memref_slice %arg14[%dma_start3A_1188, %dma_start3A_1190] : memref<49x128xf32, #tpu.memory_space<vmem>> -> memref<1x128xf32, #tpu.memory_space<vmem>>
    %dma_start3A_1192 = tpu.memref_squeeze %dma_start3A_1191 : memref<1x128xf32, #tpu.memory_space<vmem>> -> memref<128xf32, #tpu.memory_space<vmem>>
    %dma_start3A_1193 = arith.constant 0 : i32
    %dma_start3A_1194 = tpu.memref_slice %arg13[%dma_start3A_1189, %dma_start3A_1193] : memref<49x128xi32, #tpu.memory_space<vmem>> -> memref<1x128xi32, #tpu.memory_space<vmem>>
    %dma_start3A_1195 = tpu.memref_squeeze %dma_start3A_1194 : memref<1x128xi32, #tpu.memory_space<vmem>> -> memref<128xi32, #tpu.memory_space<vmem>>
    %dma_start3A_1196 = arith.constant 0 : i32
    %dma_start3A_1197 = tpu.memref_slice %arg17[%dma_start3A_1196] : memref<512256xf32, #tpu.memory_space<vmem_shared>> -> memref<512256xf32, #tpu.memory_space<vmem_shared>>
    tpu.enqueue_indirect_dma source(%dma_start3A_1192 : memref<128xf32, #tpu.memory_space<vmem>>) target(%dma_start3A_1197 : memref<512256xf32, #tpu.memory_space<vmem_shared>>) offsets(%dma_start3A_1195 : memref<128xi32, #tpu.memory_space<vmem>>) semaphore(%arg18 : memref<!tpu.dma_semaphore, #tpu.memory_space<semaphore_mem>>) {add = true}
    %dma_start3A_1198 = arith.constant 7 : i32
    %dma_start3A_1199 = arith.constant 7 : i32
    %dma_start3A_1200 = arith.constant 0 : i32
    %dma_start3A_1201 = tpu.memref_slice %arg14[%dma_start3A_1198, %dma_start3A_1200] : memref<49x128xf32, #tpu.memory_space<vmem>> -> memref<1x128xf32, #tpu.memory_space<vmem>>
    %dma_start3A_1202 = tpu.memref_squeeze %dma_start3A_1201 : memref<1x128xf32, #tpu.memory_space<vmem>> -> memref<128xf32, #tpu.memory_space<vmem>>
    %dma_start3A_1203 = arith.constant 0 : i32
    %dma_start3A_1204 = tpu.memref_slice %arg13[%dma_start3A_1199, %dma_start3A_1203] : memref<49x128xi32, #tpu.memory_space<vmem>> -> memref<1x128xi32, #tpu.memory_space<vmem>>
    %dma_start3A_1205 = tpu.memref_squeeze %dma_start3A_1204 : memref<1x128xi32, #tpu.memory_space<vmem>> -> memref<128xi32, #tpu.memory_space<vmem>>
    %dma_start3A_1206 = arith.constant 0 : i32
    %dma_start3A_1207 = tpu.memref_slice %arg17[%dma_start3A_1206] : memref<512256xf32, #tpu.memory_space<vmem_shared>> -> memref<512256xf32, #tpu.memory_space<vmem_shared>>
    tpu.enqueue_indirect_dma source(%dma_start3A_1202 : memref<128xf32, #tpu.memory_space<vmem>>) target(%dma_start3A_1207 : memref<512256xf32, #tpu.memory_space<vmem_shared>>) offsets(%dma_start3A_1205 : memref<128xi32, #tpu.memory_space<vmem>>) semaphore(%arg18 : memref<!tpu.dma_semaphore, #tpu.memory_space<semaphore_mem>>) {add = true}
    %dma_start3A_1208 = arith.constant 8 : i32
    %dma_start3A_1209 = arith.constant 8 : i32
    %dma_start3A_1210 = arith.constant 0 : i32
    %dma_start3A_1211 = tpu.memref_slice %arg14[%dma_start3A_1208, %dma_start3A_1210] : memref<49x128xf32, #tpu.memory_space<vmem>> -> memref<1x128xf32, #tpu.memory_space<vmem>>
    %dma_start3A_1212 = tpu.memref_squeeze %dma_start3A_1211 : memref<1x128xf32, #tpu.memory_space<vmem>> -> memref<128xf32, #tpu.memory_space<vmem>>
    %dma_start3A_1213 = arith.constant 0 : i32
    %dma_start3A_1214 = tpu.memref_slice %arg13[%dma_start3A_1209, %dma_start3A_1213] : memref<49x128xi32, #tpu.memory_space<vmem>> -> memref<1x128xi32, #tpu.memory_space<vmem>>
    %dma_start3A_1215 = tpu.memref_squeeze %dma_start3A_1214 : memref<1x128xi32, #tpu.memory_space<vmem>> -> memref<128xi32, #tpu.memory_space<vmem>>
    %dma_start3A_1216 = arith.constant 0 : i32
    %dma_start3A_1217 = tpu.memref_slice %arg17[%dma_start3A_1216] : memref<512256xf32, #tpu.memory_space<vmem_shared>> -> memref<512256xf32, #tpu.memory_space<vmem_shared>>
    tpu.enqueue_indirect_dma source(%dma_start3A_1212 : memref<128xf32, #tpu.memory_space<vmem>>) target(%dma_start3A_1217 : memref<512256xf32, #tpu.memory_space<vmem_shared>>) offsets(%dma_start3A_1215 : memref<128xi32, #tpu.memory_space<vmem>>) semaphore(%arg18 : memref<!tpu.dma_semaphore, #tpu.memory_space<semaphore_mem>>) {add = true}
    %dma_start3A_1218 = arith.constant 9 : i32
    %dma_start3A_1219 = arith.constant 9 : i32
    %dma_start3A_1220 = arith.constant 0 : i32
    %dma_start3A_1221 = tpu.memref_slice %arg14[%dma_start3A_1218, %dma_start3A_1220] : memref<49x128xf32, #tpu.memory_space<vmem>> -> memref<1x128xf32, #tpu.memory_space<vmem>>
    %dma_start3A_1222 = tpu.memref_squeeze %dma_start3A_1221 : memref<1x128xf32, #tpu.memory_space<vmem>> -> memref<128xf32, #tpu.memory_space<vmem>>
    %dma_start3A_1223 = arith.constant 0 : i32
    %dma_start3A_1224 = tpu.memref_slice %arg13[%dma_start3A_1219, %dma_start3A_1223] : memref<49x128xi32, #tpu.memory_space<vmem>> -> memref<1x128xi32, #tpu.memory_space<vmem>>
    %dma_start3A_1225 = tpu.memref_squeeze %dma_start3A_1224 : memref<1x128xi32, #tpu.memory_space<vmem>> -> memref<128xi32, #tpu.memory_space<vmem>>
    %dma_start3A_1226 = arith.constant 0 : i32
    %dma_start3A_1227 = tpu.memref_slice %arg17[%dma_start3A_1226] : memref<512256xf32, #tpu.memory_space<vmem_shared>> -> memref<512256xf32, #tpu.memory_space<vmem_shared>>
    tpu.enqueue_indirect_dma source(%dma_start3A_1222 : memref<128xf32, #tpu.memory_space<vmem>>) target(%dma_start3A_1227 : memref<512256xf32, #tpu.memory_space<vmem_shared>>) offsets(%dma_start3A_1225 : memref<128xi32, #tpu.memory_space<vmem>>) semaphore(%arg18 : memref<!tpu.dma_semaphore, #tpu.memory_space<semaphore_mem>>) {add = true}
    %dma_start3A_1228 = arith.constant 10 : i32
    %dma_start3A_1229 = arith.constant 10 : i32
    %dma_start3A_1230 = arith.constant 0 : i32
    %dma_start3A_1231 = tpu.memref_slice %arg14[%dma_start3A_1228, %dma_start3A_1230] : memref<49x128xf32, #tpu.memory_space<vmem>> -> memref<1x128xf32, #tpu.memory_space<vmem>>
    %dma_start3A_1232 = tpu.memref_squeeze %dma_start3A_1231 : memref<1x128xf32, #tpu.memory_space<vmem>> -> memref<128xf32, #tpu.memory_space<vmem>>
    %dma_start3A_1233 = arith.constant 0 : i32
    %dma_start3A_1234 = tpu.memref_slice %arg13[%dma_start3A_1229, %dma_start3A_1233] : memref<49x128xi32, #tpu.memory_space<vmem>> -> memref<1x128xi32, #tpu.memory_space<vmem>>
    %dma_start3A_1235 = tpu.memref_squeeze %dma_start3A_1234 : memref<1x128xi32, #tpu.memory_space<vmem>> -> memref<128xi32, #tpu.memory_space<vmem>>
    %dma_start3A_1236 = arith.constant 0 : i32
    %dma_start3A_1237 = tpu.memref_slice %arg17[%dma_start3A_1236] : memref<512256xf32, #tpu.memory_space<vmem_shared>> -> memref<512256xf32, #tpu.memory_space<vmem_shared>>
    tpu.enqueue_indirect_dma source(%dma_start3A_1232 : memref<128xf32, #tpu.memory_space<vmem>>) target(%dma_start3A_1237 : memref<512256xf32, #tpu.memory_space<vmem_shared>>) offsets(%dma_start3A_1235 : memref<128xi32, #tpu.memory_space<vmem>>) semaphore(%arg18 : memref<!tpu.dma_semaphore, #tpu.memory_space<semaphore_mem>>) {add = true}
    %dma_start3A_1238 = arith.constant 11 : i32
    %dma_start3A_1239 = arith.constant 11 : i32
    %dma_start3A_1240 = arith.constant 0 : i32
    %dma_start3A_1241 = tpu.memref_slice %arg14[%dma_start3A_1238, %dma_start3A_1240] : memref<49x128xf32, #tpu.memory_space<vmem>> -> memref<1x128xf32, #tpu.memory_space<vmem>>
    %dma_start3A_1242 = tpu.memref_squeeze %dma_start3A_1241 : memref<1x128xf32, #tpu.memory_space<vmem>> -> memref<128xf32, #tpu.memory_space<vmem>>
    %dma_start3A_1243 = arith.constant 0 : i32
    %dma_start3A_1244 = tpu.memref_slice %arg13[%dma_start3A_1239, %dma_start3A_1243] : memref<49x128xi32, #tpu.memory_space<vmem>> -> memref<1x128xi32, #tpu.memory_space<vmem>>
    %dma_start3A_1245 = tpu.memref_squeeze %dma_start3A_1244 : memref<1x128xi32, #tpu.memory_space<vmem>> -> memref<128xi32, #tpu.memory_space<vmem>>
    %dma_start3A_1246 = arith.constant 0 : i32
    %dma_start3A_1247 = tpu.memref_slice %arg17[%dma_start3A_1246] : memref<512256xf32, #tpu.memory_space<vmem_shared>> -> memref<512256xf32, #tpu.memory_space<vmem_shared>>
    tpu.enqueue_indirect_dma source(%dma_start3A_1242 : memref<128xf32, #tpu.memory_space<vmem>>) target(%dma_start3A_1247 : memref<512256xf32, #tpu.memory_space<vmem_shared>>) offsets(%dma_start3A_1245 : memref<128xi32, #tpu.memory_space<vmem>>) semaphore(%arg18 : memref<!tpu.dma_semaphore, #tpu.memory_space<semaphore_mem>>) {add = true}
    %dma_start3A_1248 = arith.constant 12 : i32
    %dma_start3A_1249 = arith.constant 12 : i32
    %dma_start3A_1250 = arith.constant 0 : i32
    %dma_start3A_1251 = tpu.memref_slice %arg14[%dma_start3A_1248, %dma_start3A_1250] : memref<49x128xf32, #tpu.memory_space<vmem>> -> memref<1x128xf32, #tpu.memory_space<vmem>>
    %dma_start3A_1252 = tpu.memref_squeeze %dma_start3A_1251 : memref<1x128xf32, #tpu.memory_space<vmem>> -> memref<128xf32, #tpu.memory_space<vmem>>
    %dma_start3A_1253 = arith.constant 0 : i32
    %dma_start3A_1254 = tpu.memref_slice %arg13[%dma_start3A_1249, %dma_start3A_1253] : memref<49x128xi32, #tpu.memory_space<vmem>> -> memref<1x128xi32, #tpu.memory_space<vmem>>
    %dma_start3A_1255 = tpu.memref_squeeze %dma_start3A_1254 : memref<1x128xi32, #tpu.memory_space<vmem>> -> memref<128xi32, #tpu.memory_space<vmem>>
    %dma_start3A_1256 = arith.constant 0 : i32
    %dma_start3A_1257 = tpu.memref_slice %arg17[%dma_start3A_1256] : memref<512256xf32, #tpu.memory_space<vmem_shared>> -> memref<512256xf32, #tpu.memory_space<vmem_shared>>
    tpu.enqueue_indirect_dma source(%dma_start3A_1252 : memref<128xf32, #tpu.memory_space<vmem>>) target(%dma_start3A_1257 : memref<512256xf32, #tpu.memory_space<vmem_shared>>) offsets(%dma_start3A_1255 : memref<128xi32, #tpu.memory_space<vmem>>) semaphore(%arg18 : memref<!tpu.dma_semaphore, #tpu.memory_space<semaphore_mem>>) {add = true}
    %dma_start3A_1258 = arith.constant 13 : i32
    %dma_start3A_1259 = arith.constant 13 : i32
    %dma_start3A_1260 = arith.constant 0 : i32
    %dma_start3A_1261 = tpu.memref_slice %arg14[%dma_start3A_1258, %dma_start3A_1260] : memref<49x128xf32, #tpu.memory_space<vmem>> -> memref<1x128xf32, #tpu.memory_space<vmem>>
    %dma_start3A_1262 = tpu.memref_squeeze %dma_start3A_1261 : memref<1x128xf32, #tpu.memory_space<vmem>> -> memref<128xf32, #tpu.memory_space<vmem>>
    %dma_start3A_1263 = arith.constant 0 : i32
    %dma_start3A_1264 = tpu.memref_slice %arg13[%dma_start3A_1259, %dma_start3A_1263] : memref<49x128xi32, #tpu.memory_space<vmem>> -> memref<1x128xi32, #tpu.memory_space<vmem>>
    %dma_start3A_1265 = tpu.memref_squeeze %dma_start3A_1264 : memref<1x128xi32, #tpu.memory_space<vmem>> -> memref<128xi32, #tpu.memory_space<vmem>>
    %dma_start3A_1266 = arith.constant 0 : i32
    %dma_start3A_1267 = tpu.memref_slice %arg17[%dma_start3A_1266] : memref<512256xf32, #tpu.memory_space<vmem_shared>> -> memref<512256xf32, #tpu.memory_space<vmem_shared>>
    tpu.enqueue_indirect_dma source(%dma_start3A_1262 : memref<128xf32, #tpu.memory_space<vmem>>) target(%dma_start3A_1267 : memref<512256xf32, #tpu.memory_space<vmem_shared>>) offsets(%dma_start3A_1265 : memref<128xi32, #tpu.memory_space<vmem>>) semaphore(%arg18 : memref<!tpu.dma_semaphore, #tpu.memory_space<semaphore_mem>>) {add = true}
    %dma_start3A_1268 = arith.constant 14 : i32
    %dma_start3A_1269 = arith.constant 14 : i32
    %dma_start3A_1270 = arith.constant 0 : i32
    %dma_start3A_1271 = tpu.memref_slice %arg14[%dma_start3A_1268, %dma_start3A_1270] : memref<49x128xf32, #tpu.memory_space<vmem>> -> memref<1x128xf32, #tpu.memory_space<vmem>>
    %dma_start3A_1272 = tpu.memref_squeeze %dma_start3A_1271 : memref<1x128xf32, #tpu.memory_space<vmem>> -> memref<128xf32, #tpu.memory_space<vmem>>
    %dma_start3A_1273 = arith.constant 0 : i32
    %dma_start3A_1274 = tpu.memref_slice %arg13[%dma_start3A_1269, %dma_start3A_1273] : memref<49x128xi32, #tpu.memory_space<vmem>> -> memref<1x128xi32, #tpu.memory_space<vmem>>
    %dma_start3A_1275 = tpu.memref_squeeze %dma_start3A_1274 : memref<1x128xi32, #tpu.memory_space<vmem>> -> memref<128xi32, #tpu.memory_space<vmem>>
    %dma_start3A_1276 = arith.constant 0 : i32
    %dma_start3A_1277 = tpu.memref_slice %arg17[%dma_start3A_1276] : memref<512256xf32, #tpu.memory_space<vmem_shared>> -> memref<512256xf32, #tpu.memory_space<vmem_shared>>
    tpu.enqueue_indirect_dma source(%dma_start3A_1272 : memref<128xf32, #tpu.memory_space<vmem>>) target(%dma_start3A_1277 : memref<512256xf32, #tpu.memory_space<vmem_shared>>) offsets(%dma_start3A_1275 : memref<128xi32, #tpu.memory_space<vmem>>) semaphore(%arg18 : memref<!tpu.dma_semaphore, #tpu.memory_space<semaphore_mem>>) {add = true}
    %dma_start3A_1278 = arith.constant 15 : i32
    %dma_start3A_1279 = arith.constant 15 : i32
    %dma_start3A_1280 = arith.constant 0 : i32
    %dma_start3A_1281 = tpu.memref_slice %arg14[%dma_start3A_1278, %dma_start3A_1280] : memref<49x128xf32, #tpu.memory_space<vmem>> -> memref<1x128xf32, #tpu.memory_space<vmem>>
    %dma_start3A_1282 = tpu.memref_squeeze %dma_start3A_1281 : memref<1x128xf32, #tpu.memory_space<vmem>> -> memref<128xf32, #tpu.memory_space<vmem>>
    %dma_start3A_1283 = arith.constant 0 : i32
    %dma_start3A_1284 = tpu.memref_slice %arg13[%dma_start3A_1279, %dma_start3A_1283] : memref<49x128xi32, #tpu.memory_space<vmem>> -> memref<1x128xi32, #tpu.memory_space<vmem>>
    %dma_start3A_1285 = tpu.memref_squeeze %dma_start3A_1284 : memref<1x128xi32, #tpu.memory_space<vmem>> -> memref<128xi32, #tpu.memory_space<vmem>>
    %dma_start3A_1286 = arith.constant 0 : i32
    %dma_start3A_1287 = tpu.memref_slice %arg17[%dma_start3A_1286] : memref<512256xf32, #tpu.memory_space<vmem_shared>> -> memref<512256xf32, #tpu.memory_space<vmem_shared>>
    tpu.enqueue_indirect_dma source(%dma_start3A_1282 : memref<128xf32, #tpu.memory_space<vmem>>) target(%dma_start3A_1287 : memref<512256xf32, #tpu.memory_space<vmem_shared>>) offsets(%dma_start3A_1285 : memref<128xi32, #tpu.memory_space<vmem>>) semaphore(%arg18 : memref<!tpu.dma_semaphore, #tpu.memory_space<semaphore_mem>>) {add = true}
    %dma_start3A_1288 = arith.constant 16 : i32
    %dma_start3A_1289 = arith.constant 16 : i32
    %dma_start3A_1290 = arith.constant 0 : i32
    %dma_start3A_1291 = tpu.memref_slice %arg14[%dma_start3A_1288, %dma_start3A_1290] : memref<49x128xf32, #tpu.memory_space<vmem>> -> memref<1x128xf32, #tpu.memory_space<vmem>>
    %dma_start3A_1292 = tpu.memref_squeeze %dma_start3A_1291 : memref<1x128xf32, #tpu.memory_space<vmem>> -> memref<128xf32, #tpu.memory_space<vmem>>
    %dma_start3A_1293 = arith.constant 0 : i32
    %dma_start3A_1294 = tpu.memref_slice %arg13[%dma_start3A_1289, %dma_start3A_1293] : memref<49x128xi32, #tpu.memory_space<vmem>> -> memref<1x128xi32, #tpu.memory_space<vmem>>
    %dma_start3A_1295 = tpu.memref_squeeze %dma_start3A_1294 : memref<1x128xi32, #tpu.memory_space<vmem>> -> memref<128xi32, #tpu.memory_space<vmem>>
    %dma_start3A_1296 = arith.constant 0 : i32
    %dma_start3A_1297 = tpu.memref_slice %arg17[%dma_start3A_1296] : memref<512256xf32, #tpu.memory_space<vmem_shared>> -> memref<512256xf32, #tpu.memory_space<vmem_shared>>
    tpu.enqueue_indirect_dma source(%dma_start3A_1292 : memref<128xf32, #tpu.memory_space<vmem>>) target(%dma_start3A_1297 : memref<512256xf32, #tpu.memory_space<vmem_shared>>) offsets(%dma_start3A_1295 : memref<128xi32, #tpu.memory_space<vmem>>) semaphore(%arg18 : memref<!tpu.dma_semaphore, #tpu.memory_space<semaphore_mem>>) {add = true}
    %dma_start3A_1298 = arith.constant 17 : i32
    %dma_start3A_1299 = arith.constant 17 : i32
    %dma_start3A_1300 = arith.constant 0 : i32
    %dma_start3A_1301 = tpu.memref_slice %arg14[%dma_start3A_1298, %dma_start3A_1300] : memref<49x128xf32, #tpu.memory_space<vmem>> -> memref<1x128xf32, #tpu.memory_space<vmem>>
    %dma_start3A_1302 = tpu.memref_squeeze %dma_start3A_1301 : memref<1x128xf32, #tpu.memory_space<vmem>> -> memref<128xf32, #tpu.memory_space<vmem>>
    %dma_start3A_1303 = arith.constant 0 : i32
    %dma_start3A_1304 = tpu.memref_slice %arg13[%dma_start3A_1299, %dma_start3A_1303] : memref<49x128xi32, #tpu.memory_space<vmem>> -> memref<1x128xi32, #tpu.memory_space<vmem>>
    %dma_start3A_1305 = tpu.memref_squeeze %dma_start3A_1304 : memref<1x128xi32, #tpu.memory_space<vmem>> -> memref<128xi32, #tpu.memory_space<vmem>>
    %dma_start3A_1306 = arith.constant 0 : i32
    %dma_start3A_1307 = tpu.memref_slice %arg17[%dma_start3A_1306] : memref<512256xf32, #tpu.memory_space<vmem_shared>> -> memref<512256xf32, #tpu.memory_space<vmem_shared>>
    tpu.enqueue_indirect_dma source(%dma_start3A_1302 : memref<128xf32, #tpu.memory_space<vmem>>) target(%dma_start3A_1307 : memref<512256xf32, #tpu.memory_space<vmem_shared>>) offsets(%dma_start3A_1305 : memref<128xi32, #tpu.memory_space<vmem>>) semaphore(%arg18 : memref<!tpu.dma_semaphore, #tpu.memory_space<semaphore_mem>>) {add = true}
    %dma_start3A_1308 = arith.constant 18 : i32
    %dma_start3A_1309 = arith.constant 18 : i32
    %dma_start3A_1310 = arith.constant 0 : i32
    %dma_start3A_1311 = tpu.memref_slice %arg14[%dma_start3A_1308, %dma_start3A_1310] : memref<49x128xf32, #tpu.memory_space<vmem>> -> memref<1x128xf32, #tpu.memory_space<vmem>>
    %dma_start3A_1312 = tpu.memref_squeeze %dma_start3A_1311 : memref<1x128xf32, #tpu.memory_space<vmem>> -> memref<128xf32, #tpu.memory_space<vmem>>
    %dma_start3A_1313 = arith.constant 0 : i32
    %dma_start3A_1314 = tpu.memref_slice %arg13[%dma_start3A_1309, %dma_start3A_1313] : memref<49x128xi32, #tpu.memory_space<vmem>> -> memref<1x128xi32, #tpu.memory_space<vmem>>
    %dma_start3A_1315 = tpu.memref_squeeze %dma_start3A_1314 : memref<1x128xi32, #tpu.memory_space<vmem>> -> memref<128xi32, #tpu.memory_space<vmem>>
    %dma_start3A_1316 = arith.constant 0 : i32
    %dma_start3A_1317 = tpu.memref_slice %arg17[%dma_start3A_1316] : memref<512256xf32, #tpu.memory_space<vmem_shared>> -> memref<512256xf32, #tpu.memory_space<vmem_shared>>
    tpu.enqueue_indirect_dma source(%dma_start3A_1312 : memref<128xf32, #tpu.memory_space<vmem>>) target(%dma_start3A_1317 : memref<512256xf32, #tpu.memory_space<vmem_shared>>) offsets(%dma_start3A_1315 : memref<128xi32, #tpu.memory_space<vmem>>) semaphore(%arg18 : memref<!tpu.dma_semaphore, #tpu.memory_space<semaphore_mem>>) {add = true}
    %dma_start3A_1318 = arith.constant 19 : i32
    %dma_start3A_1319 = arith.constant 19 : i32
    %dma_start3A_1320 = arith.constant 0 : i32
    %dma_start3A_1321 = tpu.memref_slice %arg14[%dma_start3A_1318, %dma_start3A_1320] : memref<49x128xf32, #tpu.memory_space<vmem>> -> memref<1x128xf32, #tpu.memory_space<vmem>>
    %dma_start3A_1322 = tpu.memref_squeeze %dma_start3A_1321 : memref<1x128xf32, #tpu.memory_space<vmem>> -> memref<128xf32, #tpu.memory_space<vmem>>
    %dma_start3A_1323 = arith.constant 0 : i32
    %dma_start3A_1324 = tpu.memref_slice %arg13[%dma_start3A_1319, %dma_start3A_1323] : memref<49x128xi32, #tpu.memory_space<vmem>> -> memref<1x128xi32, #tpu.memory_space<vmem>>
    %dma_start3A_1325 = tpu.memref_squeeze %dma_start3A_1324 : memref<1x128xi32, #tpu.memory_space<vmem>> -> memref<128xi32, #tpu.memory_space<vmem>>
    %dma_start3A_1326 = arith.constant 0 : i32
    %dma_start3A_1327 = tpu.memref_slice %arg17[%dma_start3A_1326] : memref<512256xf32, #tpu.memory_space<vmem_shared>> -> memref<512256xf32, #tpu.memory_space<vmem_shared>>
    tpu.enqueue_indirect_dma source(%dma_start3A_1322 : memref<128xf32, #tpu.memory_space<vmem>>) target(%dma_start3A_1327 : memref<512256xf32, #tpu.memory_space<vmem_shared>>) offsets(%dma_start3A_1325 : memref<128xi32, #tpu.memory_space<vmem>>) semaphore(%arg18 : memref<!tpu.dma_semaphore, #tpu.memory_space<semaphore_mem>>) {add = true}
    %dma_start3A_1328 = arith.constant 20 : i32
    %dma_start3A_1329 = arith.constant 20 : i32
    %dma_start3A_1330 = arith.constant 0 : i32
    %dma_start3A_1331 = tpu.memref_slice %arg14[%dma_start3A_1328, %dma_start3A_1330] : memref<49x128xf32, #tpu.memory_space<vmem>> -> memref<1x128xf32, #tpu.memory_space<vmem>>
    %dma_start3A_1332 = tpu.memref_squeeze %dma_start3A_1331 : memref<1x128xf32, #tpu.memory_space<vmem>> -> memref<128xf32, #tpu.memory_space<vmem>>
    %dma_start3A_1333 = arith.constant 0 : i32
    %dma_start3A_1334 = tpu.memref_slice %arg13[%dma_start3A_1329, %dma_start3A_1333] : memref<49x128xi32, #tpu.memory_space<vmem>> -> memref<1x128xi32, #tpu.memory_space<vmem>>
    %dma_start3A_1335 = tpu.memref_squeeze %dma_start3A_1334 : memref<1x128xi32, #tpu.memory_space<vmem>> -> memref<128xi32, #tpu.memory_space<vmem>>
    %dma_start3A_1336 = arith.constant 0 : i32
    %dma_start3A_1337 = tpu.memref_slice %arg17[%dma_start3A_1336] : memref<512256xf32, #tpu.memory_space<vmem_shared>> -> memref<512256xf32, #tpu.memory_space<vmem_shared>>
    tpu.enqueue_indirect_dma source(%dma_start3A_1332 : memref<128xf32, #tpu.memory_space<vmem>>) target(%dma_start3A_1337 : memref<512256xf32, #tpu.memory_space<vmem_shared>>) offsets(%dma_start3A_1335 : memref<128xi32, #tpu.memory_space<vmem>>) semaphore(%arg18 : memref<!tpu.dma_semaphore, #tpu.memory_space<semaphore_mem>>) {add = true}
    %dma_start3A_1338 = arith.constant 21 : i32
    %dma_start3A_1339 = arith.constant 21 : i32
    %dma_start3A_1340 = arith.constant 0 : i32
    %dma_start3A_1341 = tpu.memref_slice %arg14[%dma_start3A_1338, %dma_start3A_1340] : memref<49x128xf32, #tpu.memory_space<vmem>> -> memref<1x128xf32, #tpu.memory_space<vmem>>
    %dma_start3A_1342 = tpu.memref_squeeze %dma_start3A_1341 : memref<1x128xf32, #tpu.memory_space<vmem>> -> memref<128xf32, #tpu.memory_space<vmem>>
    %dma_start3A_1343 = arith.constant 0 : i32
    %dma_start3A_1344 = tpu.memref_slice %arg13[%dma_start3A_1339, %dma_start3A_1343] : memref<49x128xi32, #tpu.memory_space<vmem>> -> memref<1x128xi32, #tpu.memory_space<vmem>>
    %dma_start3A_1345 = tpu.memref_squeeze %dma_start3A_1344 : memref<1x128xi32, #tpu.memory_space<vmem>> -> memref<128xi32, #tpu.memory_space<vmem>>
    %dma_start3A_1346 = arith.constant 0 : i32
    %dma_start3A_1347 = tpu.memref_slice %arg17[%dma_start3A_1346] : memref<512256xf32, #tpu.memory_space<vmem_shared>> -> memref<512256xf32, #tpu.memory_space<vmem_shared>>
    tpu.enqueue_indirect_dma source(%dma_start3A_1342 : memref<128xf32, #tpu.memory_space<vmem>>) target(%dma_start3A_1347 : memref<512256xf32, #tpu.memory_space<vmem_shared>>) offsets(%dma_start3A_1345 : memref<128xi32, #tpu.memory_space<vmem>>) semaphore(%arg18 : memref<!tpu.dma_semaphore, #tpu.memory_space<semaphore_mem>>) {add = true}
    %dma_start3A_1348 = arith.constant 22 : i32
    %dma_start3A_1349 = arith.constant 22 : i32
    %dma_start3A_1350 = arith.constant 0 : i32
    %dma_start3A_1351 = tpu.memref_slice %arg14[%dma_start3A_1348, %dma_start3A_1350] : memref<49x128xf32, #tpu.memory_space<vmem>> -> memref<1x128xf32, #tpu.memory_space<vmem>>
    %dma_start3A_1352 = tpu.memref_squeeze %dma_start3A_1351 : memref<1x128xf32, #tpu.memory_space<vmem>> -> memref<128xf32, #tpu.memory_space<vmem>>
    %dma_start3A_1353 = arith.constant 0 : i32
    %dma_start3A_1354 = tpu.memref_slice %arg13[%dma_start3A_1349, %dma_start3A_1353] : memref<49x128xi32, #tpu.memory_space<vmem>> -> memref<1x128xi32, #tpu.memory_space<vmem>>
    %dma_start3A_1355 = tpu.memref_squeeze %dma_start3A_1354 : memref<1x128xi32, #tpu.memory_space<vmem>> -> memref<128xi32, #tpu.memory_space<vmem>>
    %dma_start3A_1356 = arith.constant 0 : i32
    %dma_start3A_1357 = tpu.memref_slice %arg17[%dma_start3A_1356] : memref<512256xf32, #tpu.memory_space<vmem_shared>> -> memref<512256xf32, #tpu.memory_space<vmem_shared>>
    tpu.enqueue_indirect_dma source(%dma_start3A_1352 : memref<128xf32, #tpu.memory_space<vmem>>) target(%dma_start3A_1357 : memref<512256xf32, #tpu.memory_space<vmem_shared>>) offsets(%dma_start3A_1355 : memref<128xi32, #tpu.memory_space<vmem>>) semaphore(%arg18 : memref<!tpu.dma_semaphore, #tpu.memory_space<semaphore_mem>>) {add = true}
    %dma_start3A_1358 = arith.constant 23 : i32
    %dma_start3A_1359 = arith.constant 23 : i32
    %dma_start3A_1360 = arith.constant 0 : i32
    %dma_start3A_1361 = tpu.memref_slice %arg14[%dma_start3A_1358, %dma_start3A_1360] : memref<49x128xf32, #tpu.memory_space<vmem>> -> memref<1x128xf32, #tpu.memory_space<vmem>>
    %dma_start3A_1362 = tpu.memref_squeeze %dma_start3A_1361 : memref<1x128xf32, #tpu.memory_space<vmem>> -> memref<128xf32, #tpu.memory_space<vmem>>
    %dma_start3A_1363 = arith.constant 0 : i32
    %dma_start3A_1364 = tpu.memref_slice %arg13[%dma_start3A_1359, %dma_start3A_1363] : memref<49x128xi32, #tpu.memory_space<vmem>> -> memref<1x128xi32, #tpu.memory_space<vmem>>
    %dma_start3A_1365 = tpu.memref_squeeze %dma_start3A_1364 : memref<1x128xi32, #tpu.memory_space<vmem>> -> memref<128xi32, #tpu.memory_space<vmem>>
    %dma_start3A_1366 = arith.constant 0 : i32
    %dma_start3A_1367 = tpu.memref_slice %arg17[%dma_start3A_1366] : memref<512256xf32, #tpu.memory_space<vmem_shared>> -> memref<512256xf32, #tpu.memory_space<vmem_shared>>
    tpu.enqueue_indirect_dma source(%dma_start3A_1362 : memref<128xf32, #tpu.memory_space<vmem>>) target(%dma_start3A_1367 : memref<512256xf32, #tpu.memory_space<vmem_shared>>) offsets(%dma_start3A_1365 : memref<128xi32, #tpu.memory_space<vmem>>) semaphore(%arg18 : memref<!tpu.dma_semaphore, #tpu.memory_space<semaphore_mem>>) {add = true}
    %dma_start3A_1368 = arith.constant 24 : i32
    %dma_start3A_1369 = arith.constant 24 : i32
    %dma_start3A_1370 = arith.constant 0 : i32
    %dma_start3A_1371 = tpu.memref_slice %arg14[%dma_start3A_1368, %dma_start3A_1370] : memref<49x128xf32, #tpu.memory_space<vmem>> -> memref<1x128xf32, #tpu.memory_space<vmem>>
    %dma_start3A_1372 = tpu.memref_squeeze %dma_start3A_1371 : memref<1x128xf32, #tpu.memory_space<vmem>> -> memref<128xf32, #tpu.memory_space<vmem>>
    %dma_start3A_1373 = arith.constant 0 : i32
    %dma_start3A_1374 = tpu.memref_slice %arg13[%dma_start3A_1369, %dma_start3A_1373] : memref<49x128xi32, #tpu.memory_space<vmem>> -> memref<1x128xi32, #tpu.memory_space<vmem>>
    %dma_start3A_1375 = tpu.memref_squeeze %dma_start3A_1374 : memref<1x128xi32, #tpu.memory_space<vmem>> -> memref<128xi32, #tpu.memory_space<vmem>>
    %dma_start3A_1376 = arith.constant 0 : i32
    %dma_start3A_1377 = tpu.memref_slice %arg17[%dma_start3A_1376] : memref<512256xf32, #tpu.memory_space<vmem_shared>> -> memref<512256xf32, #tpu.memory_space<vmem_shared>>
    tpu.enqueue_indirect_dma source(%dma_start3A_1372 : memref<128xf32, #tpu.memory_space<vmem>>) target(%dma_start3A_1377 : memref<512256xf32, #tpu.memory_space<vmem_shared>>) offsets(%dma_start3A_1375 : memref<128xi32, #tpu.memory_space<vmem>>) semaphore(%arg18 : memref<!tpu.dma_semaphore, #tpu.memory_space<semaphore_mem>>) {add = true}
    %dma_start3A_1378 = arith.constant 25 : i32
    %dma_start3A_1379 = arith.constant 25 : i32
    %dma_start3A_1380 = arith.constant 0 : i32
    %dma_start3A_1381 = tpu.memref_slice %arg14[%dma_start3A_1378, %dma_start3A_1380] : memref<49x128xf32, #tpu.memory_space<vmem>> -> memref<1x128xf32, #tpu.memory_space<vmem>>
    %dma_start3A_1382 = tpu.memref_squeeze %dma_start3A_1381 : memref<1x128xf32, #tpu.memory_space<vmem>> -> memref<128xf32, #tpu.memory_space<vmem>>
    %dma_start3A_1383 = arith.constant 0 : i32
    %dma_start3A_1384 = tpu.memref_slice %arg13[%dma_start3A_1379, %dma_start3A_1383] : memref<49x128xi32, #tpu.memory_space<vmem>> -> memref<1x128xi32, #tpu.memory_space<vmem>>
    %dma_start3A_1385 = tpu.memref_squeeze %dma_start3A_1384 : memref<1x128xi32, #tpu.memory_space<vmem>> -> memref<128xi32, #tpu.memory_space<vmem>>
    %dma_start3A_1386 = arith.constant 0 : i32
    %dma_start3A_1387 = tpu.memref_slice %arg17[%dma_start3A_1386] : memref<512256xf32, #tpu.memory_space<vmem_shared>> -> memref<512256xf32, #tpu.memory_space<vmem_shared>>
    tpu.enqueue_indirect_dma source(%dma_start3A_1382 : memref<128xf32, #tpu.memory_space<vmem>>) target(%dma_start3A_1387 : memref<512256xf32, #tpu.memory_space<vmem_shared>>) offsets(%dma_start3A_1385 : memref<128xi32, #tpu.memory_space<vmem>>) semaphore(%arg18 : memref<!tpu.dma_semaphore, #tpu.memory_space<semaphore_mem>>) {add = true}
    %dma_start3A_1388 = arith.constant 26 : i32
    %dma_start3A_1389 = arith.constant 26 : i32
    %dma_start3A_1390 = arith.constant 0 : i32
    %dma_start3A_1391 = tpu.memref_slice %arg14[%dma_start3A_1388, %dma_start3A_1390] : memref<49x128xf32, #tpu.memory_space<vmem>> -> memref<1x128xf32, #tpu.memory_space<vmem>>
    %dma_start3A_1392 = tpu.memref_squeeze %dma_start3A_1391 : memref<1x128xf32, #tpu.memory_space<vmem>> -> memref<128xf32, #tpu.memory_space<vmem>>
    %dma_start3A_1393 = arith.constant 0 : i32
    %dma_start3A_1394 = tpu.memref_slice %arg13[%dma_start3A_1389, %dma_start3A_1393] : memref<49x128xi32, #tpu.memory_space<vmem>> -> memref<1x128xi32, #tpu.memory_space<vmem>>
    %dma_start3A_1395 = tpu.memref_squeeze %dma_start3A_1394 : memref<1x128xi32, #tpu.memory_space<vmem>> -> memref<128xi32, #tpu.memory_space<vmem>>
    %dma_start3A_1396 = arith.constant 0 : i32
    %dma_start3A_1397 = tpu.memref_slice %arg17[%dma_start3A_1396] : memref<512256xf32, #tpu.memory_space<vmem_shared>> -> memref<512256xf32, #tpu.memory_space<vmem_shared>>
    tpu.enqueue_indirect_dma source(%dma_start3A_1392 : memref<128xf32, #tpu.memory_space<vmem>>) target(%dma_start3A_1397 : memref<512256xf32, #tpu.memory_space<vmem_shared>>) offsets(%dma_start3A_1395 : memref<128xi32, #tpu.memory_space<vmem>>) semaphore(%arg18 : memref<!tpu.dma_semaphore, #tpu.memory_space<semaphore_mem>>) {add = true}
    %dma_start3A_1398 = arith.constant 27 : i32
    %dma_start3A_1399 = arith.constant 27 : i32
    %dma_start3A_1400 = arith.constant 0 : i32
    %dma_start3A_1401 = tpu.memref_slice %arg14[%dma_start3A_1398, %dma_start3A_1400] : memref<49x128xf32, #tpu.memory_space<vmem>> -> memref<1x128xf32, #tpu.memory_space<vmem>>
    %dma_start3A_1402 = tpu.memref_squeeze %dma_start3A_1401 : memref<1x128xf32, #tpu.memory_space<vmem>> -> memref<128xf32, #tpu.memory_space<vmem>>
    %dma_start3A_1403 = arith.constant 0 : i32
    %dma_start3A_1404 = tpu.memref_slice %arg13[%dma_start3A_1399, %dma_start3A_1403] : memref<49x128xi32, #tpu.memory_space<vmem>> -> memref<1x128xi32, #tpu.memory_space<vmem>>
    %dma_start3A_1405 = tpu.memref_squeeze %dma_start3A_1404 : memref<1x128xi32, #tpu.memory_space<vmem>> -> memref<128xi32, #tpu.memory_space<vmem>>
    %dma_start3A_1406 = arith.constant 0 : i32
    %dma_start3A_1407 = tpu.memref_slice %arg17[%dma_start3A_1406] : memref<512256xf32, #tpu.memory_space<vmem_shared>> -> memref<512256xf32, #tpu.memory_space<vmem_shared>>
    tpu.enqueue_indirect_dma source(%dma_start3A_1402 : memref<128xf32, #tpu.memory_space<vmem>>) target(%dma_start3A_1407 : memref<512256xf32, #tpu.memory_space<vmem_shared>>) offsets(%dma_start3A_1405 : memref<128xi32, #tpu.memory_space<vmem>>) semaphore(%arg18 : memref<!tpu.dma_semaphore, #tpu.memory_space<semaphore_mem>>) {add = true}
    %dma_start3A_1408 = arith.constant 28 : i32
    %dma_start3A_1409 = arith.constant 28 : i32
    %dma_start3A_1410 = arith.constant 0 : i32
    %dma_start3A_1411 = tpu.memref_slice %arg14[%dma_start3A_1408, %dma_start3A_1410] : memref<49x128xf32, #tpu.memory_space<vmem>> -> memref<1x128xf32, #tpu.memory_space<vmem>>
    %dma_start3A_1412 = tpu.memref_squeeze %dma_start3A_1411 : memref<1x128xf32, #tpu.memory_space<vmem>> -> memref<128xf32, #tpu.memory_space<vmem>>
    %dma_start3A_1413 = arith.constant 0 : i32
    %dma_start3A_1414 = tpu.memref_slice %arg13[%dma_start3A_1409, %dma_start3A_1413] : memref<49x128xi32, #tpu.memory_space<vmem>> -> memref<1x128xi32, #tpu.memory_space<vmem>>
    %dma_start3A_1415 = tpu.memref_squeeze %dma_start3A_1414 : memref<1x128xi32, #tpu.memory_space<vmem>> -> memref<128xi32, #tpu.memory_space<vmem>>
    %dma_start3A_1416 = arith.constant 0 : i32
    %dma_start3A_1417 = tpu.memref_slice %arg17[%dma_start3A_1416] : memref<512256xf32, #tpu.memory_space<vmem_shared>> -> memref<512256xf32, #tpu.memory_space<vmem_shared>>
    tpu.enqueue_indirect_dma source(%dma_start3A_1412 : memref<128xf32, #tpu.memory_space<vmem>>) target(%dma_start3A_1417 : memref<512256xf32, #tpu.memory_space<vmem_shared>>) offsets(%dma_start3A_1415 : memref<128xi32, #tpu.memory_space<vmem>>) semaphore(%arg18 : memref<!tpu.dma_semaphore, #tpu.memory_space<semaphore_mem>>) {add = true}
    %dma_start3A_1418 = arith.constant 29 : i32
    %dma_start3A_1419 = arith.constant 29 : i32
    %dma_start3A_1420 = arith.constant 0 : i32
    %dma_start3A_1421 = tpu.memref_slice %arg14[%dma_start3A_1418, %dma_start3A_1420] : memref<49x128xf32, #tpu.memory_space<vmem>> -> memref<1x128xf32, #tpu.memory_space<vmem>>
    %dma_start3A_1422 = tpu.memref_squeeze %dma_start3A_1421 : memref<1x128xf32, #tpu.memory_space<vmem>> -> memref<128xf32, #tpu.memory_space<vmem>>
    %dma_start3A_1423 = arith.constant 0 : i32
    %dma_start3A_1424 = tpu.memref_slice %arg13[%dma_start3A_1419, %dma_start3A_1423] : memref<49x128xi32, #tpu.memory_space<vmem>> -> memref<1x128xi32, #tpu.memory_space<vmem>>
    %dma_start3A_1425 = tpu.memref_squeeze %dma_start3A_1424 : memref<1x128xi32, #tpu.memory_space<vmem>> -> memref<128xi32, #tpu.memory_space<vmem>>
    %dma_start3A_1426 = arith.constant 0 : i32
    %dma_start3A_1427 = tpu.memref_slice %arg17[%dma_start3A_1426] : memref<512256xf32, #tpu.memory_space<vmem_shared>> -> memref<512256xf32, #tpu.memory_space<vmem_shared>>
    tpu.enqueue_indirect_dma source(%dma_start3A_1422 : memref<128xf32, #tpu.memory_space<vmem>>) target(%dma_start3A_1427 : memref<512256xf32, #tpu.memory_space<vmem_shared>>) offsets(%dma_start3A_1425 : memref<128xi32, #tpu.memory_space<vmem>>) semaphore(%arg18 : memref<!tpu.dma_semaphore, #tpu.memory_space<semaphore_mem>>) {add = true}
    %dma_start3A_1428 = arith.constant 30 : i32
    %dma_start3A_1429 = arith.constant 30 : i32
    %dma_start3A_1430 = arith.constant 0 : i32
    %dma_start3A_1431 = tpu.memref_slice %arg14[%dma_start3A_1428, %dma_start3A_1430] : memref<49x128xf32, #tpu.memory_space<vmem>> -> memref<1x128xf32, #tpu.memory_space<vmem>>
    %dma_start3A_1432 = tpu.memref_squeeze %dma_start3A_1431 : memref<1x128xf32, #tpu.memory_space<vmem>> -> memref<128xf32, #tpu.memory_space<vmem>>
    %dma_start3A_1433 = arith.constant 0 : i32
    %dma_start3A_1434 = tpu.memref_slice %arg13[%dma_start3A_1429, %dma_start3A_1433] : memref<49x128xi32, #tpu.memory_space<vmem>> -> memref<1x128xi32, #tpu.memory_space<vmem>>
    %dma_start3A_1435 = tpu.memref_squeeze %dma_start3A_1434 : memref<1x128xi32, #tpu.memory_space<vmem>> -> memref<128xi32, #tpu.memory_space<vmem>>
    %dma_start3A_1436 = arith.constant 0 : i32
    %dma_start3A_1437 = tpu.memref_slice %arg17[%dma_start3A_1436] : memref<512256xf32, #tpu.memory_space<vmem_shared>> -> memref<512256xf32, #tpu.memory_space<vmem_shared>>
    tpu.enqueue_indirect_dma source(%dma_start3A_1432 : memref<128xf32, #tpu.memory_space<vmem>>) target(%dma_start3A_1437 : memref<512256xf32, #tpu.memory_space<vmem_shared>>) offsets(%dma_start3A_1435 : memref<128xi32, #tpu.memory_space<vmem>>) semaphore(%arg18 : memref<!tpu.dma_semaphore, #tpu.memory_space<semaphore_mem>>) {add = true}
    %dma_start3A_1438 = arith.constant 31 : i32
    %dma_start3A_1439 = arith.constant 31 : i32
    %dma_start3A_1440 = arith.constant 0 : i32
    %dma_start3A_1441 = tpu.memref_slice %arg14[%dma_start3A_1438, %dma_start3A_1440] : memref<49x128xf32, #tpu.memory_space<vmem>> -> memref<1x128xf32, #tpu.memory_space<vmem>>
    %dma_start3A_1442 = tpu.memref_squeeze %dma_start3A_1441 : memref<1x128xf32, #tpu.memory_space<vmem>> -> memref<128xf32, #tpu.memory_space<vmem>>
    %dma_start3A_1443 = arith.constant 0 : i32
    %dma_start3A_1444 = tpu.memref_slice %arg13[%dma_start3A_1439, %dma_start3A_1443] : memref<49x128xi32, #tpu.memory_space<vmem>> -> memref<1x128xi32, #tpu.memory_space<vmem>>
    %dma_start3A_1445 = tpu.memref_squeeze %dma_start3A_1444 : memref<1x128xi32, #tpu.memory_space<vmem>> -> memref<128xi32, #tpu.memory_space<vmem>>
    %dma_start3A_1446 = arith.constant 0 : i32
    %dma_start3A_1447 = tpu.memref_slice %arg17[%dma_start3A_1446] : memref<512256xf32, #tpu.memory_space<vmem_shared>> -> memref<512256xf32, #tpu.memory_space<vmem_shared>>
    tpu.enqueue_indirect_dma source(%dma_start3A_1442 : memref<128xf32, #tpu.memory_space<vmem>>) target(%dma_start3A_1447 : memref<512256xf32, #tpu.memory_space<vmem_shared>>) offsets(%dma_start3A_1445 : memref<128xi32, #tpu.memory_space<vmem>>) semaphore(%arg18 : memref<!tpu.dma_semaphore, #tpu.memory_space<semaphore_mem>>) {add = true}
    %dma_start3A_1448 = arith.constant 32 : i32
    %dma_start3A_1449 = arith.constant 32 : i32
    %dma_start3A_1450 = arith.constant 0 : i32
    %dma_start3A_1451 = tpu.memref_slice %arg14[%dma_start3A_1448, %dma_start3A_1450] : memref<49x128xf32, #tpu.memory_space<vmem>> -> memref<1x128xf32, #tpu.memory_space<vmem>>
    %dma_start3A_1452 = tpu.memref_squeeze %dma_start3A_1451 : memref<1x128xf32, #tpu.memory_space<vmem>> -> memref<128xf32, #tpu.memory_space<vmem>>
    %dma_start3A_1453 = arith.constant 0 : i32
    %dma_start3A_1454 = tpu.memref_slice %arg13[%dma_start3A_1449, %dma_start3A_1453] : memref<49x128xi32, #tpu.memory_space<vmem>> -> memref<1x128xi32, #tpu.memory_space<vmem>>
    %dma_start3A_1455 = tpu.memref_squeeze %dma_start3A_1454 : memref<1x128xi32, #tpu.memory_space<vmem>> -> memref<128xi32, #tpu.memory_space<vmem>>
    %dma_start3A_1456 = arith.constant 0 : i32
    %dma_start3A_1457 = tpu.memref_slice %arg17[%dma_start3A_1456] : memref<512256xf32, #tpu.memory_space<vmem_shared>> -> memref<512256xf32, #tpu.memory_space<vmem_shared>>
    tpu.enqueue_indirect_dma source(%dma_start3A_1452 : memref<128xf32, #tpu.memory_space<vmem>>) target(%dma_start3A_1457 : memref<512256xf32, #tpu.memory_space<vmem_shared>>) offsets(%dma_start3A_1455 : memref<128xi32, #tpu.memory_space<vmem>>) semaphore(%arg18 : memref<!tpu.dma_semaphore, #tpu.memory_space<semaphore_mem>>) {add = true}
    %dma_start3A_1458 = arith.constant 33 : i32
    %dma_start3A_1459 = arith.constant 33 : i32
    %dma_start3A_1460 = arith.constant 0 : i32
    %dma_start3A_1461 = tpu.memref_slice %arg14[%dma_start3A_1458, %dma_start3A_1460] : memref<49x128xf32, #tpu.memory_space<vmem>> -> memref<1x128xf32, #tpu.memory_space<vmem>>
    %dma_start3A_1462 = tpu.memref_squeeze %dma_start3A_1461 : memref<1x128xf32, #tpu.memory_space<vmem>> -> memref<128xf32, #tpu.memory_space<vmem>>
    %dma_start3A_1463 = arith.constant 0 : i32
    %dma_start3A_1464 = tpu.memref_slice %arg13[%dma_start3A_1459, %dma_start3A_1463] : memref<49x128xi32, #tpu.memory_space<vmem>> -> memref<1x128xi32, #tpu.memory_space<vmem>>
    %dma_start3A_1465 = tpu.memref_squeeze %dma_start3A_1464 : memref<1x128xi32, #tpu.memory_space<vmem>> -> memref<128xi32, #tpu.memory_space<vmem>>
    %dma_start3A_1466 = arith.constant 0 : i32
    %dma_start3A_1467 = tpu.memref_slice %arg17[%dma_start3A_1466] : memref<512256xf32, #tpu.memory_space<vmem_shared>> -> memref<512256xf32, #tpu.memory_space<vmem_shared>>
    tpu.enqueue_indirect_dma source(%dma_start3A_1462 : memref<128xf32, #tpu.memory_space<vmem>>) target(%dma_start3A_1467 : memref<512256xf32, #tpu.memory_space<vmem_shared>>) offsets(%dma_start3A_1465 : memref<128xi32, #tpu.memory_space<vmem>>) semaphore(%arg18 : memref<!tpu.dma_semaphore, #tpu.memory_space<semaphore_mem>>) {add = true}
    %dma_start3A_1468 = arith.constant 34 : i32
    %dma_start3A_1469 = arith.constant 34 : i32
    %dma_start3A_1470 = arith.constant 0 : i32
    %dma_start3A_1471 = tpu.memref_slice %arg14[%dma_start3A_1468, %dma_start3A_1470] : memref<49x128xf32, #tpu.memory_space<vmem>> -> memref<1x128xf32, #tpu.memory_space<vmem>>
    %dma_start3A_1472 = tpu.memref_squeeze %dma_start3A_1471 : memref<1x128xf32, #tpu.memory_space<vmem>> -> memref<128xf32, #tpu.memory_space<vmem>>
    %dma_start3A_1473 = arith.constant 0 : i32
    %dma_start3A_1474 = tpu.memref_slice %arg13[%dma_start3A_1469, %dma_start3A_1473] : memref<49x128xi32, #tpu.memory_space<vmem>> -> memref<1x128xi32, #tpu.memory_space<vmem>>
    %dma_start3A_1475 = tpu.memref_squeeze %dma_start3A_1474 : memref<1x128xi32, #tpu.memory_space<vmem>> -> memref<128xi32, #tpu.memory_space<vmem>>
    %dma_start3A_1476 = arith.constant 0 : i32
    %dma_start3A_1477 = tpu.memref_slice %arg17[%dma_start3A_1476] : memref<512256xf32, #tpu.memory_space<vmem_shared>> -> memref<512256xf32, #tpu.memory_space<vmem_shared>>
    tpu.enqueue_indirect_dma source(%dma_start3A_1472 : memref<128xf32, #tpu.memory_space<vmem>>) target(%dma_start3A_1477 : memref<512256xf32, #tpu.memory_space<vmem_shared>>) offsets(%dma_start3A_1475 : memref<128xi32, #tpu.memory_space<vmem>>) semaphore(%arg18 : memref<!tpu.dma_semaphore, #tpu.memory_space<semaphore_mem>>) {add = true}
    %dma_start3A_1478 = arith.constant 35 : i32
    %dma_start3A_1479 = arith.constant 35 : i32
    %dma_start3A_1480 = arith.constant 0 : i32
    %dma_start3A_1481 = tpu.memref_slice %arg14[%dma_start3A_1478, %dma_start3A_1480] : memref<49x128xf32, #tpu.memory_space<vmem>> -> memref<1x128xf32, #tpu.memory_space<vmem>>
    %dma_start3A_1482 = tpu.memref_squeeze %dma_start3A_1481 : memref<1x128xf32, #tpu.memory_space<vmem>> -> memref<128xf32, #tpu.memory_space<vmem>>
    %dma_start3A_1483 = arith.constant 0 : i32
    %dma_start3A_1484 = tpu.memref_slice %arg13[%dma_start3A_1479, %dma_start3A_1483] : memref<49x128xi32, #tpu.memory_space<vmem>> -> memref<1x128xi32, #tpu.memory_space<vmem>>
    %dma_start3A_1485 = tpu.memref_squeeze %dma_start3A_1484 : memref<1x128xi32, #tpu.memory_space<vmem>> -> memref<128xi32, #tpu.memory_space<vmem>>
    %dma_start3A_1486 = arith.constant 0 : i32
    %dma_start3A_1487 = tpu.memref_slice %arg17[%dma_start3A_1486] : memref<512256xf32, #tpu.memory_space<vmem_shared>> -> memref<512256xf32, #tpu.memory_space<vmem_shared>>
    tpu.enqueue_indirect_dma source(%dma_start3A_1482 : memref<128xf32, #tpu.memory_space<vmem>>) target(%dma_start3A_1487 : memref<512256xf32, #tpu.memory_space<vmem_shared>>) offsets(%dma_start3A_1485 : memref<128xi32, #tpu.memory_space<vmem>>) semaphore(%arg18 : memref<!tpu.dma_semaphore, #tpu.memory_space<semaphore_mem>>) {add = true}
    %dma_start3A_1488 = arith.constant 36 : i32
    %dma_start3A_1489 = arith.constant 36 : i32
    %dma_start3A_1490 = arith.constant 0 : i32
    %dma_start3A_1491 = tpu.memref_slice %arg14[%dma_start3A_1488, %dma_start3A_1490] : memref<49x128xf32, #tpu.memory_space<vmem>> -> memref<1x128xf32, #tpu.memory_space<vmem>>
    %dma_start3A_1492 = tpu.memref_squeeze %dma_start3A_1491 : memref<1x128xf32, #tpu.memory_space<vmem>> -> memref<128xf32, #tpu.memory_space<vmem>>
    %dma_start3A_1493 = arith.constant 0 : i32
    %dma_start3A_1494 = tpu.memref_slice %arg13[%dma_start3A_1489, %dma_start3A_1493] : memref<49x128xi32, #tpu.memory_space<vmem>> -> memref<1x128xi32, #tpu.memory_space<vmem>>
    %dma_start3A_1495 = tpu.memref_squeeze %dma_start3A_1494 : memref<1x128xi32, #tpu.memory_space<vmem>> -> memref<128xi32, #tpu.memory_space<vmem>>
    %dma_start3A_1496 = arith.constant 0 : i32
    %dma_start3A_1497 = tpu.memref_slice %arg17[%dma_start3A_1496] : memref<512256xf32, #tpu.memory_space<vmem_shared>> -> memref<512256xf32, #tpu.memory_space<vmem_shared>>
    tpu.enqueue_indirect_dma source(%dma_start3A_1492 : memref<128xf32, #tpu.memory_space<vmem>>) target(%dma_start3A_1497 : memref<512256xf32, #tpu.memory_space<vmem_shared>>) offsets(%dma_start3A_1495 : memref<128xi32, #tpu.memory_space<vmem>>) semaphore(%arg18 : memref<!tpu.dma_semaphore, #tpu.memory_space<semaphore_mem>>) {add = true}
    %dma_start3A_1498 = arith.constant 37 : i32
    %dma_start3A_1499 = arith.constant 37 : i32
    %dma_start3A_1500 = arith.constant 0 : i32
    %dma_start3A_1501 = tpu.memref_slice %arg14[%dma_start3A_1498, %dma_start3A_1500] : memref<49x128xf32, #tpu.memory_space<vmem>> -> memref<1x128xf32, #tpu.memory_space<vmem>>
    %dma_start3A_1502 = tpu.memref_squeeze %dma_start3A_1501 : memref<1x128xf32, #tpu.memory_space<vmem>> -> memref<128xf32, #tpu.memory_space<vmem>>
    %dma_start3A_1503 = arith.constant 0 : i32
    %dma_start3A_1504 = tpu.memref_slice %arg13[%dma_start3A_1499, %dma_start3A_1503] : memref<49x128xi32, #tpu.memory_space<vmem>> -> memref<1x128xi32, #tpu.memory_space<vmem>>
    %dma_start3A_1505 = tpu.memref_squeeze %dma_start3A_1504 : memref<1x128xi32, #tpu.memory_space<vmem>> -> memref<128xi32, #tpu.memory_space<vmem>>
    %dma_start3A_1506 = arith.constant 0 : i32
    %dma_start3A_1507 = tpu.memref_slice %arg17[%dma_start3A_1506] : memref<512256xf32, #tpu.memory_space<vmem_shared>> -> memref<512256xf32, #tpu.memory_space<vmem_shared>>
    tpu.enqueue_indirect_dma source(%dma_start3A_1502 : memref<128xf32, #tpu.memory_space<vmem>>) target(%dma_start3A_1507 : memref<512256xf32, #tpu.memory_space<vmem_shared>>) offsets(%dma_start3A_1505 : memref<128xi32, #tpu.memory_space<vmem>>) semaphore(%arg18 : memref<!tpu.dma_semaphore, #tpu.memory_space<semaphore_mem>>) {add = true}
    %dma_start3A_1508 = arith.constant 38 : i32
    %dma_start3A_1509 = arith.constant 38 : i32
    %dma_start3A_1510 = arith.constant 0 : i32
    %dma_start3A_1511 = tpu.memref_slice %arg14[%dma_start3A_1508, %dma_start3A_1510] : memref<49x128xf32, #tpu.memory_space<vmem>> -> memref<1x128xf32, #tpu.memory_space<vmem>>
    %dma_start3A_1512 = tpu.memref_squeeze %dma_start3A_1511 : memref<1x128xf32, #tpu.memory_space<vmem>> -> memref<128xf32, #tpu.memory_space<vmem>>
    %dma_start3A_1513 = arith.constant 0 : i32
    %dma_start3A_1514 = tpu.memref_slice %arg13[%dma_start3A_1509, %dma_start3A_1513] : memref<49x128xi32, #tpu.memory_space<vmem>> -> memref<1x128xi32, #tpu.memory_space<vmem>>
    %dma_start3A_1515 = tpu.memref_squeeze %dma_start3A_1514 : memref<1x128xi32, #tpu.memory_space<vmem>> -> memref<128xi32, #tpu.memory_space<vmem>>
    %dma_start3A_1516 = arith.constant 0 : i32
    %dma_start3A_1517 = tpu.memref_slice %arg17[%dma_start3A_1516] : memref<512256xf32, #tpu.memory_space<vmem_shared>> -> memref<512256xf32, #tpu.memory_space<vmem_shared>>
    tpu.enqueue_indirect_dma source(%dma_start3A_1512 : memref<128xf32, #tpu.memory_space<vmem>>) target(%dma_start3A_1517 : memref<512256xf32, #tpu.memory_space<vmem_shared>>) offsets(%dma_start3A_1515 : memref<128xi32, #tpu.memory_space<vmem>>) semaphore(%arg18 : memref<!tpu.dma_semaphore, #tpu.memory_space<semaphore_mem>>) {add = true}
    %dma_start3A_1518 = arith.constant 39 : i32
    %dma_start3A_1519 = arith.constant 39 : i32
    %dma_start3A_1520 = arith.constant 0 : i32
    %dma_start3A_1521 = tpu.memref_slice %arg14[%dma_start3A_1518, %dma_start3A_1520] : memref<49x128xf32, #tpu.memory_space<vmem>> -> memref<1x128xf32, #tpu.memory_space<vmem>>
    %dma_start3A_1522 = tpu.memref_squeeze %dma_start3A_1521 : memref<1x128xf32, #tpu.memory_space<vmem>> -> memref<128xf32, #tpu.memory_space<vmem>>
    %dma_start3A_1523 = arith.constant 0 : i32
    %dma_start3A_1524 = tpu.memref_slice %arg13[%dma_start3A_1519, %dma_start3A_1523] : memref<49x128xi32, #tpu.memory_space<vmem>> -> memref<1x128xi32, #tpu.memory_space<vmem>>
    %dma_start3A_1525 = tpu.memref_squeeze %dma_start3A_1524 : memref<1x128xi32, #tpu.memory_space<vmem>> -> memref<128xi32, #tpu.memory_space<vmem>>
    %dma_start3A_1526 = arith.constant 0 : i32
    %dma_start3A_1527 = tpu.memref_slice %arg17[%dma_start3A_1526] : memref<512256xf32, #tpu.memory_space<vmem_shared>> -> memref<512256xf32, #tpu.memory_space<vmem_shared>>
    tpu.enqueue_indirect_dma source(%dma_start3A_1522 : memref<128xf32, #tpu.memory_space<vmem>>) target(%dma_start3A_1527 : memref<512256xf32, #tpu.memory_space<vmem_shared>>) offsets(%dma_start3A_1525 : memref<128xi32, #tpu.memory_space<vmem>>) semaphore(%arg18 : memref<!tpu.dma_semaphore, #tpu.memory_space<semaphore_mem>>) {add = true}
    %dma_start3A_1528 = arith.constant 40 : i32
    %dma_start3A_1529 = arith.constant 40 : i32
    %dma_start3A_1530 = arith.constant 0 : i32
    %dma_start3A_1531 = tpu.memref_slice %arg14[%dma_start3A_1528, %dma_start3A_1530] : memref<49x128xf32, #tpu.memory_space<vmem>> -> memref<1x128xf32, #tpu.memory_space<vmem>>
    %dma_start3A_1532 = tpu.memref_squeeze %dma_start3A_1531 : memref<1x128xf32, #tpu.memory_space<vmem>> -> memref<128xf32, #tpu.memory_space<vmem>>
    %dma_start3A_1533 = arith.constant 0 : i32
    %dma_start3A_1534 = tpu.memref_slice %arg13[%dma_start3A_1529, %dma_start3A_1533] : memref<49x128xi32, #tpu.memory_space<vmem>> -> memref<1x128xi32, #tpu.memory_space<vmem>>
    %dma_start3A_1535 = tpu.memref_squeeze %dma_start3A_1534 : memref<1x128xi32, #tpu.memory_space<vmem>> -> memref<128xi32, #tpu.memory_space<vmem>>
    %dma_start3A_1536 = arith.constant 0 : i32
    %dma_start3A_1537 = tpu.memref_slice %arg17[%dma_start3A_1536] : memref<512256xf32, #tpu.memory_space<vmem_shared>> -> memref<512256xf32, #tpu.memory_space<vmem_shared>>
    tpu.enqueue_indirect_dma source(%dma_start3A_1532 : memref<128xf32, #tpu.memory_space<vmem>>) target(%dma_start3A_1537 : memref<512256xf32, #tpu.memory_space<vmem_shared>>) offsets(%dma_start3A_1535 : memref<128xi32, #tpu.memory_space<vmem>>) semaphore(%arg18 : memref<!tpu.dma_semaphore, #tpu.memory_space<semaphore_mem>>) {add = true}
    %dma_start3A_1538 = arith.constant 41 : i32
    %dma_start3A_1539 = arith.constant 41 : i32
    %dma_start3A_1540 = arith.constant 0 : i32
    %dma_start3A_1541 = tpu.memref_slice %arg14[%dma_start3A_1538, %dma_start3A_1540] : memref<49x128xf32, #tpu.memory_space<vmem>> -> memref<1x128xf32, #tpu.memory_space<vmem>>
    %dma_start3A_1542 = tpu.memref_squeeze %dma_start3A_1541 : memref<1x128xf32, #tpu.memory_space<vmem>> -> memref<128xf32, #tpu.memory_space<vmem>>
    %dma_start3A_1543 = arith.constant 0 : i32
    %dma_start3A_1544 = tpu.memref_slice %arg13[%dma_start3A_1539, %dma_start3A_1543] : memref<49x128xi32, #tpu.memory_space<vmem>> -> memref<1x128xi32, #tpu.memory_space<vmem>>
    %dma_start3A_1545 = tpu.memref_squeeze %dma_start3A_1544 : memref<1x128xi32, #tpu.memory_space<vmem>> -> memref<128xi32, #tpu.memory_space<vmem>>
    %dma_start3A_1546 = arith.constant 0 : i32
    %dma_start3A_1547 = tpu.memref_slice %arg17[%dma_start3A_1546] : memref<512256xf32, #tpu.memory_space<vmem_shared>> -> memref<512256xf32, #tpu.memory_space<vmem_shared>>
    tpu.enqueue_indirect_dma source(%dma_start3A_1542 : memref<128xf32, #tpu.memory_space<vmem>>) target(%dma_start3A_1547 : memref<512256xf32, #tpu.memory_space<vmem_shared>>) offsets(%dma_start3A_1545 : memref<128xi32, #tpu.memory_space<vmem>>) semaphore(%arg18 : memref<!tpu.dma_semaphore, #tpu.memory_space<semaphore_mem>>) {add = true}
    %dma_start3A_1548 = arith.constant 42 : i32
    %dma_start3A_1549 = arith.constant 42 : i32
    %dma_start3A_1550 = arith.constant 0 : i32
    %dma_start3A_1551 = tpu.memref_slice %arg14[%dma_start3A_1548, %dma_start3A_1550] : memref<49x128xf32, #tpu.memory_space<vmem>> -> memref<1x128xf32, #tpu.memory_space<vmem>>
    %dma_start3A_1552 = tpu.memref_squeeze %dma_start3A_1551 : memref<1x128xf32, #tpu.memory_space<vmem>> -> memref<128xf32, #tpu.memory_space<vmem>>
    %dma_start3A_1553 = arith.constant 0 : i32
    %dma_start3A_1554 = tpu.memref_slice %arg13[%dma_start3A_1549, %dma_start3A_1553] : memref<49x128xi32, #tpu.memory_space<vmem>> -> memref<1x128xi32, #tpu.memory_space<vmem>>
    %dma_start3A_1555 = tpu.memref_squeeze %dma_start3A_1554 : memref<1x128xi32, #tpu.memory_space<vmem>> -> memref<128xi32, #tpu.memory_space<vmem>>
    %dma_start3A_1556 = arith.constant 0 : i32
    %dma_start3A_1557 = tpu.memref_slice %arg17[%dma_start3A_1556] : memref<512256xf32, #tpu.memory_space<vmem_shared>> -> memref<512256xf32, #tpu.memory_space<vmem_shared>>
    tpu.enqueue_indirect_dma source(%dma_start3A_1552 : memref<128xf32, #tpu.memory_space<vmem>>) target(%dma_start3A_1557 : memref<512256xf32, #tpu.memory_space<vmem_shared>>) offsets(%dma_start3A_1555 : memref<128xi32, #tpu.memory_space<vmem>>) semaphore(%arg18 : memref<!tpu.dma_semaphore, #tpu.memory_space<semaphore_mem>>) {add = true}
    %dma_start3A_1558 = arith.constant 43 : i32
    %dma_start3A_1559 = arith.constant 43 : i32
    %dma_start3A_1560 = arith.constant 0 : i32
    %dma_start3A_1561 = tpu.memref_slice %arg14[%dma_start3A_1558, %dma_start3A_1560] : memref<49x128xf32, #tpu.memory_space<vmem>> -> memref<1x128xf32, #tpu.memory_space<vmem>>
    %dma_start3A_1562 = tpu.memref_squeeze %dma_start3A_1561 : memref<1x128xf32, #tpu.memory_space<vmem>> -> memref<128xf32, #tpu.memory_space<vmem>>
    %dma_start3A_1563 = arith.constant 0 : i32
    %dma_start3A_1564 = tpu.memref_slice %arg13[%dma_start3A_1559, %dma_start3A_1563] : memref<49x128xi32, #tpu.memory_space<vmem>> -> memref<1x128xi32, #tpu.memory_space<vmem>>
    %dma_start3A_1565 = tpu.memref_squeeze %dma_start3A_1564 : memref<1x128xi32, #tpu.memory_space<vmem>> -> memref<128xi32, #tpu.memory_space<vmem>>
    %dma_start3A_1566 = arith.constant 0 : i32
    %dma_start3A_1567 = tpu.memref_slice %arg17[%dma_start3A_1566] : memref<512256xf32, #tpu.memory_space<vmem_shared>> -> memref<512256xf32, #tpu.memory_space<vmem_shared>>
    tpu.enqueue_indirect_dma source(%dma_start3A_1562 : memref<128xf32, #tpu.memory_space<vmem>>) target(%dma_start3A_1567 : memref<512256xf32, #tpu.memory_space<vmem_shared>>) offsets(%dma_start3A_1565 : memref<128xi32, #tpu.memory_space<vmem>>) semaphore(%arg18 : memref<!tpu.dma_semaphore, #tpu.memory_space<semaphore_mem>>) {add = true}
    %dma_start3A_1568 = arith.constant 44 : i32
    %dma_start3A_1569 = arith.constant 44 : i32
    %dma_start3A_1570 = arith.constant 0 : i32
    %dma_start3A_1571 = tpu.memref_slice %arg14[%dma_start3A_1568, %dma_start3A_1570] : memref<49x128xf32, #tpu.memory_space<vmem>> -> memref<1x128xf32, #tpu.memory_space<vmem>>
    %dma_start3A_1572 = tpu.memref_squeeze %dma_start3A_1571 : memref<1x128xf32, #tpu.memory_space<vmem>> -> memref<128xf32, #tpu.memory_space<vmem>>
    %dma_start3A_1573 = arith.constant 0 : i32
    %dma_start3A_1574 = tpu.memref_slice %arg13[%dma_start3A_1569, %dma_start3A_1573] : memref<49x128xi32, #tpu.memory_space<vmem>> -> memref<1x128xi32, #tpu.memory_space<vmem>>
    %dma_start3A_1575 = tpu.memref_squeeze %dma_start3A_1574 : memref<1x128xi32, #tpu.memory_space<vmem>> -> memref<128xi32, #tpu.memory_space<vmem>>
    %dma_start3A_1576 = arith.constant 0 : i32
    %dma_start3A_1577 = tpu.memref_slice %arg17[%dma_start3A_1576] : memref<512256xf32, #tpu.memory_space<vmem_shared>> -> memref<512256xf32, #tpu.memory_space<vmem_shared>>
    tpu.enqueue_indirect_dma source(%dma_start3A_1572 : memref<128xf32, #tpu.memory_space<vmem>>) target(%dma_start3A_1577 : memref<512256xf32, #tpu.memory_space<vmem_shared>>) offsets(%dma_start3A_1575 : memref<128xi32, #tpu.memory_space<vmem>>) semaphore(%arg18 : memref<!tpu.dma_semaphore, #tpu.memory_space<semaphore_mem>>) {add = true}
    %dma_start3A_1578 = arith.constant 45 : i32
    %dma_start3A_1579 = arith.constant 45 : i32
    %dma_start3A_1580 = arith.constant 0 : i32
    %dma_start3A_1581 = tpu.memref_slice %arg14[%dma_start3A_1578, %dma_start3A_1580] : memref<49x128xf32, #tpu.memory_space<vmem>> -> memref<1x128xf32, #tpu.memory_space<vmem>>
    %dma_start3A_1582 = tpu.memref_squeeze %dma_start3A_1581 : memref<1x128xf32, #tpu.memory_space<vmem>> -> memref<128xf32, #tpu.memory_space<vmem>>
    %dma_start3A_1583 = arith.constant 0 : i32
    %dma_start3A_1584 = tpu.memref_slice %arg13[%dma_start3A_1579, %dma_start3A_1583] : memref<49x128xi32, #tpu.memory_space<vmem>> -> memref<1x128xi32, #tpu.memory_space<vmem>>
    %dma_start3A_1585 = tpu.memref_squeeze %dma_start3A_1584 : memref<1x128xi32, #tpu.memory_space<vmem>> -> memref<128xi32, #tpu.memory_space<vmem>>
    %dma_start3A_1586 = arith.constant 0 : i32
    %dma_start3A_1587 = tpu.memref_slice %arg17[%dma_start3A_1586] : memref<512256xf32, #tpu.memory_space<vmem_shared>> -> memref<512256xf32, #tpu.memory_space<vmem_shared>>
    tpu.enqueue_indirect_dma source(%dma_start3A_1582 : memref<128xf32, #tpu.memory_space<vmem>>) target(%dma_start3A_1587 : memref<512256xf32, #tpu.memory_space<vmem_shared>>) offsets(%dma_start3A_1585 : memref<128xi32, #tpu.memory_space<vmem>>) semaphore(%arg18 : memref<!tpu.dma_semaphore, #tpu.memory_space<semaphore_mem>>) {add = true}
    %dma_start3A_1588 = arith.constant 46 : i32
    %dma_start3A_1589 = arith.constant 46 : i32
    %dma_start3A_1590 = arith.constant 0 : i32
    %dma_start3A_1591 = tpu.memref_slice %arg14[%dma_start3A_1588, %dma_start3A_1590] : memref<49x128xf32, #tpu.memory_space<vmem>> -> memref<1x128xf32, #tpu.memory_space<vmem>>
    %dma_start3A_1592 = tpu.memref_squeeze %dma_start3A_1591 : memref<1x128xf32, #tpu.memory_space<vmem>> -> memref<128xf32, #tpu.memory_space<vmem>>
    %dma_start3A_1593 = arith.constant 0 : i32
    %dma_start3A_1594 = tpu.memref_slice %arg13[%dma_start3A_1589, %dma_start3A_1593] : memref<49x128xi32, #tpu.memory_space<vmem>> -> memref<1x128xi32, #tpu.memory_space<vmem>>
    %dma_start3A_1595 = tpu.memref_squeeze %dma_start3A_1594 : memref<1x128xi32, #tpu.memory_space<vmem>> -> memref<128xi32, #tpu.memory_space<vmem>>
    %dma_start3A_1596 = arith.constant 0 : i32
    %dma_start3A_1597 = tpu.memref_slice %arg17[%dma_start3A_1596] : memref<512256xf32, #tpu.memory_space<vmem_shared>> -> memref<512256xf32, #tpu.memory_space<vmem_shared>>
    tpu.enqueue_indirect_dma source(%dma_start3A_1592 : memref<128xf32, #tpu.memory_space<vmem>>) target(%dma_start3A_1597 : memref<512256xf32, #tpu.memory_space<vmem_shared>>) offsets(%dma_start3A_1595 : memref<128xi32, #tpu.memory_space<vmem>>) semaphore(%arg18 : memref<!tpu.dma_semaphore, #tpu.memory_space<semaphore_mem>>) {add = true}
    %dma_start3A_1598 = arith.constant 47 : i32
    %dma_start3A_1599 = arith.constant 47 : i32
    %dma_start3A_1600 = arith.constant 0 : i32
    %dma_start3A_1601 = tpu.memref_slice %arg14[%dma_start3A_1598, %dma_start3A_1600] : memref<49x128xf32, #tpu.memory_space<vmem>> -> memref<1x128xf32, #tpu.memory_space<vmem>>
    %dma_start3A_1602 = tpu.memref_squeeze %dma_start3A_1601 : memref<1x128xf32, #tpu.memory_space<vmem>> -> memref<128xf32, #tpu.memory_space<vmem>>
    %dma_start3A_1603 = arith.constant 0 : i32
    %dma_start3A_1604 = tpu.memref_slice %arg13[%dma_start3A_1599, %dma_start3A_1603] : memref<49x128xi32, #tpu.memory_space<vmem>> -> memref<1x128xi32, #tpu.memory_space<vmem>>
    %dma_start3A_1605 = tpu.memref_squeeze %dma_start3A_1604 : memref<1x128xi32, #tpu.memory_space<vmem>> -> memref<128xi32, #tpu.memory_space<vmem>>
    %dma_start3A_1606 = arith.constant 0 : i32
    %dma_start3A_1607 = tpu.memref_slice %arg17[%dma_start3A_1606] : memref<512256xf32, #tpu.memory_space<vmem_shared>> -> memref<512256xf32, #tpu.memory_space<vmem_shared>>
    tpu.enqueue_indirect_dma source(%dma_start3A_1602 : memref<128xf32, #tpu.memory_space<vmem>>) target(%dma_start3A_1607 : memref<512256xf32, #tpu.memory_space<vmem_shared>>) offsets(%dma_start3A_1605 : memref<128xi32, #tpu.memory_space<vmem>>) semaphore(%arg18 : memref<!tpu.dma_semaphore, #tpu.memory_space<semaphore_mem>>) {add = true}
    %dma_start3A_1608 = arith.constant 48 : i32
    %dma_start3A_1609 = arith.constant 48 : i32
    %dma_start3A_1610 = arith.constant 0 : i32
    %dma_start3A_1611 = tpu.memref_slice %arg14[%dma_start3A_1608, %dma_start3A_1610] : memref<49x128xf32, #tpu.memory_space<vmem>> -> memref<1x128xf32, #tpu.memory_space<vmem>>
    %dma_start3A_1612 = tpu.memref_squeeze %dma_start3A_1611 : memref<1x128xf32, #tpu.memory_space<vmem>> -> memref<128xf32, #tpu.memory_space<vmem>>
    %dma_start3A_1613 = arith.constant 0 : i32
    %dma_start3A_1614 = tpu.memref_slice %arg13[%dma_start3A_1609, %dma_start3A_1613] : memref<49x128xi32, #tpu.memory_space<vmem>> -> memref<1x128xi32, #tpu.memory_space<vmem>>
    %dma_start3A_1615 = tpu.memref_squeeze %dma_start3A_1614 : memref<1x128xi32, #tpu.memory_space<vmem>> -> memref<128xi32, #tpu.memory_space<vmem>>
    %dma_start3A_1616 = arith.constant 0 : i32
    %dma_start3A_1617 = tpu.memref_slice %arg17[%dma_start3A_1616] : memref<512256xf32, #tpu.memory_space<vmem_shared>> -> memref<512256xf32, #tpu.memory_space<vmem_shared>>
    tpu.enqueue_indirect_dma source(%dma_start3A_1612 : memref<128xf32, #tpu.memory_space<vmem>>) target(%dma_start3A_1617 : memref<512256xf32, #tpu.memory_space<vmem_shared>>) offsets(%dma_start3A_1615 : memref<128xi32, #tpu.memory_space<vmem>>) semaphore(%arg18 : memref<!tpu.dma_semaphore, #tpu.memory_space<semaphore_mem>>) {add = true}
    %dma_wait3A_1618 = arith.constant 0 : i32
    %dma_wait3A_1619 = arith.constant 0 : i32
    %dma_wait3A_1620 = arith.constant 0 : i32
    %dma_wait3A_1621 = tpu.memref_slice %arg14[%dma_wait3A_1618, %dma_wait3A_1620] : memref<49x128xf32, #tpu.memory_space<vmem>> -> memref<1x128xf32, #tpu.memory_space<vmem>>
    %dma_wait3A_1622 = tpu.memref_squeeze %dma_wait3A_1621 : memref<1x128xf32, #tpu.memory_space<vmem>> -> memref<128xf32, #tpu.memory_space<vmem>>
    %dma_wait3A_1623 = arith.constant 0 : i32
    %dma_wait3A_1624 = tpu.memref_slice %arg13[%dma_wait3A_1619, %dma_wait3A_1623] : memref<49x128xi32, #tpu.memory_space<vmem>> -> memref<1x128xi32, #tpu.memory_space<vmem>>
    %dma_wait3A_1625 = tpu.memref_squeeze %dma_wait3A_1624 : memref<1x128xi32, #tpu.memory_space<vmem>> -> memref<128xi32, #tpu.memory_space<vmem>>
    %dma_wait3A_1626 = arith.constant 0 : i32
    %dma_wait3A_1627 = tpu.memref_slice %arg17[%dma_wait3A_1626] : memref<512256xf32, #tpu.memory_space<vmem_shared>> -> memref<512256xf32, #tpu.memory_space<vmem_shared>>
    tpu.wait_indirect_dma semaphore(%arg18 : memref<!tpu.dma_semaphore, #tpu.memory_space<semaphore_mem>>) src(%dma_wait3A_1622 : memref<128xf32, #tpu.memory_space<vmem>>) dst(%dma_wait3A_1627 : memref<512256xf32, #tpu.memory_space<vmem_shared>>)
    %dma_wait3A_1628 = arith.constant 1 : i32
    %dma_wait3A_1629 = arith.constant 1 : i32
    %dma_wait3A_1630 = arith.constant 0 : i32
    %dma_wait3A_1631 = tpu.memref_slice %arg14[%dma_wait3A_1628, %dma_wait3A_1630] : memref<49x128xf32, #tpu.memory_space<vmem>> -> memref<1x128xf32, #tpu.memory_space<vmem>>
    %dma_wait3A_1632 = tpu.memref_squeeze %dma_wait3A_1631 : memref<1x128xf32, #tpu.memory_space<vmem>> -> memref<128xf32, #tpu.memory_space<vmem>>
    %dma_wait3A_1633 = arith.constant 0 : i32
    %dma_wait3A_1634 = tpu.memref_slice %arg13[%dma_wait3A_1629, %dma_wait3A_1633] : memref<49x128xi32, #tpu.memory_space<vmem>> -> memref<1x128xi32, #tpu.memory_space<vmem>>
    %dma_wait3A_1635 = tpu.memref_squeeze %dma_wait3A_1634 : memref<1x128xi32, #tpu.memory_space<vmem>> -> memref<128xi32, #tpu.memory_space<vmem>>
    %dma_wait3A_1636 = arith.constant 0 : i32
    %dma_wait3A_1637 = tpu.memref_slice %arg17[%dma_wait3A_1636] : memref<512256xf32, #tpu.memory_space<vmem_shared>> -> memref<512256xf32, #tpu.memory_space<vmem_shared>>
    tpu.wait_indirect_dma semaphore(%arg18 : memref<!tpu.dma_semaphore, #tpu.memory_space<semaphore_mem>>) src(%dma_wait3A_1632 : memref<128xf32, #tpu.memory_space<vmem>>) dst(%dma_wait3A_1637 : memref<512256xf32, #tpu.memory_space<vmem_shared>>)
    %dma_wait3A_1638 = arith.constant 2 : i32
    %dma_wait3A_1639 = arith.constant 2 : i32
    %dma_wait3A_1640 = arith.constant 0 : i32
    %dma_wait3A_1641 = tpu.memref_slice %arg14[%dma_wait3A_1638, %dma_wait3A_1640] : memref<49x128xf32, #tpu.memory_space<vmem>> -> memref<1x128xf32, #tpu.memory_space<vmem>>
    %dma_wait3A_1642 = tpu.memref_squeeze %dma_wait3A_1641 : memref<1x128xf32, #tpu.memory_space<vmem>> -> memref<128xf32, #tpu.memory_space<vmem>>
    %dma_wait3A_1643 = arith.constant 0 : i32
    %dma_wait3A_1644 = tpu.memref_slice %arg13[%dma_wait3A_1639, %dma_wait3A_1643] : memref<49x128xi32, #tpu.memory_space<vmem>> -> memref<1x128xi32, #tpu.memory_space<vmem>>
    %dma_wait3A_1645 = tpu.memref_squeeze %dma_wait3A_1644 : memref<1x128xi32, #tpu.memory_space<vmem>> -> memref<128xi32, #tpu.memory_space<vmem>>
    %dma_wait3A_1646 = arith.constant 0 : i32
    %dma_wait3A_1647 = tpu.memref_slice %arg17[%dma_wait3A_1646] : memref<512256xf32, #tpu.memory_space<vmem_shared>> -> memref<512256xf32, #tpu.memory_space<vmem_shared>>
    tpu.wait_indirect_dma semaphore(%arg18 : memref<!tpu.dma_semaphore, #tpu.memory_space<semaphore_mem>>) src(%dma_wait3A_1642 : memref<128xf32, #tpu.memory_space<vmem>>) dst(%dma_wait3A_1647 : memref<512256xf32, #tpu.memory_space<vmem_shared>>)
    %dma_wait3A_1648 = arith.constant 3 : i32
    %dma_wait3A_1649 = arith.constant 3 : i32
    %dma_wait3A_1650 = arith.constant 0 : i32
    %dma_wait3A_1651 = tpu.memref_slice %arg14[%dma_wait3A_1648, %dma_wait3A_1650] : memref<49x128xf32, #tpu.memory_space<vmem>> -> memref<1x128xf32, #tpu.memory_space<vmem>>
    %dma_wait3A_1652 = tpu.memref_squeeze %dma_wait3A_1651 : memref<1x128xf32, #tpu.memory_space<vmem>> -> memref<128xf32, #tpu.memory_space<vmem>>
    %dma_wait3A_1653 = arith.constant 0 : i32
    %dma_wait3A_1654 = tpu.memref_slice %arg13[%dma_wait3A_1649, %dma_wait3A_1653] : memref<49x128xi32, #tpu.memory_space<vmem>> -> memref<1x128xi32, #tpu.memory_space<vmem>>
    %dma_wait3A_1655 = tpu.memref_squeeze %dma_wait3A_1654 : memref<1x128xi32, #tpu.memory_space<vmem>> -> memref<128xi32, #tpu.memory_space<vmem>>
    %dma_wait3A_1656 = arith.constant 0 : i32
    %dma_wait3A_1657 = tpu.memref_slice %arg17[%dma_wait3A_1656] : memref<512256xf32, #tpu.memory_space<vmem_shared>> -> memref<512256xf32, #tpu.memory_space<vmem_shared>>
    tpu.wait_indirect_dma semaphore(%arg18 : memref<!tpu.dma_semaphore, #tpu.memory_space<semaphore_mem>>) src(%dma_wait3A_1652 : memref<128xf32, #tpu.memory_space<vmem>>) dst(%dma_wait3A_1657 : memref<512256xf32, #tpu.memory_space<vmem_shared>>)
    %dma_wait3A_1658 = arith.constant 4 : i32
    %dma_wait3A_1659 = arith.constant 4 : i32
    %dma_wait3A_1660 = arith.constant 0 : i32
    %dma_wait3A_1661 = tpu.memref_slice %arg14[%dma_wait3A_1658, %dma_wait3A_1660] : memref<49x128xf32, #tpu.memory_space<vmem>> -> memref<1x128xf32, #tpu.memory_space<vmem>>
    %dma_wait3A_1662 = tpu.memref_squeeze %dma_wait3A_1661 : memref<1x128xf32, #tpu.memory_space<vmem>> -> memref<128xf32, #tpu.memory_space<vmem>>
    %dma_wait3A_1663 = arith.constant 0 : i32
    %dma_wait3A_1664 = tpu.memref_slice %arg13[%dma_wait3A_1659, %dma_wait3A_1663] : memref<49x128xi32, #tpu.memory_space<vmem>> -> memref<1x128xi32, #tpu.memory_space<vmem>>
    %dma_wait3A_1665 = tpu.memref_squeeze %dma_wait3A_1664 : memref<1x128xi32, #tpu.memory_space<vmem>> -> memref<128xi32, #tpu.memory_space<vmem>>
    %dma_wait3A_1666 = arith.constant 0 : i32
    %dma_wait3A_1667 = tpu.memref_slice %arg17[%dma_wait3A_1666] : memref<512256xf32, #tpu.memory_space<vmem_shared>> -> memref<512256xf32, #tpu.memory_space<vmem_shared>>
    tpu.wait_indirect_dma semaphore(%arg18 : memref<!tpu.dma_semaphore, #tpu.memory_space<semaphore_mem>>) src(%dma_wait3A_1662 : memref<128xf32, #tpu.memory_space<vmem>>) dst(%dma_wait3A_1667 : memref<512256xf32, #tpu.memory_space<vmem_shared>>)
    %dma_wait3A_1668 = arith.constant 5 : i32
    %dma_wait3A_1669 = arith.constant 5 : i32
    %dma_wait3A_1670 = arith.constant 0 : i32
    %dma_wait3A_1671 = tpu.memref_slice %arg14[%dma_wait3A_1668, %dma_wait3A_1670] : memref<49x128xf32, #tpu.memory_space<vmem>> -> memref<1x128xf32, #tpu.memory_space<vmem>>
    %dma_wait3A_1672 = tpu.memref_squeeze %dma_wait3A_1671 : memref<1x128xf32, #tpu.memory_space<vmem>> -> memref<128xf32, #tpu.memory_space<vmem>>
    %dma_wait3A_1673 = arith.constant 0 : i32
    %dma_wait3A_1674 = tpu.memref_slice %arg13[%dma_wait3A_1669, %dma_wait3A_1673] : memref<49x128xi32, #tpu.memory_space<vmem>> -> memref<1x128xi32, #tpu.memory_space<vmem>>
    %dma_wait3A_1675 = tpu.memref_squeeze %dma_wait3A_1674 : memref<1x128xi32, #tpu.memory_space<vmem>> -> memref<128xi32, #tpu.memory_space<vmem>>
    %dma_wait3A_1676 = arith.constant 0 : i32
    %dma_wait3A_1677 = tpu.memref_slice %arg17[%dma_wait3A_1676] : memref<512256xf32, #tpu.memory_space<vmem_shared>> -> memref<512256xf32, #tpu.memory_space<vmem_shared>>
    tpu.wait_indirect_dma semaphore(%arg18 : memref<!tpu.dma_semaphore, #tpu.memory_space<semaphore_mem>>) src(%dma_wait3A_1672 : memref<128xf32, #tpu.memory_space<vmem>>) dst(%dma_wait3A_1677 : memref<512256xf32, #tpu.memory_space<vmem_shared>>)
    %dma_wait3A_1678 = arith.constant 6 : i32
    %dma_wait3A_1679 = arith.constant 6 : i32
    %dma_wait3A_1680 = arith.constant 0 : i32
    %dma_wait3A_1681 = tpu.memref_slice %arg14[%dma_wait3A_1678, %dma_wait3A_1680] : memref<49x128xf32, #tpu.memory_space<vmem>> -> memref<1x128xf32, #tpu.memory_space<vmem>>
    %dma_wait3A_1682 = tpu.memref_squeeze %dma_wait3A_1681 : memref<1x128xf32, #tpu.memory_space<vmem>> -> memref<128xf32, #tpu.memory_space<vmem>>
    %dma_wait3A_1683 = arith.constant 0 : i32
    %dma_wait3A_1684 = tpu.memref_slice %arg13[%dma_wait3A_1679, %dma_wait3A_1683] : memref<49x128xi32, #tpu.memory_space<vmem>> -> memref<1x128xi32, #tpu.memory_space<vmem>>
    %dma_wait3A_1685 = tpu.memref_squeeze %dma_wait3A_1684 : memref<1x128xi32, #tpu.memory_space<vmem>> -> memref<128xi32, #tpu.memory_space<vmem>>
    %dma_wait3A_1686 = arith.constant 0 : i32
    %dma_wait3A_1687 = tpu.memref_slice %arg17[%dma_wait3A_1686] : memref<512256xf32, #tpu.memory_space<vmem_shared>> -> memref<512256xf32, #tpu.memory_space<vmem_shared>>
    tpu.wait_indirect_dma semaphore(%arg18 : memref<!tpu.dma_semaphore, #tpu.memory_space<semaphore_mem>>) src(%dma_wait3A_1682 : memref<128xf32, #tpu.memory_space<vmem>>) dst(%dma_wait3A_1687 : memref<512256xf32, #tpu.memory_space<vmem_shared>>)
    %dma_wait3A_1688 = arith.constant 7 : i32
    %dma_wait3A_1689 = arith.constant 7 : i32
    %dma_wait3A_1690 = arith.constant 0 : i32
    %dma_wait3A_1691 = tpu.memref_slice %arg14[%dma_wait3A_1688, %dma_wait3A_1690] : memref<49x128xf32, #tpu.memory_space<vmem>> -> memref<1x128xf32, #tpu.memory_space<vmem>>
    %dma_wait3A_1692 = tpu.memref_squeeze %dma_wait3A_1691 : memref<1x128xf32, #tpu.memory_space<vmem>> -> memref<128xf32, #tpu.memory_space<vmem>>
    %dma_wait3A_1693 = arith.constant 0 : i32
    %dma_wait3A_1694 = tpu.memref_slice %arg13[%dma_wait3A_1689, %dma_wait3A_1693] : memref<49x128xi32, #tpu.memory_space<vmem>> -> memref<1x128xi32, #tpu.memory_space<vmem>>
    %dma_wait3A_1695 = tpu.memref_squeeze %dma_wait3A_1694 : memref<1x128xi32, #tpu.memory_space<vmem>> -> memref<128xi32, #tpu.memory_space<vmem>>
    %dma_wait3A_1696 = arith.constant 0 : i32
    %dma_wait3A_1697 = tpu.memref_slice %arg17[%dma_wait3A_1696] : memref<512256xf32, #tpu.memory_space<vmem_shared>> -> memref<512256xf32, #tpu.memory_space<vmem_shared>>
    tpu.wait_indirect_dma semaphore(%arg18 : memref<!tpu.dma_semaphore, #tpu.memory_space<semaphore_mem>>) src(%dma_wait3A_1692 : memref<128xf32, #tpu.memory_space<vmem>>) dst(%dma_wait3A_1697 : memref<512256xf32, #tpu.memory_space<vmem_shared>>)
    %dma_wait3A_1698 = arith.constant 8 : i32
    %dma_wait3A_1699 = arith.constant 8 : i32
    %dma_wait3A_1700 = arith.constant 0 : i32
    %dma_wait3A_1701 = tpu.memref_slice %arg14[%dma_wait3A_1698, %dma_wait3A_1700] : memref<49x128xf32, #tpu.memory_space<vmem>> -> memref<1x128xf32, #tpu.memory_space<vmem>>
    %dma_wait3A_1702 = tpu.memref_squeeze %dma_wait3A_1701 : memref<1x128xf32, #tpu.memory_space<vmem>> -> memref<128xf32, #tpu.memory_space<vmem>>
    %dma_wait3A_1703 = arith.constant 0 : i32
    %dma_wait3A_1704 = tpu.memref_slice %arg13[%dma_wait3A_1699, %dma_wait3A_1703] : memref<49x128xi32, #tpu.memory_space<vmem>> -> memref<1x128xi32, #tpu.memory_space<vmem>>
    %dma_wait3A_1705 = tpu.memref_squeeze %dma_wait3A_1704 : memref<1x128xi32, #tpu.memory_space<vmem>> -> memref<128xi32, #tpu.memory_space<vmem>>
    %dma_wait3A_1706 = arith.constant 0 : i32
    %dma_wait3A_1707 = tpu.memref_slice %arg17[%dma_wait3A_1706] : memref<512256xf32, #tpu.memory_space<vmem_shared>> -> memref<512256xf32, #tpu.memory_space<vmem_shared>>
    tpu.wait_indirect_dma semaphore(%arg18 : memref<!tpu.dma_semaphore, #tpu.memory_space<semaphore_mem>>) src(%dma_wait3A_1702 : memref<128xf32, #tpu.memory_space<vmem>>) dst(%dma_wait3A_1707 : memref<512256xf32, #tpu.memory_space<vmem_shared>>)
    %dma_wait3A_1708 = arith.constant 9 : i32
    %dma_wait3A_1709 = arith.constant 9 : i32
    %dma_wait3A_1710 = arith.constant 0 : i32
    %dma_wait3A_1711 = tpu.memref_slice %arg14[%dma_wait3A_1708, %dma_wait3A_1710] : memref<49x128xf32, #tpu.memory_space<vmem>> -> memref<1x128xf32, #tpu.memory_space<vmem>>
    %dma_wait3A_1712 = tpu.memref_squeeze %dma_wait3A_1711 : memref<1x128xf32, #tpu.memory_space<vmem>> -> memref<128xf32, #tpu.memory_space<vmem>>
    %dma_wait3A_1713 = arith.constant 0 : i32
    %dma_wait3A_1714 = tpu.memref_slice %arg13[%dma_wait3A_1709, %dma_wait3A_1713] : memref<49x128xi32, #tpu.memory_space<vmem>> -> memref<1x128xi32, #tpu.memory_space<vmem>>
    %dma_wait3A_1715 = tpu.memref_squeeze %dma_wait3A_1714 : memref<1x128xi32, #tpu.memory_space<vmem>> -> memref<128xi32, #tpu.memory_space<vmem>>
    %dma_wait3A_1716 = arith.constant 0 : i32
    %dma_wait3A_1717 = tpu.memref_slice %arg17[%dma_wait3A_1716] : memref<512256xf32, #tpu.memory_space<vmem_shared>> -> memref<512256xf32, #tpu.memory_space<vmem_shared>>
    tpu.wait_indirect_dma semaphore(%arg18 : memref<!tpu.dma_semaphore, #tpu.memory_space<semaphore_mem>>) src(%dma_wait3A_1712 : memref<128xf32, #tpu.memory_space<vmem>>) dst(%dma_wait3A_1717 : memref<512256xf32, #tpu.memory_space<vmem_shared>>)
    %dma_wait3A_1718 = arith.constant 10 : i32
    %dma_wait3A_1719 = arith.constant 10 : i32
    %dma_wait3A_1720 = arith.constant 0 : i32
    %dma_wait3A_1721 = tpu.memref_slice %arg14[%dma_wait3A_1718, %dma_wait3A_1720] : memref<49x128xf32, #tpu.memory_space<vmem>> -> memref<1x128xf32, #tpu.memory_space<vmem>>
    %dma_wait3A_1722 = tpu.memref_squeeze %dma_wait3A_1721 : memref<1x128xf32, #tpu.memory_space<vmem>> -> memref<128xf32, #tpu.memory_space<vmem>>
    %dma_wait3A_1723 = arith.constant 0 : i32
    %dma_wait3A_1724 = tpu.memref_slice %arg13[%dma_wait3A_1719, %dma_wait3A_1723] : memref<49x128xi32, #tpu.memory_space<vmem>> -> memref<1x128xi32, #tpu.memory_space<vmem>>
    %dma_wait3A_1725 = tpu.memref_squeeze %dma_wait3A_1724 : memref<1x128xi32, #tpu.memory_space<vmem>> -> memref<128xi32, #tpu.memory_space<vmem>>
    %dma_wait3A_1726 = arith.constant 0 : i32
    %dma_wait3A_1727 = tpu.memref_slice %arg17[%dma_wait3A_1726] : memref<512256xf32, #tpu.memory_space<vmem_shared>> -> memref<512256xf32, #tpu.memory_space<vmem_shared>>
    tpu.wait_indirect_dma semaphore(%arg18 : memref<!tpu.dma_semaphore, #tpu.memory_space<semaphore_mem>>) src(%dma_wait3A_1722 : memref<128xf32, #tpu.memory_space<vmem>>) dst(%dma_wait3A_1727 : memref<512256xf32, #tpu.memory_space<vmem_shared>>)
    %dma_wait3A_1728 = arith.constant 11 : i32
    %dma_wait3A_1729 = arith.constant 11 : i32
    %dma_wait3A_1730 = arith.constant 0 : i32
    %dma_wait3A_1731 = tpu.memref_slice %arg14[%dma_wait3A_1728, %dma_wait3A_1730] : memref<49x128xf32, #tpu.memory_space<vmem>> -> memref<1x128xf32, #tpu.memory_space<vmem>>
    %dma_wait3A_1732 = tpu.memref_squeeze %dma_wait3A_1731 : memref<1x128xf32, #tpu.memory_space<vmem>> -> memref<128xf32, #tpu.memory_space<vmem>>
    %dma_wait3A_1733 = arith.constant 0 : i32
    %dma_wait3A_1734 = tpu.memref_slice %arg13[%dma_wait3A_1729, %dma_wait3A_1733] : memref<49x128xi32, #tpu.memory_space<vmem>> -> memref<1x128xi32, #tpu.memory_space<vmem>>
    %dma_wait3A_1735 = tpu.memref_squeeze %dma_wait3A_1734 : memref<1x128xi32, #tpu.memory_space<vmem>> -> memref<128xi32, #tpu.memory_space<vmem>>
    %dma_wait3A_1736 = arith.constant 0 : i32
    %dma_wait3A_1737 = tpu.memref_slice %arg17[%dma_wait3A_1736] : memref<512256xf32, #tpu.memory_space<vmem_shared>> -> memref<512256xf32, #tpu.memory_space<vmem_shared>>
    tpu.wait_indirect_dma semaphore(%arg18 : memref<!tpu.dma_semaphore, #tpu.memory_space<semaphore_mem>>) src(%dma_wait3A_1732 : memref<128xf32, #tpu.memory_space<vmem>>) dst(%dma_wait3A_1737 : memref<512256xf32, #tpu.memory_space<vmem_shared>>)
    %dma_wait3A_1738 = arith.constant 12 : i32
    %dma_wait3A_1739 = arith.constant 12 : i32
    %dma_wait3A_1740 = arith.constant 0 : i32
    %dma_wait3A_1741 = tpu.memref_slice %arg14[%dma_wait3A_1738, %dma_wait3A_1740] : memref<49x128xf32, #tpu.memory_space<vmem>> -> memref<1x128xf32, #tpu.memory_space<vmem>>
    %dma_wait3A_1742 = tpu.memref_squeeze %dma_wait3A_1741 : memref<1x128xf32, #tpu.memory_space<vmem>> -> memref<128xf32, #tpu.memory_space<vmem>>
    %dma_wait3A_1743 = arith.constant 0 : i32
    %dma_wait3A_1744 = tpu.memref_slice %arg13[%dma_wait3A_1739, %dma_wait3A_1743] : memref<49x128xi32, #tpu.memory_space<vmem>> -> memref<1x128xi32, #tpu.memory_space<vmem>>
    %dma_wait3A_1745 = tpu.memref_squeeze %dma_wait3A_1744 : memref<1x128xi32, #tpu.memory_space<vmem>> -> memref<128xi32, #tpu.memory_space<vmem>>
    %dma_wait3A_1746 = arith.constant 0 : i32
    %dma_wait3A_1747 = tpu.memref_slice %arg17[%dma_wait3A_1746] : memref<512256xf32, #tpu.memory_space<vmem_shared>> -> memref<512256xf32, #tpu.memory_space<vmem_shared>>
    tpu.wait_indirect_dma semaphore(%arg18 : memref<!tpu.dma_semaphore, #tpu.memory_space<semaphore_mem>>) src(%dma_wait3A_1742 : memref<128xf32, #tpu.memory_space<vmem>>) dst(%dma_wait3A_1747 : memref<512256xf32, #tpu.memory_space<vmem_shared>>)
    %dma_wait3A_1748 = arith.constant 13 : i32
    %dma_wait3A_1749 = arith.constant 13 : i32
    %dma_wait3A_1750 = arith.constant 0 : i32
    %dma_wait3A_1751 = tpu.memref_slice %arg14[%dma_wait3A_1748, %dma_wait3A_1750] : memref<49x128xf32, #tpu.memory_space<vmem>> -> memref<1x128xf32, #tpu.memory_space<vmem>>
    %dma_wait3A_1752 = tpu.memref_squeeze %dma_wait3A_1751 : memref<1x128xf32, #tpu.memory_space<vmem>> -> memref<128xf32, #tpu.memory_space<vmem>>
    %dma_wait3A_1753 = arith.constant 0 : i32
    %dma_wait3A_1754 = tpu.memref_slice %arg13[%dma_wait3A_1749, %dma_wait3A_1753] : memref<49x128xi32, #tpu.memory_space<vmem>> -> memref<1x128xi32, #tpu.memory_space<vmem>>
    %dma_wait3A_1755 = tpu.memref_squeeze %dma_wait3A_1754 : memref<1x128xi32, #tpu.memory_space<vmem>> -> memref<128xi32, #tpu.memory_space<vmem>>
    %dma_wait3A_1756 = arith.constant 0 : i32
    %dma_wait3A_1757 = tpu.memref_slice %arg17[%dma_wait3A_1756] : memref<512256xf32, #tpu.memory_space<vmem_shared>> -> memref<512256xf32, #tpu.memory_space<vmem_shared>>
    tpu.wait_indirect_dma semaphore(%arg18 : memref<!tpu.dma_semaphore, #tpu.memory_space<semaphore_mem>>) src(%dma_wait3A_1752 : memref<128xf32, #tpu.memory_space<vmem>>) dst(%dma_wait3A_1757 : memref<512256xf32, #tpu.memory_space<vmem_shared>>)
    %dma_wait3A_1758 = arith.constant 14 : i32
    %dma_wait3A_1759 = arith.constant 14 : i32
    %dma_wait3A_1760 = arith.constant 0 : i32
    %dma_wait3A_1761 = tpu.memref_slice %arg14[%dma_wait3A_1758, %dma_wait3A_1760] : memref<49x128xf32, #tpu.memory_space<vmem>> -> memref<1x128xf32, #tpu.memory_space<vmem>>
    %dma_wait3A_1762 = tpu.memref_squeeze %dma_wait3A_1761 : memref<1x128xf32, #tpu.memory_space<vmem>> -> memref<128xf32, #tpu.memory_space<vmem>>
    %dma_wait3A_1763 = arith.constant 0 : i32
    %dma_wait3A_1764 = tpu.memref_slice %arg13[%dma_wait3A_1759, %dma_wait3A_1763] : memref<49x128xi32, #tpu.memory_space<vmem>> -> memref<1x128xi32, #tpu.memory_space<vmem>>
    %dma_wait3A_1765 = tpu.memref_squeeze %dma_wait3A_1764 : memref<1x128xi32, #tpu.memory_space<vmem>> -> memref<128xi32, #tpu.memory_space<vmem>>
    %dma_wait3A_1766 = arith.constant 0 : i32
    %dma_wait3A_1767 = tpu.memref_slice %arg17[%dma_wait3A_1766] : memref<512256xf32, #tpu.memory_space<vmem_shared>> -> memref<512256xf32, #tpu.memory_space<vmem_shared>>
    tpu.wait_indirect_dma semaphore(%arg18 : memref<!tpu.dma_semaphore, #tpu.memory_space<semaphore_mem>>) src(%dma_wait3A_1762 : memref<128xf32, #tpu.memory_space<vmem>>) dst(%dma_wait3A_1767 : memref<512256xf32, #tpu.memory_space<vmem_shared>>)
    %dma_wait3A_1768 = arith.constant 15 : i32
    %dma_wait3A_1769 = arith.constant 15 : i32
    %dma_wait3A_1770 = arith.constant 0 : i32
    %dma_wait3A_1771 = tpu.memref_slice %arg14[%dma_wait3A_1768, %dma_wait3A_1770] : memref<49x128xf32, #tpu.memory_space<vmem>> -> memref<1x128xf32, #tpu.memory_space<vmem>>
    %dma_wait3A_1772 = tpu.memref_squeeze %dma_wait3A_1771 : memref<1x128xf32, #tpu.memory_space<vmem>> -> memref<128xf32, #tpu.memory_space<vmem>>
    %dma_wait3A_1773 = arith.constant 0 : i32
    %dma_wait3A_1774 = tpu.memref_slice %arg13[%dma_wait3A_1769, %dma_wait3A_1773] : memref<49x128xi32, #tpu.memory_space<vmem>> -> memref<1x128xi32, #tpu.memory_space<vmem>>
    %dma_wait3A_1775 = tpu.memref_squeeze %dma_wait3A_1774 : memref<1x128xi32, #tpu.memory_space<vmem>> -> memref<128xi32, #tpu.memory_space<vmem>>
    %dma_wait3A_1776 = arith.constant 0 : i32
    %dma_wait3A_1777 = tpu.memref_slice %arg17[%dma_wait3A_1776] : memref<512256xf32, #tpu.memory_space<vmem_shared>> -> memref<512256xf32, #tpu.memory_space<vmem_shared>>
    tpu.wait_indirect_dma semaphore(%arg18 : memref<!tpu.dma_semaphore, #tpu.memory_space<semaphore_mem>>) src(%dma_wait3A_1772 : memref<128xf32, #tpu.memory_space<vmem>>) dst(%dma_wait3A_1777 : memref<512256xf32, #tpu.memory_space<vmem_shared>>)
    %dma_wait3A_1778 = arith.constant 16 : i32
    %dma_wait3A_1779 = arith.constant 16 : i32
    %dma_wait3A_1780 = arith.constant 0 : i32
    %dma_wait3A_1781 = tpu.memref_slice %arg14[%dma_wait3A_1778, %dma_wait3A_1780] : memref<49x128xf32, #tpu.memory_space<vmem>> -> memref<1x128xf32, #tpu.memory_space<vmem>>
    %dma_wait3A_1782 = tpu.memref_squeeze %dma_wait3A_1781 : memref<1x128xf32, #tpu.memory_space<vmem>> -> memref<128xf32, #tpu.memory_space<vmem>>
    %dma_wait3A_1783 = arith.constant 0 : i32
    %dma_wait3A_1784 = tpu.memref_slice %arg13[%dma_wait3A_1779, %dma_wait3A_1783] : memref<49x128xi32, #tpu.memory_space<vmem>> -> memref<1x128xi32, #tpu.memory_space<vmem>>
    %dma_wait3A_1785 = tpu.memref_squeeze %dma_wait3A_1784 : memref<1x128xi32, #tpu.memory_space<vmem>> -> memref<128xi32, #tpu.memory_space<vmem>>
    %dma_wait3A_1786 = arith.constant 0 : i32
    %dma_wait3A_1787 = tpu.memref_slice %arg17[%dma_wait3A_1786] : memref<512256xf32, #tpu.memory_space<vmem_shared>> -> memref<512256xf32, #tpu.memory_space<vmem_shared>>
    tpu.wait_indirect_dma semaphore(%arg18 : memref<!tpu.dma_semaphore, #tpu.memory_space<semaphore_mem>>) src(%dma_wait3A_1782 : memref<128xf32, #tpu.memory_space<vmem>>) dst(%dma_wait3A_1787 : memref<512256xf32, #tpu.memory_space<vmem_shared>>)
    %dma_wait3A_1788 = arith.constant 17 : i32
    %dma_wait3A_1789 = arith.constant 17 : i32
    %dma_wait3A_1790 = arith.constant 0 : i32
    %dma_wait3A_1791 = tpu.memref_slice %arg14[%dma_wait3A_1788, %dma_wait3A_1790] : memref<49x128xf32, #tpu.memory_space<vmem>> -> memref<1x128xf32, #tpu.memory_space<vmem>>
    %dma_wait3A_1792 = tpu.memref_squeeze %dma_wait3A_1791 : memref<1x128xf32, #tpu.memory_space<vmem>> -> memref<128xf32, #tpu.memory_space<vmem>>
    %dma_wait3A_1793 = arith.constant 0 : i32
    %dma_wait3A_1794 = tpu.memref_slice %arg13[%dma_wait3A_1789, %dma_wait3A_1793] : memref<49x128xi32, #tpu.memory_space<vmem>> -> memref<1x128xi32, #tpu.memory_space<vmem>>
    %dma_wait3A_1795 = tpu.memref_squeeze %dma_wait3A_1794 : memref<1x128xi32, #tpu.memory_space<vmem>> -> memref<128xi32, #tpu.memory_space<vmem>>
    %dma_wait3A_1796 = arith.constant 0 : i32
    %dma_wait3A_1797 = tpu.memref_slice %arg17[%dma_wait3A_1796] : memref<512256xf32, #tpu.memory_space<vmem_shared>> -> memref<512256xf32, #tpu.memory_space<vmem_shared>>
    tpu.wait_indirect_dma semaphore(%arg18 : memref<!tpu.dma_semaphore, #tpu.memory_space<semaphore_mem>>) src(%dma_wait3A_1792 : memref<128xf32, #tpu.memory_space<vmem>>) dst(%dma_wait3A_1797 : memref<512256xf32, #tpu.memory_space<vmem_shared>>)
    %dma_wait3A_1798 = arith.constant 18 : i32
    %dma_wait3A_1799 = arith.constant 18 : i32
    %dma_wait3A_1800 = arith.constant 0 : i32
    %dma_wait3A_1801 = tpu.memref_slice %arg14[%dma_wait3A_1798, %dma_wait3A_1800] : memref<49x128xf32, #tpu.memory_space<vmem>> -> memref<1x128xf32, #tpu.memory_space<vmem>>
    %dma_wait3A_1802 = tpu.memref_squeeze %dma_wait3A_1801 : memref<1x128xf32, #tpu.memory_space<vmem>> -> memref<128xf32, #tpu.memory_space<vmem>>
    %dma_wait3A_1803 = arith.constant 0 : i32
    %dma_wait3A_1804 = tpu.memref_slice %arg13[%dma_wait3A_1799, %dma_wait3A_1803] : memref<49x128xi32, #tpu.memory_space<vmem>> -> memref<1x128xi32, #tpu.memory_space<vmem>>
    %dma_wait3A_1805 = tpu.memref_squeeze %dma_wait3A_1804 : memref<1x128xi32, #tpu.memory_space<vmem>> -> memref<128xi32, #tpu.memory_space<vmem>>
    %dma_wait3A_1806 = arith.constant 0 : i32
    %dma_wait3A_1807 = tpu.memref_slice %arg17[%dma_wait3A_1806] : memref<512256xf32, #tpu.memory_space<vmem_shared>> -> memref<512256xf32, #tpu.memory_space<vmem_shared>>
    tpu.wait_indirect_dma semaphore(%arg18 : memref<!tpu.dma_semaphore, #tpu.memory_space<semaphore_mem>>) src(%dma_wait3A_1802 : memref<128xf32, #tpu.memory_space<vmem>>) dst(%dma_wait3A_1807 : memref<512256xf32, #tpu.memory_space<vmem_shared>>)
    %dma_wait3A_1808 = arith.constant 19 : i32
    %dma_wait3A_1809 = arith.constant 19 : i32
    %dma_wait3A_1810 = arith.constant 0 : i32
    %dma_wait3A_1811 = tpu.memref_slice %arg14[%dma_wait3A_1808, %dma_wait3A_1810] : memref<49x128xf32, #tpu.memory_space<vmem>> -> memref<1x128xf32, #tpu.memory_space<vmem>>
    %dma_wait3A_1812 = tpu.memref_squeeze %dma_wait3A_1811 : memref<1x128xf32, #tpu.memory_space<vmem>> -> memref<128xf32, #tpu.memory_space<vmem>>
    %dma_wait3A_1813 = arith.constant 0 : i32
    %dma_wait3A_1814 = tpu.memref_slice %arg13[%dma_wait3A_1809, %dma_wait3A_1813] : memref<49x128xi32, #tpu.memory_space<vmem>> -> memref<1x128xi32, #tpu.memory_space<vmem>>
    %dma_wait3A_1815 = tpu.memref_squeeze %dma_wait3A_1814 : memref<1x128xi32, #tpu.memory_space<vmem>> -> memref<128xi32, #tpu.memory_space<vmem>>
    %dma_wait3A_1816 = arith.constant 0 : i32
    %dma_wait3A_1817 = tpu.memref_slice %arg17[%dma_wait3A_1816] : memref<512256xf32, #tpu.memory_space<vmem_shared>> -> memref<512256xf32, #tpu.memory_space<vmem_shared>>
    tpu.wait_indirect_dma semaphore(%arg18 : memref<!tpu.dma_semaphore, #tpu.memory_space<semaphore_mem>>) src(%dma_wait3A_1812 : memref<128xf32, #tpu.memory_space<vmem>>) dst(%dma_wait3A_1817 : memref<512256xf32, #tpu.memory_space<vmem_shared>>)
    %dma_wait3A_1818 = arith.constant 20 : i32
    %dma_wait3A_1819 = arith.constant 20 : i32
    %dma_wait3A_1820 = arith.constant 0 : i32
    %dma_wait3A_1821 = tpu.memref_slice %arg14[%dma_wait3A_1818, %dma_wait3A_1820] : memref<49x128xf32, #tpu.memory_space<vmem>> -> memref<1x128xf32, #tpu.memory_space<vmem>>
    %dma_wait3A_1822 = tpu.memref_squeeze %dma_wait3A_1821 : memref<1x128xf32, #tpu.memory_space<vmem>> -> memref<128xf32, #tpu.memory_space<vmem>>
    %dma_wait3A_1823 = arith.constant 0 : i32
    %dma_wait3A_1824 = tpu.memref_slice %arg13[%dma_wait3A_1819, %dma_wait3A_1823] : memref<49x128xi32, #tpu.memory_space<vmem>> -> memref<1x128xi32, #tpu.memory_space<vmem>>
    %dma_wait3A_1825 = tpu.memref_squeeze %dma_wait3A_1824 : memref<1x128xi32, #tpu.memory_space<vmem>> -> memref<128xi32, #tpu.memory_space<vmem>>
    %dma_wait3A_1826 = arith.constant 0 : i32
    %dma_wait3A_1827 = tpu.memref_slice %arg17[%dma_wait3A_1826] : memref<512256xf32, #tpu.memory_space<vmem_shared>> -> memref<512256xf32, #tpu.memory_space<vmem_shared>>
    tpu.wait_indirect_dma semaphore(%arg18 : memref<!tpu.dma_semaphore, #tpu.memory_space<semaphore_mem>>) src(%dma_wait3A_1822 : memref<128xf32, #tpu.memory_space<vmem>>) dst(%dma_wait3A_1827 : memref<512256xf32, #tpu.memory_space<vmem_shared>>)
    %dma_wait3A_1828 = arith.constant 21 : i32
    %dma_wait3A_1829 = arith.constant 21 : i32
    %dma_wait3A_1830 = arith.constant 0 : i32
    %dma_wait3A_1831 = tpu.memref_slice %arg14[%dma_wait3A_1828, %dma_wait3A_1830] : memref<49x128xf32, #tpu.memory_space<vmem>> -> memref<1x128xf32, #tpu.memory_space<vmem>>
    %dma_wait3A_1832 = tpu.memref_squeeze %dma_wait3A_1831 : memref<1x128xf32, #tpu.memory_space<vmem>> -> memref<128xf32, #tpu.memory_space<vmem>>
    %dma_wait3A_1833 = arith.constant 0 : i32
    %dma_wait3A_1834 = tpu.memref_slice %arg13[%dma_wait3A_1829, %dma_wait3A_1833] : memref<49x128xi32, #tpu.memory_space<vmem>> -> memref<1x128xi32, #tpu.memory_space<vmem>>
    %dma_wait3A_1835 = tpu.memref_squeeze %dma_wait3A_1834 : memref<1x128xi32, #tpu.memory_space<vmem>> -> memref<128xi32, #tpu.memory_space<vmem>>
    %dma_wait3A_1836 = arith.constant 0 : i32
    %dma_wait3A_1837 = tpu.memref_slice %arg17[%dma_wait3A_1836] : memref<512256xf32, #tpu.memory_space<vmem_shared>> -> memref<512256xf32, #tpu.memory_space<vmem_shared>>
    tpu.wait_indirect_dma semaphore(%arg18 : memref<!tpu.dma_semaphore, #tpu.memory_space<semaphore_mem>>) src(%dma_wait3A_1832 : memref<128xf32, #tpu.memory_space<vmem>>) dst(%dma_wait3A_1837 : memref<512256xf32, #tpu.memory_space<vmem_shared>>)
    %dma_wait3A_1838 = arith.constant 22 : i32
    %dma_wait3A_1839 = arith.constant 22 : i32
    %dma_wait3A_1840 = arith.constant 0 : i32
    %dma_wait3A_1841 = tpu.memref_slice %arg14[%dma_wait3A_1838, %dma_wait3A_1840] : memref<49x128xf32, #tpu.memory_space<vmem>> -> memref<1x128xf32, #tpu.memory_space<vmem>>
    %dma_wait3A_1842 = tpu.memref_squeeze %dma_wait3A_1841 : memref<1x128xf32, #tpu.memory_space<vmem>> -> memref<128xf32, #tpu.memory_space<vmem>>
    %dma_wait3A_1843 = arith.constant 0 : i32
    %dma_wait3A_1844 = tpu.memref_slice %arg13[%dma_wait3A_1839, %dma_wait3A_1843] : memref<49x128xi32, #tpu.memory_space<vmem>> -> memref<1x128xi32, #tpu.memory_space<vmem>>
    %dma_wait3A_1845 = tpu.memref_squeeze %dma_wait3A_1844 : memref<1x128xi32, #tpu.memory_space<vmem>> -> memref<128xi32, #tpu.memory_space<vmem>>
    %dma_wait3A_1846 = arith.constant 0 : i32
    %dma_wait3A_1847 = tpu.memref_slice %arg17[%dma_wait3A_1846] : memref<512256xf32, #tpu.memory_space<vmem_shared>> -> memref<512256xf32, #tpu.memory_space<vmem_shared>>
    tpu.wait_indirect_dma semaphore(%arg18 : memref<!tpu.dma_semaphore, #tpu.memory_space<semaphore_mem>>) src(%dma_wait3A_1842 : memref<128xf32, #tpu.memory_space<vmem>>) dst(%dma_wait3A_1847 : memref<512256xf32, #tpu.memory_space<vmem_shared>>)
    %dma_wait3A_1848 = arith.constant 23 : i32
    %dma_wait3A_1849 = arith.constant 23 : i32
    %dma_wait3A_1850 = arith.constant 0 : i32
    %dma_wait3A_1851 = tpu.memref_slice %arg14[%dma_wait3A_1848, %dma_wait3A_1850] : memref<49x128xf32, #tpu.memory_space<vmem>> -> memref<1x128xf32, #tpu.memory_space<vmem>>
    %dma_wait3A_1852 = tpu.memref_squeeze %dma_wait3A_1851 : memref<1x128xf32, #tpu.memory_space<vmem>> -> memref<128xf32, #tpu.memory_space<vmem>>
    %dma_wait3A_1853 = arith.constant 0 : i32
    %dma_wait3A_1854 = tpu.memref_slice %arg13[%dma_wait3A_1849, %dma_wait3A_1853] : memref<49x128xi32, #tpu.memory_space<vmem>> -> memref<1x128xi32, #tpu.memory_space<vmem>>
    %dma_wait3A_1855 = tpu.memref_squeeze %dma_wait3A_1854 : memref<1x128xi32, #tpu.memory_space<vmem>> -> memref<128xi32, #tpu.memory_space<vmem>>
    %dma_wait3A_1856 = arith.constant 0 : i32
    %dma_wait3A_1857 = tpu.memref_slice %arg17[%dma_wait3A_1856] : memref<512256xf32, #tpu.memory_space<vmem_shared>> -> memref<512256xf32, #tpu.memory_space<vmem_shared>>
    tpu.wait_indirect_dma semaphore(%arg18 : memref<!tpu.dma_semaphore, #tpu.memory_space<semaphore_mem>>) src(%dma_wait3A_1852 : memref<128xf32, #tpu.memory_space<vmem>>) dst(%dma_wait3A_1857 : memref<512256xf32, #tpu.memory_space<vmem_shared>>)
    %dma_wait3A_1858 = arith.constant 24 : i32
    %dma_wait3A_1859 = arith.constant 24 : i32
    %dma_wait3A_1860 = arith.constant 0 : i32
    %dma_wait3A_1861 = tpu.memref_slice %arg14[%dma_wait3A_1858, %dma_wait3A_1860] : memref<49x128xf32, #tpu.memory_space<vmem>> -> memref<1x128xf32, #tpu.memory_space<vmem>>
    %dma_wait3A_1862 = tpu.memref_squeeze %dma_wait3A_1861 : memref<1x128xf32, #tpu.memory_space<vmem>> -> memref<128xf32, #tpu.memory_space<vmem>>
    %dma_wait3A_1863 = arith.constant 0 : i32
    %dma_wait3A_1864 = tpu.memref_slice %arg13[%dma_wait3A_1859, %dma_wait3A_1863] : memref<49x128xi32, #tpu.memory_space<vmem>> -> memref<1x128xi32, #tpu.memory_space<vmem>>
    %dma_wait3A_1865 = tpu.memref_squeeze %dma_wait3A_1864 : memref<1x128xi32, #tpu.memory_space<vmem>> -> memref<128xi32, #tpu.memory_space<vmem>>
    %dma_wait3A_1866 = arith.constant 0 : i32
    %dma_wait3A_1867 = tpu.memref_slice %arg17[%dma_wait3A_1866] : memref<512256xf32, #tpu.memory_space<vmem_shared>> -> memref<512256xf32, #tpu.memory_space<vmem_shared>>
    tpu.wait_indirect_dma semaphore(%arg18 : memref<!tpu.dma_semaphore, #tpu.memory_space<semaphore_mem>>) src(%dma_wait3A_1862 : memref<128xf32, #tpu.memory_space<vmem>>) dst(%dma_wait3A_1867 : memref<512256xf32, #tpu.memory_space<vmem_shared>>)
    %dma_wait3A_1868 = arith.constant 25 : i32
    %dma_wait3A_1869 = arith.constant 25 : i32
    %dma_wait3A_1870 = arith.constant 0 : i32
    %dma_wait3A_1871 = tpu.memref_slice %arg14[%dma_wait3A_1868, %dma_wait3A_1870] : memref<49x128xf32, #tpu.memory_space<vmem>> -> memref<1x128xf32, #tpu.memory_space<vmem>>
    %dma_wait3A_1872 = tpu.memref_squeeze %dma_wait3A_1871 : memref<1x128xf32, #tpu.memory_space<vmem>> -> memref<128xf32, #tpu.memory_space<vmem>>
    %dma_wait3A_1873 = arith.constant 0 : i32
    %dma_wait3A_1874 = tpu.memref_slice %arg13[%dma_wait3A_1869, %dma_wait3A_1873] : memref<49x128xi32, #tpu.memory_space<vmem>> -> memref<1x128xi32, #tpu.memory_space<vmem>>
    %dma_wait3A_1875 = tpu.memref_squeeze %dma_wait3A_1874 : memref<1x128xi32, #tpu.memory_space<vmem>> -> memref<128xi32, #tpu.memory_space<vmem>>
    %dma_wait3A_1876 = arith.constant 0 : i32
    %dma_wait3A_1877 = tpu.memref_slice %arg17[%dma_wait3A_1876] : memref<512256xf32, #tpu.memory_space<vmem_shared>> -> memref<512256xf32, #tpu.memory_space<vmem_shared>>
    tpu.wait_indirect_dma semaphore(%arg18 : memref<!tpu.dma_semaphore, #tpu.memory_space<semaphore_mem>>) src(%dma_wait3A_1872 : memref<128xf32, #tpu.memory_space<vmem>>) dst(%dma_wait3A_1877 : memref<512256xf32, #tpu.memory_space<vmem_shared>>)
    %dma_wait3A_1878 = arith.constant 26 : i32
    %dma_wait3A_1879 = arith.constant 26 : i32
    %dma_wait3A_1880 = arith.constant 0 : i32
    %dma_wait3A_1881 = tpu.memref_slice %arg14[%dma_wait3A_1878, %dma_wait3A_1880] : memref<49x128xf32, #tpu.memory_space<vmem>> -> memref<1x128xf32, #tpu.memory_space<vmem>>
    %dma_wait3A_1882 = tpu.memref_squeeze %dma_wait3A_1881 : memref<1x128xf32, #tpu.memory_space<vmem>> -> memref<128xf32, #tpu.memory_space<vmem>>
    %dma_wait3A_1883 = arith.constant 0 : i32
    %dma_wait3A_1884 = tpu.memref_slice %arg13[%dma_wait3A_1879, %dma_wait3A_1883] : memref<49x128xi32, #tpu.memory_space<vmem>> -> memref<1x128xi32, #tpu.memory_space<vmem>>
    %dma_wait3A_1885 = tpu.memref_squeeze %dma_wait3A_1884 : memref<1x128xi32, #tpu.memory_space<vmem>> -> memref<128xi32, #tpu.memory_space<vmem>>
    %dma_wait3A_1886 = arith.constant 0 : i32
    %dma_wait3A_1887 = tpu.memref_slice %arg17[%dma_wait3A_1886] : memref<512256xf32, #tpu.memory_space<vmem_shared>> -> memref<512256xf32, #tpu.memory_space<vmem_shared>>
    tpu.wait_indirect_dma semaphore(%arg18 : memref<!tpu.dma_semaphore, #tpu.memory_space<semaphore_mem>>) src(%dma_wait3A_1882 : memref<128xf32, #tpu.memory_space<vmem>>) dst(%dma_wait3A_1887 : memref<512256xf32, #tpu.memory_space<vmem_shared>>)
    %dma_wait3A_1888 = arith.constant 27 : i32
    %dma_wait3A_1889 = arith.constant 27 : i32
    %dma_wait3A_1890 = arith.constant 0 : i32
    %dma_wait3A_1891 = tpu.memref_slice %arg14[%dma_wait3A_1888, %dma_wait3A_1890] : memref<49x128xf32, #tpu.memory_space<vmem>> -> memref<1x128xf32, #tpu.memory_space<vmem>>
    %dma_wait3A_1892 = tpu.memref_squeeze %dma_wait3A_1891 : memref<1x128xf32, #tpu.memory_space<vmem>> -> memref<128xf32, #tpu.memory_space<vmem>>
    %dma_wait3A_1893 = arith.constant 0 : i32
    %dma_wait3A_1894 = tpu.memref_slice %arg13[%dma_wait3A_1889, %dma_wait3A_1893] : memref<49x128xi32, #tpu.memory_space<vmem>> -> memref<1x128xi32, #tpu.memory_space<vmem>>
    %dma_wait3A_1895 = tpu.memref_squeeze %dma_wait3A_1894 : memref<1x128xi32, #tpu.memory_space<vmem>> -> memref<128xi32, #tpu.memory_space<vmem>>
    %dma_wait3A_1896 = arith.constant 0 : i32
    %dma_wait3A_1897 = tpu.memref_slice %arg17[%dma_wait3A_1896] : memref<512256xf32, #tpu.memory_space<vmem_shared>> -> memref<512256xf32, #tpu.memory_space<vmem_shared>>
    tpu.wait_indirect_dma semaphore(%arg18 : memref<!tpu.dma_semaphore, #tpu.memory_space<semaphore_mem>>) src(%dma_wait3A_1892 : memref<128xf32, #tpu.memory_space<vmem>>) dst(%dma_wait3A_1897 : memref<512256xf32, #tpu.memory_space<vmem_shared>>)
    %dma_wait3A_1898 = arith.constant 28 : i32
    %dma_wait3A_1899 = arith.constant 28 : i32
    %dma_wait3A_1900 = arith.constant 0 : i32
    %dma_wait3A_1901 = tpu.memref_slice %arg14[%dma_wait3A_1898, %dma_wait3A_1900] : memref<49x128xf32, #tpu.memory_space<vmem>> -> memref<1x128xf32, #tpu.memory_space<vmem>>
    %dma_wait3A_1902 = tpu.memref_squeeze %dma_wait3A_1901 : memref<1x128xf32, #tpu.memory_space<vmem>> -> memref<128xf32, #tpu.memory_space<vmem>>
    %dma_wait3A_1903 = arith.constant 0 : i32
    %dma_wait3A_1904 = tpu.memref_slice %arg13[%dma_wait3A_1899, %dma_wait3A_1903] : memref<49x128xi32, #tpu.memory_space<vmem>> -> memref<1x128xi32, #tpu.memory_space<vmem>>
    %dma_wait3A_1905 = tpu.memref_squeeze %dma_wait3A_1904 : memref<1x128xi32, #tpu.memory_space<vmem>> -> memref<128xi32, #tpu.memory_space<vmem>>
    %dma_wait3A_1906 = arith.constant 0 : i32
    %dma_wait3A_1907 = tpu.memref_slice %arg17[%dma_wait3A_1906] : memref<512256xf32, #tpu.memory_space<vmem_shared>> -> memref<512256xf32, #tpu.memory_space<vmem_shared>>
    tpu.wait_indirect_dma semaphore(%arg18 : memref<!tpu.dma_semaphore, #tpu.memory_space<semaphore_mem>>) src(%dma_wait3A_1902 : memref<128xf32, #tpu.memory_space<vmem>>) dst(%dma_wait3A_1907 : memref<512256xf32, #tpu.memory_space<vmem_shared>>)
    %dma_wait3A_1908 = arith.constant 29 : i32
    %dma_wait3A_1909 = arith.constant 29 : i32
    %dma_wait3A_1910 = arith.constant 0 : i32
    %dma_wait3A_1911 = tpu.memref_slice %arg14[%dma_wait3A_1908, %dma_wait3A_1910] : memref<49x128xf32, #tpu.memory_space<vmem>> -> memref<1x128xf32, #tpu.memory_space<vmem>>
    %dma_wait3A_1912 = tpu.memref_squeeze %dma_wait3A_1911 : memref<1x128xf32, #tpu.memory_space<vmem>> -> memref<128xf32, #tpu.memory_space<vmem>>
    %dma_wait3A_1913 = arith.constant 0 : i32
    %dma_wait3A_1914 = tpu.memref_slice %arg13[%dma_wait3A_1909, %dma_wait3A_1913] : memref<49x128xi32, #tpu.memory_space<vmem>> -> memref<1x128xi32, #tpu.memory_space<vmem>>
    %dma_wait3A_1915 = tpu.memref_squeeze %dma_wait3A_1914 : memref<1x128xi32, #tpu.memory_space<vmem>> -> memref<128xi32, #tpu.memory_space<vmem>>
    %dma_wait3A_1916 = arith.constant 0 : i32
    %dma_wait3A_1917 = tpu.memref_slice %arg17[%dma_wait3A_1916] : memref<512256xf32, #tpu.memory_space<vmem_shared>> -> memref<512256xf32, #tpu.memory_space<vmem_shared>>
    tpu.wait_indirect_dma semaphore(%arg18 : memref<!tpu.dma_semaphore, #tpu.memory_space<semaphore_mem>>) src(%dma_wait3A_1912 : memref<128xf32, #tpu.memory_space<vmem>>) dst(%dma_wait3A_1917 : memref<512256xf32, #tpu.memory_space<vmem_shared>>)
    %dma_wait3A_1918 = arith.constant 30 : i32
    %dma_wait3A_1919 = arith.constant 30 : i32
    %dma_wait3A_1920 = arith.constant 0 : i32
    %dma_wait3A_1921 = tpu.memref_slice %arg14[%dma_wait3A_1918, %dma_wait3A_1920] : memref<49x128xf32, #tpu.memory_space<vmem>> -> memref<1x128xf32, #tpu.memory_space<vmem>>
    %dma_wait3A_1922 = tpu.memref_squeeze %dma_wait3A_1921 : memref<1x128xf32, #tpu.memory_space<vmem>> -> memref<128xf32, #tpu.memory_space<vmem>>
    %dma_wait3A_1923 = arith.constant 0 : i32
    %dma_wait3A_1924 = tpu.memref_slice %arg13[%dma_wait3A_1919, %dma_wait3A_1923] : memref<49x128xi32, #tpu.memory_space<vmem>> -> memref<1x128xi32, #tpu.memory_space<vmem>>
    %dma_wait3A_1925 = tpu.memref_squeeze %dma_wait3A_1924 : memref<1x128xi32, #tpu.memory_space<vmem>> -> memref<128xi32, #tpu.memory_space<vmem>>
    %dma_wait3A_1926 = arith.constant 0 : i32
    %dma_wait3A_1927 = tpu.memref_slice %arg17[%dma_wait3A_1926] : memref<512256xf32, #tpu.memory_space<vmem_shared>> -> memref<512256xf32, #tpu.memory_space<vmem_shared>>
    tpu.wait_indirect_dma semaphore(%arg18 : memref<!tpu.dma_semaphore, #tpu.memory_space<semaphore_mem>>) src(%dma_wait3A_1922 : memref<128xf32, #tpu.memory_space<vmem>>) dst(%dma_wait3A_1927 : memref<512256xf32, #tpu.memory_space<vmem_shared>>)
    %dma_wait3A_1928 = arith.constant 31 : i32
    %dma_wait3A_1929 = arith.constant 31 : i32
    %dma_wait3A_1930 = arith.constant 0 : i32
    %dma_wait3A_1931 = tpu.memref_slice %arg14[%dma_wait3A_1928, %dma_wait3A_1930] : memref<49x128xf32, #tpu.memory_space<vmem>> -> memref<1x128xf32, #tpu.memory_space<vmem>>
    %dma_wait3A_1932 = tpu.memref_squeeze %dma_wait3A_1931 : memref<1x128xf32, #tpu.memory_space<vmem>> -> memref<128xf32, #tpu.memory_space<vmem>>
    %dma_wait3A_1933 = arith.constant 0 : i32
    %dma_wait3A_1934 = tpu.memref_slice %arg13[%dma_wait3A_1929, %dma_wait3A_1933] : memref<49x128xi32, #tpu.memory_space<vmem>> -> memref<1x128xi32, #tpu.memory_space<vmem>>
    %dma_wait3A_1935 = tpu.memref_squeeze %dma_wait3A_1934 : memref<1x128xi32, #tpu.memory_space<vmem>> -> memref<128xi32, #tpu.memory_space<vmem>>
    %dma_wait3A_1936 = arith.constant 0 : i32
    %dma_wait3A_1937 = tpu.memref_slice %arg17[%dma_wait3A_1936] : memref<512256xf32, #tpu.memory_space<vmem_shared>> -> memref<512256xf32, #tpu.memory_space<vmem_shared>>
    tpu.wait_indirect_dma semaphore(%arg18 : memref<!tpu.dma_semaphore, #tpu.memory_space<semaphore_mem>>) src(%dma_wait3A_1932 : memref<128xf32, #tpu.memory_space<vmem>>) dst(%dma_wait3A_1937 : memref<512256xf32, #tpu.memory_space<vmem_shared>>)
    %dma_wait3A_1938 = arith.constant 32 : i32
    %dma_wait3A_1939 = arith.constant 32 : i32
    %dma_wait3A_1940 = arith.constant 0 : i32
    %dma_wait3A_1941 = tpu.memref_slice %arg14[%dma_wait3A_1938, %dma_wait3A_1940] : memref<49x128xf32, #tpu.memory_space<vmem>> -> memref<1x128xf32, #tpu.memory_space<vmem>>
    %dma_wait3A_1942 = tpu.memref_squeeze %dma_wait3A_1941 : memref<1x128xf32, #tpu.memory_space<vmem>> -> memref<128xf32, #tpu.memory_space<vmem>>
    %dma_wait3A_1943 = arith.constant 0 : i32
    %dma_wait3A_1944 = tpu.memref_slice %arg13[%dma_wait3A_1939, %dma_wait3A_1943] : memref<49x128xi32, #tpu.memory_space<vmem>> -> memref<1x128xi32, #tpu.memory_space<vmem>>
    %dma_wait3A_1945 = tpu.memref_squeeze %dma_wait3A_1944 : memref<1x128xi32, #tpu.memory_space<vmem>> -> memref<128xi32, #tpu.memory_space<vmem>>
    %dma_wait3A_1946 = arith.constant 0 : i32
    %dma_wait3A_1947 = tpu.memref_slice %arg17[%dma_wait3A_1946] : memref<512256xf32, #tpu.memory_space<vmem_shared>> -> memref<512256xf32, #tpu.memory_space<vmem_shared>>
    tpu.wait_indirect_dma semaphore(%arg18 : memref<!tpu.dma_semaphore, #tpu.memory_space<semaphore_mem>>) src(%dma_wait3A_1942 : memref<128xf32, #tpu.memory_space<vmem>>) dst(%dma_wait3A_1947 : memref<512256xf32, #tpu.memory_space<vmem_shared>>)
    %dma_wait3A_1948 = arith.constant 33 : i32
    %dma_wait3A_1949 = arith.constant 33 : i32
    %dma_wait3A_1950 = arith.constant 0 : i32
    %dma_wait3A_1951 = tpu.memref_slice %arg14[%dma_wait3A_1948, %dma_wait3A_1950] : memref<49x128xf32, #tpu.memory_space<vmem>> -> memref<1x128xf32, #tpu.memory_space<vmem>>
    %dma_wait3A_1952 = tpu.memref_squeeze %dma_wait3A_1951 : memref<1x128xf32, #tpu.memory_space<vmem>> -> memref<128xf32, #tpu.memory_space<vmem>>
    %dma_wait3A_1953 = arith.constant 0 : i32
    %dma_wait3A_1954 = tpu.memref_slice %arg13[%dma_wait3A_1949, %dma_wait3A_1953] : memref<49x128xi32, #tpu.memory_space<vmem>> -> memref<1x128xi32, #tpu.memory_space<vmem>>
    %dma_wait3A_1955 = tpu.memref_squeeze %dma_wait3A_1954 : memref<1x128xi32, #tpu.memory_space<vmem>> -> memref<128xi32, #tpu.memory_space<vmem>>
    %dma_wait3A_1956 = arith.constant 0 : i32
    %dma_wait3A_1957 = tpu.memref_slice %arg17[%dma_wait3A_1956] : memref<512256xf32, #tpu.memory_space<vmem_shared>> -> memref<512256xf32, #tpu.memory_space<vmem_shared>>
    tpu.wait_indirect_dma semaphore(%arg18 : memref<!tpu.dma_semaphore, #tpu.memory_space<semaphore_mem>>) src(%dma_wait3A_1952 : memref<128xf32, #tpu.memory_space<vmem>>) dst(%dma_wait3A_1957 : memref<512256xf32, #tpu.memory_space<vmem_shared>>)
    %dma_wait3A_1958 = arith.constant 34 : i32
    %dma_wait3A_1959 = arith.constant 34 : i32
    %dma_wait3A_1960 = arith.constant 0 : i32
    %dma_wait3A_1961 = tpu.memref_slice %arg14[%dma_wait3A_1958, %dma_wait3A_1960] : memref<49x128xf32, #tpu.memory_space<vmem>> -> memref<1x128xf32, #tpu.memory_space<vmem>>
    %dma_wait3A_1962 = tpu.memref_squeeze %dma_wait3A_1961 : memref<1x128xf32, #tpu.memory_space<vmem>> -> memref<128xf32, #tpu.memory_space<vmem>>
    %dma_wait3A_1963 = arith.constant 0 : i32
    %dma_wait3A_1964 = tpu.memref_slice %arg13[%dma_wait3A_1959, %dma_wait3A_1963] : memref<49x128xi32, #tpu.memory_space<vmem>> -> memref<1x128xi32, #tpu.memory_space<vmem>>
    %dma_wait3A_1965 = tpu.memref_squeeze %dma_wait3A_1964 : memref<1x128xi32, #tpu.memory_space<vmem>> -> memref<128xi32, #tpu.memory_space<vmem>>
    %dma_wait3A_1966 = arith.constant 0 : i32
    %dma_wait3A_1967 = tpu.memref_slice %arg17[%dma_wait3A_1966] : memref<512256xf32, #tpu.memory_space<vmem_shared>> -> memref<512256xf32, #tpu.memory_space<vmem_shared>>
    tpu.wait_indirect_dma semaphore(%arg18 : memref<!tpu.dma_semaphore, #tpu.memory_space<semaphore_mem>>) src(%dma_wait3A_1962 : memref<128xf32, #tpu.memory_space<vmem>>) dst(%dma_wait3A_1967 : memref<512256xf32, #tpu.memory_space<vmem_shared>>)
    %dma_wait3A_1968 = arith.constant 35 : i32
    %dma_wait3A_1969 = arith.constant 35 : i32
    %dma_wait3A_1970 = arith.constant 0 : i32
    %dma_wait3A_1971 = tpu.memref_slice %arg14[%dma_wait3A_1968, %dma_wait3A_1970] : memref<49x128xf32, #tpu.memory_space<vmem>> -> memref<1x128xf32, #tpu.memory_space<vmem>>
    %dma_wait3A_1972 = tpu.memref_squeeze %dma_wait3A_1971 : memref<1x128xf32, #tpu.memory_space<vmem>> -> memref<128xf32, #tpu.memory_space<vmem>>
    %dma_wait3A_1973 = arith.constant 0 : i32
    %dma_wait3A_1974 = tpu.memref_slice %arg13[%dma_wait3A_1969, %dma_wait3A_1973] : memref<49x128xi32, #tpu.memory_space<vmem>> -> memref<1x128xi32, #tpu.memory_space<vmem>>
    %dma_wait3A_1975 = tpu.memref_squeeze %dma_wait3A_1974 : memref<1x128xi32, #tpu.memory_space<vmem>> -> memref<128xi32, #tpu.memory_space<vmem>>
    %dma_wait3A_1976 = arith.constant 0 : i32
    %dma_wait3A_1977 = tpu.memref_slice %arg17[%dma_wait3A_1976] : memref<512256xf32, #tpu.memory_space<vmem_shared>> -> memref<512256xf32, #tpu.memory_space<vmem_shared>>
    tpu.wait_indirect_dma semaphore(%arg18 : memref<!tpu.dma_semaphore, #tpu.memory_space<semaphore_mem>>) src(%dma_wait3A_1972 : memref<128xf32, #tpu.memory_space<vmem>>) dst(%dma_wait3A_1977 : memref<512256xf32, #tpu.memory_space<vmem_shared>>)
    %dma_wait3A_1978 = arith.constant 36 : i32
    %dma_wait3A_1979 = arith.constant 36 : i32
    %dma_wait3A_1980 = arith.constant 0 : i32
    %dma_wait3A_1981 = tpu.memref_slice %arg14[%dma_wait3A_1978, %dma_wait3A_1980] : memref<49x128xf32, #tpu.memory_space<vmem>> -> memref<1x128xf32, #tpu.memory_space<vmem>>
    %dma_wait3A_1982 = tpu.memref_squeeze %dma_wait3A_1981 : memref<1x128xf32, #tpu.memory_space<vmem>> -> memref<128xf32, #tpu.memory_space<vmem>>
    %dma_wait3A_1983 = arith.constant 0 : i32
    %dma_wait3A_1984 = tpu.memref_slice %arg13[%dma_wait3A_1979, %dma_wait3A_1983] : memref<49x128xi32, #tpu.memory_space<vmem>> -> memref<1x128xi32, #tpu.memory_space<vmem>>
    %dma_wait3A_1985 = tpu.memref_squeeze %dma_wait3A_1984 : memref<1x128xi32, #tpu.memory_space<vmem>> -> memref<128xi32, #tpu.memory_space<vmem>>
    %dma_wait3A_1986 = arith.constant 0 : i32
    %dma_wait3A_1987 = tpu.memref_slice %arg17[%dma_wait3A_1986] : memref<512256xf32, #tpu.memory_space<vmem_shared>> -> memref<512256xf32, #tpu.memory_space<vmem_shared>>
    tpu.wait_indirect_dma semaphore(%arg18 : memref<!tpu.dma_semaphore, #tpu.memory_space<semaphore_mem>>) src(%dma_wait3A_1982 : memref<128xf32, #tpu.memory_space<vmem>>) dst(%dma_wait3A_1987 : memref<512256xf32, #tpu.memory_space<vmem_shared>>)
    %dma_wait3A_1988 = arith.constant 37 : i32
    %dma_wait3A_1989 = arith.constant 37 : i32
    %dma_wait3A_1990 = arith.constant 0 : i32
    %dma_wait3A_1991 = tpu.memref_slice %arg14[%dma_wait3A_1988, %dma_wait3A_1990] : memref<49x128xf32, #tpu.memory_space<vmem>> -> memref<1x128xf32, #tpu.memory_space<vmem>>
    %dma_wait3A_1992 = tpu.memref_squeeze %dma_wait3A_1991 : memref<1x128xf32, #tpu.memory_space<vmem>> -> memref<128xf32, #tpu.memory_space<vmem>>
    %dma_wait3A_1993 = arith.constant 0 : i32
    %dma_wait3A_1994 = tpu.memref_slice %arg13[%dma_wait3A_1989, %dma_wait3A_1993] : memref<49x128xi32, #tpu.memory_space<vmem>> -> memref<1x128xi32, #tpu.memory_space<vmem>>
    %dma_wait3A_1995 = tpu.memref_squeeze %dma_wait3A_1994 : memref<1x128xi32, #tpu.memory_space<vmem>> -> memref<128xi32, #tpu.memory_space<vmem>>
    %dma_wait3A_1996 = arith.constant 0 : i32
    %dma_wait3A_1997 = tpu.memref_slice %arg17[%dma_wait3A_1996] : memref<512256xf32, #tpu.memory_space<vmem_shared>> -> memref<512256xf32, #tpu.memory_space<vmem_shared>>
    tpu.wait_indirect_dma semaphore(%arg18 : memref<!tpu.dma_semaphore, #tpu.memory_space<semaphore_mem>>) src(%dma_wait3A_1992 : memref<128xf32, #tpu.memory_space<vmem>>) dst(%dma_wait3A_1997 : memref<512256xf32, #tpu.memory_space<vmem_shared>>)
    %dma_wait3A_1998 = arith.constant 38 : i32
    %dma_wait3A_1999 = arith.constant 38 : i32
    %dma_wait3A_2000 = arith.constant 0 : i32
    %dma_wait3A_2001 = tpu.memref_slice %arg14[%dma_wait3A_1998, %dma_wait3A_2000] : memref<49x128xf32, #tpu.memory_space<vmem>> -> memref<1x128xf32, #tpu.memory_space<vmem>>
    %dma_wait3A_2002 = tpu.memref_squeeze %dma_wait3A_2001 : memref<1x128xf32, #tpu.memory_space<vmem>> -> memref<128xf32, #tpu.memory_space<vmem>>
    %dma_wait3A_2003 = arith.constant 0 : i32
    %dma_wait3A_2004 = tpu.memref_slice %arg13[%dma_wait3A_1999, %dma_wait3A_2003] : memref<49x128xi32, #tpu.memory_space<vmem>> -> memref<1x128xi32, #tpu.memory_space<vmem>>
    %dma_wait3A_2005 = tpu.memref_squeeze %dma_wait3A_2004 : memref<1x128xi32, #tpu.memory_space<vmem>> -> memref<128xi32, #tpu.memory_space<vmem>>
    %dma_wait3A_2006 = arith.constant 0 : i32
    %dma_wait3A_2007 = tpu.memref_slice %arg17[%dma_wait3A_2006] : memref<512256xf32, #tpu.memory_space<vmem_shared>> -> memref<512256xf32, #tpu.memory_space<vmem_shared>>
    tpu.wait_indirect_dma semaphore(%arg18 : memref<!tpu.dma_semaphore, #tpu.memory_space<semaphore_mem>>) src(%dma_wait3A_2002 : memref<128xf32, #tpu.memory_space<vmem>>) dst(%dma_wait3A_2007 : memref<512256xf32, #tpu.memory_space<vmem_shared>>)
    %dma_wait3A_2008 = arith.constant 39 : i32
    %dma_wait3A_2009 = arith.constant 39 : i32
    %dma_wait3A_2010 = arith.constant 0 : i32
    %dma_wait3A_2011 = tpu.memref_slice %arg14[%dma_wait3A_2008, %dma_wait3A_2010] : memref<49x128xf32, #tpu.memory_space<vmem>> -> memref<1x128xf32, #tpu.memory_space<vmem>>
    %dma_wait3A_2012 = tpu.memref_squeeze %dma_wait3A_2011 : memref<1x128xf32, #tpu.memory_space<vmem>> -> memref<128xf32, #tpu.memory_space<vmem>>
    %dma_wait3A_2013 = arith.constant 0 : i32
    %dma_wait3A_2014 = tpu.memref_slice %arg13[%dma_wait3A_2009, %dma_wait3A_2013] : memref<49x128xi32, #tpu.memory_space<vmem>> -> memref<1x128xi32, #tpu.memory_space<vmem>>
    %dma_wait3A_2015 = tpu.memref_squeeze %dma_wait3A_2014 : memref<1x128xi32, #tpu.memory_space<vmem>> -> memref<128xi32, #tpu.memory_space<vmem>>
    %dma_wait3A_2016 = arith.constant 0 : i32
    %dma_wait3A_2017 = tpu.memref_slice %arg17[%dma_wait3A_2016] : memref<512256xf32, #tpu.memory_space<vmem_shared>> -> memref<512256xf32, #tpu.memory_space<vmem_shared>>
    tpu.wait_indirect_dma semaphore(%arg18 : memref<!tpu.dma_semaphore, #tpu.memory_space<semaphore_mem>>) src(%dma_wait3A_2012 : memref<128xf32, #tpu.memory_space<vmem>>) dst(%dma_wait3A_2017 : memref<512256xf32, #tpu.memory_space<vmem_shared>>)
    %dma_wait3A_2018 = arith.constant 40 : i32
    %dma_wait3A_2019 = arith.constant 40 : i32
    %dma_wait3A_2020 = arith.constant 0 : i32
    %dma_wait3A_2021 = tpu.memref_slice %arg14[%dma_wait3A_2018, %dma_wait3A_2020] : memref<49x128xf32, #tpu.memory_space<vmem>> -> memref<1x128xf32, #tpu.memory_space<vmem>>
    %dma_wait3A_2022 = tpu.memref_squeeze %dma_wait3A_2021 : memref<1x128xf32, #tpu.memory_space<vmem>> -> memref<128xf32, #tpu.memory_space<vmem>>
    %dma_wait3A_2023 = arith.constant 0 : i32
    %dma_wait3A_2024 = tpu.memref_slice %arg13[%dma_wait3A_2019, %dma_wait3A_2023] : memref<49x128xi32, #tpu.memory_space<vmem>> -> memref<1x128xi32, #tpu.memory_space<vmem>>
    %dma_wait3A_2025 = tpu.memref_squeeze %dma_wait3A_2024 : memref<1x128xi32, #tpu.memory_space<vmem>> -> memref<128xi32, #tpu.memory_space<vmem>>
    %dma_wait3A_2026 = arith.constant 0 : i32
    %dma_wait3A_2027 = tpu.memref_slice %arg17[%dma_wait3A_2026] : memref<512256xf32, #tpu.memory_space<vmem_shared>> -> memref<512256xf32, #tpu.memory_space<vmem_shared>>
    tpu.wait_indirect_dma semaphore(%arg18 : memref<!tpu.dma_semaphore, #tpu.memory_space<semaphore_mem>>) src(%dma_wait3A_2022 : memref<128xf32, #tpu.memory_space<vmem>>) dst(%dma_wait3A_2027 : memref<512256xf32, #tpu.memory_space<vmem_shared>>)
    %dma_wait3A_2028 = arith.constant 41 : i32
    %dma_wait3A_2029 = arith.constant 41 : i32
    %dma_wait3A_2030 = arith.constant 0 : i32
    %dma_wait3A_2031 = tpu.memref_slice %arg14[%dma_wait3A_2028, %dma_wait3A_2030] : memref<49x128xf32, #tpu.memory_space<vmem>> -> memref<1x128xf32, #tpu.memory_space<vmem>>
    %dma_wait3A_2032 = tpu.memref_squeeze %dma_wait3A_2031 : memref<1x128xf32, #tpu.memory_space<vmem>> -> memref<128xf32, #tpu.memory_space<vmem>>
    %dma_wait3A_2033 = arith.constant 0 : i32
    %dma_wait3A_2034 = tpu.memref_slice %arg13[%dma_wait3A_2029, %dma_wait3A_2033] : memref<49x128xi32, #tpu.memory_space<vmem>> -> memref<1x128xi32, #tpu.memory_space<vmem>>
    %dma_wait3A_2035 = tpu.memref_squeeze %dma_wait3A_2034 : memref<1x128xi32, #tpu.memory_space<vmem>> -> memref<128xi32, #tpu.memory_space<vmem>>
    %dma_wait3A_2036 = arith.constant 0 : i32
    %dma_wait3A_2037 = tpu.memref_slice %arg17[%dma_wait3A_2036] : memref<512256xf32, #tpu.memory_space<vmem_shared>> -> memref<512256xf32, #tpu.memory_space<vmem_shared>>
    tpu.wait_indirect_dma semaphore(%arg18 : memref<!tpu.dma_semaphore, #tpu.memory_space<semaphore_mem>>) src(%dma_wait3A_2032 : memref<128xf32, #tpu.memory_space<vmem>>) dst(%dma_wait3A_2037 : memref<512256xf32, #tpu.memory_space<vmem_shared>>)
    %dma_wait3A_2038 = arith.constant 42 : i32
    %dma_wait3A_2039 = arith.constant 42 : i32
    %dma_wait3A_2040 = arith.constant 0 : i32
    %dma_wait3A_2041 = tpu.memref_slice %arg14[%dma_wait3A_2038, %dma_wait3A_2040] : memref<49x128xf32, #tpu.memory_space<vmem>> -> memref<1x128xf32, #tpu.memory_space<vmem>>
    %dma_wait3A_2042 = tpu.memref_squeeze %dma_wait3A_2041 : memref<1x128xf32, #tpu.memory_space<vmem>> -> memref<128xf32, #tpu.memory_space<vmem>>
    %dma_wait3A_2043 = arith.constant 0 : i32
    %dma_wait3A_2044 = tpu.memref_slice %arg13[%dma_wait3A_2039, %dma_wait3A_2043] : memref<49x128xi32, #tpu.memory_space<vmem>> -> memref<1x128xi32, #tpu.memory_space<vmem>>
    %dma_wait3A_2045 = tpu.memref_squeeze %dma_wait3A_2044 : memref<1x128xi32, #tpu.memory_space<vmem>> -> memref<128xi32, #tpu.memory_space<vmem>>
    %dma_wait3A_2046 = arith.constant 0 : i32
    %dma_wait3A_2047 = tpu.memref_slice %arg17[%dma_wait3A_2046] : memref<512256xf32, #tpu.memory_space<vmem_shared>> -> memref<512256xf32, #tpu.memory_space<vmem_shared>>
    tpu.wait_indirect_dma semaphore(%arg18 : memref<!tpu.dma_semaphore, #tpu.memory_space<semaphore_mem>>) src(%dma_wait3A_2042 : memref<128xf32, #tpu.memory_space<vmem>>) dst(%dma_wait3A_2047 : memref<512256xf32, #tpu.memory_space<vmem_shared>>)
    %dma_wait3A_2048 = arith.constant 43 : i32
    %dma_wait3A_2049 = arith.constant 43 : i32
    %dma_wait3A_2050 = arith.constant 0 : i32
    %dma_wait3A_2051 = tpu.memref_slice %arg14[%dma_wait3A_2048, %dma_wait3A_2050] : memref<49x128xf32, #tpu.memory_space<vmem>> -> memref<1x128xf32, #tpu.memory_space<vmem>>
    %dma_wait3A_2052 = tpu.memref_squeeze %dma_wait3A_2051 : memref<1x128xf32, #tpu.memory_space<vmem>> -> memref<128xf32, #tpu.memory_space<vmem>>
    %dma_wait3A_2053 = arith.constant 0 : i32
    %dma_wait3A_2054 = tpu.memref_slice %arg13[%dma_wait3A_2049, %dma_wait3A_2053] : memref<49x128xi32, #tpu.memory_space<vmem>> -> memref<1x128xi32, #tpu.memory_space<vmem>>
    %dma_wait3A_2055 = tpu.memref_squeeze %dma_wait3A_2054 : memref<1x128xi32, #tpu.memory_space<vmem>> -> memref<128xi32, #tpu.memory_space<vmem>>
    %dma_wait3A_2056 = arith.constant 0 : i32
    %dma_wait3A_2057 = tpu.memref_slice %arg17[%dma_wait3A_2056] : memref<512256xf32, #tpu.memory_space<vmem_shared>> -> memref<512256xf32, #tpu.memory_space<vmem_shared>>
    tpu.wait_indirect_dma semaphore(%arg18 : memref<!tpu.dma_semaphore, #tpu.memory_space<semaphore_mem>>) src(%dma_wait3A_2052 : memref<128xf32, #tpu.memory_space<vmem>>) dst(%dma_wait3A_2057 : memref<512256xf32, #tpu.memory_space<vmem_shared>>)
    %dma_wait3A_2058 = arith.constant 44 : i32
    %dma_wait3A_2059 = arith.constant 44 : i32
    %dma_wait3A_2060 = arith.constant 0 : i32
    %dma_wait3A_2061 = tpu.memref_slice %arg14[%dma_wait3A_2058, %dma_wait3A_2060] : memref<49x128xf32, #tpu.memory_space<vmem>> -> memref<1x128xf32, #tpu.memory_space<vmem>>
    %dma_wait3A_2062 = tpu.memref_squeeze %dma_wait3A_2061 : memref<1x128xf32, #tpu.memory_space<vmem>> -> memref<128xf32, #tpu.memory_space<vmem>>
    %dma_wait3A_2063 = arith.constant 0 : i32
    %dma_wait3A_2064 = tpu.memref_slice %arg13[%dma_wait3A_2059, %dma_wait3A_2063] : memref<49x128xi32, #tpu.memory_space<vmem>> -> memref<1x128xi32, #tpu.memory_space<vmem>>
    %dma_wait3A_2065 = tpu.memref_squeeze %dma_wait3A_2064 : memref<1x128xi32, #tpu.memory_space<vmem>> -> memref<128xi32, #tpu.memory_space<vmem>>
    %dma_wait3A_2066 = arith.constant 0 : i32
    %dma_wait3A_2067 = tpu.memref_slice %arg17[%dma_wait3A_2066] : memref<512256xf32, #tpu.memory_space<vmem_shared>> -> memref<512256xf32, #tpu.memory_space<vmem_shared>>
    tpu.wait_indirect_dma semaphore(%arg18 : memref<!tpu.dma_semaphore, #tpu.memory_space<semaphore_mem>>) src(%dma_wait3A_2062 : memref<128xf32, #tpu.memory_space<vmem>>) dst(%dma_wait3A_2067 : memref<512256xf32, #tpu.memory_space<vmem_shared>>)
    %dma_wait3A_2068 = arith.constant 45 : i32
    %dma_wait3A_2069 = arith.constant 45 : i32
    %dma_wait3A_2070 = arith.constant 0 : i32
    %dma_wait3A_2071 = tpu.memref_slice %arg14[%dma_wait3A_2068, %dma_wait3A_2070] : memref<49x128xf32, #tpu.memory_space<vmem>> -> memref<1x128xf32, #tpu.memory_space<vmem>>
    %dma_wait3A_2072 = tpu.memref_squeeze %dma_wait3A_2071 : memref<1x128xf32, #tpu.memory_space<vmem>> -> memref<128xf32, #tpu.memory_space<vmem>>
    %dma_wait3A_2073 = arith.constant 0 : i32
    %dma_wait3A_2074 = tpu.memref_slice %arg13[%dma_wait3A_2069, %dma_wait3A_2073] : memref<49x128xi32, #tpu.memory_space<vmem>> -> memref<1x128xi32, #tpu.memory_space<vmem>>
    %dma_wait3A_2075 = tpu.memref_squeeze %dma_wait3A_2074 : memref<1x128xi32, #tpu.memory_space<vmem>> -> memref<128xi32, #tpu.memory_space<vmem>>
    %dma_wait3A_2076 = arith.constant 0 : i32
    %dma_wait3A_2077 = tpu.memref_slice %arg17[%dma_wait3A_2076] : memref<512256xf32, #tpu.memory_space<vmem_shared>> -> memref<512256xf32, #tpu.memory_space<vmem_shared>>
    tpu.wait_indirect_dma semaphore(%arg18 : memref<!tpu.dma_semaphore, #tpu.memory_space<semaphore_mem>>) src(%dma_wait3A_2072 : memref<128xf32, #tpu.memory_space<vmem>>) dst(%dma_wait3A_2077 : memref<512256xf32, #tpu.memory_space<vmem_shared>>)
    %dma_wait3A_2078 = arith.constant 46 : i32
    %dma_wait3A_2079 = arith.constant 46 : i32
    %dma_wait3A_2080 = arith.constant 0 : i32
    %dma_wait3A_2081 = tpu.memref_slice %arg14[%dma_wait3A_2078, %dma_wait3A_2080] : memref<49x128xf32, #tpu.memory_space<vmem>> -> memref<1x128xf32, #tpu.memory_space<vmem>>
    %dma_wait3A_2082 = tpu.memref_squeeze %dma_wait3A_2081 : memref<1x128xf32, #tpu.memory_space<vmem>> -> memref<128xf32, #tpu.memory_space<vmem>>
    %dma_wait3A_2083 = arith.constant 0 : i32
    %dma_wait3A_2084 = tpu.memref_slice %arg13[%dma_wait3A_2079, %dma_wait3A_2083] : memref<49x128xi32, #tpu.memory_space<vmem>> -> memref<1x128xi32, #tpu.memory_space<vmem>>
    %dma_wait3A_2085 = tpu.memref_squeeze %dma_wait3A_2084 : memref<1x128xi32, #tpu.memory_space<vmem>> -> memref<128xi32, #tpu.memory_space<vmem>>
    %dma_wait3A_2086 = arith.constant 0 : i32
    %dma_wait3A_2087 = tpu.memref_slice %arg17[%dma_wait3A_2086] : memref<512256xf32, #tpu.memory_space<vmem_shared>> -> memref<512256xf32, #tpu.memory_space<vmem_shared>>
    tpu.wait_indirect_dma semaphore(%arg18 : memref<!tpu.dma_semaphore, #tpu.memory_space<semaphore_mem>>) src(%dma_wait3A_2082 : memref<128xf32, #tpu.memory_space<vmem>>) dst(%dma_wait3A_2087 : memref<512256xf32, #tpu.memory_space<vmem_shared>>)
    %dma_wait3A_2088 = arith.constant 47 : i32
    %dma_wait3A_2089 = arith.constant 47 : i32
    %dma_wait3A_2090 = arith.constant 0 : i32
    %dma_wait3A_2091 = tpu.memref_slice %arg14[%dma_wait3A_2088, %dma_wait3A_2090] : memref<49x128xf32, #tpu.memory_space<vmem>> -> memref<1x128xf32, #tpu.memory_space<vmem>>
    %dma_wait3A_2092 = tpu.memref_squeeze %dma_wait3A_2091 : memref<1x128xf32, #tpu.memory_space<vmem>> -> memref<128xf32, #tpu.memory_space<vmem>>
    %dma_wait3A_2093 = arith.constant 0 : i32
    %dma_wait3A_2094 = tpu.memref_slice %arg13[%dma_wait3A_2089, %dma_wait3A_2093] : memref<49x128xi32, #tpu.memory_space<vmem>> -> memref<1x128xi32, #tpu.memory_space<vmem>>
    %dma_wait3A_2095 = tpu.memref_squeeze %dma_wait3A_2094 : memref<1x128xi32, #tpu.memory_space<vmem>> -> memref<128xi32, #tpu.memory_space<vmem>>
    %dma_wait3A_2096 = arith.constant 0 : i32
    %dma_wait3A_2097 = tpu.memref_slice %arg17[%dma_wait3A_2096] : memref<512256xf32, #tpu.memory_space<vmem_shared>> -> memref<512256xf32, #tpu.memory_space<vmem_shared>>
    tpu.wait_indirect_dma semaphore(%arg18 : memref<!tpu.dma_semaphore, #tpu.memory_space<semaphore_mem>>) src(%dma_wait3A_2092 : memref<128xf32, #tpu.memory_space<vmem>>) dst(%dma_wait3A_2097 : memref<512256xf32, #tpu.memory_space<vmem_shared>>)
    %dma_wait3A_2098 = arith.constant 48 : i32
    %dma_wait3A_2099 = arith.constant 48 : i32
    %dma_wait3A_2100 = arith.constant 0 : i32
    %dma_wait3A_2101 = tpu.memref_slice %arg14[%dma_wait3A_2098, %dma_wait3A_2100] : memref<49x128xf32, #tpu.memory_space<vmem>> -> memref<1x128xf32, #tpu.memory_space<vmem>>
    %dma_wait3A_2102 = tpu.memref_squeeze %dma_wait3A_2101 : memref<1x128xf32, #tpu.memory_space<vmem>> -> memref<128xf32, #tpu.memory_space<vmem>>
    %dma_wait3A_2103 = arith.constant 0 : i32
    %dma_wait3A_2104 = tpu.memref_slice %arg13[%dma_wait3A_2099, %dma_wait3A_2103] : memref<49x128xi32, #tpu.memory_space<vmem>> -> memref<1x128xi32, #tpu.memory_space<vmem>>
    %dma_wait3A_2105 = tpu.memref_squeeze %dma_wait3A_2104 : memref<1x128xi32, #tpu.memory_space<vmem>> -> memref<128xi32, #tpu.memory_space<vmem>>
    %dma_wait3A_2106 = arith.constant 0 : i32
    %dma_wait3A_2107 = tpu.memref_slice %arg17[%dma_wait3A_2106] : memref<512256xf32, #tpu.memory_space<vmem_shared>> -> memref<512256xf32, #tpu.memory_space<vmem_shared>>
    tpu.wait_indirect_dma semaphore(%arg18 : memref<!tpu.dma_semaphore, #tpu.memory_space<semaphore_mem>>) src(%dma_wait3A_2102 : memref<128xf32, #tpu.memory_space<vmem>>) dst(%dma_wait3A_2107 : memref<512256xf32, #tpu.memory_space<vmem_shared>>)
    %dma_wait3A_2108 = tpu.memref_slice %arg8[%add3A_1108] : memref<1024256xf32, #tpu.memory_space<hbm>> -> memref<32016xf32, #tpu.memory_space<hbm>>
    %dma_wait3A_2109 = tpu.memref_slice %arg8[%add3A_1108] : memref<1024256xf32, #tpu.memory_space<hbm>> -> memref<32016xf32, #tpu.memory_space<hbm>>
    tpu.wait_dma2 semaphore(%arg19 : memref<!tpu.dma_semaphore, #tpu.memory_space<semaphore_mem>>) src(%arg16 : memref<32016xf32, #tpu.memory_space<vmem>>) dst(%dma_wait3A_2109 : memref<32016xf32, #tpu.memory_space<hbm>>)
    %barrier3A_2110 = arith.constant 0 : index
    tpu.barrier barrier_id(%barrier3A_2110)
    "tpu.trace_stop"() : () -> ()
    "tpu.trace_start"() <{level = 10 : i32, message = "sc_out_1"}> : () -> ()
    %mul3A_2111 = arith.constant 32016 : i32
    %mul3A_2112 = arith.muli %arg1, %mul3A_2111 : i32
    "tpu.region"() ({
      %run_scoped3A = tpu.sem_alloc : memref<!tpu.dma_semaphore, #tpu.memory_space<semaphore_mem>>
      %dma_start3A_2129 = tpu.memref_slice %arg17[%mul3A_2112] : memref<512256xf32, #tpu.memory_space<vmem_shared>> -> memref<32016xf32, #tpu.memory_space<vmem_shared>>
      %dma_start3A_2130 = tpu.memref_slice %arg17[%mul3A_2112] : memref<512256xf32, #tpu.memory_space<vmem_shared>> -> memref<32016xf32, #tpu.memory_space<vmem_shared>>
      tpu.enqueue_dma source(%dma_start3A_2130 : memref<32016xf32, #tpu.memory_space<vmem_shared>>) target(%arg16 : memref<32016xf32, #tpu.memory_space<vmem>>) target_semaphore(%run_scoped3A : memref<!tpu.dma_semaphore, #tpu.memory_space<semaphore_mem>>)
      %dma_wait3A_2131 = tpu.memref_slice %arg17[%mul3A_2112] : memref<512256xf32, #tpu.memory_space<vmem_shared>> -> memref<32016xf32, #tpu.memory_space<vmem_shared>>
      %dma_wait3A_2132 = tpu.memref_slice %arg17[%mul3A_2112] : memref<512256xf32, #tpu.memory_space<vmem_shared>> -> memref<32016xf32, #tpu.memory_space<vmem_shared>>
      tpu.wait_dma2 semaphore(%run_scoped3A : memref<!tpu.dma_semaphore, #tpu.memory_space<semaphore_mem>>) src(%dma_wait3A_2132 : memref<32016xf32, #tpu.memory_space<vmem_shared>>) dst(%arg16 : memref<32016xf32, #tpu.memory_space<vmem>>)
      tpu.yield
    }) : () -> ()
    %mul3A_2113 = arith.constant 32016 : i32
    %mul3A_2114 = arith.muli %arg1, %mul3A_2113 : i32
    %add3A_2115 = arith.constant 512000 : i32
    %add3A_2116 = arith.addi %add3A_2115, %mul3A_2114 : i32
    %eq3A_2117 = arith.constant 0 : i32
    %eq3A_2118 = arith.cmpi eq, %arg0, %eq3A_2117 : i32
    %convert_element_type3A_2119 = arith.extui %eq3A_2118 : i1 to i32
    %cond3A_2120 = arith.constant 0 : i32
    %cond3A_2121 = arith.cmpi ne, %convert_element_type3A_2119, %cond3A_2120 : i32
    scf.if %cond3A_2121 {
      %dma_start3A_2129 = tpu.memref_slice %arg8[%add3A_2116] : memref<1024256xf32, #tpu.memory_space<hbm>> -> memref<32016xf32, #tpu.memory_space<hbm>>
      %dma_start3A_2130 = tpu.memref_slice %arg8[%add3A_2116] : memref<1024256xf32, #tpu.memory_space<hbm>> -> memref<32016xf32, #tpu.memory_space<hbm>>
      tpu.enqueue_dma source(%arg16 : memref<32016xf32, #tpu.memory_space<vmem>>) target(%dma_start3A_2130 : memref<32016xf32, #tpu.memory_space<hbm>>) target_semaphore(%arg19 : memref<!tpu.dma_semaphore, #tpu.memory_space<semaphore_mem>>)
    } else {
    }
    %eq3A_2122 = arith.constant 1 : i32
    %eq3A_2123 = arith.cmpi eq, %arg0, %eq3A_2122 : i32
    %convert_element_type3A_2124 = arith.extui %eq3A_2123 : i1 to i32
    %cond3A_2125 = arith.constant 0 : i32
    %cond3A_2126 = arith.cmpi ne, %convert_element_type3A_2124, %cond3A_2125 : i32
    scf.if %cond3A_2126 {
      %dma_start3A_2129 = tpu.memref_slice %arg9[%add3A_2116] : memref<1024256xf32, #tpu.memory_space<hbm>> -> memref<32016xf32, #tpu.memory_space<hbm>>
      %dma_start3A_2130 = tpu.memref_slice %arg9[%add3A_2116] : memref<1024256xf32, #tpu.memory_space<hbm>> -> memref<32016xf32, #tpu.memory_space<hbm>>
      tpu.enqueue_dma source(%arg16 : memref<32016xf32, #tpu.memory_space<vmem>>) target(%dma_start3A_2130 : memref<32016xf32, #tpu.memory_space<hbm>>) target_semaphore(%arg19 : memref<!tpu.dma_semaphore, #tpu.memory_space<semaphore_mem>>)
    } else {
    }
    "tpu.trace_stop"() : () -> ()
    %dma_wait3A_2127 = tpu.memref_slice %arg8[%add3A_2116] : memref<1024256xf32, #tpu.memory_space<hbm>> -> memref<32016xf32, #tpu.memory_space<hbm>>
    %dma_wait3A_2128 = tpu.memref_slice %arg8[%add3A_2116] : memref<1024256xf32, #tpu.memory_space<hbm>> -> memref<32016xf32, #tpu.memory_space<hbm>>
    tpu.wait_dma2 semaphore(%arg19 : memref<!tpu.dma_semaphore, #tpu.memory_space<semaphore_mem>>) src(%arg16 : memref<32016xf32, #tpu.memory_space<vmem>>) dst(%dma_wait3A_2128 : memref<32016xf32, #tpu.memory_space<hbm>>)
    return
  }
}

module attributes {stable_mosaic.version = 14 : i64} {
  func.func @_tc_body(%arg0: memref<1000x1024xf32, #tpu.memory_space<vmem>>, %arg1: memref<1000x1024xf32, #tpu.memory_space<vmem>>, %arg2: memref<1024x128xf32, #tpu.memory_space<vmem>>, %arg3: memref<128x128xf32, #tpu.memory_space<vmem>>, %arg4: memref<1x128xf32, #tpu.memory_space<vmem>>, %arg5: memref<128x128xf32, #tpu.memory_space<vmem>>, %arg6: memref<1x128xf32, #tpu.memory_space<vmem>>, %arg7: memref<128x128xf32, #tpu.memory_space<vmem>>, %arg8: memref<1000x128xf32, #tpu.memory_space<vmem>>) attributes {dimension_semantics = [], scalar_prefetch = 0 : i64, scratch_operands = 0 : i64, tpu.core_type = #tpu.core_type<tc>} {
    %get3A = arith.constant 0 : index
    %get3A_0 = arith.constant 0 : index
    %get3A_1 = vector.load %arg0[%get3A, %get3A_0] : memref<1000x1024xf32, #tpu.memory_space<vmem>>, vector<1000x1024xf32>
    %get3A_2 = arith.constant 0 : index
    %get3A_3 = arith.constant 0 : index
    %get3A_4 = vector.load %arg1[%get3A_2, %get3A_3] : memref<1000x1024xf32, #tpu.memory_space<vmem>>, vector<1000x1024xf32>
    %reduce_sum3A = arith.constant dense<0.000000e+00> : vector<1000xf32>
    %reduce_sum3A_5 = vector.multi_reduction <add>, %get3A_1, %reduce_sum3A [1] : vector<1000x1024xf32> to vector<1000xf32>
    %broadcast_in_dim3A = vector.shape_cast %reduce_sum3A_5 : vector<1000xf32> to vector<1000x1xf32>
    %add3A = arith.constant 1.000000e+00 : f32
    %add3A_6 = vector.broadcast %add3A : f32 to vector<1000x1xf32>
    %add3A_7 = arith.addf %add3A_6, %broadcast_in_dim3A : vector<1000x1xf32>
    %rsqrt3A = math.rsqrt %add3A_7 : vector<1000x1xf32>
    %get3A_8 = arith.constant 0 : index
    %get3A_9 = arith.constant 0 : index
    %get3A_10 = vector.load %arg2[%get3A_8, %get3A_9] : memref<1024x128xf32, #tpu.memory_space<vmem>>, vector<1024x128xf32>
    %get3A_11 = arith.constant 0 : index
    %get3A_12 = arith.constant 0 : index
    %get3A_13 = vector.load %arg3[%get3A_11, %get3A_12] : memref<128x128xf32, #tpu.memory_space<vmem>>, vector<128x128xf32>
    %dot_general3A = arith.constant dense<0.000000e+00> : vector<1024x128xf32>
    %dot_general3A_14 = tpu.matmul %get3A_10, %get3A_13, %dot_general3A {dimension_numbers = #tpu.dot_dimension_numbers<[1], [0], [0], [1], [0, 0, 1, 1], [], []>, transpose_lhs_hint = false} : vector<1024x128xf32>, vector<128x128xf32>, vector<1024x128xf32> -> vector<1024x128xf32>
    %broadcast_in_dim3A_15 = arith.constant 0.000000e+00 : f32
    %broadcast_in_dim3A_16 = vector.broadcast %broadcast_in_dim3A_15 : f32 to vector<24x1xf32>
    %concatenate3A = tpu.concatenate %rsqrt3A, %broadcast_in_dim3A_16 in 0 : vector<1000x1xf32>, vector<24x1xf32> -> vector<1024x1xf32>
    %mul3A = vector.broadcast %concatenate3A : vector<1024x1xf32> to vector<1024x128xf32>
    %mul3A_17 = arith.mulf %mul3A, %dot_general3A_14 : vector<1024x128xf32>
    %dot_general3A_18 = arith.constant dense<0.000000e+00> : vector<1000x128xf32>
    %dot_general3A_19 = tpu.matmul %get3A_1, %mul3A_17, %dot_general3A_18 {dimension_numbers = #tpu.dot_dimension_numbers<[1], [0], [0], [1], [0, 0, 1, 1], [], []>, transpose_lhs_hint = false} : vector<1000x1024xf32>, vector<1024x128xf32>, vector<1000x128xf32> -> vector<1000x128xf32>
    %mul3A_20 = vector.broadcast %rsqrt3A : vector<1000x1xf32> to vector<1000x128xf32>
    %mul3A_21 = arith.mulf %mul3A_20, %dot_general3A_19 : vector<1000x128xf32>
    %slice3A = vector.extract_strided_slice %dot_general3A_14 {offsets = [0, 0], sizes = [1000, 128], strides = [1, 1]} : vector<1024x128xf32> to vector<1000x128xf32>
    %div3A = vector.broadcast %add3A_7 : vector<1000x1xf32> to vector<1000x128xf32>
    %div3A_22 = arith.divf %slice3A, %div3A : vector<1000x128xf32>
    %add3A_23 = arith.addf %mul3A_21, %div3A_22 : vector<1000x128xf32>
    %get3A_24 = arith.constant 0 : index
    %get3A_25 = arith.constant 0 : index
    %get3A_26 = vector.load %arg4[%get3A_24, %get3A_25] : memref<1x128xf32, #tpu.memory_space<vmem>>, vector<1x128xf32>
    %add3A_27 = vector.broadcast %get3A_26 : vector<1x128xf32> to vector<1000x128xf32>
    %add3A_28 = arith.addf %add3A_23, %add3A_27 : vector<1000x128xf32>
    %reduce_sum3A_29 = arith.constant dense<0.000000e+00> : vector<1000xf32>
    %reduce_sum3A_30 = vector.multi_reduction <add>, %get3A_4, %reduce_sum3A_29 [1] : vector<1000x1024xf32> to vector<1000xf32>
    %broadcast_in_dim3A_31 = vector.shape_cast %reduce_sum3A_30 : vector<1000xf32> to vector<1000x1xf32>
    %broadcast_in_dim3A_32 = arith.constant 0.000000e+00 : f32
    %broadcast_in_dim3A_33 = vector.broadcast %broadcast_in_dim3A_32 : f32 to vector<24x128xf32>
    %concatenate3A_34 = tpu.concatenate %add3A_28, %broadcast_in_dim3A_33 in 0 : vector<1000x128xf32>, vector<24x128xf32> -> vector<1024x128xf32>
    %dot_general3A_35 = arith.constant dense<0.000000e+00> : vector<1000x128xf32>
    %dot_general3A_36 = tpu.matmul %get3A_4, %concatenate3A_34, %dot_general3A_35 {dimension_numbers = #tpu.dot_dimension_numbers<[1], [0], [0], [1], [0, 0, 1, 1], [], []>, transpose_lhs_hint = false} : vector<1000x1024xf32>, vector<1024x128xf32>, vector<1000x128xf32> -> vector<1000x128xf32>
    %max3A = arith.constant 1.000000e+00 : f32
    %max3A_37 = vector.broadcast %max3A : f32 to vector<1000x1xf32>
    %max3A_38 = arith.maximumf %broadcast_in_dim3A_31, %max3A_37 : vector<1000x1xf32>
    %div3A_39 = vector.broadcast %max3A_38 : vector<1000x1xf32> to vector<1000x128xf32>
    %div3A_40 = arith.divf %dot_general3A_36, %div3A_39 : vector<1000x128xf32>
    %get3A_41 = arith.constant 0 : index
    %get3A_42 = arith.constant 0 : index
    %get3A_43 = vector.load %arg5[%get3A_41, %get3A_42] : memref<128x128xf32, #tpu.memory_space<vmem>>, vector<128x128xf32>
    %dot_general3A_44 = arith.constant dense<0.000000e+00> : vector<1000x128xf32>
    %dot_general3A_45 = tpu.matmul %div3A_40, %get3A_43, %dot_general3A_44 {dimension_numbers = #tpu.dot_dimension_numbers<[1], [0], [0], [1], [0, 0, 1, 1], [], []>, transpose_lhs_hint = false} : vector<1000x128xf32>, vector<128x128xf32>, vector<1000x128xf32> -> vector<1000x128xf32>
    %get3A_46 = arith.constant 0 : index
    %get3A_47 = arith.constant 0 : index
    %get3A_48 = vector.load %arg6[%get3A_46, %get3A_47] : memref<1x128xf32, #tpu.memory_space<vmem>>, vector<1x128xf32>
    %add3A_49 = vector.broadcast %get3A_48 : vector<1x128xf32> to vector<1000x128xf32>
    %add3A_50 = arith.addf %dot_general3A_45, %add3A_49 : vector<1000x128xf32>
    %get3A_51 = arith.constant 0 : index
    %get3A_52 = arith.constant 0 : index
    %get3A_53 = vector.load %arg7[%get3A_51, %get3A_52] : memref<128x128xf32, #tpu.memory_space<vmem>>, vector<128x128xf32>
    %dot_general3A_54 = arith.constant dense<0.000000e+00> : vector<1000x128xf32>
    %dot_general3A_55 = tpu.matmul %add3A_28, %get3A_53, %dot_general3A_54 {dimension_numbers = #tpu.dot_dimension_numbers<[1], [0], [0], [1], [0, 0, 1, 1], [], []>, transpose_lhs_hint = false} : vector<1000x128xf32>, vector<128x128xf32>, vector<1000x128xf32> -> vector<1000x128xf32>
    %add3A_56 = arith.addf %add3A_50, %dot_general3A_55 : vector<1000x128xf32>
    %mul3A_57 = arith.mulf %add3A_56, %add3A_56 : vector<1000x128xf32>
    %reduce_sum3A_58 = arith.constant dense<0.000000e+00> : vector<1000xf32>
    %reduce_sum3A_59 = vector.multi_reduction <add>, %mul3A_57, %reduce_sum3A_58 [1] : vector<1000x128xf32> to vector<1000xf32>
    %broadcast_in_dim3A_60 = vector.shape_cast %reduce_sum3A_59 : vector<1000xf32> to vector<1000x1xf32>
    %sqrt3A = math.sqrt %broadcast_in_dim3A_60 : vector<1000x1xf32>
    %max3A_61 = arith.constant 9.99999996E-13 : f32
    %max3A_62 = vector.broadcast %max3A_61 : f32 to vector<1000x1xf32>
    %max3A_63 = arith.maximumf %sqrt3A, %max3A_62 : vector<1000x1xf32>
    %div3A_64 = vector.broadcast %max3A_63 : vector<1000x1xf32> to vector<1000x128xf32>
    %div3A_65 = arith.divf %add3A_56, %div3A_64 : vector<1000x128xf32>
    %swap3A = arith.constant 0 : index
    %swap3A_66 = arith.constant 0 : index
    %swap3A_67 = vector.load %arg8[%swap3A, %swap3A_66] : memref<1000x128xf32, #tpu.memory_space<vmem>>, vector<1000x128xf32>
    tpu.vector_store %arg8[%swap3A, %swap3A_66], %div3A_65 {strides = array<i32>} : memref<1000x128xf32, #tpu.memory_space<vmem>>, vector<1000x128xf32>,
    return
  }
}

</mosaic_0001>

<sc_bundles>
// kernel: kernel.4.cloned.1.call-start
scs
__scs_entry_jumppad:
0x0: {  	(pc) =	sbr.rel $0x88, $3  }
0x1: {  	(tag) =	ssettag $0x0;
	lr =	simm.s32 $0x1  }
0x2: {  	[smem:$0x3F98] =	sst lr;
	_ =	strace $0xD0000000  }
0x3: {  	_ = 	snop  }
0x4: {  	_ = 	snop  }
0x5: {  	_ = 	snop  }
0x6: {  	_ = 	snop  }
0x7: {  	_ = 	snop  }
__scs_overlays_trampoline_lowered:
0x8: {  	[smem:$0x3FA7] =	sst s0  }
0x9: {  	[smem:$0x3FA8] =	sst s1  }
0xa: {  	[smem:$0x3FA9] =	sst s2  }
0xb: {  	[smem:$0x3FAA] =	sst s3  }
0xc: {  	[smem:$0x3FAB] =	sst s4  }
0xd: {  	[smem:$0x3FAC] =	sst s5  }
0xe: {  	[smem:$0x3FAD] =	sst s6  }
0xf: {  	[smem:$0x3FAE] =	sst s7  }
0x10: {  	[smem:$0x3FAF] =	sst s8  }
0x11: {  	[smem:$0x3FB0] =	sst s9;
	s0 =	simm.s32 @!p0 $0x0  }
0x12: {  	s1 =	sld [smem:$0x3F96];
	s0 =	simm.s32 @p0 $0x1  }
0x13: {  	[smem:$0x3FB1] =	sst s0;
	s0 =	simm.s32 @!p1 $0x0  }
0x14: {  	s2 =	sld [smem:$0x3F95];
	s0 =	simm.s32 @p1 $0x1  }
0x15: {  	[smem:$0x3FB2] =	sst s0;
	s0 =	simm.s32 @!p2 $0x0  }
0x16: {  	s3 =	sld [smem:$0x3FDB];
	s0 =	simm.s32 @p2 $0x1  }
0x17: {  	s4 =	simm.s32 $0x1BF5;
	[smem:$0x3FB4] =	sst s0  }
0x18: {  	s0 =	sld [smem:$0x3F97];
	_ =	swait.ge [sflag:s4], $0x0  }
0x19: {  	s7 =	sld [smem:$0x3F98]  }
0x1a: {  	s8 =	sadd.s32 $0xFFFFE003, lr  }
0x1b: {  	s9 =	sadd.s32 $0xFFFFFEF7, lr;
	s5 =	simm.s32 $0xFFFFFFFF;
	p2 =	slt.u32 s8, $0xFFFFF086  }
0x1c: {  	p1 =	slt.u32 s9, $0xF7A;
	s5 =	simm.s32 @!p2 $0x0  }
0x1d: {  	s5 =	simm.s32 @p1 $0x1;
	p0 =	seq.s32 s7, s2  }
0x1e: {  	s7 =	smul.u32 @!p0 $0xF7A, s2;
	p2 =	seq.s32 @!p0 s5, $0x0  }
0x1f: {  	s9 =	smul.u32 $0xF7A, s1;
	s8 =	simm.s32 @!p0 $0x1BF5;
	p2 =	por !p2, p0  }
0x20: {  	[sflag:s8] =	ssyncset.s32 @!p0 $0xFFFFF086;
	s6 =	sadd.s32 @!p0 s3, s7;
	s7 =	simm.s32 @!p0 $0x108  }
0x21: {  	s3 =	sadd.s32 s3, s9;
	s6 =	sadd.s32 @!p0 $0x88, s6;
	s7 =	simm.s32 @p2 $0x1082  }
0x22: {  	[simem:s7], [sflag:s8] =	dma.local @!p0 [hbm:s6], $0xF7A  }
0x23: {  	s9 =	sor.u32 $0xD0000000, s2;
	s6 =	simm.s32 $0x108;
	_ =	swait.ge @!p0 [sflag:s8], $0x0  }
0x24: {  	s3 =	sadd.s32 $0x88, s3;
	s6 =	simm.s32 @!p1 $0x1082;
	[sflag:s4] =	ssyncset.s32 $0xFFFFF086  }
0x25: {  	[simem:s6], [sflag:s4] =	dma.local [hbm:s3], $0xF7A  }
0x26: {  	[smem:$0x3F98] =	sst s1;
	(tag) =	ssettag s2;
	_ =	strace s9  }
0x27: {  	s1 =	sld [smem:$0x3FA8]  }
0x28: {  	s2 =	sld [smem:$0x3FA9]  }
0x29: {  	s4 =	sld [smem:$0x3FAB]  }
0x2a: {  	p0 =	seq.s32 s5, $0x0;
	s5 =	sld [smem:$0x3FAC]  }
0x2b: {  	s6 =	sld [smem:$0x3FAD]  }
0x2c: {  	s7 =	sld [smem:$0x3FAE]  }
0x2d: {  	s3 =	simm.s32 $0x108;
	s8 =	sld [smem:$0x3FAF]  }
0x2e: {  	s3 =	simm.s32 @!p0 $0x1082;
	s9 =	sld [smem:$0x3FB0]  }
0x2f: {  	lr =	sadd.s32 s0, s3;
	s0 =	sld [smem:$0x3FA7]  }
0x30: {  	s3 =	sld [smem:$0x3FAA]  }
0x31: {  	[smem:$0x3FB3] =	sst s10  }
0x32: {  	s10 =	sld [smem:$0x3FB1];
	_ =	sdelay $0x3  }
0x33: {  	p0 =	seq.s32 s10, $0x1;
	s10 =	sld [smem:$0x3FB3];
	_ =	sdelay $0x3  }
0x34: {  	[smem:$0x3FB3] =	sst s10  }
0x35: {  	s10 =	sld [smem:$0x3FB2];
	_ =	sdelay $0x3  }
0x36: {  	p1 =	seq.s32 s10, $0x1;
	s10 =	sld [smem:$0x3FB3];
	_ =	sdelay $0x3  }
0x37: {  	[smem:$0x3FB3] =	sst s10  }
0x38: {  	s10 =	sld [smem:$0x3FB4]  }
0x39: {  	_ = 	snop;
	(pc) =	sbr.ind lr, $3  }
0x3a: {  	_ = 	snop  }
0x3b: {  	_ = 	snop  }
0x3c: {  	p2 =	seq.s32 s10, $0x1;
	s10 =	sld [smem:$0x3FB3]  }
0x3d: {  	_ =	shalt  }
0x3e: {  	_ =	shalt  }
0x3f: {  	_ =	shalt  }
0x40: {  	_ =	shalt  }
0x41: {  	_ =	shalt  }
0x42: {  	_ =	shalt  }
0x43: {  	_ =	shalt  }
0x44: {  	_ =	shalt  }
0x45: {  	_ =	shalt  }
0x46: {  	_ =	shalt  }
0x47: {  	_ =	shalt  }
0x48: {  	_ =	shalt  }
0x49: {  	_ =	shalt  }
0x4a: {  	_ =	shalt  }
0x4b: {  	_ =	shalt  }
0x4c: {  	_ =	shalt  }
0x4d: {  	_ =	shalt  }
0x4e: {  	_ =	shalt  }
0x4f: {  	_ =	shalt  }
0x50: {  	_ =	shalt  }
0x51: {  	_ =	shalt  }
0x52: {  	_ =	shalt  }
0x53: {  	_ =	shalt  }
0x54: {  	_ =	shalt  }
0x55: {  	_ =	shalt  }
0x56: {  	_ =	shalt  }
0x57: {  	_ =	shalt  }
0x58: {  	_ =	shalt  }
0x59: {  	_ =	shalt  }
0x5a: {  	_ =	shalt  }
0x5b: {  	_ =	shalt  }
0x5c: {  	_ =	shalt  }
0x5d: {  	_ =	shalt  }
0x5e: {  	_ =	shalt  }
0x5f: {  	_ =	shalt  }
0x60: {  	_ =	shalt  }
0x61: {  	_ =	shalt  }
0x62: {  	_ =	shalt  }
0x63: {  	_ =	shalt  }
0x64: {  	_ =	shalt  }
0x65: {  	_ =	shalt  }
0x66: {  	_ =	shalt  }
0x67: {  	_ =	shalt  }
0x68: {  	_ =	shalt  }
0x69: {  	_ =	shalt  }
0x6a: {  	_ =	shalt  }
0x6b: {  	_ =	shalt  }
0x6c: {  	_ =	shalt  }
0x6d: {  	_ =	shalt  }
0x6e: {  	_ =	shalt  }
0x6f: {  	_ =	shalt  }
0x70: {  	_ =	shalt  }
0x71: {  	_ =	shalt  }
0x72: {  	_ =	shalt  }
0x73: {  	_ =	shalt  }
0x74: {  	_ =	shalt  }
0x75: {  	_ =	shalt  }
0x76: {  	_ =	shalt  }
0x77: {  	_ =	shalt  }
0x78: {  	_ =	shalt  }
0x79: {  	_ =	shalt  }
0x7a: {  	_ =	shalt  }
0x7b: {  	_ =	shalt  }
0x7c: {  	_ =	shalt  }
0x7d: {  	_ =	shalt  }
0x7e: {  	_ =	shalt  }
0x7f: {  	_ =	shalt  }
0x80: {  	_ =	shalt  }
0x81: {  	_ =	shalt  }
0x82: {  	_ =	shalt  }
0x83: {  	_ =	shalt  }
0x84: {  	_ =	shalt  }
0x85: {  	_ =	shalt  }
0x86: {  	_ =	shalt  }
0x87: {  	_ =	shalt  }
.Lfunc_end0:
.L_simem_size_0:
called_computation_lowered:
.L_overlay_start_0:
0x88: {  	s2 =	sld [smem:$0x3FD9]  }
0x89: {  	s3 =	sld [smem:$0x3FFE];
	_ =	sdelay $0x1  }
0x8a: {  	s1 =	srdreg.scid  }
0x8b: {  	s0 =	sand.u32 $0x1, s1  }
0x8c: {  	s17 =	sshll.u32 s0, $0xA;
	s2 =	sadd.s32 s3, s2  }
0x8d: {  	s2 =	sadd.s32 s2, s17  }
0x8e: {  	[smem:$0x3FBF] =	sst s2  }
0x8f: {  	_ = 	snop  }
0x90: {  	s2 =	sld [smem:$0x3FC1]  }
0x91: {  	s18 =	sld [smem:$0x3FD0];
	(tm) =	ssettm $0x1  }
0x92: {  	s4 =	sld [smem:$0x3FFB];
	_ =	sdelay $0x3  }
0x93: {  	_ =	strace s4  }
0x94: {  	s4 =	sld [smem:$0x3FFC];
	_ =	sdelay $0x3  }
0x95: {  	_ =	strace s4  }
0x96: {  	s4 =	sld [smem:$0x3FFD];
	_ =	sdelay $0x3  }
0x97: {  	_ =	strace s4  }
0x98: {  	_ =	strace $0x8FFFFFFF  }
0x99: {  	s19 =	sld [smem:$0x3FDB];
	_ =	sdelay $0x1  }
0x9a: {  	s5 =	simm.s32 $_scs_section_size  }
0x9b: {  	s6 =	simm.s32 $_size__tile_overlayer_lowered;
	s7 =	simm.s32 $_tile_overlayer_lowered  }
0x9c: {  	s22 =	simm.s32 $0x1BFF;
	s21 =	sshll.u32 s7, $0x1;
	s4 =	sadd.s32 s5, s19  }
0x9d: {  	s8 =	simm.s32 $0x0;
	s20 =	sshll.u32 s6, $0x1;
	s6 =	sadd.s32 s21, s4  }
0x9e: {  	[timem:s8], [sflag:s22] =	dma.local [hbm:s6], s20  }
0x9f: {  	_ =	swait.ge [sflag:s22], s20  }
0xa0: {  	s5 =	ssub.s32 $0x0, s20;
	[sflag:s22] =	ssyncset.done $0x0  }
0xa1: {  	[sflag:s22] =	ssyncadd.s32 s5;
	_ =	sdelay $0x1  }
0xa2: {  	s23 =	simm.s32 $0x1B8B  }
0xa3: {  	_ =	swait.ge [sflag:s23], $0x1  }
0xa4: {  	[sflag:s23] =	ssyncset.done $0x0  }
0xa5: {  	s25 =	simm.s32 $0x1B8E;
	s24 =	sld [smem:$0x3FFE];
	[sflag:s23] =	ssyncadd.s32 $0xFFFFFFFF  }
0xa6: {  	s26 =	simm.s32 $execute0_lowered;
	[smem:$0x3FD2] =	sst s25  }
0xa7: {  	s6 =	sshll.u32 s26, $0x1;
	_ =	strace $0x80000046;
	[dreg:$0x1] =	wrdreg $0xFFFFFFFF  }
0xa8: {  	s28 =	simm.s32 $_size_execute0_lowered;
	s4 =	sadd.s32 s4, s6;
	[dreg:$0x0] =	wrdreg $0x0  }
0xa9: {  	s6 =	sshll.u32 s28, $0x1;
	[dreg:$0x2] =	wrdreg s4  }
0xaa: {  	[dreg:$0x3] =	wrdreg s6  }
0xab: {  	[dreg:$0x4] =	wrdreg $0xC0  }
0xac: {  	_ =	task [dreg:s8], $0x5FFFF  }
0xad: {  	[dreg:$0x1] =	wrdreg $0xFFFFFFFF  }
0xae: {  	[dreg:$0x0] =	wrdreg $0x60  }
0xaf: {  	[dreg:$0x2] =	wrdreg s24  }
0xb0: {  	[dreg:$0x3] =	wrdreg s18  }
0xb1: {  	[dreg:$0x4] =	wrdreg s2  }
0xb2: {  	[dreg:$0x5] =	wrdreg $0x17C800  }
0xb3: {  	[dreg:$0x6] =	wrdreg $0x9  }
0xb4: {  	_ =	task.clear_ibuf [dreg:s8], $0x7FFFF;
	_ =	strace $0x90000046  }
0xb5: {  	s29 =	simm.s32 $0x9;
	_ =	strace $0x80000052  }
0xb6: {  	_ =	swait.ge [sflag:s29], $0x1  }
0xb7: {  	[sflag:s29] =	ssyncadd.s32 $0xFFFFFFFF  }
0xb8: {  	_ =	strace $0x90000052  }
0xb9: {  	_ =	sfence  }
0xba: {  	s30 =	sld [smem:$0x0];
	_ =	sdelay $0x2  }
0xbb: {  	s31 =	sshll.u32 s1, $0xD;
	s1 =	sshrl.u32 s1, $0x2  }
0xbc: {  	s3 =	sand.u32 $0x4000, s31;
	s1 =	sadd.s32 s1, s30  }
0xbd: {  	s0 =	sor.u32 s3, s0;
	s1 =	sshll.u32 s1, $0x11  }
0xbe: {  	s0 =	sor.u32 s1, s0  }
0xbf: {  	s0 =	sadd.s32 $0x8F2B, s0  }
0xc0: {  	[sflag:s0] =	ssyncadd.remote.s32 $0x1  }
0xc1: {  	_ =	sfence.sel $0xFFFF  }
0xc2: {  	[dreg:$0x0] =	wrdreg $0xFFFFFFFF;
	(pc) =	sbr.abs _section_cstart, $3  }
0xc3: {  	[dreg:$0x1] =	wrdreg $0xFFFFFFFF  }
0xc4: {  	_ =	task.clear_ibuf [dreg:s8], $0x2FFFF;
	_ =	strace $0x9FFFFFFF  }
0xc5: {  	(tm) =	ssettm $0x7FFFFFFF  }
tec
execute0_lowered:
.L_overlay_start_1:
0x0: {  	(tag) =	ssettag $0x1  }
0x1: {  	s0 =	rddreg [dreg:$0x0]  }
0x2: {  	s1 =	rddreg [dreg:$0x1]  }
0x3: {  	s5 =	rddreg [dreg:$0x2]  }
0x4: {  	s2 =	rddreg [dreg:$0x3];
	s3 =	simm.s32 $0x0;
	s11 =	stileid.u32  }
0x5: {  	s7 =	srdreg.scid;
	s19 =	simm.s32 $0x8180;
	s20 =	simm.s32 $0x6580  }
0x6: {  	s21 =	simm.s32 $0x1;
	s15 =	simm.s32 $0x7A80;
	s17 =	simm.s32 $0x7B00  }
0x7: {  	s18 =	simm.s32 $0x7B80;
	s14 =	simm.s32 $0x7C80;
	s28 =	simm.s32 $0x7D80  }
0x8: {  	s30 =	simm.s32 $0x3;
	[smem:$0x7FF] =	sst s3;
	s6 =	smul.u32 $0x310, s11  }
0x9: {  	s4 =	sadd.s32 $0x3800, s0;
	s7 =	sand.u32 $0x1, s7;
	s9 =	sadd.s32 $0xD600, s0  }
0xa: {  	s22 =	sadd.s32 $0xE600, s0;
	_ =	strace $0x80000047;
	[dreg:$0x5] =	wrdreg s9  }
0xb: {  	s12 =	sadd.s32 $0xEA00, s0;
	s26 =	sadd.s32 $0x2DF0, s1;
	[dreg:$0x6] =	wrdreg s22  }
0xc: {  	s13 =	sadd.s32 $0x2E000, s0;
	p0 =	seq.s32 s11, $0xF;
	[dreg:$0xd] =	wrdreg s26  }
0xd: {  	s25 =	smul.u32 $0x7D10, s11;
	s23 =	ssub.s32 $0x2, s7;
	[dreg:$0x8] =	wrdreg s13  }
0xe: {  	p1 =	seq.s32 s7, $0x0;
	[dreg:$0x7] =	wrdreg s12;
	s22 =	simm.s32 $0x80  }
0xf: {  	s26 =	simm.s32 $0x0;
	s8 =	sadd.s32 s6, s0;
	s24 =	sadd.s32 s1, s6  }
0x10: {  	s10 =	sshrl.u32 s23, $0x1;
	s6 =	sadd.s32 s5, s6;
	[dreg:$0xa] =	wrdreg s24  }
0x11: {  	s0 =	sadd.s32 $0x33F0, s0;
	s29 =	sshrl.u32 s25, $0x3;
	[dreg:$0xb] =	wrdreg s6  }
0x12: {  	s5 =	sadd.s32 $0x2DF0, s5;
	s16 =	sadd.s32 s25, s2;
	[dreg:$0xc] =	wrdreg s0  }
0x13: {  	s25 =	simm.s32 $0x7D00;
	s9 =	ssub.s32 s23, s10;
	[dreg:$0xf] =	wrdreg s5  }
0x14: {  	s8 =	sadd.s32 $0x600, s8;
	s0 =	smov.u32 s13;
	[dreg:$0xe] =	wrdreg s29  }
0x15: {  	s23 =	simm.s32 $0x1720;
	s13 =	simm.s32 $0x7A00;
	[dreg:$0x9] =	wrdreg s8  }
0x16: {  	v0 =	vlaneseq.u32;
	s0 =	smov.u32 @p1 s12;
	s23 =	simm.s32 @!p0 $0x1880;
	s31 =	smax.u32 s9, $0x1  }
0x17: {  	v1 =	vmul.u32 $0xFFFFFFFF, v0;
	p0 =	sne.s32 s11, $0xF;
	p1 =	sne.s32 s7, $0x0;
	s0 =	sadd.s32 s0, s29  }
0x18: {  	s8 =	simm.s32 $0x7C00;
	[dreg:$0x10] =	wrdreg s31;
	s0 =	sadd.s32 $0xFA00, s0  }
0x19: {  	v1 =	vadd.s32 s23, v1;
	s23 =	simm.s32 $0xFF00;
	[dreg:$0x11] =	wrdreg s0;
	s0 =	simm.s32 $0x2  }
.LBB2_1:
0x1a: {  	s1 =	simm.s32 @p0 $0x0;
	s5 =	rddreg [dreg:$0x9]  }
0x1b: {  	[tilespmem:s1], [sflag:$0x1] =	stream.linear.gather @p0 [hbm4b:s5+s1], $0x1880, $0x38;
	[tilespmem:$0x1F990] =	vst v63  }
0x1c: {  	s6 =	rddreg [dreg:$0xa];
	s5 =	simm.s32 @p0 $0x1880  }
0x1d: {  	[tilespmem:s5], [sflag:$0x1] =	stream.linear.gather @p0 [hbm4b:s6+s1], $0x1880, $0x38;
	[tilespmem:$0x1F990] =	vst v63  }
0x1e: {  	s5 =	simm.s32 @p0 $0x3100;
	s6 =	rddreg [dreg:$0xb]  }
0x1f: {  	[tilespmem:s5], [sflag:$0x1] =	stream.linear.gather @p0 [hbm4b:s6+s1], $0x1880, $0x38;
	[tilespmem:$0x1F990] =	vst v63  }
0x20: {  	s1 =	simm.s32 @p0 $0x1  }
0x21: {  	_ =	swait.ge @p0 [sflag:s1], $0x1880  }
0x22: {  	[sflag:s1] =	ssyncset.done @p0 $0x0  }
0x23: {  	[sflag:s1] =	ssyncadd.s32 @p0 $0xFFFFE780  }
0x24: {  	_ =	swait.ge @p0 [sflag:s1], $0x1880  }
0x25: {  	[sflag:s1] =	ssyncset.done @p0 $0x0  }
0x26: {  	[sflag:s1] =	ssyncadd.s32 @p0 $0xFFFFE780  }
0x27: {  	_ =	swait.ge @p0 [sflag:s1], $0x1880  }
0x28: {  	[sflag:s1] =	ssyncset.done @p0 $0x0  }
0x29: {  	v2 =	vimm.s32 @!p0 $0x0;
	[sflag:s1] =	ssyncadd.s32 @p0 $0xFFFFE780  }
0x2a: {  	[tilespmem:$0x4820] =	vst @!p0 v2  }
0x2b: {  	[tilespmem:$0x4830] =	vst @!p0 v2  }
0x2c: {  	[tilespmem:$0x4840] =	vst @!p0 v2  }
0x2d: {  	[tilespmem:$0x4850] =	vst @!p0 v2  }
0x2e: {  	[tilespmem:$0x4860] =	vst @!p0 v2  }
0x2f: {  	[tilespmem:$0x4870] =	vst @!p0 v2  }
0x30: {  	[tilespmem:$0x4880] =	vst @!p0 v2  }
0x31: {  	[tilespmem:$0x4890] =	vst @!p0 v2  }
0x32: {  	[tilespmem:$0x48A0] =	vst @!p0 v2  }
0x33: {  	[tilespmem:$0x48B0] =	vst @!p0 v2  }
0x34: {  	[tilespmem:$0x48C0] =	vst @!p0 v2  }
0x35: {  	[tilespmem:$0x48D0] =	vst @!p0 v2  }
0x36: {  	[tilespmem:$0x48E0] =	vst @!p0 v2  }
0x37: {  	[tilespmem:$0x48F0] =	vst @!p0 v2  }
0x38: {  	[tilespmem:$0x4900] =	vst @!p0 v2  }
0x39: {  	[tilespmem:$0x4910] =	vst @!p0 v2  }
0x3a: {  	[tilespmem:$0x4920] =	vst @!p0 v2  }
0x3b: {  	[tilespmem:$0x4930] =	vst @!p0 v2  }
0x3c: {  	[tilespmem:$0x4940] =	vst @!p0 v2  }
0x3d: {  	[tilespmem:$0x4950] =	vst @!p0 v2  }
0x3e: {  	[tilespmem:$0x4960] =	vst @!p0 v2  }
0x3f: {  	s5 =	rddreg [dreg:$0xc];
	s1 =	simm.s32 @!p0 $0x0;
	[tilespmem:$0x4970] =	vst @!p0 v2  }
0x40: {  	[tilespmem:s1], [sflag:$0x1] =	stream.linear.gather @!p0 [hbm4b:s5+s1], $0x1720, $0x38;
	[tilespmem:$0x1F990] =	vst v63  }
0x41: {  	s6 =	rddreg [dreg:$0xd];
	s5 =	simm.s32 @!p0 $0x1880  }
0x42: {  	[tilespmem:s5], [sflag:$0x1] =	stream.linear.gather @!p0 [hbm4b:s6+s1], $0x1720, $0x38;
	[tilespmem:$0x1F990] =	vst v63  }
0x43: {  	s5 =	simm.s32 @!p0 $0x3100;
	s6 =	rddreg [dreg:$0xf]  }
0x44: {  	[tilespmem:s5], [sflag:$0x1] =	stream.linear.gather @!p0 [hbm4b:s6+s1], $0x1720, $0x38;
	[tilespmem:$0x1F990] =	vst v63  }
0x45: {  	s1 =	simm.s32 @!p0 $0x1  }
0x46: {  	_ =	swait.ge @!p0 [sflag:s1], $0x1720  }
0x47: {  	[sflag:s1] =	ssyncset.done @!p0 $0x0  }
0x48: {  	[sflag:s1] =	ssyncadd.s32 @!p0 $0xFFFFE8E0  }
0x49: {  	_ =	swait.ge @!p0 [sflag:s1], $0x1720  }
0x4a: {  	[sflag:s1] =	ssyncset.done @!p0 $0x0  }
0x4b: {  	[sflag:s1] =	ssyncadd.s32 @!p0 $0xFFFFE8E0  }
0x4c: {  	_ =	swait.ge @!p0 [sflag:s1], $0x1720  }
0x4d: {  	[sflag:s1] =	ssyncset.done @!p0 $0x0  }
0x4e: {  	s29 =	rddreg [dreg:$0x5];
	[sflag:s1] =	ssyncadd.s32 @!p0 $0xFFFFE8E0  }
0x4f: {  	[tilespmem:s19], [sflag:$0x1] =	stream.linear.gather [hbm4b:s29+s3], $0x7D80, $0x38;
	[tilespmem:$0x1F990] =	vst v63  }
0x50: {  	s31 =	rddreg [dreg:$0x6]  }
0x51: {  	[tilespmem:s20], [sflag:$0x1] =	stream.linear.gather [hbm4b:s31+s3], $0x1880, $0x38;
	[tilespmem:$0x1F990] =	vst v63  }
0x52: {  	_ =	swait.ge [sflag:s21], $0x7D80  }
.Ltmp0:
0x53: {  	[sflag:s21] =	ssyncset.done $0x0;
	(pc) =	sbr.rel @p1 .LBB2_3-.Ltmp0, $4  }
0x54: {  	[sflag:s21] =	ssyncadd.s32 $0xFFFF8280  }
0x55: {  	_ =	swait.ge [sflag:s21], $0x1880  }
0x56: {  	[sflag:s21] =	ssyncset.done $0x0  }
0x57: {  	[sflag:s21] =	ssyncadd.s32 $0xFFFFE780  }
0x58: {  	_ =	strace $0x80000048;
	s1 =	simm.s32 $0x3100  }
0x59: {  	[tilespmem:s20], [sflag:$0x2] =	stream.indirect.gather [hbm4b:s4+s22], $0x1, s1, s22, $0x2000b8;
	[tilespmem:$0x1F990] =	vst v63  }
0x5a: {  	s9 =	simm.s32 $0x3180;
	s5 =	simm.s32 $0x6600  }
0x5b: {  	[tilespmem:s5], [sflag:$0x2] =	stream.indirect.gather [hbm4b:s4+s22], $0x1, s9, s22, $0x2000b8;
	[tilespmem:$0x1F990] =	vst v63  }
0x5c: {  	s10 =	simm.s32 $0x3200;
	s11 =	simm.s32 $0x6680  }
0x5d: {  	[tilespmem:s11], [sflag:$0x2] =	stream.indirect.gather [hbm4b:s4+s22], $0x1, s10, s22, $0x2000b8;
	[tilespmem:$0x1F990] =	vst v63  }
0x5e: {  	s12 =	simm.s32 $0x3280;
	s24 =	simm.s32 $0x6700  }
0x5f: {  	[tilespmem:s24], [sflag:$0x2] =	stream.indirect.gather [hbm4b:s4+s22], $0x1, s12, s22, $0x2000b8;
	[tilespmem:$0x1F990] =	vst v63  }
0x60: {  	s29 =	simm.s32 $0x3300;
	s31 =	simm.s32 $0x6780  }
0x61: {  	[tilespmem:s31], [sflag:$0x2] =	stream.indirect.gather [hbm4b:s4+s22], $0x1, s29, s22, $0x2000b8;
	[tilespmem:$0x1F990] =	vst v63  }
0x62: {  	s6 =	simm.s32 $0x6800;
	s5 =	simm.s32 $0x3380  }
0x63: {  	[tilespmem:s6], [sflag:$0x2] =	stream.indirect.gather [hbm4b:s4+s22], $0x1, s5, s22, $0x2000b8;
	[tilespmem:$0x1F990] =	vst v63  }
0x64: {  	s7 =	simm.s32 $0x3400;
	s9 =	simm.s32 $0x6880  }
0x65: {  	[tilespmem:s9], [sflag:$0x2] =	stream.indirect.gather [hbm4b:s4+s22], $0x1, s7, s22, $0x2000b8;
	[tilespmem:$0x1F990] =	vst v63  }
0x66: {  	s10 =	simm.s32 $0x3480;
	s11 =	simm.s32 $0x6900  }
0x67: {  	[tilespmem:s11], [sflag:$0x2] =	stream.indirect.gather [hbm4b:s4+s22], $0x1, s10, s22, $0x2000b8;
	[tilespmem:$0x1F990] =	vst v63  }
0x68: {  	s12 =	simm.s32 $0x3500;
	s24 =	simm.s32 $0x6980  }
0x69: {  	[tilespmem:s24], [sflag:$0x2] =	stream.indirect.gather [hbm4b:s4+s22], $0x1, s12, s22, $0x2000b8;
	[tilespmem:$0x1F990] =	vst v63  }
0x6a: {  	s29 =	simm.s32 $0x3580;
	s31 =	simm.s32 $0x6A00  }
0x6b: {  	[tilespmem:s31], [sflag:$0x2] =	stream.indirect.gather [hbm4b:s4+s22], $0x1, s29, s22, $0x2000b8;
	[tilespmem:$0x1F990] =	vst v63  }
0x6c: {  	s5 =	simm.s32 $0x3600;
	s6 =	simm.s32 $0x6A80  }
0x6d: {  	[tilespmem:s6], [sflag:$0x2] =	stream.indirect.gather [hbm4b:s4+s22], $0x1, s5, s22, $0x2000b8;
	[tilespmem:$0x1F990] =	vst v63  }
0x6e: {  	s7 =	simm.s32 $0x3680;
	s9 =	simm.s32 $0x6B00  }
0x6f: {  	[tilespmem:s9], [sflag:$0x2] =	stream.indirect.gather [hbm4b:s4+s22], $0x1, s7, s22, $0x2000b8;
	[tilespmem:$0x1F990] =	vst v63  }
0x70: {  	s10 =	simm.s32 $0x3700;
	s11 =	simm.s32 $0x6B80  }
0x71: {  	[tilespmem:s11], [sflag:$0x2] =	stream.indirect.gather [hbm4b:s4+s22], $0x1, s10, s22, $0x2000b8;
	[tilespmem:$0x1F990] =	vst v63  }
0x72: {  	s12 =	simm.s32 $0x3780;
	s24 =	simm.s32 $0x6C00  }
0x73: {  	[tilespmem:s24], [sflag:$0x2] =	stream.indirect.gather [hbm4b:s4+s22], $0x1, s12, s22, $0x2000b8;
	[tilespmem:$0x1F990] =	vst v63  }
0x74: {  	s29 =	simm.s32 $0x3800;
	s31 =	simm.s32 $0x6C80  }
0x75: {  	[tilespmem:s31], [sflag:$0x2] =	stream.indirect.gather [hbm4b:s4+s22], $0x1, s29, s22, $0x2000b8;
	[tilespmem:$0x1F990] =	vst v63  }
0x76: {  	s5 =	simm.s32 $0x3880;
	s6 =	simm.s32 $0x6D00  }
0x77: {  	[tilespmem:s6], [sflag:$0x2] =	stream.indirect.gather [hbm4b:s4+s22], $0x1, s5, s22, $0x2000b8;
	[tilespmem:$0x1F990] =	vst v63  }
0x78: {  	s7 =	simm.s32 $0x3900;
	s9 =	simm.s32 $0x6D80  }
0x79: {  	[tilespmem:s9], [sflag:$0x2] =	stream.indirect.gather [hbm4b:s4+s22], $0x1, s7, s22, $0x2000b8;
	[tilespmem:$0x1F990] =	vst v63  }
0x7a: {  	s10 =	simm.s32 $0x3980;
	s11 =	simm.s32 $0x6E00  }
0x7b: {  	[tilespmem:s11], [sflag:$0x2] =	stream.indirect.gather [hbm4b:s4+s22], $0x1, s10, s22, $0x2000b8;
	[tilespmem:$0x1F990] =	vst v63  }
0x7c: {  	s12 =	simm.s32 $0x3A00;
	s24 =	simm.s32 $0x6E80  }
0x7d: {  	[tilespmem:s24], [sflag:$0x2] =	stream.indirect.gather [hbm4b:s4+s22], $0x1, s12, s22, $0x2000b8;
	[tilespmem:$0x1F990] =	vst v63  }
0x7e: {  	s29 =	simm.s32 $0x3A80;
	s31 =	simm.s32 $0x6F00  }
0x7f: {  	[tilespmem:s31], [sflag:$0x2] =	stream.indirect.gather [hbm4b:s4+s22], $0x1, s29, s22, $0x2000b8;
	[tilespmem:$0x1F990] =	vst v63  }
0x80: {  	s5 =	simm.s32 $0x3B00;
	s6 =	simm.s32 $0x6F80  }
0x81: {  	[tilespmem:s6], [sflag:$0x2] =	stream.indirect.gather [hbm4b:s4+s22], $0x1, s5, s22, $0x2000b8;
	[tilespmem:$0x1F990] =	vst v63  }
0x82: {  	s7 =	simm.s32 $0x3B80;
	s9 =	simm.s32 $0x7000  }
0x83: {  	[tilespmem:s9], [sflag:$0x2] =	stream.indirect.gather [hbm4b:s4+s22], $0x1, s7, s22, $0x2000b8;
	[tilespmem:$0x1F990] =	vst v63  }
0x84: {  	s10 =	simm.s32 $0x3C00;
	s11 =	simm.s32 $0x7080  }
0x85: {  	[tilespmem:s11], [sflag:$0x2] =	stream.indirect.gather [hbm4b:s4+s22], $0x1, s10, s22, $0x2000b8;
	[tilespmem:$0x1F990] =	vst v63  }
0x86: {  	s12 =	simm.s32 $0x3C80;
	s24 =	simm.s32 $0x7100  }
0x87: {  	[tilespmem:s24], [sflag:$0x2] =	stream.indirect.gather [hbm4b:s4+s22], $0x1, s12, s22, $0x2000b8;
	[tilespmem:$0x1F990] =	vst v63  }
0x88: {  	s29 =	simm.s32 $0x3D00;
	s31 =	simm.s32 $0x7180  }
0x89: {  	[tilespmem:s31], [sflag:$0x2] =	stream.indirect.gather [hbm4b:s4+s22], $0x1, s29, s22, $0x2000b8;
	[tilespmem:$0x1F990] =	vst v63  }
0x8a: {  	s5 =	simm.s32 $0x3D80;
	s6 =	simm.s32 $0x7200  }
0x8b: {  	[tilespmem:s6], [sflag:$0x2] =	stream.indirect.gather [hbm4b:s4+s22], $0x1, s5, s22, $0x2000b8;
	[tilespmem:$0x1F990] =	vst v63  }
0x8c: {  	s7 =	simm.s32 $0x3E00;
	s9 =	simm.s32 $0x7280  }
0x8d: {  	[tilespmem:s9], [sflag:$0x2] =	stream.indirect.gather [hbm4b:s4+s22], $0x1, s7, s22, $0x2000b8;
	[tilespmem:$0x1F990] =	vst v63  }
0x8e: {  	s10 =	simm.s32 $0x3E80;
	s11 =	simm.s32 $0x7300  }
0x8f: {  	[tilespmem:s11], [sflag:$0x2] =	stream.indirect.gather [hbm4b:s4+s22], $0x1, s10, s22, $0x2000b8;
	[tilespmem:$0x1F990] =	vst v63  }
0x90: {  	s12 =	simm.s32 $0x3F00;
	s24 =	simm.s32 $0x7380  }
0x91: {  	[tilespmem:s24], [sflag:$0x2] =	stream.indirect.gather [hbm4b:s4+s22], $0x1, s12, s22, $0x2000b8;
	[tilespmem:$0x1F990] =	vst v63  }
0x92: {  	s29 =	simm.s32 $0x3F80;
	s31 =	simm.s32 $0x7400  }
0x93: {  	[tilespmem:s31], [sflag:$0x2] =	stream.indirect.gather [hbm4b:s4+s22], $0x1, s29, s22, $0x2000b8;
	[tilespmem:$0x1F990] =	vst v63  }
0x94: {  	s5 =	simm.s32 $0x4000;
	s6 =	simm.s32 $0x7480  }
0x95: {  	[tilespmem:s6], [sflag:$0x2] =	stream.indirect.gather [hbm4b:s4+s22], $0x1, s5, s22, $0x2000b8;
	[tilespmem:$0x1F990] =	vst v63  }
0x96: {  	s7 =	simm.s32 $0x4080;
	s9 =	simm.s32 $0x7500  }
0x97: {  	[tilespmem:s9], [sflag:$0x2] =	stream.indirect.gather [hbm4b:s4+s22], $0x1, s7, s22, $0x2000b8;
	[tilespmem:$0x1F990] =	vst v63  }
0x98: {  	s10 =	simm.s32 $0x4100;
	s11 =	simm.s32 $0x7580  }
0x99: {  	[tilespmem:s11], [sflag:$0x2] =	stream.indirect.gather [hbm4b:s4+s22], $0x1, s10, s22, $0x2000b8;
	[tilespmem:$0x1F990] =	vst v63  }
0x9a: {  	s12 =	simm.s32 $0x4180;
	s24 =	simm.s32 $0x7600  }
0x9b: {  	[tilespmem:s24], [sflag:$0x2] =	stream.indirect.gather [hbm4b:s4+s22], $0x1, s12, s22, $0x2000b8;
	[tilespmem:$0x1F990] =	vst v63  }
0x9c: {  	s29 =	simm.s32 $0x4200;
	s31 =	simm.s32 $0x7680  }
0x9d: {  	[tilespmem:s31], [sflag:$0x2] =	stream.indirect.gather [hbm4b:s4+s22], $0x1, s29, s22, $0x2000b8;
	[tilespmem:$0x1F990] =	vst v63  }
0x9e: {  	s5 =	simm.s32 $0x4280;
	s6 =	simm.s32 $0x7700  }
0x9f: {  	[tilespmem:s6], [sflag:$0x2] =	stream.indirect.gather [hbm4b:s4+s22], $0x1, s5, s22, $0x2000b8;
	[tilespmem:$0x1F990] =	vst v63  }
0xa0: {  	s7 =	simm.s32 $0x4300;
	s9 =	simm.s32 $0x7780  }
0xa1: {  	[tilespmem:s9], [sflag:$0x2] =	stream.indirect.gather [hbm4b:s4+s22], $0x1, s7, s22, $0x2000b8;
	[tilespmem:$0x1F990] =	vst v63  }
0xa2: {  	s10 =	simm.s32 $0x4380;
	s11 =	simm.s32 $0x7800  }
0xa3: {  	[tilespmem:s11], [sflag:$0x2] =	stream.indirect.gather [hbm4b:s4+s22], $0x1, s10, s22, $0x2000b8;
	[tilespmem:$0x1F990] =	vst v63  }
0xa4: {  	s12 =	simm.s32 $0x4400;
	s24 =	simm.s32 $0x7880  }
0xa5: {  	[tilespmem:s24], [sflag:$0x2] =	stream.indirect.gather [hbm4b:s4+s22], $0x1, s12, s22, $0x2000b8;
	[tilespmem:$0x1F990] =	vst v63  }
0xa6: {  	s29 =	simm.s32 $0x4480;
	s31 =	simm.s32 $0x7900  }
0xa7: {  	[tilespmem:s31], [sflag:$0x2] =	stream.indirect.gather [hbm4b:s4+s22], $0x1, s29, s22, $0x2000b8;
	[tilespmem:$0x1F990] =	vst v63  }
0xa8: {  	s5 =	simm.s32 $0x4500;
	s6 =	simm.s32 $0x7980  }
0xa9: {  	[tilespmem:s6], [sflag:$0x2] =	stream.indirect.gather [hbm4b:s4+s22], $0x1, s5, s22, $0x2000b8;
	[tilespmem:$0x1F990] =	vst v63  }
0xaa: {  	s7 =	simm.s32 $0x4580  }
0xab: {  	[tilespmem:s13], [sflag:$0x2] =	stream.indirect.gather [hbm4b:s4+s22], $0x1, s7, s22, $0x2000b8;
	[tilespmem:$0x1F990] =	vst v63  }
0xac: {  	s9 =	simm.s32 $0x4600  }
0xad: {  	[tilespmem:s15], [sflag:$0x2] =	stream.indirect.gather [hbm4b:s4+s22], $0x1, s9, s22, $0x2000b8;
	[tilespmem:$0x1F990] =	vst v63  }
0xae: {  	s10 =	simm.s32 $0x4680  }
0xaf: {  	[tilespmem:s17], [sflag:$0x2] =	stream.indirect.gather [hbm4b:s4+s22], $0x1, s10, s22, $0x2000b8;
	[tilespmem:$0x1F990] =	vst v63  }
0xb0: {  	s11 =	simm.s32 $0x4700  }
0xb1: {  	[tilespmem:s18], [sflag:$0x2] =	stream.indirect.gather [hbm4b:s4+s22], $0x1, s11, s22, $0x2000b8;
	[tilespmem:$0x1F990] =	vst v63  }
0xb2: {  	s12 =	simm.s32 $0x4780  }
0xb3: {  	[tilespmem:s8], [sflag:$0x2] =	stream.indirect.gather [hbm4b:s4+s22], $0x1, s12, s22, $0x2000b8;
	[tilespmem:$0x1F990] =	vst v63  }
0xb4: {  	s24 =	simm.s32 $0x4800  }
0xb5: {  	[tilespmem:s14], [sflag:$0x2] =	stream.indirect.gather [hbm4b:s4+s22], $0x1, s24, s22, $0x2000b8;
	[tilespmem:$0x1F990] =	vst v63  }
0xb6: {  	s29 =	simm.s32 $0x4880  }
0xb7: {  	[tilespmem:s25], [sflag:$0x2] =	stream.indirect.gather [hbm4b:s4+s22], $0x1, s29, s22, $0x2000b8;
	[tilespmem:$0x1F990] =	vst v63  }
0xb8: {  	s31 =	simm.s32 $0x4900  }
0xb9: {  	[tilespmem:s28], [sflag:$0x2] =	stream.indirect.gather [hbm4b:s4+s22], $0x1, s31, s22, $0x2000b8;
	[tilespmem:$0x1F990] =	vst v63  }
0xba: {  	_ =	strace $0x90000048  }
.LBB2_3:
0xbb: {  	_ =	strace $0x80000049  }
0xbc: {  	[spmem:s16] =	stream.linear.scatter [tilespmem:s19], [sflag:$0x3], $0x7D10, $0x200038;
	[tilespmem:$0x1F990] =	vst v63  }
0xbd: {  	_ =	swait.ge [sflag:s30], $0x7D10  }
0xbe: {  	[sflag:s30] =	ssyncset.done $0x0  }
0xbf: {  	s1 =	simm.s32 $0x4980;
	[sflag:s30] =	ssyncadd.s32 $0xFFFF82F0  }
0xc0: {  	s7 =	simm.s32 $0x0;
	s24 =	simm.s32 $0x1880;
	_ =	strace $0x90000049  }
0xc1: {  	s29 =	simm.s32 $0x0;
	s31 =	simm.s32 $0x0;
	_ =	strace $0x8000004A  }
.LBB2_4:
0xc2: {  	v2 =	vld [tilespmem:s29+$0x0]  }
0xc3: {  	v3 =	vld [tilespmem:s24+$0x0];
	_ =	sdelay $0x3  }
0xc4: {  	s5 =	sadd.s32 $0x0, s7  }
0xc5: {  	v4 =	vmov s5;
	vm0 =	vlt.u32 v3, $0x1F4;
	vm1 =	vlt.u32 v2, $0x3E8  }
0xc6: {  	s12 =	simm.s32 $0x7D000;
	vm15 =	vlt.u32 v4, v1;
	v3 =	vshll.u32 v3, $0xA;
	vm0 =	vmand vm0, vm1  }
0xc7: {  	v2 =	vadd.s32 v2, v3;
	v3 =	vor.u32 s12, v0;
	vm0 =	vmand vm15, vm0  }
0xc8: {  	v2 =	vsel vm0, v2, v3  }
0xc9: {  	s9 =	sadd.s32 $0x10, s29;
	[tilespmem:s1+$0x0] =	vst v2  }
0xca: {  	s10 =	sadd.s32 $0x10, s24;
	v2 =	vld [tilespmem:s9+$0x0]  }
0xcb: {  	s6 =	simm.s32 $0x10;
	s11 =	simm.s32 $0x20;
	s5 =	smov.u32 s1;
	v3 =	vld [tilespmem:s10+$0x0]  }
.LBB2_5:
0xcc: {  	p2 =	sne.s32 s11, $0x70;
	_ =	sdelay $0x2  }
0xcd: {  	s12 =	sadd.s32 s6, s7  }
0xce: {  	v4 =	vmov s12;
	vm1 =	vlt.u32 v2, $0x3E8;
	vm0 =	vlt.u32 v3, $0x1F4  }
0xcf: {  	s12 =	sadd.s32 $0x7D000, s6;
	s6 =	smov.u32 s11;
	v3 =	vshll.u32 v3, $0xA;
	vm0 =	vmand vm0, vm1;
	vm1 =	vlt.u32 v4, v1  }
.Ltmp1:
0xd0: {  	v2 =	vadd.s32 v2, v3;
	v3 =	vor.u32 s12, v0;
	vm0 =	vmand vm1, vm0;
	(pc) =	sbr.rel @p2 .LBB2_5-.Ltmp1, $4  }
0xd1: {  	s5 =	sadd.s32 $0x10, s5;
	v2 =	vsel vm0, v2, v3  }
0xd2: {  	s9 =	sadd.s32 $0x10, s9;
	[tilespmem:s5+$0x0] =	vst v2  }
0xd3: {  	s10 =	sadd.s32 $0x10, s10;
	v2 =	vld [tilespmem:s9+$0x0]  }
0xd4: {  	s11 =	sadd.s32 $0x10, s11;
	v3 =	vld [tilespmem:s10+$0x0]  }
0xd5: {  	_ =	sdelay $0x1  }
0xd6: {  	s31 =	sadd.s32 $0x1, s31  }
0xd7: {  	s9 =	sadd.s32 s6, s7;
	p2 =	sne.s32 s31, $0x31  }
.Ltmp2:
0xd8: {  	v4 =	vmov s9;
	vm1 =	vlt.u32 v2, $0x3E8;
	vm0 =	vlt.u32 v3, $0x1F4;
	(pc) =	sbr.rel @p2 .LBB2_4-.Ltmp2, $4  }
0xd9: {  	s12 =	sadd.s32 $0x7D000, s6;
	vm15 =	vlt.u32 v4, v1;
	v3 =	vshll.u32 v3, $0xA;
	vm0 =	vmand vm0, vm1  }
0xda: {  	v2 =	vadd.s32 v2, v3;
	v3 =	vor.u32 s12, v0;
	vm0 =	vmand vm15, vm0  }
0xdb: {  	s5 =	sadd.s32 $0x10, s5;
	s1 =	sadd.s32 $0x80, s1;
	v2 =	vsel vm0, v2, v3  }
0xdc: {  	s29 =	sadd.s32 $0x80, s29;
	s24 =	sadd.s32 $0x80, s24;
	s7 =	sadd.s32 $0x80, s7;
	[tilespmem:s5+$0x0] =	vst v2  }
.Ltmp3:
0xdd: {  	(pc) =	sbr.rel @p1 .LBB2_9-.Ltmp3, $2  }
0xde: {  	_ =	sdelay $0x2  }
0xdf: {  	s24 =	rddreg [dreg:$0x8]  }
0xe0: {  	_ =	strace $0x8000004B  }
0xe1: {  	_ =	swait.ge [sflag:s0], $0x80  }
0xe2: {  	[sflag:s0] =	ssyncset.done $0x0  }
0xe3: {  	[sflag:s0] =	ssyncadd.s32 $0xFFFFFF80  }
0xe4: {  	_ =	swait.ge [sflag:s0], $0x80  }
0xe5: {  	[sflag:s0] =	ssyncset.done $0x0  }
0xe6: {  	[sflag:s0] =	ssyncadd.s32 $0xFFFFFF80  }
0xe7: {  	_ =	swait.ge [sflag:s0], $0x80  }
0xe8: {  	[sflag:s0] =	ssyncset.done $0x0  }
0xe9: {  	[sflag:s0] =	ssyncadd.s32 $0xFFFFFF80  }
0xea: {  	_ =	swait.ge [sflag:s0], $0x80  }
0xeb: {  	[sflag:s0] =	ssyncset.done $0x0  }
0xec: {  	[sflag:s0] =	ssyncadd.s32 $0xFFFFFF80  }
0xed: {  	_ =	swait.ge [sflag:s0], $0x80  }
0xee: {  	[sflag:s0] =	ssyncset.done $0x0  }
0xef: {  	[sflag:s0] =	ssyncadd.s32 $0xFFFFFF80  }
0xf0: {  	_ =	swait.ge [sflag:s0], $0x80  }
0xf1: {  	[sflag:s0] =	ssyncset.done $0x0  }
0xf2: {  	[sflag:s0] =	ssyncadd.s32 $0xFFFFFF80  }
0xf3: {  	_ =	swait.ge [sflag:s0], $0x80  }
0xf4: {  	[sflag:s0] =	ssyncset.done $0x0  }
0xf5: {  	[sflag:s0] =	ssyncadd.s32 $0xFFFFFF80  }
0xf6: {  	_ =	swait.ge [sflag:s0], $0x80  }
0xf7: {  	[sflag:s0] =	ssyncset.done $0x0  }
0xf8: {  	[sflag:s0] =	ssyncadd.s32 $0xFFFFFF80  }
0xf9: {  	_ =	swait.ge [sflag:s0], $0x80  }
0xfa: {  	[sflag:s0] =	ssyncset.done $0x0  }
0xfb: {  	[sflag:s0] =	ssyncadd.s32 $0xFFFFFF80  }
0xfc: {  	_ =	swait.ge [sflag:s0], $0x80  }
0xfd: {  	[sflag:s0] =	ssyncset.done $0x0  }
0xfe: {  	[sflag:s0] =	ssyncadd.s32 $0xFFFFFF80  }
0xff: {  	_ =	swait.ge [sflag:s0], $0x80  }
0x100: {  	[sflag:s0] =	ssyncset.done $0x0  }
0x101: {  	[sflag:s0] =	ssyncadd.s32 $0xFFFFFF80  }
0x102: {  	_ =	swait.ge [sflag:s0], $0x80  }
0x103: {  	[sflag:s0] =	ssyncset.done $0x0  }
0x104: {  	[sflag:s0] =	ssyncadd.s32 $0xFFFFFF80  }
0x105: {  	_ =	swait.ge [sflag:s0], $0x80  }
0x106: {  	[sflag:s0] =	ssyncset.done $0x0  }
0x107: {  	[sflag:s0] =	ssyncadd.s32 $0xFFFFFF80  }
0x108: {  	_ =	swait.ge [sflag:s0], $0x80  }
0x109: {  	[sflag:s0] =	ssyncset.done $0x0  }
0x10a: {  	[sflag:s0] =	ssyncadd.s32 $0xFFFFFF80  }
0x10b: {  	_ =	swait.ge [sflag:s0], $0x80  }
0x10c: {  	[sflag:s0] =	ssyncset.done $0x0  }
0x10d: {  	[sflag:s0] =	ssyncadd.s32 $0xFFFFFF80  }
0x10e: {  	_ =	swait.ge [sflag:s0], $0x80  }
0x10f: {  	[sflag:s0] =	ssyncset.done $0x0  }
0x110: {  	[sflag:s0] =	ssyncadd.s32 $0xFFFFFF80  }
0x111: {  	_ =	swait.ge [sflag:s0], $0x80  }
0x112: {  	[sflag:s0] =	ssyncset.done $0x0  }
0x113: {  	[sflag:s0] =	ssyncadd.s32 $0xFFFFFF80  }
0x114: {  	_ =	swait.ge [sflag:s0], $0x80  }
0x115: {  	[sflag:s0] =	ssyncset.done $0x0  }
0x116: {  	[sflag:s0] =	ssyncadd.s32 $0xFFFFFF80  }
0x117: {  	_ =	swait.ge [sflag:s0], $0x80  }
0x118: {  	[sflag:s0] =	ssyncset.done $0x0  }
0x119: {  	[sflag:s0] =	ssyncadd.s32 $0xFFFFFF80  }
0x11a: {  	_ =	swait.ge [sflag:s0], $0x80  }
0x11b: {  	[sflag:s0] =	ssyncset.done $0x0  }
0x11c: {  	[sflag:s0] =	ssyncadd.s32 $0xFFFFFF80  }
0x11d: {  	_ =	swait.ge [sflag:s0], $0x80  }
0x11e: {  	[sflag:s0] =	ssyncset.done $0x0  }
0x11f: {  	[sflag:s0] =	ssyncadd.s32 $0xFFFFFF80  }
0x120: {  	_ =	swait.ge [sflag:s0], $0x80  }
0x121: {  	[sflag:s0] =	ssyncset.done $0x0  }
0x122: {  	[sflag:s0] =	ssyncadd.s32 $0xFFFFFF80  }
0x123: {  	_ =	swait.ge [sflag:s0], $0x80  }
0x124: {  	[sflag:s0] =	ssyncset.done $0x0  }
0x125: {  	[sflag:s0] =	ssyncadd.s32 $0xFFFFFF80  }
0x126: {  	_ =	swait.ge [sflag:s0], $0x80  }
0x127: {  	[sflag:s0] =	ssyncset.done $0x0  }
0x128: {  	[sflag:s0] =	ssyncadd.s32 $0xFFFFFF80  }
0x129: {  	_ =	swait.ge [sflag:s0], $0x80  }
0x12a: {  	[sflag:s0] =	ssyncset.done $0x0  }
0x12b: {  	[sflag:s0] =	ssyncadd.s32 $0xFFFFFF80  }
0x12c: {  	_ =	swait.ge [sflag:s0], $0x80  }
0x12d: {  	[sflag:s0] =	ssyncset.done $0x0  }
0x12e: {  	[sflag:s0] =	ssyncadd.s32 $0xFFFFFF80  }
0x12f: {  	_ =	swait.ge [sflag:s0], $0x80  }
0x130: {  	[sflag:s0] =	ssyncset.done $0x0  }
0x131: {  	[sflag:s0] =	ssyncadd.s32 $0xFFFFFF80  }
0x132: {  	_ =	swait.ge [sflag:s0], $0x80  }
0x133: {  	[sflag:s0] =	ssyncset.done $0x0  }
0x134: {  	[sflag:s0] =	ssyncadd.s32 $0xFFFFFF80  }
0x135: {  	_ =	swait.ge [sflag:s0], $0x80  }
0x136: {  	[sflag:s0] =	ssyncset.done $0x0  }
0x137: {  	[sflag:s0] =	ssyncadd.s32 $0xFFFFFF80  }
0x138: {  	_ =	swait.ge [sflag:s0], $0x80  }
0x139: {  	[sflag:s0] =	ssyncset.done $0x0  }
0x13a: {  	[sflag:s0] =	ssyncadd.s32 $0xFFFFFF80  }
0x13b: {  	_ =	swait.ge [sflag:s0], $0x80  }
0x13c: {  	[sflag:s0] =	ssyncset.done $0x0  }
0x13d: {  	[sflag:s0] =	ssyncadd.s32 $0xFFFFFF80  }
0x13e: {  	_ =	swait.ge [sflag:s0], $0x80  }
0x13f: {  	[sflag:s0] =	ssyncset.done $0x0  }
0x140: {  	[sflag:s0] =	ssyncadd.s32 $0xFFFFFF80  }
0x141: {  	_ =	swait.ge [sflag:s0], $0x80  }
0x142: {  	[sflag:s0] =	ssyncset.done $0x0  }
0x143: {  	[sflag:s0] =	ssyncadd.s32 $0xFFFFFF80  }
0x144: {  	_ =	swait.ge [sflag:s0], $0x80  }
0x145: {  	[sflag:s0] =	ssyncset.done $0x0  }
0x146: {  	[sflag:s0] =	ssyncadd.s32 $0xFFFFFF80  }
0x147: {  	_ =	swait.ge [sflag:s0], $0x80  }
0x148: {  	[sflag:s0] =	ssyncset.done $0x0  }
0x149: {  	[sflag:s0] =	ssyncadd.s32 $0xFFFFFF80  }
0x14a: {  	_ =	swait.ge [sflag:s0], $0x80  }
0x14b: {  	[sflag:s0] =	ssyncset.done $0x0  }
0x14c: {  	[sflag:s0] =	ssyncadd.s32 $0xFFFFFF80  }
0x14d: {  	_ =	swait.ge [sflag:s0], $0x80  }
0x14e: {  	[sflag:s0] =	ssyncset.done $0x0  }
0x14f: {  	[sflag:s0] =	ssyncadd.s32 $0xFFFFFF80  }
0x150: {  	_ =	swait.ge [sflag:s0], $0x80  }
0x151: {  	[sflag:s0] =	ssyncset.done $0x0  }
0x152: {  	[sflag:s0] =	ssyncadd.s32 $0xFFFFFF80  }
0x153: {  	_ =	swait.ge [sflag:s0], $0x80  }
0x154: {  	[sflag:s0] =	ssyncset.done $0x0  }
0x155: {  	[sflag:s0] =	ssyncadd.s32 $0xFFFFFF80  }
0x156: {  	_ =	swait.ge [sflag:s0], $0x80  }
0x157: {  	[sflag:s0] =	ssyncset.done $0x0  }
0x158: {  	[sflag:s0] =	ssyncadd.s32 $0xFFFFFF80  }
0x159: {  	_ =	swait.ge [sflag:s0], $0x80  }
0x15a: {  	[sflag:s0] =	ssyncset.done $0x0  }
0x15b: {  	[sflag:s0] =	ssyncadd.s32 $0xFFFFFF80  }
0x15c: {  	_ =	swait.ge [sflag:s0], $0x80  }
0x15d: {  	[sflag:s0] =	ssyncset.done $0x0  }
0x15e: {  	[sflag:s0] =	ssyncadd.s32 $0xFFFFFF80  }
0x15f: {  	_ =	swait.ge [sflag:s0], $0x80  }
0x160: {  	[sflag:s0] =	ssyncset.done $0x0  }
0x161: {  	[sflag:s0] =	ssyncadd.s32 $0xFFFFFF80  }
0x162: {  	_ =	swait.ge [sflag:s0], $0x80  }
0x163: {  	[sflag:s0] =	ssyncset.done $0x0  }
0x164: {  	[sflag:s0] =	ssyncadd.s32 $0xFFFFFF80  }
0x165: {  	_ =	swait.ge [sflag:s0], $0x80  }
0x166: {  	[sflag:s0] =	ssyncset.done $0x0  }
0x167: {  	[sflag:s0] =	ssyncadd.s32 $0xFFFFFF80  }
0x168: {  	_ =	swait.ge [sflag:s0], $0x80  }
0x169: {  	[sflag:s0] =	ssyncset.done $0x0  }
0x16a: {  	[sflag:s0] =	ssyncadd.s32 $0xFFFFFF80  }
0x16b: {  	_ =	swait.ge [sflag:s0], $0x80  }
0x16c: {  	[sflag:s0] =	ssyncset.done $0x0  }
0x16d: {  	[sflag:s0] =	ssyncadd.s32 $0xFFFFFF80  }
0x16e: {  	_ =	swait.ge [sflag:s0], $0x80  }
0x16f: {  	[sflag:s0] =	ssyncset.done $0x0  }
0x170: {  	[sflag:s0] =	ssyncadd.s32 $0xFFFFFF80  }
0x171: {  	_ =	swait.ge [sflag:s0], $0x80  }
0x172: {  	[sflag:s0] =	ssyncset.done $0x0  }
0x173: {  	[sflag:s0] =	ssyncadd.s32 $0xFFFFFF80  }
0x174: {  	_ =	strace $0x9000004B  }
0x175: {  	s24 =	rddreg [dreg:$0x7]  }
.LBB2_9:
0x176: {  	[bflag:$0x0] =	sbarrier.arrive $0xFFFF  }
0x177: {  	_ =	strace $0x9000004A  }
0x178: {  	s5 =	simm.s32 $0x4980;
	_ =	strace $0x8000004C  }
0x179: {  	[spmem:s2] =	stream.indirect.scatter.add.f32 [tilespmem:s20], [sflag:$0x1], $0x1, s5, s22, $0x2000b8;
	[tilespmem:$0x1F990] =	vst v63  }
0x17a: {  	s1 =	simm.s32 $0x6600;
	s6 =	simm.s32 $0x4A00  }
0x17b: {  	[spmem:s2] =	stream.indirect.scatter.add.f32 [tilespmem:s1], [sflag:$0x1], $0x1, s6, s22, $0x2000b8;
	[tilespmem:$0x1F990] =	vst v63  }
0x17c: {  	s12 =	simm.s32 $0x6680;
	s31 =	simm.s32 $0x4A80  }
0x17d: {  	[spmem:s2] =	stream.indirect.scatter.add.f32 [tilespmem:s12], [sflag:$0x1], $0x1, s31, s22, $0x2000b8;
	[tilespmem:$0x1F990] =	vst v63  }
0x17e: {  	s7 =	simm.s32 $0x6700;
	s9 =	simm.s32 $0x4B00  }
0x17f: {  	[spmem:s2] =	stream.indirect.scatter.add.f32 [tilespmem:s7], [sflag:$0x1], $0x1, s9, s22, $0x2000b8;
	[tilespmem:$0x1F990] =	vst v63  }
0x180: {  	s10 =	simm.s32 $0x6780;
	s11 =	simm.s32 $0x4B80  }
0x181: {  	[spmem:s2] =	stream.indirect.scatter.add.f32 [tilespmem:s10], [sflag:$0x1], $0x1, s11, s22, $0x2000b8;
	[tilespmem:$0x1F990] =	vst v63  }
0x182: {  	s12 =	simm.s32 $0x6800;
	s31 =	simm.s32 $0x4C00  }
0x183: {  	[spmem:s2] =	stream.indirect.scatter.add.f32 [tilespmem:s12], [sflag:$0x1], $0x1, s31, s22, $0x2000b8;
	[tilespmem:$0x1F990] =	vst v63  }
0x184: {  	s7 =	simm.s32 $0x6880;
	s9 =	simm.s32 $0x4C80  }
0x185: {  	[spmem:s2] =	stream.indirect.scatter.add.f32 [tilespmem:s7], [sflag:$0x1], $0x1, s9, s22, $0x2000b8;
	[tilespmem:$0x1F990] =	vst v63  }
0x186: {  	s10 =	simm.s32 $0x6900;
	s11 =	simm.s32 $0x4D00  }
0x187: {  	[spmem:s2] =	stream.indirect.scatter.add.f32 [tilespmem:s10], [sflag:$0x1], $0x1, s11, s22, $0x2000b8;
	[tilespmem:$0x1F990] =	vst v63  }
0x188: {  	s12 =	simm.s32 $0x6980;
	s31 =	simm.s32 $0x4D80  }
0x189: {  	[spmem:s2] =	stream.indirect.scatter.add.f32 [tilespmem:s12], [sflag:$0x1], $0x1, s31, s22, $0x2000b8;
	[tilespmem:$0x1F990] =	vst v63  }
0x18a: {  	s7 =	simm.s32 $0x6A00;
	s9 =	simm.s32 $0x4E00  }
0x18b: {  	[spmem:s2] =	stream.indirect.scatter.add.f32 [tilespmem:s7], [sflag:$0x1], $0x1, s9, s22, $0x2000b8;
	[tilespmem:$0x1F990] =	vst v63  }
0x18c: {  	s10 =	simm.s32 $0x6A80;
	s11 =	simm.s32 $0x4E80  }
0x18d: {  	[spmem:s2] =	stream.indirect.scatter.add.f32 [tilespmem:s10], [sflag:$0x1], $0x1, s11, s22, $0x2000b8;
	[tilespmem:$0x1F990] =	vst v63  }
0x18e: {  	s12 =	simm.s32 $0x6B00;
	s31 =	simm.s32 $0x4F00  }
0x18f: {  	[spmem:s2] =	stream.indirect.scatter.add.f32 [tilespmem:s12], [sflag:$0x1], $0x1, s31, s22, $0x2000b8;
	[tilespmem:$0x1F990] =	vst v63  }
0x190: {  	s7 =	simm.s32 $0x6B80;
	s9 =	simm.s32 $0x4F80  }
0x191: {  	[spmem:s2] =	stream.indirect.scatter.add.f32 [tilespmem:s7], [sflag:$0x1], $0x1, s9, s22, $0x2000b8;
	[tilespmem:$0x1F990] =	vst v63  }
0x192: {  	s10 =	simm.s32 $0x6C00;
	s11 =	simm.s32 $0x5000  }
0x193: {  	[spmem:s2] =	stream.indirect.scatter.add.f32 [tilespmem:s10], [sflag:$0x1], $0x1, s11, s22, $0x2000b8;
	[tilespmem:$0x1F990] =	vst v63  }
0x194: {  	s12 =	simm.s32 $0x6C80;
	s31 =	simm.s32 $0x5080  }
0x195: {  	[spmem:s2] =	stream.indirect.scatter.add.f32 [tilespmem:s12], [sflag:$0x1], $0x1, s31, s22, $0x2000b8;
	[tilespmem:$0x1F990] =	vst v63  }
0x196: {  	s7 =	simm.s32 $0x6D00;
	s9 =	simm.s32 $0x5100  }
0x197: {  	[spmem:s2] =	stream.indirect.scatter.add.f32 [tilespmem:s7], [sflag:$0x1], $0x1, s9, s22, $0x2000b8;
	[tilespmem:$0x1F990] =	vst v63  }
0x198: {  	s10 =	simm.s32 $0x6D80;
	s11 =	simm.s32 $0x5180  }
0x199: {  	[spmem:s2] =	stream.indirect.scatter.add.f32 [tilespmem:s10], [sflag:$0x1], $0x1, s11, s22, $0x2000b8;
	[tilespmem:$0x1F990] =	vst v63  }
0x19a: {  	s12 =	simm.s32 $0x6E00;
	s31 =	simm.s32 $0x5200  }
0x19b: {  	[spmem:s2] =	stream.indirect.scatter.add.f32 [tilespmem:s12], [sflag:$0x1], $0x1, s31, s22, $0x2000b8;
	[tilespmem:$0x1F990] =	vst v63  }
0x19c: {  	s7 =	simm.s32 $0x6E80;
	s9 =	simm.s32 $0x5280  }
0x19d: {  	[spmem:s2] =	stream.indirect.scatter.add.f32 [tilespmem:s7], [sflag:$0x1], $0x1, s9, s22, $0x2000b8;
	[tilespmem:$0x1F990] =	vst v63  }
0x19e: {  	s10 =	simm.s32 $0x6F00;
	s11 =	simm.s32 $0x5300  }
0x19f: {  	[spmem:s2] =	stream.indirect.scatter.add.f32 [tilespmem:s10], [sflag:$0x1], $0x1, s11, s22, $0x2000b8;
	[tilespmem:$0x1F990] =	vst v63  }
0x1a0: {  	s12 =	simm.s32 $0x6F80;
	s31 =	simm.s32 $0x5380  }
0x1a1: {  	[spmem:s2] =	stream.indirect.scatter.add.f32 [tilespmem:s12], [sflag:$0x1], $0x1, s31, s22, $0x2000b8;
	[tilespmem:$0x1F990] =	vst v63  }
0x1a2: {  	s7 =	simm.s32 $0x7000;
	s9 =	simm.s32 $0x5400  }
0x1a3: {  	[spmem:s2] =	stream.indirect.scatter.add.f32 [tilespmem:s7], [sflag:$0x1], $0x1, s9, s22, $0x2000b8;
	[tilespmem:$0x1F990] =	vst v63  }
0x1a4: {  	s10 =	simm.s32 $0x7080;
	s11 =	simm.s32 $0x5480  }
0x1a5: {  	[spmem:s2] =	stream.indirect.scatter.add.f32 [tilespmem:s10], [sflag:$0x1], $0x1, s11, s22, $0x2000b8;
	[tilespmem:$0x1F990] =	vst v63  }
0x1a6: {  	s12 =	simm.s32 $0x7100;
	s31 =	simm.s32 $0x5500  }
0x1a7: {  	[spmem:s2] =	stream.indirect.scatter.add.f32 [tilespmem:s12], [sflag:$0x1], $0x1, s31, s22, $0x2000b8;
	[tilespmem:$0x1F990] =	vst v63  }
0x1a8: {  	s7 =	simm.s32 $0x7180;
	s9 =	simm.s32 $0x5580  }
0x1a9: {  	[spmem:s2] =	stream.indirect.scatter.add.f32 [tilespmem:s7], [sflag:$0x1], $0x1, s9, s22, $0x2000b8;
	[tilespmem:$0x1F990] =	vst v63  }
0x1aa: {  	s10 =	simm.s32 $0x7200;
	s11 =	simm.s32 $0x5600  }
0x1ab: {  	[spmem:s2] =	stream.indirect.scatter.add.f32 [tilespmem:s10], [sflag:$0x1], $0x1, s11, s22, $0x2000b8;
	[tilespmem:$0x1F990] =	vst v63  }
0x1ac: {  	s12 =	simm.s32 $0x7280;
	s31 =	simm.s32 $0x5680  }
0x1ad: {  	[spmem:s2] =	stream.indirect.scatter.add.f32 [tilespmem:s12], [sflag:$0x1], $0x1, s31, s22, $0x2000b8;
	[tilespmem:$0x1F990] =	vst v63  }
0x1ae: {  	s7 =	simm.s32 $0x7300;
	s9 =	simm.s32 $0x5700  }
0x1af: {  	[spmem:s2] =	stream.indirect.scatter.add.f32 [tilespmem:s7], [sflag:$0x1], $0x1, s9, s22, $0x2000b8;
	[tilespmem:$0x1F990] =	vst v63  }
0x1b0: {  	s10 =	simm.s32 $0x7380;
	s11 =	simm.s32 $0x5780  }
0x1b1: {  	[spmem:s2] =	stream.indirect.scatter.add.f32 [tilespmem:s10], [sflag:$0x1], $0x1, s11, s22, $0x2000b8;
	[tilespmem:$0x1F990] =	vst v63  }
0x1b2: {  	s12 =	simm.s32 $0x7400;
	s31 =	simm.s32 $0x5800  }
0x1b3: {  	[spmem:s2] =	stream.indirect.scatter.add.f32 [tilespmem:s12], [sflag:$0x1], $0x1, s31, s22, $0x2000b8;
	[tilespmem:$0x1F990] =	vst v63  }
0x1b4: {  	s7 =	simm.s32 $0x7480;
	s9 =	simm.s32 $0x5880  }
0x1b5: {  	[spmem:s2] =	stream.indirect.scatter.add.f32 [tilespmem:s7], [sflag:$0x1], $0x1, s9, s22, $0x2000b8;
	[tilespmem:$0x1F990] =	vst v63  }
0x1b6: {  	s10 =	simm.s32 $0x7500;
	s11 =	simm.s32 $0x5900  }
0x1b7: {  	[spmem:s2] =	stream.indirect.scatter.add.f32 [tilespmem:s10], [sflag:$0x1], $0x1, s11, s22, $0x2000b8;
	[tilespmem:$0x1F990] =	vst v63  }
0x1b8: {  	s12 =	simm.s32 $0x7580;
	s31 =	simm.s32 $0x5980  }
0x1b9: {  	[spmem:s2] =	stream.indirect.scatter.add.f32 [tilespmem:s12], [sflag:$0x1], $0x1, s31, s22, $0x2000b8;
	[tilespmem:$0x1F990] =	vst v63  }
0x1ba: {  	s7 =	simm.s32 $0x7600;
	s9 =	simm.s32 $0x5A00  }
0x1bb: {  	[spmem:s2] =	stream.indirect.scatter.add.f32 [tilespmem:s7], [sflag:$0x1], $0x1, s9, s22, $0x2000b8;
	[tilespmem:$0x1F990] =	vst v63  }
0x1bc: {  	s10 =	simm.s32 $0x7680;
	s11 =	simm.s32 $0x5A80  }
0x1bd: {  	[spmem:s2] =	stream.indirect.scatter.add.f32 [tilespmem:s10], [sflag:$0x1], $0x1, s11, s22, $0x2000b8;
	[tilespmem:$0x1F990] =	vst v63  }
0x1be: {  	s12 =	simm.s32 $0x7700;
	s31 =	simm.s32 $0x5B00  }
0x1bf: {  	[spmem:s2] =	stream.indirect.scatter.add.f32 [tilespmem:s12], [sflag:$0x1], $0x1, s31, s22, $0x2000b8;
	[tilespmem:$0x1F990] =	vst v63  }
0x1c0: {  	s7 =	simm.s32 $0x7780;
	s9 =	simm.s32 $0x5B80  }
0x1c1: {  	[spmem:s2] =	stream.indirect.scatter.add.f32 [tilespmem:s7], [sflag:$0x1], $0x1, s9, s22, $0x2000b8;
	[tilespmem:$0x1F990] =	vst v63  }
0x1c2: {  	s10 =	simm.s32 $0x7800;
	s11 =	simm.s32 $0x5C00  }
0x1c3: {  	[spmem:s2] =	stream.indirect.scatter.add.f32 [tilespmem:s10], [sflag:$0x1], $0x1, s11, s22, $0x2000b8;
	[tilespmem:$0x1F990] =	vst v63  }
0x1c4: {  	s12 =	simm.s32 $0x7880;
	s31 =	simm.s32 $0x5C80  }
0x1c5: {  	[spmem:s2] =	stream.indirect.scatter.add.f32 [tilespmem:s12], [sflag:$0x1], $0x1, s31, s22, $0x2000b8;
	[tilespmem:$0x1F990] =	vst v63  }
0x1c6: {  	s7 =	simm.s32 $0x7900;
	s9 =	simm.s32 $0x5D00  }
0x1c7: {  	[spmem:s2] =	stream.indirect.scatter.add.f32 [tilespmem:s7], [sflag:$0x1], $0x1, s9, s22, $0x2000b8;
	[tilespmem:$0x1F990] =	vst v63  }
0x1c8: {  	s10 =	simm.s32 $0x7980;
	s11 =	simm.s32 $0x5D80  }
0x1c9: {  	[spmem:s2] =	stream.indirect.scatter.add.f32 [tilespmem:s10], [sflag:$0x1], $0x1, s11, s22, $0x2000b8;
	[tilespmem:$0x1F990] =	vst v63  }
0x1ca: {  	s12 =	simm.s32 $0x5E00  }
0x1cb: {  	[spmem:s2] =	stream.indirect.scatter.add.f32 [tilespmem:s13], [sflag:$0x1], $0x1, s12, s22, $0x2000b8;
	[tilespmem:$0x1F990] =	vst v63  }
0x1cc: {  	s31 =	simm.s32 $0x5E80  }
0x1cd: {  	[spmem:s2] =	stream.indirect.scatter.add.f32 [tilespmem:s15], [sflag:$0x1], $0x1, s31, s22, $0x2000b8;
	[tilespmem:$0x1F990] =	vst v63  }
0x1ce: {  	s6 =	simm.s32 $0x5F00  }
0x1cf: {  	[spmem:s2] =	stream.indirect.scatter.add.f32 [tilespmem:s17], [sflag:$0x1], $0x1, s6, s22, $0x2000b8;
	[tilespmem:$0x1F990] =	vst v63  }
0x1d0: {  	s7 =	simm.s32 $0x5F80  }
0x1d1: {  	[spmem:s2] =	stream.indirect.scatter.add.f32 [tilespmem:s18], [sflag:$0x1], $0x1, s7, s22, $0x2000b8;
	[tilespmem:$0x1F990] =	vst v63  }
0x1d2: {  	s9 =	simm.s32 $0x6000  }
0x1d3: {  	[spmem:s2] =	stream.indirect.scatter.add.f32 [tilespmem:s8], [sflag:$0x1], $0x1, s9, s22, $0x2000b8;
	[tilespmem:$0x1F990] =	vst v63  }
0x1d4: {  	s10 =	simm.s32 $0x6080  }
0x1d5: {  	[spmem:s2] =	stream.indirect.scatter.add.f32 [tilespmem:s14], [sflag:$0x1], $0x1, s10, s22, $0x2000b8;
	[tilespmem:$0x1F990] =	vst v63  }
0x1d6: {  	s11 =	simm.s32 $0x6100  }
0x1d7: {  	[spmem:s2] =	stream.indirect.scatter.add.f32 [tilespmem:s25], [sflag:$0x1], $0x1, s11, s22, $0x2000b8;
	[tilespmem:$0x1F990] =	vst v63  }
0x1d8: {  	s12 =	simm.s32 $0x6180  }
0x1d9: {  	[spmem:s2] =	stream.indirect.scatter.add.f32 [tilespmem:s28], [sflag:$0x1], $0x1, s12, s22, $0x2000b8;
	[tilespmem:$0x1F990] =	vst v63  }
0x1da: {  	_ =	swait.ge [sflag:s21], $0x80  }
0x1db: {  	[sflag:s21] =	ssyncset.done $0x0  }
0x1dc: {  	[sflag:s21] =	ssyncadd.s32 $0xFFFFFF80  }
0x1dd: {  	_ =	swait.ge [sflag:s21], $0x80  }
0x1de: {  	[sflag:s21] =	ssyncset.done $0x0  }
0x1df: {  	[sflag:s21] =	ssyncadd.s32 $0xFFFFFF80  }
0x1e0: {  	_ =	swait.ge [sflag:s21], $0x80  }
0x1e1: {  	[sflag:s21] =	ssyncset.done $0x0  }
0x1e2: {  	[sflag:s21] =	ssyncadd.s32 $0xFFFFFF80  }
0x1e3: {  	_ =	swait.ge [sflag:s21], $0x80  }
0x1e4: {  	[sflag:s21] =	ssyncset.done $0x0  }
0x1e5: {  	[sflag:s21] =	ssyncadd.s32 $0xFFFFFF80  }
0x1e6: {  	_ =	swait.ge [sflag:s21], $0x80  }
0x1e7: {  	[sflag:s21] =	ssyncset.done $0x0  }
0x1e8: {  	[sflag:s21] =	ssyncadd.s32 $0xFFFFFF80  }
0x1e9: {  	_ =	swait.ge [sflag:s21], $0x80  }
0x1ea: {  	[sflag:s21] =	ssyncset.done $0x0  }
0x1eb: {  	[sflag:s21] =	ssyncadd.s32 $0xFFFFFF80  }
0x1ec: {  	_ =	swait.ge [sflag:s21], $0x80  }
0x1ed: {  	[sflag:s21] =	ssyncset.done $0x0  }
0x1ee: {  	[sflag:s21] =	ssyncadd.s32 $0xFFFFFF80  }
0x1ef: {  	_ =	swait.ge [sflag:s21], $0x80  }
0x1f0: {  	[sflag:s21] =	ssyncset.done $0x0  }
0x1f1: {  	[sflag:s21] =	ssyncadd.s32 $0xFFFFFF80  }
0x1f2: {  	_ =	swait.ge [sflag:s21], $0x80  }
0x1f3: {  	[sflag:s21] =	ssyncset.done $0x0  }
0x1f4: {  	[sflag:s21] =	ssyncadd.s32 $0xFFFFFF80  }
0x1f5: {  	_ =	swait.ge [sflag:s21], $0x80  }
0x1f6: {  	[sflag:s21] =	ssyncset.done $0x0  }
0x1f7: {  	[sflag:s21] =	ssyncadd.s32 $0xFFFFFF80  }
0x1f8: {  	_ =	swait.ge [sflag:s21], $0x80  }
0x1f9: {  	[sflag:s21] =	ssyncset.done $0x0  }
0x1fa: {  	[sflag:s21] =	ssyncadd.s32 $0xFFFFFF80  }
0x1fb: {  	_ =	swait.ge [sflag:s21], $0x80  }
0x1fc: {  	[sflag:s21] =	ssyncset.done $0x0  }
0x1fd: {  	[sflag:s21] =	ssyncadd.s32 $0xFFFFFF80  }
0x1fe: {  	_ =	swait.ge [sflag:s21], $0x80  }
0x1ff: {  	[sflag:s21] =	ssyncset.done $0x0  }
0x200: {  	[sflag:s21] =	ssyncadd.s32 $0xFFFFFF80  }
0x201: {  	_ =	swait.ge [sflag:s21], $0x80  }
0x202: {  	[sflag:s21] =	ssyncset.done $0x0  }
0x203: {  	[sflag:s21] =	ssyncadd.s32 $0xFFFFFF80  }
0x204: {  	_ =	swait.ge [sflag:s21], $0x80  }
0x205: {  	[sflag:s21] =	ssyncset.done $0x0  }
0x206: {  	[sflag:s21] =	ssyncadd.s32 $0xFFFFFF80  }
0x207: {  	_ =	swait.ge [sflag:s21], $0x80  }
0x208: {  	[sflag:s21] =	ssyncset.done $0x0  }
0x209: {  	[sflag:s21] =	ssyncadd.s32 $0xFFFFFF80  }
0x20a: {  	_ =	swait.ge [sflag:s21], $0x80  }
0x20b: {  	[sflag:s21] =	ssyncset.done $0x0  }
0x20c: {  	[sflag:s21] =	ssyncadd.s32 $0xFFFFFF80  }
0x20d: {  	_ =	swait.ge [sflag:s21], $0x80  }
0x20e: {  	[sflag:s21] =	ssyncset.done $0x0  }
0x20f: {  	[sflag:s21] =	ssyncadd.s32 $0xFFFFFF80  }
0x210: {  	_ =	swait.ge [sflag:s21], $0x80  }
0x211: {  	[sflag:s21] =	ssyncset.done $0x0  }
0x212: {  	[sflag:s21] =	ssyncadd.s32 $0xFFFFFF80  }
0x213: {  	_ =	swait.ge [sflag:s21], $0x80  }
0x214: {  	[sflag:s21] =	ssyncset.done $0x0  }
0x215: {  	[sflag:s21] =	ssyncadd.s32 $0xFFFFFF80  }
0x216: {  	_ =	swait.ge [sflag:s21], $0x80  }
0x217: {  	[sflag:s21] =	ssyncset.done $0x0  }
0x218: {  	[sflag:s21] =	ssyncadd.s32 $0xFFFFFF80  }
0x219: {  	_ =	swait.ge [sflag:s21], $0x80  }
0x21a: {  	[sflag:s21] =	ssyncset.done $0x0  }
0x21b: {  	[sflag:s21] =	ssyncadd.s32 $0xFFFFFF80  }
0x21c: {  	_ =	swait.ge [sflag:s21], $0x80  }
0x21d: {  	[sflag:s21] =	ssyncset.done $0x0  }
0x21e: {  	[sflag:s21] =	ssyncadd.s32 $0xFFFFFF80  }
0x21f: {  	_ =	swait.ge [sflag:s21], $0x80  }
0x220: {  	[sflag:s21] =	ssyncset.done $0x0  }
0x221: {  	[sflag:s21] =	ssyncadd.s32 $0xFFFFFF80  }
0x222: {  	_ =	swait.ge [sflag:s21], $0x80  }
0x223: {  	[sflag:s21] =	ssyncset.done $0x0  }
0x224: {  	[sflag:s21] =	ssyncadd.s32 $0xFFFFFF80  }
0x225: {  	_ =	swait.ge [sflag:s21], $0x80  }
0x226: {  	[sflag:s21] =	ssyncset.done $0x0  }
0x227: {  	[sflag:s21] =	ssyncadd.s32 $0xFFFFFF80  }
0x228: {  	_ =	swait.ge [sflag:s21], $0x80  }
0x229: {  	[sflag:s21] =	ssyncset.done $0x0  }
0x22a: {  	[sflag:s21] =	ssyncadd.s32 $0xFFFFFF80  }
0x22b: {  	_ =	swait.ge [sflag:s21], $0x80  }
0x22c: {  	[sflag:s21] =	ssyncset.done $0x0  }
0x22d: {  	[sflag:s21] =	ssyncadd.s32 $0xFFFFFF80  }
0x22e: {  	_ =	swait.ge [sflag:s21], $0x80  }
0x22f: {  	[sflag:s21] =	ssyncset.done $0x0  }
0x230: {  	[sflag:s21] =	ssyncadd.s32 $0xFFFFFF80  }
0x231: {  	_ =	swait.ge [sflag:s21], $0x80  }
0x232: {  	[sflag:s21] =	ssyncset.done $0x0  }
0x233: {  	[sflag:s21] =	ssyncadd.s32 $0xFFFFFF80  }
0x234: {  	_ =	swait.ge [sflag:s21], $0x80  }
0x235: {  	[sflag:s21] =	ssyncset.done $0x0  }
0x236: {  	[sflag:s21] =	ssyncadd.s32 $0xFFFFFF80  }
0x237: {  	_ =	swait.ge [sflag:s21], $0x80  }
0x238: {  	[sflag:s21] =	ssyncset.done $0x0  }
0x239: {  	[sflag:s21] =	ssyncadd.s32 $0xFFFFFF80  }
0x23a: {  	_ =	swait.ge [sflag:s21], $0x80  }
0x23b: {  	[sflag:s21] =	ssyncset.done $0x0  }
0x23c: {  	[sflag:s21] =	ssyncadd.s32 $0xFFFFFF80  }
0x23d: {  	_ =	swait.ge [sflag:s21], $0x80  }
0x23e: {  	[sflag:s21] =	ssyncset.done $0x0  }
0x23f: {  	[sflag:s21] =	ssyncadd.s32 $0xFFFFFF80  }
0x240: {  	_ =	swait.ge [sflag:s21], $0x80  }
0x241: {  	[sflag:s21] =	ssyncset.done $0x0  }
0x242: {  	[sflag:s21] =	ssyncadd.s32 $0xFFFFFF80  }
0x243: {  	_ =	swait.ge [sflag:s21], $0x80  }
0x244: {  	[sflag:s21] =	ssyncset.done $0x0  }
0x245: {  	[sflag:s21] =	ssyncadd.s32 $0xFFFFFF80  }
0x246: {  	_ =	swait.ge [sflag:s21], $0x80  }
0x247: {  	[sflag:s21] =	ssyncset.done $0x0  }
0x248: {  	[sflag:s21] =	ssyncadd.s32 $0xFFFFFF80  }
0x249: {  	_ =	swait.ge [sflag:s21], $0x80  }
0x24a: {  	[sflag:s21] =	ssyncset.done $0x0  }
0x24b: {  	[sflag:s21] =	ssyncadd.s32 $0xFFFFFF80  }
0x24c: {  	_ =	swait.ge [sflag:s21], $0x80  }
0x24d: {  	[sflag:s21] =	ssyncset.done $0x0  }
0x24e: {  	[sflag:s21] =	ssyncadd.s32 $0xFFFFFF80  }
0x24f: {  	_ =	swait.ge [sflag:s21], $0x80  }
0x250: {  	[sflag:s21] =	ssyncset.done $0x0  }
0x251: {  	[sflag:s21] =	ssyncadd.s32 $0xFFFFFF80  }
0x252: {  	_ =	swait.ge [sflag:s21], $0x80  }
0x253: {  	[sflag:s21] =	ssyncset.done $0x0  }
0x254: {  	[sflag:s21] =	ssyncadd.s32 $0xFFFFFF80  }
0x255: {  	_ =	swait.ge [sflag:s21], $0x80  }
0x256: {  	[sflag:s21] =	ssyncset.done $0x0  }
0x257: {  	[sflag:s21] =	ssyncadd.s32 $0xFFFFFF80  }
0x258: {  	_ =	swait.ge [sflag:s21], $0x80  }
0x259: {  	[sflag:s21] =	ssyncset.done $0x0  }
0x25a: {  	[sflag:s21] =	ssyncadd.s32 $0xFFFFFF80  }
0x25b: {  	_ =	swait.ge [sflag:s21], $0x80  }
0x25c: {  	[sflag:s21] =	ssyncset.done $0x0  }
0x25d: {  	[sflag:s21] =	ssyncadd.s32 $0xFFFFFF80  }
0x25e: {  	_ =	swait.ge [sflag:s21], $0x80  }
0x25f: {  	[sflag:s21] =	ssyncset.done $0x0  }
0x260: {  	[sflag:s21] =	ssyncadd.s32 $0xFFFFFF80  }
0x261: {  	_ =	swait.ge [sflag:s21], $0x80  }
0x262: {  	[sflag:s21] =	ssyncset.done $0x0  }
0x263: {  	[sflag:s21] =	ssyncadd.s32 $0xFFFFFF80  }
0x264: {  	_ =	swait.ge [sflag:s21], $0x80  }
0x265: {  	[sflag:s21] =	ssyncset.done $0x0  }
0x266: {  	[sflag:s21] =	ssyncadd.s32 $0xFFFFFF80  }
0x267: {  	_ =	swait.ge [sflag:s21], $0x80  }
0x268: {  	[sflag:s21] =	ssyncset.done $0x0  }
0x269: {  	[sflag:s21] =	ssyncadd.s32 $0xFFFFFF80  }
0x26a: {  	_ =	swait.ge [sflag:s21], $0x80  }
0x26b: {  	[sflag:s21] =	ssyncset.done $0x0  }
0x26c: {  	[sflag:s21] =	ssyncadd.s32 $0xFFFFFF80  }
0x26d: {  	[bflag:$0x0] =	sbarrier.arrive $0xFFFF  }
0x26e: {  	_ =	strace $0x9000004C  }
0x26f: {  	_ =	strace $0x8000004D  }
0x270: {  	[tilespmem:s23], [sflag:$0x3] =	stream.linear.gather [spmem:s16], $0x7D10, $0x200038;
	[tilespmem:$0x1F990] =	vst v63  }
0x271: {  	_ =	swait.ge [sflag:s30], $0x7D10  }
0x272: {  	[sflag:s30] =	ssyncset.done $0x0;
	s31 =	rddreg [dreg:$0xe]  }
0x273: {  	[sflag:s30] =	ssyncadd.s32 $0xFFFF82F0;
	s1 =	sadd.s32 s24, s31;
	s24 =	simm.s32 $0x0  }
0x274: {  	[hbm4b:s1+s24] =	stream.linear.scatter [tilespmem:s23], [sflag:$0x2], $0x7D10, $0x200038;
	[tilespmem:$0x1F990] =	vst v63  }
0x275: {  	_ =	strace $0x9000004D  }
0x276: {  	_ =	strace $0x8000004E  }
0x277: {  	[spmem:s16] =	stream.linear.scatter [tilespmem:s19], [sflag:$0x3], $0x7D10, $0x200038;
	[tilespmem:$0x1F990] =	vst v63  }
0x278: {  	_ =	swait.ge [sflag:s30], $0x7D10  }
0x279: {  	[sflag:s30] =	ssyncset.done $0x0  }
0x27a: {  	[sflag:s30] =	ssyncadd.s32 $0xFFFF82F0  }
0x27b: {  	s29 =	simm.s32 $0x0;
	_ =	strace $0x9000004E  }
0x27c: {  	s7 =	simm.s32 $0x0;
	s1 =	simm.s32 $0x1880;
	_ =	strace $0x8000004F  }
.LBB2_10:
0x27d: {  	v2 =	vld [tilespmem:s1+$0x0]  }
0x27e: {  	v3 =	vld [tilespmem:s29+$0x0];
	_ =	sdelay $0x2  }
0x27f: {  	s6 =	sadd.s32 $0x0, s24  }
0x280: {  	v5 =	vmov s6;
	v4 =	vadd.s32 $0xFFFFFE0C, v2  }
0x281: {  	v2 =	vshll.u32 v2, $0xA;
	vm1 =	vlt.u32 v3, $0x3E8;
	vm0 =	vlt.u32 v4, $0x1F4  }
0x282: {  	s12 =	simm.s32 $0x7D000;
	vm15 =	vlt.u32 v5, v1;
	v2 =	vadd.s32 v3, v2;
	vm0 =	vmand vm0, vm1  }
0x283: {  	v3 =	vor.u32 s12, v0;
	v2 =	vadd.s32 $0xFFF83000, v2;
	vm0 =	vmand vm15, vm0  }
0x284: {  	v2 =	vsel vm0, v2, v3  }
0x285: {  	s9 =	sadd.s32 $0x10, s1;
	s11 =	simm.s32 $0x20;
	[tilespmem:s5+$0x0] =	vst v2  }
0x286: {  	s10 =	sadd.s32 $0x10, s29;
	s31 =	smov.u32 s5;
	s6 =	simm.s32 $0x10;
	v2 =	vld [tilespmem:s9+$0x0]  }
.LBB2_11:
0x287: {  	p2 =	sne.s32 s11, $0x70;
	v3 =	vld [tilespmem:s10+$0x0];
	_ =	sdelay $0x2  }
0x288: {  	s12 =	sadd.s32 s6, s24  }
0x289: {  	v5 =	vmov s12;
	v4 =	vadd.s32 $0xFFFFFE0C, v2  }
0x28a: {  	v2 =	vshll.u32 v2, $0xA;
	vm0 =	vlt.u32 v4, $0x1F4;
	vm1 =	vlt.u32 v3, $0x3E8  }
.Ltmp4:
0x28b: {  	s12 =	sadd.s32 $0x7D000, s6;
	s6 =	smov.u32 s11;
	v2 =	vadd.s32 v3, v2;
	vm0 =	vmand vm0, vm1;
	vm1 =	vlt.u32 v5, v1;
	(pc) =	sbr.rel @p2 .LBB2_11-.Ltmp4, $4  }
0x28c: {  	v3 =	vor.u32 s12, v0;
	v2 =	vadd.s32 $0xFFF83000, v2;
	vm0 =	vmand vm1, vm0  }
0x28d: {  	s31 =	sadd.s32 $0x10, s31;
	v2 =	vsel vm0, v2, v3  }
0x28e: {  	s9 =	sadd.s32 $0x10, s9;
	[tilespmem:s31+$0x0] =	vst v2  }
0x28f: {  	s10 =	sadd.s32 $0x10, s10;
	s11 =	sadd.s32 $0x10, s11;
	v2 =	vld [tilespmem:s9+$0x0]  }
0x290: {  	v3 =	vld [tilespmem:s10+$0x0];
	_ =	sdelay $0x2  }
0x291: {  	s9 =	sadd.s32 s6, s24;
	s7 =	sadd.s32 $0x1, s7  }
0x292: {  	v5 =	vmov s9;
	p2 =	sne.s32 s7, $0x31;
	v4 =	vadd.s32 $0xFFFFFE0C, v2  }
.Ltmp5:
0x293: {  	v2 =	vshll.u32 v2, $0xA;
	vm0 =	vlt.u32 v4, $0x1F4;
	vm1 =	vlt.u32 v3, $0x3E8;
	(pc) =	sbr.rel @p2 .LBB2_10-.Ltmp5, $4  }
0x294: {  	s12 =	sadd.s32 $0x7D000, s6;
	vm15 =	vlt.u32 v5, v1;
	v2 =	vadd.s32 v3, v2;
	vm0 =	vmand vm0, vm1  }
0x295: {  	v3 =	vor.u32 s12, v0;
	v2 =	vadd.s32 $0xFFF83000, v2;
	vm0 =	vmand vm15, vm0  }
0x296: {  	s31 =	sadd.s32 $0x10, s31;
	s5 =	sadd.s32 $0x80, s5;
	v2 =	vsel vm0, v2, v3  }
0x297: {  	s29 =	sadd.s32 $0x80, s29;
	s1 =	sadd.s32 $0x80, s1;
	s24 =	sadd.s32 $0x80, s24;
	[tilespmem:s31+$0x0] =	vst v2  }
0x298: {  	[bflag:$0x0] =	sbarrier.arrive $0xFFFF  }
0x299: {  	_ =	strace $0x9000004F  }
0x29a: {  	s1 =	simm.s32 $0x4980;
	_ =	strace $0x80000050  }
0x29b: {  	[spmem:s2] =	stream.indirect.scatter.add.f32 [tilespmem:s20], [sflag:$0x1], $0x1, s1, s22, $0x2000b8;
	[tilespmem:$0x1F990] =	vst v63  }
0x29c: {  	s6 =	simm.s32 $0x6600;
	s5 =	simm.s32 $0x4A00  }
0x29d: {  	[spmem:s2] =	stream.indirect.scatter.add.f32 [tilespmem:s6], [sflag:$0x1], $0x1, s5, s22, $0x2000b8;
	[tilespmem:$0x1F990] =	vst v63  }
0x29e: {  	s7 =	simm.s32 $0x6680;
	s9 =	simm.s32 $0x4A80  }
0x29f: {  	[spmem:s2] =	stream.indirect.scatter.add.f32 [tilespmem:s7], [sflag:$0x1], $0x1, s9, s22, $0x2000b8;
	[tilespmem:$0x1F990] =	vst v63  }
0x2a0: {  	s10 =	simm.s32 $0x6700;
	s11 =	simm.s32 $0x4B00  }
0x2a1: {  	[spmem:s2] =	stream.indirect.scatter.add.f32 [tilespmem:s10], [sflag:$0x1], $0x1, s11, s22, $0x2000b8;
	[tilespmem:$0x1F990] =	vst v63  }
0x2a2: {  	s12 =	simm.s32 $0x6780;
	s24 =	simm.s32 $0x4B80  }
0x2a3: {  	[spmem:s2] =	stream.indirect.scatter.add.f32 [tilespmem:s12], [sflag:$0x1], $0x1, s24, s22, $0x2000b8;
	[tilespmem:$0x1F990] =	vst v63  }
0x2a4: {  	s29 =	simm.s32 $0x6800;
	s31 =	simm.s32 $0x4C00  }
0x2a5: {  	[spmem:s2] =	stream.indirect.scatter.add.f32 [tilespmem:s29], [sflag:$0x1], $0x1, s31, s22, $0x2000b8;
	[tilespmem:$0x1F990] =	vst v63  }
0x2a6: {  	s5 =	simm.s32 $0x6880;
	s6 =	simm.s32 $0x4C80  }
0x2a7: {  	[spmem:s2] =	stream.indirect.scatter.add.f32 [tilespmem:s5], [sflag:$0x1], $0x1, s6, s22, $0x2000b8;
	[tilespmem:$0x1F990] =	vst v63  }
0x2a8: {  	s7 =	simm.s32 $0x6900;
	s9 =	simm.s32 $0x4D00  }
0x2a9: {  	[spmem:s2] =	stream.indirect.scatter.add.f32 [tilespmem:s7], [sflag:$0x1], $0x1, s9, s22, $0x2000b8;
	[tilespmem:$0x1F990] =	vst v63  }
0x2aa: {  	s10 =	simm.s32 $0x6980;
	s11 =	simm.s32 $0x4D80  }
0x2ab: {  	[spmem:s2] =	stream.indirect.scatter.add.f32 [tilespmem:s10], [sflag:$0x1], $0x1, s11, s22, $0x2000b8;
	[tilespmem:$0x1F990] =	vst v63  }
0x2ac: {  	s12 =	simm.s32 $0x6A00;
	s24 =	simm.s32 $0x4E00  }
0x2ad: {  	[spmem:s2] =	stream.indirect.scatter.add.f32 [tilespmem:s12], [sflag:$0x1], $0x1, s24, s22, $0x2000b8;
	[tilespmem:$0x1F990] =	vst v63  }
0x2ae: {  	s29 =	simm.s32 $0x6A80;
	s31 =	simm.s32 $0x4E80  }
0x2af: {  	[spmem:s2] =	stream.indirect.scatter.add.f32 [tilespmem:s29], [sflag:$0x1], $0x1, s31, s22, $0x2000b8;
	[tilespmem:$0x1F990] =	vst v63  }
0x2b0: {  	s5 =	simm.s32 $0x6B00;
	s6 =	simm.s32 $0x4F00  }
0x2b1: {  	[spmem:s2] =	stream.indirect.scatter.add.f32 [tilespmem:s5], [sflag:$0x1], $0x1, s6, s22, $0x2000b8;
	[tilespmem:$0x1F990] =	vst v63  }
0x2b2: {  	s7 =	simm.s32 $0x6B80;
	s9 =	simm.s32 $0x4F80  }
0x2b3: {  	[spmem:s2] =	stream.indirect.scatter.add.f32 [tilespmem:s7], [sflag:$0x1], $0x1, s9, s22, $0x2000b8;
	[tilespmem:$0x1F990] =	vst v63  }
0x2b4: {  	s10 =	simm.s32 $0x6C00;
	s11 =	simm.s32 $0x5000  }
0x2b5: {  	[spmem:s2] =	stream.indirect.scatter.add.f32 [tilespmem:s10], [sflag:$0x1], $0x1, s11, s22, $0x2000b8;
	[tilespmem:$0x1F990] =	vst v63  }
0x2b6: {  	s12 =	simm.s32 $0x6C80;
	s24 =	simm.s32 $0x5080  }
0x2b7: {  	[spmem:s2] =	stream.indirect.scatter.add.f32 [tilespmem:s12], [sflag:$0x1], $0x1, s24, s22, $0x2000b8;
	[tilespmem:$0x1F990] =	vst v63  }
0x2b8: {  	s29 =	simm.s32 $0x6D00;
	s31 =	simm.s32 $0x5100  }
0x2b9: {  	[spmem:s2] =	stream.indirect.scatter.add.f32 [tilespmem:s29], [sflag:$0x1], $0x1, s31, s22, $0x2000b8;
	[tilespmem:$0x1F990] =	vst v63  }
0x2ba: {  	s5 =	simm.s32 $0x6D80;
	s6 =	simm.s32 $0x5180  }
0x2bb: {  	[spmem:s2] =	stream.indirect.scatter.add.f32 [tilespmem:s5], [sflag:$0x1], $0x1, s6, s22, $0x2000b8;
	[tilespmem:$0x1F990] =	vst v63  }
0x2bc: {  	s7 =	simm.s32 $0x6E00;
	s9 =	simm.s32 $0x5200  }
0x2bd: {  	[spmem:s2] =	stream.indirect.scatter.add.f32 [tilespmem:s7], [sflag:$0x1], $0x1, s9, s22, $0x2000b8;
	[tilespmem:$0x1F990] =	vst v63  }
0x2be: {  	s10 =	simm.s32 $0x6E80;
	s11 =	simm.s32 $0x5280  }
0x2bf: {  	[spmem:s2] =	stream.indirect.scatter.add.f32 [tilespmem:s10], [sflag:$0x1], $0x1, s11, s22, $0x2000b8;
	[tilespmem:$0x1F990] =	vst v63  }
0x2c0: {  	s12 =	simm.s32 $0x6F00;
	s24 =	simm.s32 $0x5300  }
0x2c1: {  	[spmem:s2] =	stream.indirect.scatter.add.f32 [tilespmem:s12], [sflag:$0x1], $0x1, s24, s22, $0x2000b8;
	[tilespmem:$0x1F990] =	vst v63  }
0x2c2: {  	s29 =	simm.s32 $0x6F80;
	s31 =	simm.s32 $0x5380  }
0x2c3: {  	[spmem:s2] =	stream.indirect.scatter.add.f32 [tilespmem:s29], [sflag:$0x1], $0x1, s31, s22, $0x2000b8;
	[tilespmem:$0x1F990] =	vst v63  }
0x2c4: {  	s5 =	simm.s32 $0x7000;
	s6 =	simm.s32 $0x5400  }
0x2c5: {  	[spmem:s2] =	stream.indirect.scatter.add.f32 [tilespmem:s5], [sflag:$0x1], $0x1, s6, s22, $0x2000b8;
	[tilespmem:$0x1F990] =	vst v63  }
0x2c6: {  	s7 =	simm.s32 $0x7080;
	s9 =	simm.s32 $0x5480  }
0x2c7: {  	[spmem:s2] =	stream.indirect.scatter.add.f32 [tilespmem:s7], [sflag:$0x1], $0x1, s9, s22, $0x2000b8;
	[tilespmem:$0x1F990] =	vst v63  }
0x2c8: {  	s10 =	simm.s32 $0x7100;
	s11 =	simm.s32 $0x5500  }
0x2c9: {  	[spmem:s2] =	stream.indirect.scatter.add.f32 [tilespmem:s10], [sflag:$0x1], $0x1, s11, s22, $0x2000b8;
	[tilespmem:$0x1F990] =	vst v63  }
0x2ca: {  	s12 =	simm.s32 $0x7180;
	s24 =	simm.s32 $0x5580  }
0x2cb: {  	[spmem:s2] =	stream.indirect.scatter.add.f32 [tilespmem:s12], [sflag:$0x1], $0x1, s24, s22, $0x2000b8;
	[tilespmem:$0x1F990] =	vst v63  }
0x2cc: {  	s29 =	simm.s32 $0x7200;
	s31 =	simm.s32 $0x5600  }
0x2cd: {  	[spmem:s2] =	stream.indirect.scatter.add.f32 [tilespmem:s29], [sflag:$0x1], $0x1, s31, s22, $0x2000b8;
	[tilespmem:$0x1F990] =	vst v63  }
0x2ce: {  	s5 =	simm.s32 $0x7280;
	s6 =	simm.s32 $0x5680  }
0x2cf: {  	[spmem:s2] =	stream.indirect.scatter.add.f32 [tilespmem:s5], [sflag:$0x1], $0x1, s6, s22, $0x2000b8;
	[tilespmem:$0x1F990] =	vst v63  }
0x2d0: {  	s7 =	simm.s32 $0x7300;
	s9 =	simm.s32 $0x5700  }
0x2d1: {  	[spmem:s2] =	stream.indirect.scatter.add.f32 [tilespmem:s7], [sflag:$0x1], $0x1, s9, s22, $0x2000b8;
	[tilespmem:$0x1F990] =	vst v63  }
0x2d2: {  	s10 =	simm.s32 $0x7380;
	s11 =	simm.s32 $0x5780  }
0x2d3: {  	[spmem:s2] =	stream.indirect.scatter.add.f32 [tilespmem:s10], [sflag:$0x1], $0x1, s11, s22, $0x2000b8;
	[tilespmem:$0x1F990] =	vst v63  }
0x2d4: {  	s12 =	simm.s32 $0x7400;
	s24 =	simm.s32 $0x5800  }
0x2d5: {  	[spmem:s2] =	stream.indirect.scatter.add.f32 [tilespmem:s12], [sflag:$0x1], $0x1, s24, s22, $0x2000b8;
	[tilespmem:$0x1F990] =	vst v63  }
0x2d6: {  	s29 =	simm.s32 $0x7480;
	s31 =	simm.s32 $0x5880  }
0x2d7: {  	[spmem:s2] =	stream.indirect.scatter.add.f32 [tilespmem:s29], [sflag:$0x1], $0x1, s31, s22, $0x2000b8;
	[tilespmem:$0x1F990] =	vst v63  }
0x2d8: {  	s5 =	simm.s32 $0x7500;
	s6 =	simm.s32 $0x5900  }
0x2d9: {  	[spmem:s2] =	stream.indirect.scatter.add.f32 [tilespmem:s5], [sflag:$0x1], $0x1, s6, s22, $0x2000b8;
	[tilespmem:$0x1F990] =	vst v63  }
0x2da: {  	s7 =	simm.s32 $0x7580;
	s9 =	simm.s32 $0x5980  }
0x2db: {  	[spmem:s2] =	stream.indirect.scatter.add.f32 [tilespmem:s7], [sflag:$0x1], $0x1, s9, s22, $0x2000b8;
	[tilespmem:$0x1F990] =	vst v63  }
0x2dc: {  	s10 =	simm.s32 $0x7600;
	s11 =	simm.s32 $0x5A00  }
0x2dd: {  	[spmem:s2] =	stream.indirect.scatter.add.f32 [tilespmem:s10], [sflag:$0x1], $0x1, s11, s22, $0x2000b8;
	[tilespmem:$0x1F990] =	vst v63  }
0x2de: {  	s12 =	simm.s32 $0x7680;
	s24 =	simm.s32 $0x5A80  }
0x2df: {  	[spmem:s2] =	stream.indirect.scatter.add.f32 [tilespmem:s12], [sflag:$0x1], $0x1, s24, s22, $0x2000b8;
	[tilespmem:$0x1F990] =	vst v63  }
0x2e0: {  	s29 =	simm.s32 $0x7700;
	s31 =	simm.s32 $0x5B00  }
0x2e1: {  	[spmem:s2] =	stream.indirect.scatter.add.f32 [tilespmem:s29], [sflag:$0x1], $0x1, s31, s22, $0x2000b8;
	[tilespmem:$0x1F990] =	vst v63  }
0x2e2: {  	s5 =	simm.s32 $0x7780;
	s6 =	simm.s32 $0x5B80  }
0x2e3: {  	[spmem:s2] =	stream.indirect.scatter.add.f32 [tilespmem:s5], [sflag:$0x1], $0x1, s6, s22, $0x2000b8;
	[tilespmem:$0x1F990] =	vst v63  }
0x2e4: {  	s7 =	simm.s32 $0x7800;
	s9 =	simm.s32 $0x5C00  }
0x2e5: {  	[spmem:s2] =	stream.indirect.scatter.add.f32 [tilespmem:s7], [sflag:$0x1], $0x1, s9, s22, $0x2000b8;
	[tilespmem:$0x1F990] =	vst v63  }
0x2e6: {  	s10 =	simm.s32 $0x7880;
	s11 =	simm.s32 $0x5C80  }
0x2e7: {  	[spmem:s2] =	stream.indirect.scatter.add.f32 [tilespmem:s10], [sflag:$0x1], $0x1, s11, s22, $0x2000b8;
	[tilespmem:$0x1F990] =	vst v63  }
0x2e8: {  	s12 =	simm.s32 $0x7900;
	s24 =	simm.s32 $0x5D00  }
0x2e9: {  	[spmem:s2] =	stream.indirect.scatter.add.f32 [tilespmem:s12], [sflag:$0x1], $0x1, s24, s22, $0x2000b8;
	[tilespmem:$0x1F990] =	vst v63  }
0x2ea: {  	s29 =	simm.s32 $0x7980;
	s31 =	simm.s32 $0x5D80  }
0x2eb: {  	[spmem:s2] =	stream.indirect.scatter.add.f32 [tilespmem:s29], [sflag:$0x1], $0x1, s31, s22, $0x2000b8;
	[tilespmem:$0x1F990] =	vst v63  }
0x2ec: {  	s5 =	simm.s32 $0x5E00  }
0x2ed: {  	[spmem:s2] =	stream.indirect.scatter.add.f32 [tilespmem:s13], [sflag:$0x1], $0x1, s5, s22, $0x2000b8;
	[tilespmem:$0x1F990] =	vst v63  }
0x2ee: {  	s6 =	simm.s32 $0x5E80  }
0x2ef: {  	[spmem:s2] =	stream.indirect.scatter.add.f32 [tilespmem:s15], [sflag:$0x1], $0x1, s6, s22, $0x2000b8;
	[tilespmem:$0x1F990] =	vst v63  }
0x2f0: {  	s7 =	simm.s32 $0x5F00  }
0x2f1: {  	[spmem:s2] =	stream.indirect.scatter.add.f32 [tilespmem:s17], [sflag:$0x1], $0x1, s7, s22, $0x2000b8;
	[tilespmem:$0x1F990] =	vst v63  }
0x2f2: {  	s9 =	simm.s32 $0x5F80  }
0x2f3: {  	[spmem:s2] =	stream.indirect.scatter.add.f32 [tilespmem:s18], [sflag:$0x1], $0x1, s9, s22, $0x2000b8;
	[tilespmem:$0x1F990] =	vst v63  }
0x2f4: {  	s10 =	simm.s32 $0x6000  }
0x2f5: {  	[spmem:s2] =	stream.indirect.scatter.add.f32 [tilespmem:s8], [sflag:$0x1], $0x1, s10, s22, $0x2000b8;
	[tilespmem:$0x1F990] =	vst v63  }
0x2f6: {  	s11 =	simm.s32 $0x6080  }
0x2f7: {  	[spmem:s2] =	stream.indirect.scatter.add.f32 [tilespmem:s14], [sflag:$0x1], $0x1, s11, s22, $0x2000b8;
	[tilespmem:$0x1F990] =	vst v63  }
0x2f8: {  	s12 =	simm.s32 $0x6100  }
0x2f9: {  	[spmem:s2] =	stream.indirect.scatter.add.f32 [tilespmem:s25], [sflag:$0x1], $0x1, s12, s22, $0x2000b8;
	[tilespmem:$0x1F990] =	vst v63  }
0x2fa: {  	s24 =	simm.s32 $0x6180  }
0x2fb: {  	[spmem:s2] =	stream.indirect.scatter.add.f32 [tilespmem:s28], [sflag:$0x1], $0x1, s24, s22, $0x2000b8;
	[tilespmem:$0x1F990] =	vst v63  }
0x2fc: {  	_ =	swait.ge [sflag:s21], $0x80  }
0x2fd: {  	[sflag:s21] =	ssyncset.done $0x0  }
0x2fe: {  	[sflag:s21] =	ssyncadd.s32 $0xFFFFFF80  }
0x2ff: {  	_ =	swait.ge [sflag:s21], $0x80  }
0x300: {  	[sflag:s21] =	ssyncset.done $0x0  }
0x301: {  	[sflag:s21] =	ssyncadd.s32 $0xFFFFFF80  }
0x302: {  	_ =	swait.ge [sflag:s21], $0x80  }
0x303: {  	[sflag:s21] =	ssyncset.done $0x0  }
0x304: {  	[sflag:s21] =	ssyncadd.s32 $0xFFFFFF80  }
0x305: {  	_ =	swait.ge [sflag:s21], $0x80  }
0x306: {  	[sflag:s21] =	ssyncset.done $0x0  }
0x307: {  	[sflag:s21] =	ssyncadd.s32 $0xFFFFFF80  }
0x308: {  	_ =	swait.ge [sflag:s21], $0x80  }
0x309: {  	[sflag:s21] =	ssyncset.done $0x0  }
0x30a: {  	[sflag:s21] =	ssyncadd.s32 $0xFFFFFF80  }
0x30b: {  	_ =	swait.ge [sflag:s21], $0x80  }
0x30c: {  	[sflag:s21] =	ssyncset.done $0x0  }
0x30d: {  	[sflag:s21] =	ssyncadd.s32 $0xFFFFFF80  }
0x30e: {  	_ =	swait.ge [sflag:s21], $0x80  }
0x30f: {  	[sflag:s21] =	ssyncset.done $0x0  }
0x310: {  	[sflag:s21] =	ssyncadd.s32 $0xFFFFFF80  }
0x311: {  	_ =	swait.ge [sflag:s21], $0x80  }
0x312: {  	[sflag:s21] =	ssyncset.done $0x0  }
0x313: {  	[sflag:s21] =	ssyncadd.s32 $0xFFFFFF80  }
0x314: {  	_ =	swait.ge [sflag:s21], $0x80  }
0x315: {  	[sflag:s21] =	ssyncset.done $0x0  }
0x316: {  	[sflag:s21] =	ssyncadd.s32 $0xFFFFFF80  }
0x317: {  	_ =	swait.ge [sflag:s21], $0x80  }
0x318: {  	[sflag:s21] =	ssyncset.done $0x0  }
0x319: {  	[sflag:s21] =	ssyncadd.s32 $0xFFFFFF80  }
0x31a: {  	_ =	swait.ge [sflag:s21], $0x80  }
0x31b: {  	[sflag:s21] =	ssyncset.done $0x0  }
0x31c: {  	[sflag:s21] =	ssyncadd.s32 $0xFFFFFF80  }
0x31d: {  	_ =	swait.ge [sflag:s21], $0x80  }
0x31e: {  	[sflag:s21] =	ssyncset.done $0x0  }
0x31f: {  	[sflag:s21] =	ssyncadd.s32 $0xFFFFFF80  }
0x320: {  	_ =	swait.ge [sflag:s21], $0x80  }
0x321: {  	[sflag:s21] =	ssyncset.done $0x0  }
0x322: {  	[sflag:s21] =	ssyncadd.s32 $0xFFFFFF80  }
0x323: {  	_ =	swait.ge [sflag:s21], $0x80  }
0x324: {  	[sflag:s21] =	ssyncset.done $0x0  }
0x325: {  	[sflag:s21] =	ssyncadd.s32 $0xFFFFFF80  }
0x326: {  	_ =	swait.ge [sflag:s21], $0x80  }
0x327: {  	[sflag:s21] =	ssyncset.done $0x0  }
0x328: {  	[sflag:s21] =	ssyncadd.s32 $0xFFFFFF80  }
0x329: {  	_ =	swait.ge [sflag:s21], $0x80  }
0x32a: {  	[sflag:s21] =	ssyncset.done $0x0  }
0x32b: {  	[sflag:s21] =	ssyncadd.s32 $0xFFFFFF80  }
0x32c: {  	_ =	swait.ge [sflag:s21], $0x80  }
0x32d: {  	[sflag:s21] =	ssyncset.done $0x0  }
0x32e: {  	[sflag:s21] =	ssyncadd.s32 $0xFFFFFF80  }
0x32f: {  	_ =	swait.ge [sflag:s21], $0x80  }
0x330: {  	[sflag:s21] =	ssyncset.done $0x0  }
0x331: {  	[sflag:s21] =	ssyncadd.s32 $0xFFFFFF80  }
0x332: {  	_ =	swait.ge [sflag:s21], $0x80  }
0x333: {  	[sflag:s21] =	ssyncset.done $0x0  }
0x334: {  	[sflag:s21] =	ssyncadd.s32 $0xFFFFFF80  }
0x335: {  	_ =	swait.ge [sflag:s21], $0x80  }
0x336: {  	[sflag:s21] =	ssyncset.done $0x0  }
0x337: {  	[sflag:s21] =	ssyncadd.s32 $0xFFFFFF80  }
0x338: {  	_ =	swait.ge [sflag:s21], $0x80  }
0x339: {  	[sflag:s21] =	ssyncset.done $0x0  }
0x33a: {  	[sflag:s21] =	ssyncadd.s32 $0xFFFFFF80  }
0x33b: {  	_ =	swait.ge [sflag:s21], $0x80  }
0x33c: {  	[sflag:s21] =	ssyncset.done $0x0  }
0x33d: {  	[sflag:s21] =	ssyncadd.s32 $0xFFFFFF80  }
0x33e: {  	_ =	swait.ge [sflag:s21], $0x80  }
0x33f: {  	[sflag:s21] =	ssyncset.done $0x0  }
0x340: {  	[sflag:s21] =	ssyncadd.s32 $0xFFFFFF80  }
0x341: {  	_ =	swait.ge [sflag:s21], $0x80  }
0x342: {  	[sflag:s21] =	ssyncset.done $0x0  }
0x343: {  	[sflag:s21] =	ssyncadd.s32 $0xFFFFFF80  }
0x344: {  	_ =	swait.ge [sflag:s21], $0x80  }
0x345: {  	[sflag:s21] =	ssyncset.done $0x0  }
0x346: {  	[sflag:s21] =	ssyncadd.s32 $0xFFFFFF80  }
0x347: {  	_ =	swait.ge [sflag:s21], $0x80  }
0x348: {  	[sflag:s21] =	ssyncset.done $0x0  }
0x349: {  	[sflag:s21] =	ssyncadd.s32 $0xFFFFFF80  }
0x34a: {  	_ =	swait.ge [sflag:s21], $0x80  }
0x34b: {  	[sflag:s21] =	ssyncset.done $0x0  }
0x34c: {  	[sflag:s21] =	ssyncadd.s32 $0xFFFFFF80  }
0x34d: {  	_ =	swait.ge [sflag:s21], $0x80  }
0x34e: {  	[sflag:s21] =	ssyncset.done $0x0  }
0x34f: {  	[sflag:s21] =	ssyncadd.s32 $0xFFFFFF80  }
0x350: {  	_ =	swait.ge [sflag:s21], $0x80  }
0x351: {  	[sflag:s21] =	ssyncset.done $0x0  }
0x352: {  	[sflag:s21] =	ssyncadd.s32 $0xFFFFFF80  }
0x353: {  	_ =	swait.ge [sflag:s21], $0x80  }
0x354: {  	[sflag:s21] =	ssyncset.done $0x0  }
0x355: {  	[sflag:s21] =	ssyncadd.s32 $0xFFFFFF80  }
0x356: {  	_ =	swait.ge [sflag:s21], $0x80  }
0x357: {  	[sflag:s21] =	ssyncset.done $0x0  }
0x358: {  	[sflag:s21] =	ssyncadd.s32 $0xFFFFFF80  }
0x359: {  	_ =	swait.ge [sflag:s21], $0x80  }
0x35a: {  	[sflag:s21] =	ssyncset.done $0x0  }
0x35b: {  	[sflag:s21] =	ssyncadd.s32 $0xFFFFFF80  }
0x35c: {  	_ =	swait.ge [sflag:s21], $0x80  }
0x35d: {  	[sflag:s21] =	ssyncset.done $0x0  }
0x35e: {  	[sflag:s21] =	ssyncadd.s32 $0xFFFFFF80  }
0x35f: {  	_ =	swait.ge [sflag:s21], $0x80  }
0x360: {  	[sflag:s21] =	ssyncset.done $0x0  }
0x361: {  	[sflag:s21] =	ssyncadd.s32 $0xFFFFFF80  }
0x362: {  	_ =	swait.ge [sflag:s21], $0x80  }
0x363: {  	[sflag:s21] =	ssyncset.done $0x0  }
0x364: {  	[sflag:s21] =	ssyncadd.s32 $0xFFFFFF80  }
0x365: {  	_ =	swait.ge [sflag:s21], $0x80  }
0x366: {  	[sflag:s21] =	ssyncset.done $0x0  }
0x367: {  	[sflag:s21] =	ssyncadd.s32 $0xFFFFFF80  }
0x368: {  	_ =	swait.ge [sflag:s21], $0x80  }
0x369: {  	[sflag:s21] =	ssyncset.done $0x0  }
0x36a: {  	[sflag:s21] =	ssyncadd.s32 $0xFFFFFF80  }
0x36b: {  	_ =	swait.ge [sflag:s21], $0x80  }
0x36c: {  	[sflag:s21] =	ssyncset.done $0x0  }
0x36d: {  	[sflag:s21] =	ssyncadd.s32 $0xFFFFFF80  }
0x36e: {  	_ =	swait.ge [sflag:s21], $0x80  }
0x36f: {  	[sflag:s21] =	ssyncset.done $0x0  }
0x370: {  	[sflag:s21] =	ssyncadd.s32 $0xFFFFFF80  }
0x371: {  	_ =	swait.ge [sflag:s21], $0x80  }
0x372: {  	[sflag:s21] =	ssyncset.done $0x0  }
0x373: {  	[sflag:s21] =	ssyncadd.s32 $0xFFFFFF80  }
0x374: {  	_ =	swait.ge [sflag:s21], $0x80  }
0x375: {  	[sflag:s21] =	ssyncset.done $0x0  }
0x376: {  	[sflag:s21] =	ssyncadd.s32 $0xFFFFFF80  }
0x377: {  	_ =	swait.ge [sflag:s21], $0x80  }
0x378: {  	[sflag:s21] =	ssyncset.done $0x0  }
0x379: {  	[sflag:s21] =	ssyncadd.s32 $0xFFFFFF80  }
0x37a: {  	_ =	swait.ge [sflag:s21], $0x80  }
0x37b: {  	[sflag:s21] =	ssyncset.done $0x0  }
0x37c: {  	[sflag:s21] =	ssyncadd.s32 $0xFFFFFF80  }
0x37d: {  	_ =	swait.ge [sflag:s21], $0x80  }
0x37e: {  	[sflag:s21] =	ssyncset.done $0x0  }
0x37f: {  	[sflag:s21] =	ssyncadd.s32 $0xFFFFFF80  }
0x380: {  	_ =	swait.ge [sflag:s21], $0x80  }
0x381: {  	[sflag:s21] =	ssyncset.done $0x0  }
0x382: {  	[sflag:s21] =	ssyncadd.s32 $0xFFFFFF80  }
0x383: {  	_ =	swait.ge [sflag:s21], $0x80  }
0x384: {  	[sflag:s21] =	ssyncset.done $0x0  }
0x385: {  	[sflag:s21] =	ssyncadd.s32 $0xFFFFFF80  }
0x386: {  	_ =	swait.ge [sflag:s21], $0x80  }
0x387: {  	[sflag:s21] =	ssyncset.done $0x0  }
0x388: {  	[sflag:s21] =	ssyncadd.s32 $0xFFFFFF80  }
0x389: {  	_ =	swait.ge [sflag:s21], $0x80  }
0x38a: {  	[sflag:s21] =	ssyncset.done $0x0  }
0x38b: {  	[sflag:s21] =	ssyncadd.s32 $0xFFFFFF80  }
0x38c: {  	_ =	swait.ge [sflag:s21], $0x80  }
0x38d: {  	[sflag:s21] =	ssyncset.done $0x0  }
0x38e: {  	[sflag:s21] =	ssyncadd.s32 $0xFFFFFF80  }
0x38f: {  	_ =	swait.ge [sflag:s0], $0x7D10  }
0x390: {  	[sflag:s0] =	ssyncset.done $0x0  }
0x391: {  	[sflag:s0] =	ssyncadd.s32 $0xFFFF82F0  }
0x392: {  	[bflag:$0x0] =	sbarrier.arrive $0xFFFF  }
0x393: {  	_ =	strace $0x90000050  }
0x394: {  	_ =	strace $0x80000051  }
0x395: {  	[tilespmem:s23], [sflag:$0x3] =	stream.linear.gather [spmem:s16], $0x7D10, $0x200038;
	[tilespmem:$0x1F990] =	vst v63  }
0x396: {  	_ =	swait.ge [sflag:s30], $0x7D10  }
0x397: {  	[sflag:s30] =	ssyncset.done $0x0  }
0x398: {  	s29 =	rddreg [dreg:$0x11];
	[sflag:s30] =	ssyncadd.s32 $0xFFFF82F0  }
0x399: {  	[hbm4b:s29+s3] =	stream.linear.scatter [tilespmem:s23], [sflag:$0x2], $0x7D10, $0x200038;
	[tilespmem:$0x1F990] =	vst v63  }
0x39a: {  	_ =	strace $0x90000051  }
0x39b: {  	_ =	swait.ge [sflag:s0], $0x7D10  }
0x39c: {  	s26 =	sadd.s32 $0x1, s26;
	s31 =	rddreg [dreg:$0x10]  }
0x39d: {  	p2 =	sne.s32 s26, s31  }
.Ltmp6:
0x39e: {  	_ = 	snop;
	(pc) =	sbr.rel @p2 .LBB2_1-.Ltmp6, $3  }
0x39f: {  	_ =	sdelay $0x1  }
0x3a0: {  	[sflag:s0] =	ssyncset.done $0x0  }
0x3a1: {  	[sflag:s0] =	ssyncadd.s32 $0xFFFF82F0  }
0x3a2: {  	_ =	sfence.sel $0x180000  }
0x3a3: {  	[bflag:$0x0] =	sbarrier.arrive $0xFFFF  }
0x3a4: {  	_ =	strace $0x90000047  }
0x3a5: {  	s0 =	stileid.u32;
	[bflag:$0x2] =	sbarrier.arrive $0xFFFF  }
0x3a6: {  	p0 =	sne.s32 s0, $0x0;
	s0 =	rddreg [dreg:$0x4]  }
0x3a7: {  	s0 =	sadd.s32 @!p0 $0x100000, s0  }
0x3a8: {  	[sflag:s0] =	ssyncadd.tile.s32 @!p0 $0x1;
	_ =	shalt  }
.Lfunc_end2:
_tile_overlayer_lowered:
.L_overlay_start_2:
0x3a9: {  	(tag) =	ssettag $0x2  }
0x3aa: {  	s0 =	rddreg [dreg:$0x0];
	s2 =	stileid.u32  }
0x3ab: {  	s1 =	rddreg [dreg:$0x1];
	p0 =	sne.s32 s2, $0x0  }
0x3ac: {  	s3 =	rddreg [dreg:$0x2];
	[bflag:$0x3] =	sbarrier.arrive $0xFFFF;
	s2 =	simm.s32 @!p0 $0x1C03  }
0x3ad: {  	[timem:s3], [sflag:s2] =	dma.local @!p0 [hbm:s0], s1  }
0x3ae: {  	s0 =	simm.s32 @!p0 $0x3  }
0x3af: {  	_ =	swait.ge @!p0 [sflag:s0], s1  }
0x3b0: {  	s1 =	ssub.s32 @!p0 $0x0, s1;
	[sflag:s0] =	ssyncset.done @!p0 $0x0  }
0x3b1: {  	[sflag:s0] =	ssyncadd.s32 @!p0 s1  }
0x3b2: {  	[bflag:$0x3] =	sbarrier.arrive $0xFFFF  }
0x3b3: {  	_ =	shalt  }

</sc_bundles>
